<compile_context>
chip_gen: v7x
topology: tpu7x:2x2x1
jax: 0.10.2.dev20260603
libtpu: 0.0.44.dev20260713+nightly
codegen_flags: <defaults>
</compile_context>

<pallas_src>
import functools

import jax
import jax.numpy as jnp
from jax import lax
from jax.experimental import pallas as pl
from jax.experimental.pallas import tpu as pltpu
from jax.experimental.pallas import tpu_sc as plsc

D = 128
BS = 512
K = 64
NC, NS = 2, 16
NW = NC * NS


def _pre_body(feat_ref, watt_ref, wattb_ref, a1_ref, a2_ref, w1_ref, w1b_ref,
              hmsg_ref, s_ref):
    f = feat_ref[...]
    ht = lax.dot_general(f, watt_ref[...], (((1,), (1,)), ((), ())),
                         preferred_element_type=jnp.float32) + wattb_ref[...]
    s1 = lax.dot_general(a1_ref[...], ht, (((1,), (1,)), ((), ())),
                         preferred_element_type=jnp.float32)
    s2 = lax.dot_general(a2_ref[...], ht, (((1,), (1,)), ((), ())),
                         preferred_element_type=jnp.float32)
    s_ref[0:1, :] = s1
    s_ref[1:2, :] = s2
    s_ref[2:8, :] = jnp.zeros((6, s1.shape[1]), jnp.float32)
    hmsg_ref[...] = lax.dot_general(f, w1_ref[...], (((1,), (1,)), ((), ())),
                                    preferred_element_type=jnp.float32) + w1b_ref[...]


def _tc_pre(featp, Watt_w, Watt_b, a1, a2, W1_w, W1_b):
    NP = featp.shape[0]
    grid = (NP // BS,)
    return pl.pallas_call(
        _pre_body,
        grid=grid,
        in_specs=[
            pl.BlockSpec((BS, D), lambda i: (i, 0)),
            pl.BlockSpec((D, D), lambda i: (0, 0)),
            pl.BlockSpec((1, D), lambda i: (0, 0)),
            pl.BlockSpec((1, D), lambda i: (0, 0)),
            pl.BlockSpec((1, D), lambda i: (0, 0)),
            pl.BlockSpec((D, D), lambda i: (0, 0)),
            pl.BlockSpec((1, D), lambda i: (0, 0)),
        ],
        out_specs=[
            pl.BlockSpec((BS, D), lambda i: (i, 0)),
            pl.BlockSpec((8, BS), lambda i: (0, i)),
        ],
        out_shape=[
            jax.ShapeDtypeStruct((NP, D), jnp.float32),
            jax.ShapeDtypeStruct((8, NP), jnp.float32),
        ],
    )(featp, Watt_w, Watt_b, a1, a2, W1_w, W1_b)


SUP = 128
NCK = SUP // K


def _sc_edge_call(src, dst, s_out, hmsg, NP, N, E, EPW0, EPW1):
    npairs0, npairs1 = EPW0 // (2 * SUP), EPW1 // (2 * SUP)
    stripe = NP // NS
    mesh = plsc.VectorSubcoreMesh(core_axis_name="c", subcore_axis_name="s")

    def body(src_hbm, dst_hbm, s_hbm, hmsg_hbm, acc_out, den_out,
             s1_v, s2_v, den_v, ssA, dsA, ssB, dsB, db0, db1, w0, w1,
             rows0, rows1, acc_sh, gsem0, gsem1, ldA, ldB):
        dbs, wvs, rows, gsems = [db0, db1], [w0, w1], [rows0, rows1], [gsem0, gsem1]
        c = lax.axis_index("c")
        s = lax.axis_index("s")
        wid = s * NC + c
        ebase = jnp.where(c == 0, s * EPW0, NS * EPW0 + s * EPW1)
        npairs_c = jnp.where(c == 0, npairs0, npairs1)

        pltpu.sync_copy(s_hbm.at[0], s1_v)
        pltpu.sync_copy(s_hbm.at[1], s2_v)

        def _zden(i, _):
            den_v[pl.ds(i * 16, 16)] = jnp.zeros((16,), jnp.float32)
            return _
        lax.fori_loop(0, N // 16, _zden, 0)

        def _zrow(i, _):
            for j in range(D // 16):
                rows0[i, pl.ds(j * 16, 16)] = jnp.zeros((16,), jnp.float32)
            return _
        lax.fori_loop(0, K, _zrow, 0)
        for t in range(stripe // K):
            pltpu.sync_copy(rows0, acc_sh.at[pl.ds(s * stripe + t * K, K)])
        plsc.subcore_barrier()

        iota16 = lax.broadcasted_iota(jnp.int32, (16,), 0)

        def scalar_phase(gbase, ss_c, ds_c, ck, par):
            for j in range(K // 16):
                off = ck * K + j * 16
                si = ss_c[pl.ds(off, 16)]
                di = ds_c[pl.ds(off, 16)]
                z = plsc.load_gather(s1_v, [si]) + plsc.load_gather(s2_v, [di])
                z = jnp.where(z >= 0.0, z, 0.2 * z)
                w = jnp.exp(z)
                gid = gbase + off + iota16
                w = jnp.where(gid < E, w, 0.0)
                wvs[par][pl.ds(j * 16, 16)] = w
                dbs[par][pl.ds(j * 16, 16)] = di
                plsc.addupdate_scatter(den_v, [di], w)

        def scale_rows(par):
            rws, wv = rows[par], wvs[par]

            def scale(k, _s):
                for u in range(4):
                    kk = k * 4 + u
                    wk = plsc.load_gather(wv, [lax.broadcast(kk, (16,))])
                    for j in range(D // 16):
                        rws[kk, pl.ds(j * 16, 16)] = rws[kk, pl.ds(j * 16, 16)] * wk
                return _s
            lax.fori_loop(0, K // 4, scale, 0)

        def do_super(sbase, ss_c, ds_c, ss_n, ds_n, ld_n, fire_guard):
            @pl.when(fire_guard)
            def _prefetch():
                nb = sbase + SUP
                pltpu.async_copy(src_hbm.at[pl.ds(nb, SUP)], ss_n, ld_n)
                pltpu.async_copy(dst_hbm.at[pl.ds(nb, SUP)], ds_n, ld_n)

            for ck in range(NCK):
                par = ck % 2
                if ck < NCK - 1:
                    pltpu.async_copy(
                        hmsg_hbm.at[ss_c.at[pl.ds((ck + 1) * K, K)]],
                        rows[1 - par], gsems[1 - par])
                else:
                    @pl.when(fire_guard)
                    def _boundary():
                        pltpu.make_async_copy(src_hbm.at[pl.ds(0, SUP)],
                                              ss_n, ld_n).wait()
                        pltpu.make_async_copy(dst_hbm.at[pl.ds(0, SUP)],
                                              ds_n, ld_n).wait()
                        pltpu.async_copy(hmsg_hbm.at[ss_n.at[pl.ds(0, K)]],
                                         rows[1 - par], gsems[1 - par])
                scalar_phase(sbase, ss_c, ds_c, ck, par)
                pltpu.make_async_copy(hmsg_hbm.at[ss_c.at[pl.ds(ck * K, K)]],
                                      rows[par], gsems[par]).wait()
                scale_rows(par)
                pltpu.sync_copy(rows[par], acc_sh.at[dbs[par]], add=True)

        pltpu.sync_copy(src_hbm.at[pl.ds(ebase, SUP)], ssA)
        pltpu.sync_copy(dst_hbm.at[pl.ds(ebase, SUP)], dsA)
        pltpu.async_copy(hmsg_hbm.at[ssA.at[pl.ds(0, K)]], rows0, gsem0)

        def pair_body(i, _):
            base_a = ebase + (2 * i) * SUP
            do_super(base_a, ssA, dsA, ssB, dsB, ldB, i >= 0)
            do_super(base_a + SUP, ssB, dsB, ssA, dsA, ldA, i + 1 < npairs_c)
            return _
        lax.fori_loop(0, npairs_c, pair_body, 0)

        plsc.subcore_barrier()
        pltpu.sync_copy(acc_sh.at[pl.ds(s * stripe, stripe)],
                        acc_out.at[c, pl.ds(s * stripe, stripe)])
        pltpu.sync_copy(den_v, den_out.at[wid])

    fn = pl.kernel(
        body,
        out_type=[
            jax.ShapeDtypeStruct((NC, NP, D), jnp.float32),
            jax.ShapeDtypeStruct((NW, N), jnp.float32),
        ],
        mesh=mesh,
        compiler_params=pltpu.CompilerParams(needs_layout_passes=False),
        scratch_types=[
            pltpu.VMEM((NP,), jnp.float32),
            pltpu.VMEM((NP,), jnp.float32),
            pltpu.VMEM((N,), jnp.float32),
            pltpu.VMEM((SUP,), jnp.int32),
            pltpu.VMEM((SUP,), jnp.int32),
            pltpu.VMEM((SUP,), jnp.int32),
            pltpu.VMEM((SUP,), jnp.int32),
            pltpu.VMEM((K,), jnp.int32),
            pltpu.VMEM((K,), jnp.int32),
            pltpu.VMEM((K,), jnp.float32),
            pltpu.VMEM((K,), jnp.float32),
            pltpu.VMEM((K, D), jnp.float32),
            pltpu.VMEM((K, D), jnp.float32),
            pltpu.VMEM_SHARED((NP, D), jnp.float32),
            pltpu.SemaphoreType.DMA,
            pltpu.SemaphoreType.DMA,
            pltpu.SemaphoreType.DMA,
            pltpu.SemaphoreType.DMA,
        ],
    )
    return fn(src, dst, s_out, hmsg)


def _post_body(acc_ref, den_ref, feat_ref, w2_ref, w2b_ref, out_ref):
    acc = acc_ref[0] + acc_ref[1]
    den = jnp.sum(den_ref[...], axis=0)[:, None]
    h = acc / (den + 1e-9)
    f = feat_ref[...]
    w2p = lax.dot_general(f * h, w2_ref[...], (((1,), (1,)), ((), ())),
                          preferred_element_type=jnp.float32) + w2b_ref[...]
    o = f + h + w2p
    out_ref[...] = jnp.where(o >= 0.0, o, 0.2 * o)


def _tc_post(acc, den, featp, W2_w, W2_b, N):
    NP = featp.shape[0]
    grid = (NP // BS,)
    return pl.pallas_call(
        _post_body,
        grid=grid,
        in_specs=[
            pl.BlockSpec((NC, BS, D), lambda i: (0, i, 0)),
            pl.BlockSpec((NW, BS), lambda i: (0, i)),
            pl.BlockSpec((BS, D), lambda i: (i, 0)),
            pl.BlockSpec((D, D), lambda i: (0, 0)),
            pl.BlockSpec((1, D), lambda i: (0, 0)),
        ],
        out_specs=pl.BlockSpec((BS, D), lambda i: (i, 0)),
        out_shape=jax.ShapeDtypeStruct((N, D), jnp.float32),
    )(acc, den, featp, W2_w, W2_b)


def kernel(indices, features, num_nodes, W1_w, W1_b, W2_w, W2_b, Watt_w, Watt_b, a):
    N = features.shape[0]
    E = indices.shape[1]
    NP = -(-N // BS) * BS
    per_s = -(-E // NS)
    g = 2 * SUP
    EPW0 = max(g, int(round(0.76 * per_s / g)) * g)
    EPW1 = -(-(per_s - EPW0) // g) * g
    EP = NS * (EPW0 + EPW1)

    idxp = jnp.pad(indices.astype(jnp.int32), ((0, 0), (0, EP - E)))
    featp = jnp.pad(features.astype(jnp.float32), ((0, NP - N), (0, 0)))
    a1 = a[:D, 0].reshape(1, D).astype(jnp.float32)
    a2 = a[D:, 0].reshape(1, D).astype(jnp.float32)

    hmsg, s_out = _tc_pre(featp, Watt_w, Watt_b.reshape(1, D), a1, a2,
                          W1_w, W1_b.reshape(1, D))
    acc, den = _sc_edge_call(idxp[0], idxp[1], s_out, hmsg, NP, N, E, EPW0, EPW1)
    out = _tc_post(acc, den, featp, W2_w, W2_b.reshape(1, D), N)
    return out

# --- scband reference (transcript-rebuilt; emitter-appended) ---
"""Pipeline reference for scband-gnnlayer-attention-41686952575546 (READ-ONLY COPY).

The authoritative reference and input builder live on the scoring server;
editing this copy changes nothing except your own understanding.
"""

import jax, jax.numpy as jnp
import numpy as np

N, E, D = 10000, 320000, 128

def _linear_params(key, in_dim, out_dim):
    kw, kb = jax.random.split(key)
    s = 1.0 / np.sqrt(in_dim)
    w = jax.random.uniform(kw, (out_dim, in_dim), minval=-s, maxval=s, dtype=jnp.float32)
    b = jax.random.uniform(kb, (out_dim,), minval=-s, maxval=s, dtype=jnp.float32)
    return w, b

def setup_inputs(seed: int = 0):
    key = jax.random.key(seed)
    ks = jax.random.split(key, 6)
    features = jax.random.normal(ks[0], (N, D), dtype=jnp.float32)
    indices = jax.random.randint(ks[1], (2, E), 0, N)
    W1_w, W1_b = _linear_params(ks[2], D, D)
    W2_w, W2_b = _linear_params(ks[3], D, D)
    Watt_w, Watt_b = _linear_params(ks[4], D, D)
    # xavier_uniform for a: shape (2*D, 1)
    lim = np.sqrt(6.0 / (2 * D + 1))
    a = jax.random.uniform(ks[5], (2 * D, 1), minval=-lim, maxval=lim, dtype=jnp.float32)
    return {"indices": indices, "features": features, "num_nodes": N,
            "W1_w": W1_w, "W1_b": W1_b, "W2_w": W2_w, "W2_b": W2_b,
            "Watt_w": Watt_w, "Watt_b": Watt_b, "a": a}

def reference(indices, features, num_nodes, W1_w, W1_b, W2_w, W2_b, Watt_w, Watt_b, a):
    src, dst = indices[0], indices[1]
    out_dim = W1_w.shape[0]
    n_static = features.shape[0]
    # attention transform + edge scores
    h_trans = features @ Watt_w.T + Watt_b
    h_src = h_trans[src]
    h_dst = h_trans[dst]
    edge_h = jnp.concatenate([h_src, h_dst], axis=1)
    e_ij = jax.nn.leaky_relu(edge_h @ a, negative_slope=0.2)
    e_ij = e_ij.astype(jnp.float32)
    e_ij = e_ij - jnp.max(e_ij)
    exp_e = jnp.exp(e_ij)
    denom = (jnp.zeros((n_static, 1), dtype=jnp.float32) * num_nodes).at[dst].add(exp_e)
    alpha = exp_e / (denom[dst] + 1e-9)
    # messages
    h_msg_all = features.astype(jnp.float32) @ W1_w.T + W1_b
    msg = h_msg_all[src]
    weighted_msg = msg * alpha
    h_neigh = (jnp.zeros((n_static, out_dim), dtype=jnp.float32) * num_nodes).at[dst].add(weighted_msg)
    # in_dim == out_dim so h_self = features (torch branch: shapes equal)
    h_self = features
    sum_h = h_self + h_neigh
    prod_h = h_self * h_neigh
    w2_prod = prod_h @ W2_w.T + W2_b
    h_out = jax.nn.leaky_relu(sum_h + w2_prod, negative_slope=0.2)
    return h_out

if __name__ == "__main__":
    import jax
    _d = setup_inputs()
    print(jax.jit(kernel)(*tuple(_d.values())))

</pallas_src>

<mosaic_0001>
#map = affine_map<(d0, d1) -> (0)>
#map1 = affine_map<(d0, d1) -> (0, 0)>
#map2 = affine_map<(d0, d1) -> (0, 0, 0)>
module attributes {stable_mosaic.version = 14 : i64} {
  func.func @body(%arg0: i32, %arg1: i32, %arg2: memref<323584xi32, #tpu.memory_space<hbm>>, %arg3: memref<323584xi32, #tpu.memory_space<hbm>>, %arg4: memref<8x10240xf32, #tpu.memory_space<hbm>>, %arg5: memref<10240x128xf32, #tpu.memory_space<hbm>>, %arg6: memref<2x10240x128xf32, #tpu.memory_space<hbm>>, %arg7: memref<32x10000xf32, #tpu.memory_space<hbm>>, %arg8: memref<10240xf32, #tpu.memory_space<vmem>>, %arg9: memref<10240xf32, #tpu.memory_space<vmem>>, %arg10: memref<10000xf32, #tpu.memory_space<vmem>>, %arg11: memref<128xi32, #tpu.memory_space<vmem>>, %arg12: memref<128xi32, #tpu.memory_space<vmem>>, %arg13: memref<128xi32, #tpu.memory_space<vmem>>, %arg14: memref<128xi32, #tpu.memory_space<vmem>>, %arg15: memref<64xi32, #tpu.memory_space<vmem>>, %arg16: memref<64xi32, #tpu.memory_space<vmem>>, %arg17: memref<64xf32, #tpu.memory_space<vmem>>, %arg18: memref<64xf32, #tpu.memory_space<vmem>>, %arg19: memref<64x128xf32, #tpu.memory_space<vmem>>, %arg20: memref<64x128xf32, #tpu.memory_space<vmem>>, %arg21: memref<10240x128xf32, #tpu.memory_space<vmem_shared>>, %arg22: memref<!tpu.dma_semaphore, #tpu.memory_space<semaphore_mem>>, %arg23: memref<!tpu.dma_semaphore, #tpu.memory_space<semaphore_mem>>, %arg24: memref<!tpu.dma_semaphore, #tpu.memory_space<semaphore_mem>>, %arg25: memref<!tpu.dma_semaphore, #tpu.memory_space<semaphore_mem>>) attributes {dimension_semantics = [#tpu.dimension_semantics<core_parallel>, #tpu.dimension_semantics<subcore_parallel>], iteration_bounds = array<i64: 2, 16>, scalar_prefetch = 0 : i64, scratch_operands = 18 : i64, tpu.core_type = #tpu.core_type<sc_vector_subcore>, window_params = [{transform_indices = #map}, {transform_indices = #map}, {transform_indices = #map1}, {transform_indices = #map1}, {transform_indices = #map2}, {transform_indices = #map1}]} {
    %mul3A = arith.constant 2 : i32
    %mul3A_0 = arith.muli %arg1, %mul3A : i32
    %add3A = arith.addi %mul3A_0, %arg0 : i32
    %eq3A = arith.constant 0 : i32
    %eq3A_1 = arith.cmpi eq, %arg0, %eq3A : i32
    %mul3A_2 = arith.constant 15104 : i32
    %mul3A_3 = arith.muli %arg1, %mul3A_2 : i32
    %mul3A_4 = arith.constant 5120 : i32
    %mul3A_5 = arith.muli %arg1, %mul3A_4 : i32
    %add3A_6 = arith.constant 241664 : i32
    %add3A_7 = arith.addi %add3A_6, %mul3A_5 : i32
    %select_n3A = arith.select %eq3A_1, %mul3A_3, %add3A_7 : i32
    %eq3A_8 = arith.constant 0 : i32
    %eq3A_9 = arith.cmpi eq, %arg0, %eq3A_8 : i32
    %jit3A = arith.constant 59 : i32
    %jit3A_10 = arith.constant 20 : i32
    %select_n3A_11 = arith.select %eq3A_9, %jit3A, %jit3A_10 : i32
    %run_scoped3A = arith.constant 0 : i32
    "tpu.region"() ({
      %run_scoped3A_82 = tpu.sem_alloc : memref<!tpu.dma_semaphore, #tpu.memory_space<semaphore_mem>>
      %dma_start3A_83 = arith.constant 0 : i32
      %dma_start3A_84 = tpu.memref_slice %arg4[%run_scoped3A, %dma_start3A_83] : memref<8x10240xf32, #tpu.memory_space<hbm>> -> memref<1x10240xf32, #tpu.memory_space<hbm>>
      %dma_start3A_85 = tpu.memref_squeeze %dma_start3A_84 : memref<1x10240xf32, #tpu.memory_space<hbm>> -> memref<10240xf32, #tpu.memory_space<hbm>>
      %dma_start3A_86 = arith.constant 0 : i32
      %dma_start3A_87 = tpu.memref_slice %arg4[%run_scoped3A, %dma_start3A_86] : memref<8x10240xf32, #tpu.memory_space<hbm>> -> memref<1x10240xf32, #tpu.memory_space<hbm>>
      %dma_start3A_88 = tpu.memref_squeeze %dma_start3A_87 : memref<1x10240xf32, #tpu.memory_space<hbm>> -> memref<10240xf32, #tpu.memory_space<hbm>>
      tpu.enqueue_dma source(%dma_start3A_88 : memref<10240xf32, #tpu.memory_space<hbm>>) target(%arg8 : memref<10240xf32, #tpu.memory_space<vmem>>) target_semaphore(%run_scoped3A_82 : memref<!tpu.dma_semaphore, #tpu.memory_space<semaphore_mem>>)
      %dma_wait3A = arith.constant 0 : i32
      %dma_wait3A_89 = tpu.memref_slice %arg4[%run_scoped3A, %dma_wait3A] : memref<8x10240xf32, #tpu.memory_space<hbm>> -> memref<1x10240xf32, #tpu.memory_space<hbm>>
      %dma_wait3A_90 = tpu.memref_squeeze %dma_wait3A_89 : memref<1x10240xf32, #tpu.memory_space<hbm>> -> memref<10240xf32, #tpu.memory_space<hbm>>
      %dma_wait3A_91 = arith.constant 0 : i32
      %dma_wait3A_92 = tpu.memref_slice %arg4[%run_scoped3A, %dma_wait3A_91] : memref<8x10240xf32, #tpu.memory_space<hbm>> -> memref<1x10240xf32, #tpu.memory_space<hbm>>
      %dma_wait3A_93 = tpu.memref_squeeze %dma_wait3A_92 : memref<1x10240xf32, #tpu.memory_space<hbm>> -> memref<10240xf32, #tpu.memory_space<hbm>>
      tpu.wait_dma2 semaphore(%run_scoped3A_82 : memref<!tpu.dma_semaphore, #tpu.memory_space<semaphore_mem>>) src(%dma_wait3A_93 : memref<10240xf32, #tpu.memory_space<hbm>>) dst(%arg8 : memref<10240xf32, #tpu.memory_space<vmem>>)
      tpu.yield
    }) : () -> ()
    %run_scoped3A_12 = arith.constant 1 : i32
    "tpu.region"() ({
      %run_scoped3A_82 = tpu.sem_alloc : memref<!tpu.dma_semaphore, #tpu.memory_space<semaphore_mem>>
      %dma_start3A_83 = arith.constant 0 : i32
      %dma_start3A_84 = tpu.memref_slice %arg4[%run_scoped3A_12, %dma_start3A_83] : memref<8x10240xf32, #tpu.memory_space<hbm>> -> memref<1x10240xf32, #tpu.memory_space<hbm>>
      %dma_start3A_85 = tpu.memref_squeeze %dma_start3A_84 : memref<1x10240xf32, #tpu.memory_space<hbm>> -> memref<10240xf32, #tpu.memory_space<hbm>>
      %dma_start3A_86 = arith.constant 0 : i32
      %dma_start3A_87 = tpu.memref_slice %arg4[%run_scoped3A_12, %dma_start3A_86] : memref<8x10240xf32, #tpu.memory_space<hbm>> -> memref<1x10240xf32, #tpu.memory_space<hbm>>
      %dma_start3A_88 = tpu.memref_squeeze %dma_start3A_87 : memref<1x10240xf32, #tpu.memory_space<hbm>> -> memref<10240xf32, #tpu.memory_space<hbm>>
      tpu.enqueue_dma source(%dma_start3A_88 : memref<10240xf32, #tpu.memory_space<hbm>>) target(%arg9 : memref<10240xf32, #tpu.memory_space<vmem>>) target_semaphore(%run_scoped3A_82 : memref<!tpu.dma_semaphore, #tpu.memory_space<semaphore_mem>>)
      %dma_wait3A = arith.constant 0 : i32
      %dma_wait3A_89 = tpu.memref_slice %arg4[%run_scoped3A_12, %dma_wait3A] : memref<8x10240xf32, #tpu.memory_space<hbm>> -> memref<1x10240xf32, #tpu.memory_space<hbm>>
      %dma_wait3A_90 = tpu.memref_squeeze %dma_wait3A_89 : memref<1x10240xf32, #tpu.memory_space<hbm>> -> memref<10240xf32, #tpu.memory_space<hbm>>
      %dma_wait3A_91 = arith.constant 0 : i32
      %dma_wait3A_92 = tpu.memref_slice %arg4[%run_scoped3A_12, %dma_wait3A_91] : memref<8x10240xf32, #tpu.memory_space<hbm>> -> memref<1x10240xf32, #tpu.memory_space<hbm>>
      %dma_wait3A_93 = tpu.memref_squeeze %dma_wait3A_92 : memref<1x10240xf32, #tpu.memory_space<hbm>> -> memref<10240xf32, #tpu.memory_space<hbm>>
      tpu.wait_dma2 semaphore(%run_scoped3A_82 : memref<!tpu.dma_semaphore, #tpu.memory_space<semaphore_mem>>) src(%dma_wait3A_93 : memref<10240xf32, #tpu.memory_space<hbm>>) dst(%arg9 : memref<10240xf32, #tpu.memory_space<vmem>>)
      tpu.yield
    }) : () -> ()
    %scan3A = arith.constant 0 : i32
    %scan3A_13 = arith.constant 0 : i32
    %scan3A_14 = arith.constant 625 : i32
    %scan3A_15 = arith.addi %scan3A_13, %scan3A_14 : i32
    %scan3A_16 = arith.constant 1 : i32
    scf.for %scan3A_82 = %scan3A_13 to %scan3A_15 step %scan3A_16  : i32 {
      %broadcast_in_dim3A = arith.constant 0.000000e+00 : f32
      %broadcast_in_dim3A_83 = vector.broadcast %broadcast_in_dim3A : f32 to vector<16xf32>
      %mul3A_84 = arith.constant 16 : i32
      %mul3A_85 = arith.muli %scan3A_82, %mul3A_84 : i32
      %swap3A = arith.index_cast %mul3A_85 : i32 to index
      %swap3A_86 = tpu.vector_load %arg10[%swap3A] {strides = array<i32>} : memref<10000xf32, #tpu.memory_space<vmem>>, vector<16xf32>,
      tpu.vector_store %arg10[%swap3A], %broadcast_in_dim3A_83 {strides = array<i32>} : memref<10000xf32, #tpu.memory_space<vmem>>, vector<16xf32>,
    }
    %scan3A_17 = arith.constant 625 : i32
    %scan3A_18 = arith.constant 0 : i32
    %scan3A_19 = arith.constant 0 : i32
    %scan3A_20 = arith.constant 64 : i32
    %scan3A_21 = arith.addi %scan3A_19, %scan3A_20 : i32
    %scan3A_22 = arith.constant 1 : i32
    scf.for %scan3A_82 = %scan3A_19 to %scan3A_21 step %scan3A_22  : i32 {
      %broadcast_in_dim3A = arith.constant 0.000000e+00 : f32
      %broadcast_in_dim3A_83 = vector.broadcast %broadcast_in_dim3A : f32 to vector<16xf32>
      %swap3A = arith.index_cast %scan3A_82 : i32 to index
      %swap3A_84 = arith.constant 0 : index
      %swap3A_85 = tpu.vector_load %arg19[%swap3A, %swap3A_84] {strides = array<i32>} : memref<64x128xf32, #tpu.memory_space<vmem>>, vector<16xf32>,
      tpu.vector_store %arg19[%swap3A, %swap3A_84], %broadcast_in_dim3A_83 {strides = array<i32>} : memref<64x128xf32, #tpu.memory_space<vmem>>, vector<16xf32>,
      %broadcast_in_dim3A_86 = arith.constant 0.000000e+00 : f32
      %broadcast_in_dim3A_87 = vector.broadcast %broadcast_in_dim3A_86 : f32 to vector<16xf32>
      %swap3A_88 = arith.index_cast %scan3A_82 : i32 to index
      %swap3A_89 = arith.constant 16 : index
      %swap3A_90 = tpu.vector_load %arg19[%swap3A_88, %swap3A_89] {strides = array<i32>} : memref<64x128xf32, #tpu.memory_space<vmem>>, vector<16xf32>,
      tpu.vector_store %arg19[%swap3A_88, %swap3A_89], %broadcast_in_dim3A_87 {strides = array<i32>} : memref<64x128xf32, #tpu.memory_space<vmem>>, vector<16xf32>,
      %broadcast_in_dim3A_91 = arith.constant 0.000000e+00 : f32
      %broadcast_in_dim3A_92 = vector.broadcast %broadcast_in_dim3A_91 : f32 to vector<16xf32>
      %swap3A_93 = arith.index_cast %scan3A_82 : i32 to index
      %swap3A_94 = arith.constant 32 : index
      %swap3A_95 = tpu.vector_load %arg19[%swap3A_93, %swap3A_94] {strides = array<i32>} : memref<64x128xf32, #tpu.memory_space<vmem>>, vector<16xf32>,
      tpu.vector_store %arg19[%swap3A_93, %swap3A_94], %broadcast_in_dim3A_92 {strides = array<i32>} : memref<64x128xf32, #tpu.memory_space<vmem>>, vector<16xf32>,
      %broadcast_in_dim3A_96 = arith.constant 0.000000e+00 : f32
      %broadcast_in_dim3A_97 = vector.broadcast %broadcast_in_dim3A_96 : f32 to vector<16xf32>
      %swap3A_98 = arith.index_cast %scan3A_82 : i32 to index
      %swap3A_99 = arith.constant 48 : index
      %swap3A_100 = tpu.vector_load %arg19[%swap3A_98, %swap3A_99] {strides = array<i32>} : memref<64x128xf32, #tpu.memory_space<vmem>>, vector<16xf32>,
      tpu.vector_store %arg19[%swap3A_98, %swap3A_99], %broadcast_in_dim3A_97 {strides = array<i32>} : memref<64x128xf32, #tpu.memory_space<vmem>>, vector<16xf32>,
      %broadcast_in_dim3A_101 = arith.constant 0.000000e+00 : f32
      %broadcast_in_dim3A_102 = vector.broadcast %broadcast_in_dim3A_101 : f32 to vector<16xf32>
      %swap3A_103 = arith.index_cast %scan3A_82 : i32 to index
      %swap3A_104 = arith.constant 64 : index
      %swap3A_105 = tpu.vector_load %arg19[%swap3A_103, %swap3A_104] {strides = array<i32>} : memref<64x128xf32, #tpu.memory_space<vmem>>, vector<16xf32>,
      tpu.vector_store %arg19[%swap3A_103, %swap3A_104], %broadcast_in_dim3A_102 {strides = array<i32>} : memref<64x128xf32, #tpu.memory_space<vmem>>, vector<16xf32>,
      %broadcast_in_dim3A_106 = arith.constant 0.000000e+00 : f32
      %broadcast_in_dim3A_107 = vector.broadcast %broadcast_in_dim3A_106 : f32 to vector<16xf32>
      %swap3A_108 = arith.index_cast %scan3A_82 : i32 to index
      %swap3A_109 = arith.constant 80 : index
      %swap3A_110 = tpu.vector_load %arg19[%swap3A_108, %swap3A_109] {strides = array<i32>} : memref<64x128xf32, #tpu.memory_space<vmem>>, vector<16xf32>,
      tpu.vector_store %arg19[%swap3A_108, %swap3A_109], %broadcast_in_dim3A_107 {strides = array<i32>} : memref<64x128xf32, #tpu.memory_space<vmem>>, vector<16xf32>,
      %broadcast_in_dim3A_111 = arith.constant 0.000000e+00 : f32
      %broadcast_in_dim3A_112 = vector.broadcast %broadcast_in_dim3A_111 : f32 to vector<16xf32>
      %swap3A_113 = arith.index_cast %scan3A_82 : i32 to index
      %swap3A_114 = arith.constant 96 : index
      %swap3A_115 = tpu.vector_load %arg19[%swap3A_113, %swap3A_114] {strides = array<i32>} : memref<64x128xf32, #tpu.memory_space<vmem>>, vector<16xf32>,
      tpu.vector_store %arg19[%swap3A_113, %swap3A_114], %broadcast_in_dim3A_112 {strides = array<i32>} : memref<64x128xf32, #tpu.memory_space<vmem>>, vector<16xf32>,
      %broadcast_in_dim3A_116 = arith.constant 0.000000e+00 : f32
      %broadcast_in_dim3A_117 = vector.broadcast %broadcast_in_dim3A_116 : f32 to vector<16xf32>
      %swap3A_118 = arith.index_cast %scan3A_82 : i32 to index
      %swap3A_119 = arith.constant 112 : index
      %swap3A_120 = tpu.vector_load %arg19[%swap3A_118, %swap3A_119] {strides = array<i32>} : memref<64x128xf32, #tpu.memory_space<vmem>>, vector<16xf32>,
      tpu.vector_store %arg19[%swap3A_118, %swap3A_119], %broadcast_in_dim3A_117 {strides = array<i32>} : memref<64x128xf32, #tpu.memory_space<vmem>>, vector<16xf32>,
    }
    %scan3A_23 = arith.constant 64 : i32
    %mul3A_24 = arith.constant 640 : i32
    %mul3A_25 = arith.muli %arg1, %mul3A_24 : i32
    %add3A_26 = arith.constant 0 : i32
    %add3A_27 = arith.addi %mul3A_25, %add3A_26 : i32
    "tpu.region"() ({
      %run_scoped3A_82 = tpu.sem_alloc : memref<!tpu.dma_semaphore, #tpu.memory_space<semaphore_mem>>
      %dma_start3A_83 = arith.constant 0 : i32
      %dma_start3A_84 = tpu.memref_slice %arg21[%add3A_27, %dma_start3A_83] : memref<10240x128xf32, #tpu.memory_space<vmem_shared>> -> memref<64x128xf32, #tpu.memory_space<vmem_shared>>
      %dma_start3A_85 = arith.constant 0 : i32
      %dma_start3A_86 = tpu.memref_slice %arg21[%add3A_27, %dma_start3A_85] : memref<10240x128xf32, #tpu.memory_space<vmem_shared>> -> memref<64x128xf32, #tpu.memory_space<vmem_shared>>
      tpu.enqueue_dma source(%arg19 : memref<64x128xf32, #tpu.memory_space<vmem>>) target(%dma_start3A_86 : memref<64x128xf32, #tpu.memory_space<vmem_shared>>) target_semaphore(%run_scoped3A_82 : memref<!tpu.dma_semaphore, #tpu.memory_space<semaphore_mem>>)
      %dma_wait3A = arith.constant 0 : i32
      %dma_wait3A_87 = tpu.memref_slice %arg21[%add3A_27, %dma_wait3A] : memref<10240x128xf32, #tpu.memory_space<vmem_shared>> -> memref<64x128xf32, #tpu.memory_space<vmem_shared>>
      %dma_wait3A_88 = arith.constant 0 : i32
      %dma_wait3A_89 = tpu.memref_slice %arg21[%add3A_27, %dma_wait3A_88] : memref<10240x128xf32, #tpu.memory_space<vmem_shared>> -> memref<64x128xf32, #tpu.memory_space<vmem_shared>>
      tpu.wait_dma2 semaphore(%run_scoped3A_82 : memref<!tpu.dma_semaphore, #tpu.memory_space<semaphore_mem>>) src(%arg19 : memref<64x128xf32, #tpu.memory_space<vmem>>) dst(%dma_wait3A_89 : memref<64x128xf32, #tpu.memory_space<vmem_shared>>)
      tpu.yield
    }) : () -> ()
    %mul3A_28 = arith.constant 640 : i32
    %mul3A_29 = arith.muli %arg1, %mul3A_28 : i32
    %add3A_30 = arith.constant 64 : i32
    %add3A_31 = arith.addi %mul3A_29, %add3A_30 : i32
    "tpu.region"() ({
      %run_scoped3A_82 = tpu.sem_alloc : memref<!tpu.dma_semaphore, #tpu.memory_space<semaphore_mem>>
      %dma_start3A_83 = arith.constant 0 : i32
      %dma_start3A_84 = tpu.memref_slice %arg21[%add3A_31, %dma_start3A_83] : memref<10240x128xf32, #tpu.memory_space<vmem_shared>> -> memref<64x128xf32, #tpu.memory_space<vmem_shared>>
      %dma_start3A_85 = arith.constant 0 : i32
      %dma_start3A_86 = tpu.memref_slice %arg21[%add3A_31, %dma_start3A_85] : memref<10240x128xf32, #tpu.memory_space<vmem_shared>> -> memref<64x128xf32, #tpu.memory_space<vmem_shared>>
      tpu.enqueue_dma source(%arg19 : memref<64x128xf32, #tpu.memory_space<vmem>>) target(%dma_start3A_86 : memref<64x128xf32, #tpu.memory_space<vmem_shared>>) target_semaphore(%run_scoped3A_82 : memref<!tpu.dma_semaphore, #tpu.memory_space<semaphore_mem>>)
      %dma_wait3A = arith.constant 0 : i32
      %dma_wait3A_87 = tpu.memref_slice %arg21[%add3A_31, %dma_wait3A] : memref<10240x128xf32, #tpu.memory_space<vmem_shared>> -> memref<64x128xf32, #tpu.memory_space<vmem_shared>>
      %dma_wait3A_88 = arith.constant 0 : i32
      %dma_wait3A_89 = tpu.memref_slice %arg21[%add3A_31, %dma_wait3A_88] : memref<10240x128xf32, #tpu.memory_space<vmem_shared>> -> memref<64x128xf32, #tpu.memory_space<vmem_shared>>
      tpu.wait_dma2 semaphore(%run_scoped3A_82 : memref<!tpu.dma_semaphore, #tpu.memory_space<semaphore_mem>>) src(%arg19 : memref<64x128xf32, #tpu.memory_space<vmem>>) dst(%dma_wait3A_89 : memref<64x128xf32, #tpu.memory_space<vmem_shared>>)
      tpu.yield
    }) : () -> ()
    %mul3A_32 = arith.constant 640 : i32
    %mul3A_33 = arith.muli %arg1, %mul3A_32 : i32
    %add3A_34 = arith.constant 128 : i32
    %add3A_35 = arith.addi %mul3A_33, %add3A_34 : i32
    "tpu.region"() ({
      %run_scoped3A_82 = tpu.sem_alloc : memref<!tpu.dma_semaphore, #tpu.memory_space<semaphore_mem>>
      %dma_start3A_83 = arith.constant 0 : i32
      %dma_start3A_84 = tpu.memref_slice %arg21[%add3A_35, %dma_start3A_83] : memref<10240x128xf32, #tpu.memory_space<vmem_shared>> -> memref<64x128xf32, #tpu.memory_space<vmem_shared>>
      %dma_start3A_85 = arith.constant 0 : i32
      %dma_start3A_86 = tpu.memref_slice %arg21[%add3A_35, %dma_start3A_85] : memref<10240x128xf32, #tpu.memory_space<vmem_shared>> -> memref<64x128xf32, #tpu.memory_space<vmem_shared>>
      tpu.enqueue_dma source(%arg19 : memref<64x128xf32, #tpu.memory_space<vmem>>) target(%dma_start3A_86 : memref<64x128xf32, #tpu.memory_space<vmem_shared>>) target_semaphore(%run_scoped3A_82 : memref<!tpu.dma_semaphore, #tpu.memory_space<semaphore_mem>>)
      %dma_wait3A = arith.constant 0 : i32
      %dma_wait3A_87 = tpu.memref_slice %arg21[%add3A_35, %dma_wait3A] : memref<10240x128xf32, #tpu.memory_space<vmem_shared>> -> memref<64x128xf32, #tpu.memory_space<vmem_shared>>
      %dma_wait3A_88 = arith.constant 0 : i32
      %dma_wait3A_89 = tpu.memref_slice %arg21[%add3A_35, %dma_wait3A_88] : memref<10240x128xf32, #tpu.memory_space<vmem_shared>> -> memref<64x128xf32, #tpu.memory_space<vmem_shared>>
      tpu.wait_dma2 semaphore(%run_scoped3A_82 : memref<!tpu.dma_semaphore, #tpu.memory_space<semaphore_mem>>) src(%arg19 : memref<64x128xf32, #tpu.memory_space<vmem>>) dst(%dma_wait3A_89 : memref<64x128xf32, #tpu.memory_space<vmem_shared>>)
      tpu.yield
    }) : () -> ()
    %mul3A_36 = arith.constant 640 : i32
    %mul3A_37 = arith.muli %arg1, %mul3A_36 : i32
    %add3A_38 = arith.constant 192 : i32
    %add3A_39 = arith.addi %mul3A_37, %add3A_38 : i32
    "tpu.region"() ({
      %run_scoped3A_82 = tpu.sem_alloc : memref<!tpu.dma_semaphore, #tpu.memory_space<semaphore_mem>>
      %dma_start3A_83 = arith.constant 0 : i32
      %dma_start3A_84 = tpu.memref_slice %arg21[%add3A_39, %dma_start3A_83] : memref<10240x128xf32, #tpu.memory_space<vmem_shared>> -> memref<64x128xf32, #tpu.memory_space<vmem_shared>>
      %dma_start3A_85 = arith.constant 0 : i32
      %dma_start3A_86 = tpu.memref_slice %arg21[%add3A_39, %dma_start3A_85] : memref<10240x128xf32, #tpu.memory_space<vmem_shared>> -> memref<64x128xf32, #tpu.memory_space<vmem_shared>>
      tpu.enqueue_dma source(%arg19 : memref<64x128xf32, #tpu.memory_space<vmem>>) target(%dma_start3A_86 : memref<64x128xf32, #tpu.memory_space<vmem_shared>>) target_semaphore(%run_scoped3A_82 : memref<!tpu.dma_semaphore, #tpu.memory_space<semaphore_mem>>)
      %dma_wait3A = arith.constant 0 : i32
      %dma_wait3A_87 = tpu.memref_slice %arg21[%add3A_39, %dma_wait3A] : memref<10240x128xf32, #tpu.memory_space<vmem_shared>> -> memref<64x128xf32, #tpu.memory_space<vmem_shared>>
      %dma_wait3A_88 = arith.constant 0 : i32
      %dma_wait3A_89 = tpu.memref_slice %arg21[%add3A_39, %dma_wait3A_88] : memref<10240x128xf32, #tpu.memory_space<vmem_shared>> -> memref<64x128xf32, #tpu.memory_space<vmem_shared>>
      tpu.wait_dma2 semaphore(%run_scoped3A_82 : memref<!tpu.dma_semaphore, #tpu.memory_space<semaphore_mem>>) src(%arg19 : memref<64x128xf32, #tpu.memory_space<vmem>>) dst(%dma_wait3A_89 : memref<64x128xf32, #tpu.memory_space<vmem_shared>>)
      tpu.yield
    }) : () -> ()
    %mul3A_40 = arith.constant 640 : i32
    %mul3A_41 = arith.muli %arg1, %mul3A_40 : i32
    %add3A_42 = arith.constant 256 : i32
    %add3A_43 = arith.addi %mul3A_41, %add3A_42 : i32
    "tpu.region"() ({
      %run_scoped3A_82 = tpu.sem_alloc : memref<!tpu.dma_semaphore, #tpu.memory_space<semaphore_mem>>
      %dma_start3A_83 = arith.constant 0 : i32
      %dma_start3A_84 = tpu.memref_slice %arg21[%add3A_43, %dma_start3A_83] : memref<10240x128xf32, #tpu.memory_space<vmem_shared>> -> memref<64x128xf32, #tpu.memory_space<vmem_shared>>
      %dma_start3A_85 = arith.constant 0 : i32
      %dma_start3A_86 = tpu.memref_slice %arg21[%add3A_43, %dma_start3A_85] : memref<10240x128xf32, #tpu.memory_space<vmem_shared>> -> memref<64x128xf32, #tpu.memory_space<vmem_shared>>
      tpu.enqueue_dma source(%arg19 : memref<64x128xf32, #tpu.memory_space<vmem>>) target(%dma_start3A_86 : memref<64x128xf32, #tpu.memory_space<vmem_shared>>) target_semaphore(%run_scoped3A_82 : memref<!tpu.dma_semaphore, #tpu.memory_space<semaphore_mem>>)
      %dma_wait3A = arith.constant 0 : i32
      %dma_wait3A_87 = tpu.memref_slice %arg21[%add3A_43, %dma_wait3A] : memref<10240x128xf32, #tpu.memory_space<vmem_shared>> -> memref<64x128xf32, #tpu.memory_space<vmem_shared>>
      %dma_wait3A_88 = arith.constant 0 : i32
      %dma_wait3A_89 = tpu.memref_slice %arg21[%add3A_43, %dma_wait3A_88] : memref<10240x128xf32, #tpu.memory_space<vmem_shared>> -> memref<64x128xf32, #tpu.memory_space<vmem_shared>>
      tpu.wait_dma2 semaphore(%run_scoped3A_82 : memref<!tpu.dma_semaphore, #tpu.memory_space<semaphore_mem>>) src(%arg19 : memref<64x128xf32, #tpu.memory_space<vmem>>) dst(%dma_wait3A_89 : memref<64x128xf32, #tpu.memory_space<vmem_shared>>)
      tpu.yield
    }) : () -> ()
    %mul3A_44 = arith.constant 640 : i32
    %mul3A_45 = arith.muli %arg1, %mul3A_44 : i32
    %add3A_46 = arith.constant 320 : i32
    %add3A_47 = arith.addi %mul3A_45, %add3A_46 : i32
    "tpu.region"() ({
      %run_scoped3A_82 = tpu.sem_alloc : memref<!tpu.dma_semaphore, #tpu.memory_space<semaphore_mem>>
      %dma_start3A_83 = arith.constant 0 : i32
      %dma_start3A_84 = tpu.memref_slice %arg21[%add3A_47, %dma_start3A_83] : memref<10240x128xf32, #tpu.memory_space<vmem_shared>> -> memref<64x128xf32, #tpu.memory_space<vmem_shared>>
      %dma_start3A_85 = arith.constant 0 : i32
      %dma_start3A_86 = tpu.memref_slice %arg21[%add3A_47, %dma_start3A_85] : memref<10240x128xf32, #tpu.memory_space<vmem_shared>> -> memref<64x128xf32, #tpu.memory_space<vmem_shared>>
      tpu.enqueue_dma source(%arg19 : memref<64x128xf32, #tpu.memory_space<vmem>>) target(%dma_start3A_86 : memref<64x128xf32, #tpu.memory_space<vmem_shared>>) target_semaphore(%run_scoped3A_82 : memref<!tpu.dma_semaphore, #tpu.memory_space<semaphore_mem>>)
      %dma_wait3A = arith.constant 0 : i32
      %dma_wait3A_87 = tpu.memref_slice %arg21[%add3A_47, %dma_wait3A] : memref<10240x128xf32, #tpu.memory_space<vmem_shared>> -> memref<64x128xf32, #tpu.memory_space<vmem_shared>>
      %dma_wait3A_88 = arith.constant 0 : i32
      %dma_wait3A_89 = tpu.memref_slice %arg21[%add3A_47, %dma_wait3A_88] : memref<10240x128xf32, #tpu.memory_space<vmem_shared>> -> memref<64x128xf32, #tpu.memory_space<vmem_shared>>
      tpu.wait_dma2 semaphore(%run_scoped3A_82 : memref<!tpu.dma_semaphore, #tpu.memory_space<semaphore_mem>>) src(%arg19 : memref<64x128xf32, #tpu.memory_space<vmem>>) dst(%dma_wait3A_89 : memref<64x128xf32, #tpu.memory_space<vmem_shared>>)
      tpu.yield
    }) : () -> ()
    %mul3A_48 = arith.constant 640 : i32
    %mul3A_49 = arith.muli %arg1, %mul3A_48 : i32
    %add3A_50 = arith.constant 384 : i32
    %add3A_51 = arith.addi %mul3A_49, %add3A_50 : i32
    "tpu.region"() ({
      %run_scoped3A_82 = tpu.sem_alloc : memref<!tpu.dma_semaphore, #tpu.memory_space<semaphore_mem>>
      %dma_start3A_83 = arith.constant 0 : i32
      %dma_start3A_84 = tpu.memref_slice %arg21[%add3A_51, %dma_start3A_83] : memref<10240x128xf32, #tpu.memory_space<vmem_shared>> -> memref<64x128xf32, #tpu.memory_space<vmem_shared>>
      %dma_start3A_85 = arith.constant 0 : i32
      %dma_start3A_86 = tpu.memref_slice %arg21[%add3A_51, %dma_start3A_85] : memref<10240x128xf32, #tpu.memory_space<vmem_shared>> -> memref<64x128xf32, #tpu.memory_space<vmem_shared>>
      tpu.enqueue_dma source(%arg19 : memref<64x128xf32, #tpu.memory_space<vmem>>) target(%dma_start3A_86 : memref<64x128xf32, #tpu.memory_space<vmem_shared>>) target_semaphore(%run_scoped3A_82 : memref<!tpu.dma_semaphore, #tpu.memory_space<semaphore_mem>>)
      %dma_wait3A = arith.constant 0 : i32
      %dma_wait3A_87 = tpu.memref_slice %arg21[%add3A_51, %dma_wait3A] : memref<10240x128xf32, #tpu.memory_space<vmem_shared>> -> memref<64x128xf32, #tpu.memory_space<vmem_shared>>
      %dma_wait3A_88 = arith.constant 0 : i32
      %dma_wait3A_89 = tpu.memref_slice %arg21[%add3A_51, %dma_wait3A_88] : memref<10240x128xf32, #tpu.memory_space<vmem_shared>> -> memref<64x128xf32, #tpu.memory_space<vmem_shared>>
      tpu.wait_dma2 semaphore(%run_scoped3A_82 : memref<!tpu.dma_semaphore, #tpu.memory_space<semaphore_mem>>) src(%arg19 : memref<64x128xf32, #tpu.memory_space<vmem>>) dst(%dma_wait3A_89 : memref<64x128xf32, #tpu.memory_space<vmem_shared>>)
      tpu.yield
    }) : () -> ()
    %mul3A_52 = arith.constant 640 : i32
    %mul3A_53 = arith.muli %arg1, %mul3A_52 : i32
    %add3A_54 = arith.constant 448 : i32
    %add3A_55 = arith.addi %mul3A_53, %add3A_54 : i32
    "tpu.region"() ({
      %run_scoped3A_82 = tpu.sem_alloc : memref<!tpu.dma_semaphore, #tpu.memory_space<semaphore_mem>>
      %dma_start3A_83 = arith.constant 0 : i32
      %dma_start3A_84 = tpu.memref_slice %arg21[%add3A_55, %dma_start3A_83] : memref<10240x128xf32, #tpu.memory_space<vmem_shared>> -> memref<64x128xf32, #tpu.memory_space<vmem_shared>>
      %dma_start3A_85 = arith.constant 0 : i32
      %dma_start3A_86 = tpu.memref_slice %arg21[%add3A_55, %dma_start3A_85] : memref<10240x128xf32, #tpu.memory_space<vmem_shared>> -> memref<64x128xf32, #tpu.memory_space<vmem_shared>>
      tpu.enqueue_dma source(%arg19 : memref<64x128xf32, #tpu.memory_space<vmem>>) target(%dma_start3A_86 : memref<64x128xf32, #tpu.memory_space<vmem_shared>>) target_semaphore(%run_scoped3A_82 : memref<!tpu.dma_semaphore, #tpu.memory_space<semaphore_mem>>)
      %dma_wait3A = arith.constant 0 : i32
      %dma_wait3A_87 = tpu.memref_slice %arg21[%add3A_55, %dma_wait3A] : memref<10240x128xf32, #tpu.memory_space<vmem_shared>> -> memref<64x128xf32, #tpu.memory_space<vmem_shared>>
      %dma_wait3A_88 = arith.constant 0 : i32
      %dma_wait3A_89 = tpu.memref_slice %arg21[%add3A_55, %dma_wait3A_88] : memref<10240x128xf32, #tpu.memory_space<vmem_shared>> -> memref<64x128xf32, #tpu.memory_space<vmem_shared>>
      tpu.wait_dma2 semaphore(%run_scoped3A_82 : memref<!tpu.dma_semaphore, #tpu.memory_space<semaphore_mem>>) src(%arg19 : memref<64x128xf32, #tpu.memory_space<vmem>>) dst(%dma_wait3A_89 : memref<64x128xf32, #tpu.memory_space<vmem_shared>>)
      tpu.yield
    }) : () -> ()
    %mul3A_56 = arith.constant 640 : i32
    %mul3A_57 = arith.muli %arg1, %mul3A_56 : i32
    %add3A_58 = arith.constant 512 : i32
    %add3A_59 = arith.addi %mul3A_57, %add3A_58 : i32
    "tpu.region"() ({
      %run_scoped3A_82 = tpu.sem_alloc : memref<!tpu.dma_semaphore, #tpu.memory_space<semaphore_mem>>
      %dma_start3A_83 = arith.constant 0 : i32
      %dma_start3A_84 = tpu.memref_slice %arg21[%add3A_59, %dma_start3A_83] : memref<10240x128xf32, #tpu.memory_space<vmem_shared>> -> memref<64x128xf32, #tpu.memory_space<vmem_shared>>
      %dma_start3A_85 = arith.constant 0 : i32
      %dma_start3A_86 = tpu.memref_slice %arg21[%add3A_59, %dma_start3A_85] : memref<10240x128xf32, #tpu.memory_space<vmem_shared>> -> memref<64x128xf32, #tpu.memory_space<vmem_shared>>
      tpu.enqueue_dma source(%arg19 : memref<64x128xf32, #tpu.memory_space<vmem>>) target(%dma_start3A_86 : memref<64x128xf32, #tpu.memory_space<vmem_shared>>) target_semaphore(%run_scoped3A_82 : memref<!tpu.dma_semaphore, #tpu.memory_space<semaphore_mem>>)
      %dma_wait3A = arith.constant 0 : i32
      %dma_wait3A_87 = tpu.memref_slice %arg21[%add3A_59, %dma_wait3A] : memref<10240x128xf32, #tpu.memory_space<vmem_shared>> -> memref<64x128xf32, #tpu.memory_space<vmem_shared>>
      %dma_wait3A_88 = arith.constant 0 : i32
      %dma_wait3A_89 = tpu.memref_slice %arg21[%add3A_59, %dma_wait3A_88] : memref<10240x128xf32, #tpu.memory_space<vmem_shared>> -> memref<64x128xf32, #tpu.memory_space<vmem_shared>>
      tpu.wait_dma2 semaphore(%run_scoped3A_82 : memref<!tpu.dma_semaphore, #tpu.memory_space<semaphore_mem>>) src(%arg19 : memref<64x128xf32, #tpu.memory_space<vmem>>) dst(%dma_wait3A_89 : memref<64x128xf32, #tpu.memory_space<vmem_shared>>)
      tpu.yield
    }) : () -> ()
    %mul3A_60 = arith.constant 640 : i32
    %mul3A_61 = arith.muli %arg1, %mul3A_60 : i32
    %add3A_62 = arith.constant 576 : i32
    %add3A_63 = arith.addi %mul3A_61, %add3A_62 : i32
    "tpu.region"() ({
      %run_scoped3A_82 = tpu.sem_alloc : memref<!tpu.dma_semaphore, #tpu.memory_space<semaphore_mem>>
      %dma_start3A_83 = arith.constant 0 : i32
      %dma_start3A_84 = tpu.memref_slice %arg21[%add3A_63, %dma_start3A_83] : memref<10240x128xf32, #tpu.memory_space<vmem_shared>> -> memref<64x128xf32, #tpu.memory_space<vmem_shared>>
      %dma_start3A_85 = arith.constant 0 : i32
      %dma_start3A_86 = tpu.memref_slice %arg21[%add3A_63, %dma_start3A_85] : memref<10240x128xf32, #tpu.memory_space<vmem_shared>> -> memref<64x128xf32, #tpu.memory_space<vmem_shared>>
      tpu.enqueue_dma source(%arg19 : memref<64x128xf32, #tpu.memory_space<vmem>>) target(%dma_start3A_86 : memref<64x128xf32, #tpu.memory_space<vmem_shared>>) target_semaphore(%run_scoped3A_82 : memref<!tpu.dma_semaphore, #tpu.memory_space<semaphore_mem>>)
      %dma_wait3A = arith.constant 0 : i32
      %dma_wait3A_87 = tpu.memref_slice %arg21[%add3A_63, %dma_wait3A] : memref<10240x128xf32, #tpu.memory_space<vmem_shared>> -> memref<64x128xf32, #tpu.memory_space<vmem_shared>>
      %dma_wait3A_88 = arith.constant 0 : i32
      %dma_wait3A_89 = tpu.memref_slice %arg21[%add3A_63, %dma_wait3A_88] : memref<10240x128xf32, #tpu.memory_space<vmem_shared>> -> memref<64x128xf32, #tpu.memory_space<vmem_shared>>
      tpu.wait_dma2 semaphore(%run_scoped3A_82 : memref<!tpu.dma_semaphore, #tpu.memory_space<semaphore_mem>>) src(%arg19 : memref<64x128xf32, #tpu.memory_space<vmem>>) dst(%dma_wait3A_89 : memref<64x128xf32, #tpu.memory_space<vmem_shared>>)
      tpu.yield
    }) : () -> ()
    %barrier3A = arith.constant 0 : index
    tpu.barrier barrier_id(%barrier3A)
    %iota3A = tpu.iota {dimensions = array<i32: 0>} : vector<16xi32>
    "tpu.region"() ({
      %run_scoped3A_82 = tpu.sem_alloc : memref<!tpu.dma_semaphore, #tpu.memory_space<semaphore_mem>>
      %dma_start3A_83 = tpu.memref_slice %arg2[%select_n3A] : memref<323584xi32, #tpu.memory_space<hbm>> -> memref<128xi32, #tpu.memory_space<hbm>>
      %dma_start3A_84 = tpu.memref_slice %arg2[%select_n3A] : memref<323584xi32, #tpu.memory_space<hbm>> -> memref<128xi32, #tpu.memory_space<hbm>>
      tpu.enqueue_dma source(%dma_start3A_84 : memref<128xi32, #tpu.memory_space<hbm>>) target(%arg11 : memref<128xi32, #tpu.memory_space<vmem>>) target_semaphore(%run_scoped3A_82 : memref<!tpu.dma_semaphore, #tpu.memory_space<semaphore_mem>>)
      %dma_wait3A = tpu.memref_slice %arg2[%select_n3A] : memref<323584xi32, #tpu.memory_space<hbm>> -> memref<128xi32, #tpu.memory_space<hbm>>
      %dma_wait3A_85 = tpu.memref_slice %arg2[%select_n3A] : memref<323584xi32, #tpu.memory_space<hbm>> -> memref<128xi32, #tpu.memory_space<hbm>>
      tpu.wait_dma2 semaphore(%run_scoped3A_82 : memref<!tpu.dma_semaphore, #tpu.memory_space<semaphore_mem>>) src(%dma_wait3A_85 : memref<128xi32, #tpu.memory_space<hbm>>) dst(%arg11 : memref<128xi32, #tpu.memory_space<vmem>>)
      tpu.yield
    }) : () -> ()
    "tpu.region"() ({
      %run_scoped3A_82 = tpu.sem_alloc : memref<!tpu.dma_semaphore, #tpu.memory_space<semaphore_mem>>
      %dma_start3A_83 = tpu.memref_slice %arg3[%select_n3A] : memref<323584xi32, #tpu.memory_space<hbm>> -> memref<128xi32, #tpu.memory_space<hbm>>
      %dma_start3A_84 = tpu.memref_slice %arg3[%select_n3A] : memref<323584xi32, #tpu.memory_space<hbm>> -> memref<128xi32, #tpu.memory_space<hbm>>
      tpu.enqueue_dma source(%dma_start3A_84 : memref<128xi32, #tpu.memory_space<hbm>>) target(%arg12 : memref<128xi32, #tpu.memory_space<vmem>>) target_semaphore(%run_scoped3A_82 : memref<!tpu.dma_semaphore, #tpu.memory_space<semaphore_mem>>)
      %dma_wait3A = tpu.memref_slice %arg3[%select_n3A] : memref<323584xi32, #tpu.memory_space<hbm>> -> memref<128xi32, #tpu.memory_space<hbm>>
      %dma_wait3A_85 = tpu.memref_slice %arg3[%select_n3A] : memref<323584xi32, #tpu.memory_space<hbm>> -> memref<128xi32, #tpu.memory_space<hbm>>
      tpu.wait_dma2 semaphore(%run_scoped3A_82 : memref<!tpu.dma_semaphore, #tpu.memory_space<semaphore_mem>>) src(%dma_wait3A_85 : memref<128xi32, #tpu.memory_space<hbm>>) dst(%arg12 : memref<128xi32, #tpu.memory_space<vmem>>)
      tpu.yield
    }) : () -> ()
    %dma_start3A = arith.constant 0 : i32
    %dma_start3A_64 = tpu.memref_slice %arg11[%dma_start3A] : memref<128xi32, #tpu.memory_space<vmem>> -> memref<64xi32, #tpu.memory_space<vmem>>
    %dma_start3A_65 = arith.constant 0 : i32
    %dma_start3A_66 = arith.constant 0 : i32
    %dma_start3A_67 = tpu.memref_slice %arg5[%dma_start3A_65, %dma_start3A_66] : memref<10240x128xf32, #tpu.memory_space<hbm>> -> memref<10240x128xf32, #tpu.memory_space<hbm>>
    tpu.enqueue_indirect_dma source(%dma_start3A_67 : memref<10240x128xf32, #tpu.memory_space<hbm>>) target(%arg19 : memref<64x128xf32, #tpu.memory_space<vmem>>) offsets(%dma_start3A_64 : memref<64xi32, #tpu.memory_space<vmem>>) semaphore(%arg22 : memref<!tpu.dma_semaphore, #tpu.memory_space<semaphore_mem>>)
    %while3A = arith.constant 0 : i32
    %while3A_68 = arith.constant 0 : i32
    %while3A_69 = arith.subi %select_n3A_11, %while3A_68 : i32
    %while3A_70 = arith.addi %while3A_68, %while3A_69 : i32
    %while3A_71 = arith.constant 1 : i32
    %while3A_72 = arith.divsi %while3A_69, %while3A_71 : i32
    %while3A_73 = arith.muli %while3A_72, %while3A_71 : i32
    %while3A_74 = arith.addi %while3A_68, %while3A_73 : i32
    %while3A_75 = arith.constant 1 : i32
    scf.for %while3A_82 = %while3A_68 to %while3A_74 step %while3A_75  : i32 {
      %mul3A_83 = arith.constant 2 : i32
      %mul3A_84 = arith.muli %mul3A_83, %while3A_82 : i32
      %mul3A_85 = arith.constant 128 : i32
      %mul3A_86 = arith.muli %mul3A_84, %mul3A_85 : i32
      %add3A_87 = arith.addi %select_n3A, %mul3A_86 : i32
      %ge3A = arith.constant 0 : i32
      %ge3A_88 = arith.cmpi sge, %while3A_82, %ge3A : i32
      %convert_element_type3A = arith.extui %ge3A_88 : i1 to i32
      %cond3A = arith.constant 0 : i32
      %cond3A_89 = arith.cmpi ne, %convert_element_type3A, %cond3A : i32
      scf.if %cond3A_89 {
        %add3A_615 = arith.constant 128 : i32
        %add3A_616 = arith.addi %add3A_87, %add3A_615 : i32
        %dma_start3A_617 = tpu.memref_slice %arg2[%add3A_616] : memref<323584xi32, #tpu.memory_space<hbm>> -> memref<128xi32, #tpu.memory_space<hbm>>
        %dma_start3A_618 = tpu.memref_slice %arg2[%add3A_616] : memref<323584xi32, #tpu.memory_space<hbm>> -> memref<128xi32, #tpu.memory_space<hbm>>
        tpu.enqueue_dma source(%dma_start3A_618 : memref<128xi32, #tpu.memory_space<hbm>>) target(%arg13 : memref<128xi32, #tpu.memory_space<vmem>>) target_semaphore(%arg25 : memref<!tpu.dma_semaphore, #tpu.memory_space<semaphore_mem>>)
        %dma_start3A_619 = tpu.memref_slice %arg3[%add3A_616] : memref<323584xi32, #tpu.memory_space<hbm>> -> memref<128xi32, #tpu.memory_space<hbm>>
        %dma_start3A_620 = tpu.memref_slice %arg3[%add3A_616] : memref<323584xi32, #tpu.memory_space<hbm>> -> memref<128xi32, #tpu.memory_space<hbm>>
        tpu.enqueue_dma source(%dma_start3A_620 : memref<128xi32, #tpu.memory_space<hbm>>) target(%arg14 : memref<128xi32, #tpu.memory_space<vmem>>) target_semaphore(%arg25 : memref<!tpu.dma_semaphore, #tpu.memory_space<semaphore_mem>>)
      } else {
      }
      %dma_start3A_90 = arith.constant 64 : i32
      %dma_start3A_91 = tpu.memref_slice %arg11[%dma_start3A_90] : memref<128xi32, #tpu.memory_space<vmem>> -> memref<64xi32, #tpu.memory_space<vmem>>
      %dma_start3A_92 = arith.constant 0 : i32
      %dma_start3A_93 = arith.constant 0 : i32
      %dma_start3A_94 = tpu.memref_slice %arg5[%dma_start3A_92, %dma_start3A_93] : memref<10240x128xf32, #tpu.memory_space<hbm>> -> memref<10240x128xf32, #tpu.memory_space<hbm>>
      tpu.enqueue_indirect_dma source(%dma_start3A_94 : memref<10240x128xf32, #tpu.memory_space<hbm>>) target(%arg20 : memref<64x128xf32, #tpu.memory_space<vmem>>) offsets(%dma_start3A_91 : memref<64xi32, #tpu.memory_space<vmem>>) semaphore(%arg23 : memref<!tpu.dma_semaphore, #tpu.memory_space<semaphore_mem>>)
      %get3A = arith.constant 0 : index
      %get3A_95 = tpu.vector_load %arg11[%get3A] {strides = array<i32>} : memref<128xi32, #tpu.memory_space<vmem>>, vector<16xi32>,
      %get3A_96 = arith.constant 0 : index
      %get3A_97 = tpu.vector_load %arg12[%get3A_96] {strides = array<i32>} : memref<128xi32, #tpu.memory_space<vmem>>, vector<16xi32>,
      %gather3A = tpu.vector_load_idx %arg8[%get3A_95] : memref<10240xf32, #tpu.memory_space<vmem>>[vector<16xi32>], vector<16xf32>,
      %gather3A_98 = tpu.vector_load_idx %arg9[%get3A_97] : memref<10240xf32, #tpu.memory_space<vmem>>[vector<16xi32>], vector<16xf32>,
      %add3A_99 = arith.addf %gather3A, %gather3A_98 : vector<16xf32>
      %ge3A_100 = arith.constant 0.000000e+00 : f32
      %ge3A_101 = vector.broadcast %ge3A_100 : f32 to vector<16xf32>
      %ge3A_102 = arith.cmpf oge, %add3A_99, %ge3A_101 : vector<16xf32>
      %mul3A_103 = arith.constant 2.000000e-01 : f32
      %mul3A_104 = vector.broadcast %mul3A_103 : f32 to vector<16xf32>
      %mul3A_105 = arith.mulf %mul3A_104, %add3A_99 : vector<16xf32>
      %select_n3A_106 = arith.select %ge3A_102, %add3A_99, %mul3A_105 : vector<16xi1>, vector<16xf32>
      %exp3A = math.exp %select_n3A_106 : vector<16xf32>
      %add3A_107 = arith.constant 0 : i32
      %add3A_108 = arith.addi %add3A_87, %add3A_107 : i32
      %add3A_109 = vector.broadcast %add3A_108 : i32 to vector<16xi32>
      %add3A_110 = arith.addi %add3A_109, %iota3A : vector<16xi32>
      %lt3A = arith.constant 320000 : i32
      %lt3A_111 = vector.broadcast %lt3A : i32 to vector<16xi32>
      %lt3A_112 = arith.cmpi slt, %add3A_110, %lt3A_111 : vector<16xi32>
      %jit3A_113 = arith.constant 0.000000e+00 : f32
      %broadcast_in_dim3A = vector.broadcast %jit3A_113 : f32 to vector<16xf32>
      %select_n3A_114 = arith.select %lt3A_112, %exp3A, %broadcast_in_dim3A : vector<16xi1>, vector<16xf32>
      %swap3A = arith.constant 0 : index
      %swap3A_115 = tpu.vector_load %arg17[%swap3A] {strides = array<i32>} : memref<64xf32, #tpu.memory_space<vmem>>, vector<16xf32>,
      tpu.vector_store %arg17[%swap3A], %select_n3A_114 {strides = array<i32>} : memref<64xf32, #tpu.memory_space<vmem>>, vector<16xf32>,
      %swap3A_116 = arith.constant 0 : index
      %swap3A_117 = tpu.vector_load %arg15[%swap3A_116] {strides = array<i32>} : memref<64xi32, #tpu.memory_space<vmem>>, vector<16xi32>,
      tpu.vector_store %arg15[%swap3A_116], %get3A_97 {strides = array<i32>} : memref<64xi32, #tpu.memory_space<vmem>>, vector<16xi32>,
      tpu.vector_store_idx %arg10[%get3A_97], %select_n3A_114 {add = true} : memref<10000xf32, #tpu.memory_space<vmem>>[vector<16xi32>], vector<16xf32>,
      %get3A_118 = arith.constant 16 : index
      %get3A_119 = tpu.vector_load %arg11[%get3A_118] {strides = array<i32>} : memref<128xi32, #tpu.memory_space<vmem>>, vector<16xi32>,
      %get3A_120 = arith.constant 16 : index
      %get3A_121 = tpu.vector_load %arg12[%get3A_120] {strides = array<i32>} : memref<128xi32, #tpu.memory_space<vmem>>, vector<16xi32>,
      %gather3A_122 = tpu.vector_load_idx %arg8[%get3A_119] : memref<10240xf32, #tpu.memory_space<vmem>>[vector<16xi32>], vector<16xf32>,
      %gather3A_123 = tpu.vector_load_idx %arg9[%get3A_121] : memref<10240xf32, #tpu.memory_space<vmem>>[vector<16xi32>], vector<16xf32>,
      %add3A_124 = arith.addf %gather3A_122, %gather3A_123 : vector<16xf32>
      %ge3A_125 = arith.constant 0.000000e+00 : f32
      %ge3A_126 = vector.broadcast %ge3A_125 : f32 to vector<16xf32>
      %ge3A_127 = arith.cmpf oge, %add3A_124, %ge3A_126 : vector<16xf32>
      %mul3A_128 = arith.constant 2.000000e-01 : f32
      %mul3A_129 = vector.broadcast %mul3A_128 : f32 to vector<16xf32>
      %mul3A_130 = arith.mulf %mul3A_129, %add3A_124 : vector<16xf32>
      %select_n3A_131 = arith.select %ge3A_127, %add3A_124, %mul3A_130 : vector<16xi1>, vector<16xf32>
      %exp3A_132 = math.exp %select_n3A_131 : vector<16xf32>
      %add3A_133 = arith.constant 16 : i32
      %add3A_134 = arith.addi %add3A_87, %add3A_133 : i32
      %add3A_135 = vector.broadcast %add3A_134 : i32 to vector<16xi32>
      %add3A_136 = arith.addi %add3A_135, %iota3A : vector<16xi32>
      %lt3A_137 = arith.constant 320000 : i32
      %lt3A_138 = vector.broadcast %lt3A_137 : i32 to vector<16xi32>
      %lt3A_139 = arith.cmpi slt, %add3A_136, %lt3A_138 : vector<16xi32>
      %jit3A_140 = arith.constant 0.000000e+00 : f32
      %broadcast_in_dim3A_141 = vector.broadcast %jit3A_140 : f32 to vector<16xf32>
      %select_n3A_142 = arith.select %lt3A_139, %exp3A_132, %broadcast_in_dim3A_141 : vector<16xi1>, vector<16xf32>
      %swap3A_143 = arith.constant 16 : index
      %swap3A_144 = tpu.vector_load %arg17[%swap3A_143] {strides = array<i32>} : memref<64xf32, #tpu.memory_space<vmem>>, vector<16xf32>,
      tpu.vector_store %arg17[%swap3A_143], %select_n3A_142 {strides = array<i32>} : memref<64xf32, #tpu.memory_space<vmem>>, vector<16xf32>,
      %swap3A_145 = arith.constant 16 : index
      %swap3A_146 = tpu.vector_load %arg15[%swap3A_145] {strides = array<i32>} : memref<64xi32, #tpu.memory_space<vmem>>, vector<16xi32>,
      tpu.vector_store %arg15[%swap3A_145], %get3A_121 {strides = array<i32>} : memref<64xi32, #tpu.memory_space<vmem>>, vector<16xi32>,
      tpu.vector_store_idx %arg10[%get3A_121], %select_n3A_142 {add = true} : memref<10000xf32, #tpu.memory_space<vmem>>[vector<16xi32>], vector<16xf32>,
      %get3A_147 = arith.constant 32 : index
      %get3A_148 = tpu.vector_load %arg11[%get3A_147] {strides = array<i32>} : memref<128xi32, #tpu.memory_space<vmem>>, vector<16xi32>,
      %get3A_149 = arith.constant 32 : index
      %get3A_150 = tpu.vector_load %arg12[%get3A_149] {strides = array<i32>} : memref<128xi32, #tpu.memory_space<vmem>>, vector<16xi32>,
      %gather3A_151 = tpu.vector_load_idx %arg8[%get3A_148] : memref<10240xf32, #tpu.memory_space<vmem>>[vector<16xi32>], vector<16xf32>,
      %gather3A_152 = tpu.vector_load_idx %arg9[%get3A_150] : memref<10240xf32, #tpu.memory_space<vmem>>[vector<16xi32>], vector<16xf32>,
      %add3A_153 = arith.addf %gather3A_151, %gather3A_152 : vector<16xf32>
      %ge3A_154 = arith.constant 0.000000e+00 : f32
      %ge3A_155 = vector.broadcast %ge3A_154 : f32 to vector<16xf32>
      %ge3A_156 = arith.cmpf oge, %add3A_153, %ge3A_155 : vector<16xf32>
      %mul3A_157 = arith.constant 2.000000e-01 : f32
      %mul3A_158 = vector.broadcast %mul3A_157 : f32 to vector<16xf32>
      %mul3A_159 = arith.mulf %mul3A_158, %add3A_153 : vector<16xf32>
      %select_n3A_160 = arith.select %ge3A_156, %add3A_153, %mul3A_159 : vector<16xi1>, vector<16xf32>
      %exp3A_161 = math.exp %select_n3A_160 : vector<16xf32>
      %add3A_162 = arith.constant 32 : i32
      %add3A_163 = arith.addi %add3A_87, %add3A_162 : i32
      %add3A_164 = vector.broadcast %add3A_163 : i32 to vector<16xi32>
      %add3A_165 = arith.addi %add3A_164, %iota3A : vector<16xi32>
      %lt3A_166 = arith.constant 320000 : i32
      %lt3A_167 = vector.broadcast %lt3A_166 : i32 to vector<16xi32>
      %lt3A_168 = arith.cmpi slt, %add3A_165, %lt3A_167 : vector<16xi32>
      %jit3A_169 = arith.constant 0.000000e+00 : f32
      %broadcast_in_dim3A_170 = vector.broadcast %jit3A_169 : f32 to vector<16xf32>
      %select_n3A_171 = arith.select %lt3A_168, %exp3A_161, %broadcast_in_dim3A_170 : vector<16xi1>, vector<16xf32>
      %swap3A_172 = arith.constant 32 : index
      %swap3A_173 = tpu.vector_load %arg17[%swap3A_172] {strides = array<i32>} : memref<64xf32, #tpu.memory_space<vmem>>, vector<16xf32>,
      tpu.vector_store %arg17[%swap3A_172], %select_n3A_171 {strides = array<i32>} : memref<64xf32, #tpu.memory_space<vmem>>, vector<16xf32>,
      %swap3A_174 = arith.constant 32 : index
      %swap3A_175 = tpu.vector_load %arg15[%swap3A_174] {strides = array<i32>} : memref<64xi32, #tpu.memory_space<vmem>>, vector<16xi32>,
      tpu.vector_store %arg15[%swap3A_174], %get3A_150 {strides = array<i32>} : memref<64xi32, #tpu.memory_space<vmem>>, vector<16xi32>,
      tpu.vector_store_idx %arg10[%get3A_150], %select_n3A_171 {add = true} : memref<10000xf32, #tpu.memory_space<vmem>>[vector<16xi32>], vector<16xf32>,
      %get3A_176 = arith.constant 48 : index
      %get3A_177 = tpu.vector_load %arg11[%get3A_176] {strides = array<i32>} : memref<128xi32, #tpu.memory_space<vmem>>, vector<16xi32>,
      %get3A_178 = arith.constant 48 : index
      %get3A_179 = tpu.vector_load %arg12[%get3A_178] {strides = array<i32>} : memref<128xi32, #tpu.memory_space<vmem>>, vector<16xi32>,
      %gather3A_180 = tpu.vector_load_idx %arg8[%get3A_177] : memref<10240xf32, #tpu.memory_space<vmem>>[vector<16xi32>], vector<16xf32>,
      %gather3A_181 = tpu.vector_load_idx %arg9[%get3A_179] : memref<10240xf32, #tpu.memory_space<vmem>>[vector<16xi32>], vector<16xf32>,
      %add3A_182 = arith.addf %gather3A_180, %gather3A_181 : vector<16xf32>
      %ge3A_183 = arith.constant 0.000000e+00 : f32
      %ge3A_184 = vector.broadcast %ge3A_183 : f32 to vector<16xf32>
      %ge3A_185 = arith.cmpf oge, %add3A_182, %ge3A_184 : vector<16xf32>
      %mul3A_186 = arith.constant 2.000000e-01 : f32
      %mul3A_187 = vector.broadcast %mul3A_186 : f32 to vector<16xf32>
      %mul3A_188 = arith.mulf %mul3A_187, %add3A_182 : vector<16xf32>
      %select_n3A_189 = arith.select %ge3A_185, %add3A_182, %mul3A_188 : vector<16xi1>, vector<16xf32>
      %exp3A_190 = math.exp %select_n3A_189 : vector<16xf32>
      %add3A_191 = arith.constant 48 : i32
      %add3A_192 = arith.addi %add3A_87, %add3A_191 : i32
      %add3A_193 = vector.broadcast %add3A_192 : i32 to vector<16xi32>
      %add3A_194 = arith.addi %add3A_193, %iota3A : vector<16xi32>
      %lt3A_195 = arith.constant 320000 : i32
      %lt3A_196 = vector.broadcast %lt3A_195 : i32 to vector<16xi32>
      %lt3A_197 = arith.cmpi slt, %add3A_194, %lt3A_196 : vector<16xi32>
      %jit3A_198 = arith.constant 0.000000e+00 : f32
      %broadcast_in_dim3A_199 = vector.broadcast %jit3A_198 : f32 to vector<16xf32>
      %select_n3A_200 = arith.select %lt3A_197, %exp3A_190, %broadcast_in_dim3A_199 : vector<16xi1>, vector<16xf32>
      %swap3A_201 = arith.constant 48 : index
      %swap3A_202 = tpu.vector_load %arg17[%swap3A_201] {strides = array<i32>} : memref<64xf32, #tpu.memory_space<vmem>>, vector<16xf32>,
      tpu.vector_store %arg17[%swap3A_201], %select_n3A_200 {strides = array<i32>} : memref<64xf32, #tpu.memory_space<vmem>>, vector<16xf32>,
      %swap3A_203 = arith.constant 48 : index
      %swap3A_204 = tpu.vector_load %arg15[%swap3A_203] {strides = array<i32>} : memref<64xi32, #tpu.memory_space<vmem>>, vector<16xi32>,
      tpu.vector_store %arg15[%swap3A_203], %get3A_179 {strides = array<i32>} : memref<64xi32, #tpu.memory_space<vmem>>, vector<16xi32>,
      tpu.vector_store_idx %arg10[%get3A_179], %select_n3A_200 {add = true} : memref<10000xf32, #tpu.memory_space<vmem>>[vector<16xi32>], vector<16xf32>,
      %dma_wait3A = arith.constant 0 : i32
      %dma_wait3A_205 = tpu.memref_slice %arg11[%dma_wait3A] : memref<128xi32, #tpu.memory_space<vmem>> -> memref<64xi32, #tpu.memory_space<vmem>>
      %dma_wait3A_206 = arith.constant 0 : i32
      %dma_wait3A_207 = arith.constant 0 : i32
      %dma_wait3A_208 = tpu.memref_slice %arg5[%dma_wait3A_206, %dma_wait3A_207] : memref<10240x128xf32, #tpu.memory_space<hbm>> -> memref<10240x128xf32, #tpu.memory_space<hbm>>
      tpu.wait_indirect_dma semaphore(%arg22 : memref<!tpu.dma_semaphore, #tpu.memory_space<semaphore_mem>>) src(%dma_wait3A_208 : memref<10240x128xf32, #tpu.memory_space<hbm>>) dst(%arg19 : memref<64x128xf32, #tpu.memory_space<vmem>>)
      %scan3A_209 = arith.constant 0 : i32
      %scan3A_210 = arith.constant 0 : i32
      %scan3A_211 = arith.constant 16 : i32
      %scan3A_212 = arith.addi %scan3A_210, %scan3A_211 : i32
      %scan3A_213 = arith.constant 1 : i32
      scf.for %scan3A_615 = %scan3A_210 to %scan3A_212 step %scan3A_213  : i32 {
        %mul3A_616 = arith.constant 4 : i32
        %mul3A_617 = arith.muli %scan3A_615, %mul3A_616 : i32
        %add3A_618 = arith.constant 0 : i32
        %add3A_619 = arith.addi %mul3A_617, %add3A_618 : i32
        %broadcast_in_dim3A_620 = vector.broadcast %add3A_619 : i32 to vector<16xi32>
        %gather3A_621 = tpu.vector_load_idx %arg17[%broadcast_in_dim3A_620] : memref<64xf32, #tpu.memory_space<vmem>>[vector<16xi32>], vector<16xf32>,
        %get3A_622 = arith.index_cast %add3A_619 : i32 to index
        %get3A_623 = arith.constant 0 : index
        %get3A_624 = tpu.vector_load %arg19[%get3A_622, %get3A_623] {strides = array<i32>} : memref<64x128xf32, #tpu.memory_space<vmem>>, vector<16xf32>,
        %mul3A_625 = arith.mulf %get3A_624, %gather3A_621 : vector<16xf32>
        %swap3A_626 = arith.index_cast %add3A_619 : i32 to index
        %swap3A_627 = arith.constant 0 : index
        %swap3A_628 = tpu.vector_load %arg19[%swap3A_626, %swap3A_627] {strides = array<i32>} : memref<64x128xf32, #tpu.memory_space<vmem>>, vector<16xf32>,
        tpu.vector_store %arg19[%swap3A_626, %swap3A_627], %mul3A_625 {strides = array<i32>} : memref<64x128xf32, #tpu.memory_space<vmem>>, vector<16xf32>,
        %get3A_629 = arith.index_cast %add3A_619 : i32 to index
        %get3A_630 = arith.constant 16 : index
        %get3A_631 = tpu.vector_load %arg19[%get3A_629, %get3A_630] {strides = array<i32>} : memref<64x128xf32, #tpu.memory_space<vmem>>, vector<16xf32>,
        %mul3A_632 = arith.mulf %get3A_631, %gather3A_621 : vector<16xf32>
        %swap3A_633 = arith.index_cast %add3A_619 : i32 to index
        %swap3A_634 = arith.constant 16 : index
        %swap3A_635 = tpu.vector_load %arg19[%swap3A_633, %swap3A_634] {strides = array<i32>} : memref<64x128xf32, #tpu.memory_space<vmem>>, vector<16xf32>,
        tpu.vector_store %arg19[%swap3A_633, %swap3A_634], %mul3A_632 {strides = array<i32>} : memref<64x128xf32, #tpu.memory_space<vmem>>, vector<16xf32>,
        %get3A_636 = arith.index_cast %add3A_619 : i32 to index
        %get3A_637 = arith.constant 32 : index
        %get3A_638 = tpu.vector_load %arg19[%get3A_636, %get3A_637] {strides = array<i32>} : memref<64x128xf32, #tpu.memory_space<vmem>>, vector<16xf32>,
        %mul3A_639 = arith.mulf %get3A_638, %gather3A_621 : vector<16xf32>
        %swap3A_640 = arith.index_cast %add3A_619 : i32 to index
        %swap3A_641 = arith.constant 32 : index
        %swap3A_642 = tpu.vector_load %arg19[%swap3A_640, %swap3A_641] {strides = array<i32>} : memref<64x128xf32, #tpu.memory_space<vmem>>, vector<16xf32>,
        tpu.vector_store %arg19[%swap3A_640, %swap3A_641], %mul3A_639 {strides = array<i32>} : memref<64x128xf32, #tpu.memory_space<vmem>>, vector<16xf32>,
        %get3A_643 = arith.index_cast %add3A_619 : i32 to index
        %get3A_644 = arith.constant 48 : index
        %get3A_645 = tpu.vector_load %arg19[%get3A_643, %get3A_644] {strides = array<i32>} : memref<64x128xf32, #tpu.memory_space<vmem>>, vector<16xf32>,
        %mul3A_646 = arith.mulf %get3A_645, %gather3A_621 : vector<16xf32>
        %swap3A_647 = arith.index_cast %add3A_619 : i32 to index
        %swap3A_648 = arith.constant 48 : index
        %swap3A_649 = tpu.vector_load %arg19[%swap3A_647, %swap3A_648] {strides = array<i32>} : memref<64x128xf32, #tpu.memory_space<vmem>>, vector<16xf32>,
        tpu.vector_store %arg19[%swap3A_647, %swap3A_648], %mul3A_646 {strides = array<i32>} : memref<64x128xf32, #tpu.memory_space<vmem>>, vector<16xf32>,
        %get3A_650 = arith.index_cast %add3A_619 : i32 to index
        %get3A_651 = arith.constant 64 : index
        %get3A_652 = tpu.vector_load %arg19[%get3A_650, %get3A_651] {strides = array<i32>} : memref<64x128xf32, #tpu.memory_space<vmem>>, vector<16xf32>,
        %mul3A_653 = arith.mulf %get3A_652, %gather3A_621 : vector<16xf32>
        %swap3A_654 = arith.index_cast %add3A_619 : i32 to index
        %swap3A_655 = arith.constant 64 : index
        %swap3A_656 = tpu.vector_load %arg19[%swap3A_654, %swap3A_655] {strides = array<i32>} : memref<64x128xf32, #tpu.memory_space<vmem>>, vector<16xf32>,
        tpu.vector_store %arg19[%swap3A_654, %swap3A_655], %mul3A_653 {strides = array<i32>} : memref<64x128xf32, #tpu.memory_space<vmem>>, vector<16xf32>,
        %get3A_657 = arith.index_cast %add3A_619 : i32 to index
        %get3A_658 = arith.constant 80 : index
        %get3A_659 = tpu.vector_load %arg19[%get3A_657, %get3A_658] {strides = array<i32>} : memref<64x128xf32, #tpu.memory_space<vmem>>, vector<16xf32>,
        %mul3A_660 = arith.mulf %get3A_659, %gather3A_621 : vector<16xf32>
        %swap3A_661 = arith.index_cast %add3A_619 : i32 to index
        %swap3A_662 = arith.constant 80 : index
        %swap3A_663 = tpu.vector_load %arg19[%swap3A_661, %swap3A_662] {strides = array<i32>} : memref<64x128xf32, #tpu.memory_space<vmem>>, vector<16xf32>,
        tpu.vector_store %arg19[%swap3A_661, %swap3A_662], %mul3A_660 {strides = array<i32>} : memref<64x128xf32, #tpu.memory_space<vmem>>, vector<16xf32>,
        %get3A_664 = arith.index_cast %add3A_619 : i32 to index
        %get3A_665 = arith.constant 96 : index
        %get3A_666 = tpu.vector_load %arg19[%get3A_664, %get3A_665] {strides = array<i32>} : memref<64x128xf32, #tpu.memory_space<vmem>>, vector<16xf32>,
        %mul3A_667 = arith.mulf %get3A_666, %gather3A_621 : vector<16xf32>
        %swap3A_668 = arith.index_cast %add3A_619 : i32 to index
        %swap3A_669 = arith.constant 96 : index
        %swap3A_670 = tpu.vector_load %arg19[%swap3A_668, %swap3A_669] {strides = array<i32>} : memref<64x128xf32, #tpu.memory_space<vmem>>, vector<16xf32>,
        tpu.vector_store %arg19[%swap3A_668, %swap3A_669], %mul3A_667 {strides = array<i32>} : memref<64x128xf32, #tpu.memory_space<vmem>>, vector<16xf32>,
        %get3A_671 = arith.index_cast %add3A_619 : i32 to index
        %get3A_672 = arith.constant 112 : index
        %get3A_673 = tpu.vector_load %arg19[%get3A_671, %get3A_672] {strides = array<i32>} : memref<64x128xf32, #tpu.memory_space<vmem>>, vector<16xf32>,
        %mul3A_674 = arith.mulf %get3A_673, %gather3A_621 : vector<16xf32>
        %swap3A_675 = arith.index_cast %add3A_619 : i32 to index
        %swap3A_676 = arith.constant 112 : index
        %swap3A_677 = tpu.vector_load %arg19[%swap3A_675, %swap3A_676] {strides = array<i32>} : memref<64x128xf32, #tpu.memory_space<vmem>>, vector<16xf32>,
        tpu.vector_store %arg19[%swap3A_675, %swap3A_676], %mul3A_674 {strides = array<i32>} : memref<64x128xf32, #tpu.memory_space<vmem>>, vector<16xf32>,
        %mul3A_678 = arith.constant 4 : i32
        %mul3A_679 = arith.muli %scan3A_615, %mul3A_678 : i32
        %add3A_680 = arith.constant 1 : i32
        %add3A_681 = arith.addi %mul3A_679, %add3A_680 : i32
        %broadcast_in_dim3A_682 = vector.broadcast %add3A_681 : i32 to vector<16xi32>
        %gather3A_683 = tpu.vector_load_idx %arg17[%broadcast_in_dim3A_682] : memref<64xf32, #tpu.memory_space<vmem>>[vector<16xi32>], vector<16xf32>,
        %get3A_684 = arith.index_cast %add3A_681 : i32 to index
        %get3A_685 = arith.constant 0 : index
        %get3A_686 = tpu.vector_load %arg19[%get3A_684, %get3A_685] {strides = array<i32>} : memref<64x128xf32, #tpu.memory_space<vmem>>, vector<16xf32>,
        %mul3A_687 = arith.mulf %get3A_686, %gather3A_683 : vector<16xf32>
        %swap3A_688 = arith.index_cast %add3A_681 : i32 to index
        %swap3A_689 = arith.constant 0 : index
        %swap3A_690 = tpu.vector_load %arg19[%swap3A_688, %swap3A_689] {strides = array<i32>} : memref<64x128xf32, #tpu.memory_space<vmem>>, vector<16xf32>,
        tpu.vector_store %arg19[%swap3A_688, %swap3A_689], %mul3A_687 {strides = array<i32>} : memref<64x128xf32, #tpu.memory_space<vmem>>, vector<16xf32>,
        %get3A_691 = arith.index_cast %add3A_681 : i32 to index
        %get3A_692 = arith.constant 16 : index
        %get3A_693 = tpu.vector_load %arg19[%get3A_691, %get3A_692] {strides = array<i32>} : memref<64x128xf32, #tpu.memory_space<vmem>>, vector<16xf32>,
        %mul3A_694 = arith.mulf %get3A_693, %gather3A_683 : vector<16xf32>
        %swap3A_695 = arith.index_cast %add3A_681 : i32 to index
        %swap3A_696 = arith.constant 16 : index
        %swap3A_697 = tpu.vector_load %arg19[%swap3A_695, %swap3A_696] {strides = array<i32>} : memref<64x128xf32, #tpu.memory_space<vmem>>, vector<16xf32>,
        tpu.vector_store %arg19[%swap3A_695, %swap3A_696], %mul3A_694 {strides = array<i32>} : memref<64x128xf32, #tpu.memory_space<vmem>>, vector<16xf32>,
        %get3A_698 = arith.index_cast %add3A_681 : i32 to index
        %get3A_699 = arith.constant 32 : index
        %get3A_700 = tpu.vector_load %arg19[%get3A_698, %get3A_699] {strides = array<i32>} : memref<64x128xf32, #tpu.memory_space<vmem>>, vector<16xf32>,
        %mul3A_701 = arith.mulf %get3A_700, %gather3A_683 : vector<16xf32>
        %swap3A_702 = arith.index_cast %add3A_681 : i32 to index
        %swap3A_703 = arith.constant 32 : index
        %swap3A_704 = tpu.vector_load %arg19[%swap3A_702, %swap3A_703] {strides = array<i32>} : memref<64x128xf32, #tpu.memory_space<vmem>>, vector<16xf32>,
        tpu.vector_store %arg19[%swap3A_702, %swap3A_703], %mul3A_701 {strides = array<i32>} : memref<64x128xf32, #tpu.memory_space<vmem>>, vector<16xf32>,
        %get3A_705 = arith.index_cast %add3A_681 : i32 to index
        %get3A_706 = arith.constant 48 : index
        %get3A_707 = tpu.vector_load %arg19[%get3A_705, %get3A_706] {strides = array<i32>} : memref<64x128xf32, #tpu.memory_space<vmem>>, vector<16xf32>,
        %mul3A_708 = arith.mulf %get3A_707, %gather3A_683 : vector<16xf32>
        %swap3A_709 = arith.index_cast %add3A_681 : i32 to index
        %swap3A_710 = arith.constant 48 : index
        %swap3A_711 = tpu.vector_load %arg19[%swap3A_709, %swap3A_710] {strides = array<i32>} : memref<64x128xf32, #tpu.memory_space<vmem>>, vector<16xf32>,
        tpu.vector_store %arg19[%swap3A_709, %swap3A_710], %mul3A_708 {strides = array<i32>} : memref<64x128xf32, #tpu.memory_space<vmem>>, vector<16xf32>,
        %get3A_712 = arith.index_cast %add3A_681 : i32 to index
        %get3A_713 = arith.constant 64 : index
        %get3A_714 = tpu.vector_load %arg19[%get3A_712, %get3A_713] {strides = array<i32>} : memref<64x128xf32, #tpu.memory_space<vmem>>, vector<16xf32>,
        %mul3A_715 = arith.mulf %get3A_714, %gather3A_683 : vector<16xf32>
        %swap3A_716 = arith.index_cast %add3A_681 : i32 to index
        %swap3A_717 = arith.constant 64 : index
        %swap3A_718 = tpu.vector_load %arg19[%swap3A_716, %swap3A_717] {strides = array<i32>} : memref<64x128xf32, #tpu.memory_space<vmem>>, vector<16xf32>,
        tpu.vector_store %arg19[%swap3A_716, %swap3A_717], %mul3A_715 {strides = array<i32>} : memref<64x128xf32, #tpu.memory_space<vmem>>, vector<16xf32>,
        %get3A_719 = arith.index_cast %add3A_681 : i32 to index
        %get3A_720 = arith.constant 80 : index
        %get3A_721 = tpu.vector_load %arg19[%get3A_719, %get3A_720] {strides = array<i32>} : memref<64x128xf32, #tpu.memory_space<vmem>>, vector<16xf32>,
        %mul3A_722 = arith.mulf %get3A_721, %gather3A_683 : vector<16xf32>
        %swap3A_723 = arith.index_cast %add3A_681 : i32 to index
        %swap3A_724 = arith.constant 80 : index
        %swap3A_725 = tpu.vector_load %arg19[%swap3A_723, %swap3A_724] {strides = array<i32>} : memref<64x128xf32, #tpu.memory_space<vmem>>, vector<16xf32>,
        tpu.vector_store %arg19[%swap3A_723, %swap3A_724], %mul3A_722 {strides = array<i32>} : memref<64x128xf32, #tpu.memory_space<vmem>>, vector<16xf32>,
        %get3A_726 = arith.index_cast %add3A_681 : i32 to index
        %get3A_727 = arith.constant 96 : index
        %get3A_728 = tpu.vector_load %arg19[%get3A_726, %get3A_727] {strides = array<i32>} : memref<64x128xf32, #tpu.memory_space<vmem>>, vector<16xf32>,
        %mul3A_729 = arith.mulf %get3A_728, %gather3A_683 : vector<16xf32>
        %swap3A_730 = arith.index_cast %add3A_681 : i32 to index
        %swap3A_731 = arith.constant 96 : index
        %swap3A_732 = tpu.vector_load %arg19[%swap3A_730, %swap3A_731] {strides = array<i32>} : memref<64x128xf32, #tpu.memory_space<vmem>>, vector<16xf32>,
        tpu.vector_store %arg19[%swap3A_730, %swap3A_731], %mul3A_729 {strides = array<i32>} : memref<64x128xf32, #tpu.memory_space<vmem>>, vector<16xf32>,
        %get3A_733 = arith.index_cast %add3A_681 : i32 to index
        %get3A_734 = arith.constant 112 : index
        %get3A_735 = tpu.vector_load %arg19[%get3A_733, %get3A_734] {strides = array<i32>} : memref<64x128xf32, #tpu.memory_space<vmem>>, vector<16xf32>,
        %mul3A_736 = arith.mulf %get3A_735, %gather3A_683 : vector<16xf32>
        %swap3A_737 = arith.index_cast %add3A_681 : i32 to index
        %swap3A_738 = arith.constant 112 : index
        %swap3A_739 = tpu.vector_load %arg19[%swap3A_737, %swap3A_738] {strides = array<i32>} : memref<64x128xf32, #tpu.memory_space<vmem>>, vector<16xf32>,
        tpu.vector_store %arg19[%swap3A_737, %swap3A_738], %mul3A_736 {strides = array<i32>} : memref<64x128xf32, #tpu.memory_space<vmem>>, vector<16xf32>,
        %mul3A_740 = arith.constant 4 : i32
        %mul3A_741 = arith.muli %scan3A_615, %mul3A_740 : i32
        %add3A_742 = arith.constant 2 : i32
        %add3A_743 = arith.addi %mul3A_741, %add3A_742 : i32
        %broadcast_in_dim3A_744 = vector.broadcast %add3A_743 : i32 to vector<16xi32>
        %gather3A_745 = tpu.vector_load_idx %arg17[%broadcast_in_dim3A_744] : memref<64xf32, #tpu.memory_space<vmem>>[vector<16xi32>], vector<16xf32>,
        %get3A_746 = arith.index_cast %add3A_743 : i32 to index
        %get3A_747 = arith.constant 0 : index
        %get3A_748 = tpu.vector_load %arg19[%get3A_746, %get3A_747] {strides = array<i32>} : memref<64x128xf32, #tpu.memory_space<vmem>>, vector<16xf32>,
        %mul3A_749 = arith.mulf %get3A_748, %gather3A_745 : vector<16xf32>
        %swap3A_750 = arith.index_cast %add3A_743 : i32 to index
        %swap3A_751 = arith.constant 0 : index
        %swap3A_752 = tpu.vector_load %arg19[%swap3A_750, %swap3A_751] {strides = array<i32>} : memref<64x128xf32, #tpu.memory_space<vmem>>, vector<16xf32>,
        tpu.vector_store %arg19[%swap3A_750, %swap3A_751], %mul3A_749 {strides = array<i32>} : memref<64x128xf32, #tpu.memory_space<vmem>>, vector<16xf32>,
        %get3A_753 = arith.index_cast %add3A_743 : i32 to index
        %get3A_754 = arith.constant 16 : index
        %get3A_755 = tpu.vector_load %arg19[%get3A_753, %get3A_754] {strides = array<i32>} : memref<64x128xf32, #tpu.memory_space<vmem>>, vector<16xf32>,
        %mul3A_756 = arith.mulf %get3A_755, %gather3A_745 : vector<16xf32>
        %swap3A_757 = arith.index_cast %add3A_743 : i32 to index
        %swap3A_758 = arith.constant 16 : index
        %swap3A_759 = tpu.vector_load %arg19[%swap3A_757, %swap3A_758] {strides = array<i32>} : memref<64x128xf32, #tpu.memory_space<vmem>>, vector<16xf32>,
        tpu.vector_store %arg19[%swap3A_757, %swap3A_758], %mul3A_756 {strides = array<i32>} : memref<64x128xf32, #tpu.memory_space<vmem>>, vector<16xf32>,
        %get3A_760 = arith.index_cast %add3A_743 : i32 to index
        %get3A_761 = arith.constant 32 : index
        %get3A_762 = tpu.vector_load %arg19[%get3A_760, %get3A_761] {strides = array<i32>} : memref<64x128xf32, #tpu.memory_space<vmem>>, vector<16xf32>,
        %mul3A_763 = arith.mulf %get3A_762, %gather3A_745 : vector<16xf32>
        %swap3A_764 = arith.index_cast %add3A_743 : i32 to index
        %swap3A_765 = arith.constant 32 : index
        %swap3A_766 = tpu.vector_load %arg19[%swap3A_764, %swap3A_765] {strides = array<i32>} : memref<64x128xf32, #tpu.memory_space<vmem>>, vector<16xf32>,
        tpu.vector_store %arg19[%swap3A_764, %swap3A_765], %mul3A_763 {strides = array<i32>} : memref<64x128xf32, #tpu.memory_space<vmem>>, vector<16xf32>,
        %get3A_767 = arith.index_cast %add3A_743 : i32 to index
        %get3A_768 = arith.constant 48 : index
        %get3A_769 = tpu.vector_load %arg19[%get3A_767, %get3A_768] {strides = array<i32>} : memref<64x128xf32, #tpu.memory_space<vmem>>, vector<16xf32>,
        %mul3A_770 = arith.mulf %get3A_769, %gather3A_745 : vector<16xf32>
        %swap3A_771 = arith.index_cast %add3A_743 : i32 to index
        %swap3A_772 = arith.constant 48 : index
        %swap3A_773 = tpu.vector_load %arg19[%swap3A_771, %swap3A_772] {strides = array<i32>} : memref<64x128xf32, #tpu.memory_space<vmem>>, vector<16xf32>,
        tpu.vector_store %arg19[%swap3A_771, %swap3A_772], %mul3A_770 {strides = array<i32>} : memref<64x128xf32, #tpu.memory_space<vmem>>, vector<16xf32>,
        %get3A_774 = arith.index_cast %add3A_743 : i32 to index
        %get3A_775 = arith.constant 64 : index
        %get3A_776 = tpu.vector_load %arg19[%get3A_774, %get3A_775] {strides = array<i32>} : memref<64x128xf32, #tpu.memory_space<vmem>>, vector<16xf32>,
        %mul3A_777 = arith.mulf %get3A_776, %gather3A_745 : vector<16xf32>
        %swap3A_778 = arith.index_cast %add3A_743 : i32 to index
        %swap3A_779 = arith.constant 64 : index
        %swap3A_780 = tpu.vector_load %arg19[%swap3A_778, %swap3A_779] {strides = array<i32>} : memref<64x128xf32, #tpu.memory_space<vmem>>, vector<16xf32>,
        tpu.vector_store %arg19[%swap3A_778, %swap3A_779], %mul3A_777 {strides = array<i32>} : memref<64x128xf32, #tpu.memory_space<vmem>>, vector<16xf32>,
        %get3A_781 = arith.index_cast %add3A_743 : i32 to index
        %get3A_782 = arith.constant 80 : index
        %get3A_783 = tpu.vector_load %arg19[%get3A_781, %get3A_782] {strides = array<i32>} : memref<64x128xf32, #tpu.memory_space<vmem>>, vector<16xf32>,
        %mul3A_784 = arith.mulf %get3A_783, %gather3A_745 : vector<16xf32>
        %swap3A_785 = arith.index_cast %add3A_743 : i32 to index
        %swap3A_786 = arith.constant 80 : index
        %swap3A_787 = tpu.vector_load %arg19[%swap3A_785, %swap3A_786] {strides = array<i32>} : memref<64x128xf32, #tpu.memory_space<vmem>>, vector<16xf32>,
        tpu.vector_store %arg19[%swap3A_785, %swap3A_786], %mul3A_784 {strides = array<i32>} : memref<64x128xf32, #tpu.memory_space<vmem>>, vector<16xf32>,
        %get3A_788 = arith.index_cast %add3A_743 : i32 to index
        %get3A_789 = arith.constant 96 : index
        %get3A_790 = tpu.vector_load %arg19[%get3A_788, %get3A_789] {strides = array<i32>} : memref<64x128xf32, #tpu.memory_space<vmem>>, vector<16xf32>,
        %mul3A_791 = arith.mulf %get3A_790, %gather3A_745 : vector<16xf32>
        %swap3A_792 = arith.index_cast %add3A_743 : i32 to index
        %swap3A_793 = arith.constant 96 : index
        %swap3A_794 = tpu.vector_load %arg19[%swap3A_792, %swap3A_793] {strides = array<i32>} : memref<64x128xf32, #tpu.memory_space<vmem>>, vector<16xf32>,
        tpu.vector_store %arg19[%swap3A_792, %swap3A_793], %mul3A_791 {strides = array<i32>} : memref<64x128xf32, #tpu.memory_space<vmem>>, vector<16xf32>,
        %get3A_795 = arith.index_cast %add3A_743 : i32 to index
        %get3A_796 = arith.constant 112 : index
        %get3A_797 = tpu.vector_load %arg19[%get3A_795, %get3A_796] {strides = array<i32>} : memref<64x128xf32, #tpu.memory_space<vmem>>, vector<16xf32>,
        %mul3A_798 = arith.mulf %get3A_797, %gather3A_745 : vector<16xf32>
        %swap3A_799 = arith.index_cast %add3A_743 : i32 to index
        %swap3A_800 = arith.constant 112 : index
        %swap3A_801 = tpu.vector_load %arg19[%swap3A_799, %swap3A_800] {strides = array<i32>} : memref<64x128xf32, #tpu.memory_space<vmem>>, vector<16xf32>,
        tpu.vector_store %arg19[%swap3A_799, %swap3A_800], %mul3A_798 {strides = array<i32>} : memref<64x128xf32, #tpu.memory_space<vmem>>, vector<16xf32>,
        %mul3A_802 = arith.constant 4 : i32
        %mul3A_803 = arith.muli %scan3A_615, %mul3A_802 : i32
        %add3A_804 = arith.constant 3 : i32
        %add3A_805 = arith.addi %mul3A_803, %add3A_804 : i32
        %broadcast_in_dim3A_806 = vector.broadcast %add3A_805 : i32 to vector<16xi32>
        %gather3A_807 = tpu.vector_load_idx %arg17[%broadcast_in_dim3A_806] : memref<64xf32, #tpu.memory_space<vmem>>[vector<16xi32>], vector<16xf32>,
        %get3A_808 = arith.index_cast %add3A_805 : i32 to index
        %get3A_809 = arith.constant 0 : index
        %get3A_810 = tpu.vector_load %arg19[%get3A_808, %get3A_809] {strides = array<i32>} : memref<64x128xf32, #tpu.memory_space<vmem>>, vector<16xf32>,
        %mul3A_811 = arith.mulf %get3A_810, %gather3A_807 : vector<16xf32>
        %swap3A_812 = arith.index_cast %add3A_805 : i32 to index
        %swap3A_813 = arith.constant 0 : index
        %swap3A_814 = tpu.vector_load %arg19[%swap3A_812, %swap3A_813] {strides = array<i32>} : memref<64x128xf32, #tpu.memory_space<vmem>>, vector<16xf32>,
        tpu.vector_store %arg19[%swap3A_812, %swap3A_813], %mul3A_811 {strides = array<i32>} : memref<64x128xf32, #tpu.memory_space<vmem>>, vector<16xf32>,
        %get3A_815 = arith.index_cast %add3A_805 : i32 to index
        %get3A_816 = arith.constant 16 : index
        %get3A_817 = tpu.vector_load %arg19[%get3A_815, %get3A_816] {strides = array<i32>} : memref<64x128xf32, #tpu.memory_space<vmem>>, vector<16xf32>,
        %mul3A_818 = arith.mulf %get3A_817, %gather3A_807 : vector<16xf32>
        %swap3A_819 = arith.index_cast %add3A_805 : i32 to index
        %swap3A_820 = arith.constant 16 : index
        %swap3A_821 = tpu.vector_load %arg19[%swap3A_819, %swap3A_820] {strides = array<i32>} : memref<64x128xf32, #tpu.memory_space<vmem>>, vector<16xf32>,
        tpu.vector_store %arg19[%swap3A_819, %swap3A_820], %mul3A_818 {strides = array<i32>} : memref<64x128xf32, #tpu.memory_space<vmem>>, vector<16xf32>,
        %get3A_822 = arith.index_cast %add3A_805 : i32 to index
        %get3A_823 = arith.constant 32 : index
        %get3A_824 = tpu.vector_load %arg19[%get3A_822, %get3A_823] {strides = array<i32>} : memref<64x128xf32, #tpu.memory_space<vmem>>, vector<16xf32>,
        %mul3A_825 = arith.mulf %get3A_824, %gather3A_807 : vector<16xf32>
        %swap3A_826 = arith.index_cast %add3A_805 : i32 to index
        %swap3A_827 = arith.constant 32 : index
        %swap3A_828 = tpu.vector_load %arg19[%swap3A_826, %swap3A_827] {strides = array<i32>} : memref<64x128xf32, #tpu.memory_space<vmem>>, vector<16xf32>,
        tpu.vector_store %arg19[%swap3A_826, %swap3A_827], %mul3A_825 {strides = array<i32>} : memref<64x128xf32, #tpu.memory_space<vmem>>, vector<16xf32>,
        %get3A_829 = arith.index_cast %add3A_805 : i32 to index
        %get3A_830 = arith.constant 48 : index
        %get3A_831 = tpu.vector_load %arg19[%get3A_829, %get3A_830] {strides = array<i32>} : memref<64x128xf32, #tpu.memory_space<vmem>>, vector<16xf32>,
        %mul3A_832 = arith.mulf %get3A_831, %gather3A_807 : vector<16xf32>
        %swap3A_833 = arith.index_cast %add3A_805 : i32 to index
        %swap3A_834 = arith.constant 48 : index
        %swap3A_835 = tpu.vector_load %arg19[%swap3A_833, %swap3A_834] {strides = array<i32>} : memref<64x128xf32, #tpu.memory_space<vmem>>, vector<16xf32>,
        tpu.vector_store %arg19[%swap3A_833, %swap3A_834], %mul3A_832 {strides = array<i32>} : memref<64x128xf32, #tpu.memory_space<vmem>>, vector<16xf32>,
        %get3A_836 = arith.index_cast %add3A_805 : i32 to index
        %get3A_837 = arith.constant 64 : index
        %get3A_838 = tpu.vector_load %arg19[%get3A_836, %get3A_837] {strides = array<i32>} : memref<64x128xf32, #tpu.memory_space<vmem>>, vector<16xf32>,
        %mul3A_839 = arith.mulf %get3A_838, %gather3A_807 : vector<16xf32>
        %swap3A_840 = arith.index_cast %add3A_805 : i32 to index
        %swap3A_841 = arith.constant 64 : index
        %swap3A_842 = tpu.vector_load %arg19[%swap3A_840, %swap3A_841] {strides = array<i32>} : memref<64x128xf32, #tpu.memory_space<vmem>>, vector<16xf32>,
        tpu.vector_store %arg19[%swap3A_840, %swap3A_841], %mul3A_839 {strides = array<i32>} : memref<64x128xf32, #tpu.memory_space<vmem>>, vector<16xf32>,
        %get3A_843 = arith.index_cast %add3A_805 : i32 to index
        %get3A_844 = arith.constant 80 : index
        %get3A_845 = tpu.vector_load %arg19[%get3A_843, %get3A_844] {strides = array<i32>} : memref<64x128xf32, #tpu.memory_space<vmem>>, vector<16xf32>,
        %mul3A_846 = arith.mulf %get3A_845, %gather3A_807 : vector<16xf32>
        %swap3A_847 = arith.index_cast %add3A_805 : i32 to index
        %swap3A_848 = arith.constant 80 : index
        %swap3A_849 = tpu.vector_load %arg19[%swap3A_847, %swap3A_848] {strides = array<i32>} : memref<64x128xf32, #tpu.memory_space<vmem>>, vector<16xf32>,
        tpu.vector_store %arg19[%swap3A_847, %swap3A_848], %mul3A_846 {strides = array<i32>} : memref<64x128xf32, #tpu.memory_space<vmem>>, vector<16xf32>,
        %get3A_850 = arith.index_cast %add3A_805 : i32 to index
        %get3A_851 = arith.constant 96 : index
        %get3A_852 = tpu.vector_load %arg19[%get3A_850, %get3A_851] {strides = array<i32>} : memref<64x128xf32, #tpu.memory_space<vmem>>, vector<16xf32>,
        %mul3A_853 = arith.mulf %get3A_852, %gather3A_807 : vector<16xf32>
        %swap3A_854 = arith.index_cast %add3A_805 : i32 to index
        %swap3A_855 = arith.constant 96 : index
        %swap3A_856 = tpu.vector_load %arg19[%swap3A_854, %swap3A_855] {strides = array<i32>} : memref<64x128xf32, #tpu.memory_space<vmem>>, vector<16xf32>,
        tpu.vector_store %arg19[%swap3A_854, %swap3A_855], %mul3A_853 {strides = array<i32>} : memref<64x128xf32, #tpu.memory_space<vmem>>, vector<16xf32>,
        %get3A_857 = arith.index_cast %add3A_805 : i32 to index
        %get3A_858 = arith.constant 112 : index
        %get3A_859 = tpu.vector_load %arg19[%get3A_857, %get3A_858] {strides = array<i32>} : memref<64x128xf32, #tpu.memory_space<vmem>>, vector<16xf32>,
        %mul3A_860 = arith.mulf %get3A_859, %gather3A_807 : vector<16xf32>
        %swap3A_861 = arith.index_cast %add3A_805 : i32 to index
        %swap3A_862 = arith.constant 112 : index
        %swap3A_863 = tpu.vector_load %arg19[%swap3A_861, %swap3A_862] {strides = array<i32>} : memref<64x128xf32, #tpu.memory_space<vmem>>, vector<16xf32>,
        tpu.vector_store %arg19[%swap3A_861, %swap3A_862], %mul3A_860 {strides = array<i32>} : memref<64x128xf32, #tpu.memory_space<vmem>>, vector<16xf32>,
      }
      %scan3A_214 = arith.constant 16 : i32
      "tpu.region"() ({
        %run_scoped3A_615 = tpu.sem_alloc : memref<!tpu.dma_semaphore, #tpu.memory_space<semaphore_mem>>
        %dma_start3A_616 = arith.constant 0 : i32
        %dma_start3A_617 = arith.constant 0 : i32
        %dma_start3A_618 = tpu.memref_slice %arg21[%dma_start3A_616, %dma_start3A_617] : memref<10240x128xf32, #tpu.memory_space<vmem_shared>> -> memref<10240x128xf32, #tpu.memory_space<vmem_shared>>
        tpu.enqueue_indirect_dma source(%arg19 : memref<64x128xf32, #tpu.memory_space<vmem>>) target(%dma_start3A_618 : memref<10240x128xf32, #tpu.memory_space<vmem_shared>>) offsets(%arg15 : memref<64xi32, #tpu.memory_space<vmem>>) semaphore(%run_scoped3A_615 : memref<!tpu.dma_semaphore, #tpu.memory_space<semaphore_mem>>) {add = true}
        %dma_wait3A_619 = arith.constant 0 : i32
        %dma_wait3A_620 = arith.constant 0 : i32
        %dma_wait3A_621 = tpu.memref_slice %arg21[%dma_wait3A_619, %dma_wait3A_620] : memref<10240x128xf32, #tpu.memory_space<vmem_shared>> -> memref<10240x128xf32, #tpu.memory_space<vmem_shared>>
        tpu.wait_indirect_dma semaphore(%run_scoped3A_615 : memref<!tpu.dma_semaphore, #tpu.memory_space<semaphore_mem>>) src(%arg19 : memref<64x128xf32, #tpu.memory_space<vmem>>) dst(%dma_wait3A_621 : memref<10240x128xf32, #tpu.memory_space<vmem_shared>>)
        tpu.yield
      }) : () -> ()
      %convert_element_type3A_215 = arith.extui %ge3A_88 : i1 to i32
      %cond3A_216 = arith.constant 0 : i32
      %cond3A_217 = arith.cmpi ne, %convert_element_type3A_215, %cond3A_216 : i32
      scf.if %cond3A_217 {
        %dma_wait3A_615 = arith.constant 0 : i32
        %dma_wait3A_616 = tpu.memref_slice %arg2[%dma_wait3A_615] : memref<323584xi32, #tpu.memory_space<hbm>> -> memref<128xi32, #tpu.memory_space<hbm>>
        %dma_wait3A_617 = arith.constant 0 : i32
        %dma_wait3A_618 = tpu.memref_slice %arg2[%dma_wait3A_617] : memref<323584xi32, #tpu.memory_space<hbm>> -> memref<128xi32, #tpu.memory_space<hbm>>
        tpu.wait_dma2 semaphore(%arg25 : memref<!tpu.dma_semaphore, #tpu.memory_space<semaphore_mem>>) src(%dma_wait3A_618 : memref<128xi32, #tpu.memory_space<hbm>>) dst(%arg13 : memref<128xi32, #tpu.memory_space<vmem>>)
        %dma_wait3A_619 = arith.constant 0 : i32
        %dma_wait3A_620 = tpu.memref_slice %arg3[%dma_wait3A_619] : memref<323584xi32, #tpu.memory_space<hbm>> -> memref<128xi32, #tpu.memory_space<hbm>>
        %dma_wait3A_621 = arith.constant 0 : i32
        %dma_wait3A_622 = tpu.memref_slice %arg3[%dma_wait3A_621] : memref<323584xi32, #tpu.memory_space<hbm>> -> memref<128xi32, #tpu.memory_space<hbm>>
        tpu.wait_dma2 semaphore(%arg25 : memref<!tpu.dma_semaphore, #tpu.memory_space<semaphore_mem>>) src(%dma_wait3A_622 : memref<128xi32, #tpu.memory_space<hbm>>) dst(%arg14 : memref<128xi32, #tpu.memory_space<vmem>>)
        %dma_start3A_623 = arith.constant 0 : i32
        %dma_start3A_624 = tpu.memref_slice %arg13[%dma_start3A_623] : memref<128xi32, #tpu.memory_space<vmem>> -> memref<64xi32, #tpu.memory_space<vmem>>
        %dma_start3A_625 = arith.constant 0 : i32
        %dma_start3A_626 = arith.constant 0 : i32
        %dma_start3A_627 = tpu.memref_slice %arg5[%dma_start3A_625, %dma_start3A_626] : memref<10240x128xf32, #tpu.memory_space<hbm>> -> memref<10240x128xf32, #tpu.memory_space<hbm>>
        tpu.enqueue_indirect_dma source(%dma_start3A_627 : memref<10240x128xf32, #tpu.memory_space<hbm>>) target(%arg19 : memref<64x128xf32, #tpu.memory_space<vmem>>) offsets(%dma_start3A_624 : memref<64xi32, #tpu.memory_space<vmem>>) semaphore(%arg22 : memref<!tpu.dma_semaphore, #tpu.memory_space<semaphore_mem>>)
      } else {
      }
      %get3A_218 = arith.constant 64 : index
      %get3A_219 = tpu.vector_load %arg11[%get3A_218] {strides = array<i32>} : memref<128xi32, #tpu.memory_space<vmem>>, vector<16xi32>,
      %get3A_220 = arith.constant 64 : index
      %get3A_221 = tpu.vector_load %arg12[%get3A_220] {strides = array<i32>} : memref<128xi32, #tpu.memory_space<vmem>>, vector<16xi32>,
      %gather3A_222 = tpu.vector_load_idx %arg8[%get3A_219] : memref<10240xf32, #tpu.memory_space<vmem>>[vector<16xi32>], vector<16xf32>,
      %gather3A_223 = tpu.vector_load_idx %arg9[%get3A_221] : memref<10240xf32, #tpu.memory_space<vmem>>[vector<16xi32>], vector<16xf32>,
      %add3A_224 = arith.addf %gather3A_222, %gather3A_223 : vector<16xf32>
      %ge3A_225 = arith.constant 0.000000e+00 : f32
      %ge3A_226 = vector.broadcast %ge3A_225 : f32 to vector<16xf32>
      %ge3A_227 = arith.cmpf oge, %add3A_224, %ge3A_226 : vector<16xf32>
      %mul3A_228 = arith.constant 2.000000e-01 : f32
      %mul3A_229 = vector.broadcast %mul3A_228 : f32 to vector<16xf32>
      %mul3A_230 = arith.mulf %mul3A_229, %add3A_224 : vector<16xf32>
      %select_n3A_231 = arith.select %ge3A_227, %add3A_224, %mul3A_230 : vector<16xi1>, vector<16xf32>
      %exp3A_232 = math.exp %select_n3A_231 : vector<16xf32>
      %add3A_233 = arith.constant 64 : i32
      %add3A_234 = arith.addi %add3A_87, %add3A_233 : i32
      %add3A_235 = vector.broadcast %add3A_234 : i32 to vector<16xi32>
      %add3A_236 = arith.addi %add3A_235, %iota3A : vector<16xi32>
      %lt3A_237 = arith.constant 320000 : i32
      %lt3A_238 = vector.broadcast %lt3A_237 : i32 to vector<16xi32>
      %lt3A_239 = arith.cmpi slt, %add3A_236, %lt3A_238 : vector<16xi32>
      %jit3A_240 = arith.constant 0.000000e+00 : f32
      %broadcast_in_dim3A_241 = vector.broadcast %jit3A_240 : f32 to vector<16xf32>
      %select_n3A_242 = arith.select %lt3A_239, %exp3A_232, %broadcast_in_dim3A_241 : vector<16xi1>, vector<16xf32>
      %swap3A_243 = arith.constant 0 : index
      %swap3A_244 = tpu.vector_load %arg18[%swap3A_243] {strides = array<i32>} : memref<64xf32, #tpu.memory_space<vmem>>, vector<16xf32>,
      tpu.vector_store %arg18[%swap3A_243], %select_n3A_242 {strides = array<i32>} : memref<64xf32, #tpu.memory_space<vmem>>, vector<16xf32>,
      %swap3A_245 = arith.constant 0 : index
      %swap3A_246 = tpu.vector_load %arg16[%swap3A_245] {strides = array<i32>} : memref<64xi32, #tpu.memory_space<vmem>>, vector<16xi32>,
      tpu.vector_store %arg16[%swap3A_245], %get3A_221 {strides = array<i32>} : memref<64xi32, #tpu.memory_space<vmem>>, vector<16xi32>,
      tpu.vector_store_idx %arg10[%get3A_221], %select_n3A_242 {add = true} : memref<10000xf32, #tpu.memory_space<vmem>>[vector<16xi32>], vector<16xf32>,
      %get3A_247 = arith.constant 80 : index
      %get3A_248 = tpu.vector_load %arg11[%get3A_247] {strides = array<i32>} : memref<128xi32, #tpu.memory_space<vmem>>, vector<16xi32>,
      %get3A_249 = arith.constant 80 : index
      %get3A_250 = tpu.vector_load %arg12[%get3A_249] {strides = array<i32>} : memref<128xi32, #tpu.memory_space<vmem>>, vector<16xi32>,
      %gather3A_251 = tpu.vector_load_idx %arg8[%get3A_248] : memref<10240xf32, #tpu.memory_space<vmem>>[vector<16xi32>], vector<16xf32>,
      %gather3A_252 = tpu.vector_load_idx %arg9[%get3A_250] : memref<10240xf32, #tpu.memory_space<vmem>>[vector<16xi32>], vector<16xf32>,
      %add3A_253 = arith.addf %gather3A_251, %gather3A_252 : vector<16xf32>
      %ge3A_254 = arith.constant 0.000000e+00 : f32
      %ge3A_255 = vector.broadcast %ge3A_254 : f32 to vector<16xf32>
      %ge3A_256 = arith.cmpf oge, %add3A_253, %ge3A_255 : vector<16xf32>
      %mul3A_257 = arith.constant 2.000000e-01 : f32
      %mul3A_258 = vector.broadcast %mul3A_257 : f32 to vector<16xf32>
      %mul3A_259 = arith.mulf %mul3A_258, %add3A_253 : vector<16xf32>
      %select_n3A_260 = arith.select %ge3A_256, %add3A_253, %mul3A_259 : vector<16xi1>, vector<16xf32>
      %exp3A_261 = math.exp %select_n3A_260 : vector<16xf32>
      %add3A_262 = arith.constant 80 : i32
      %add3A_263 = arith.addi %add3A_87, %add3A_262 : i32
      %add3A_264 = vector.broadcast %add3A_263 : i32 to vector<16xi32>
      %add3A_265 = arith.addi %add3A_264, %iota3A : vector<16xi32>
      %lt3A_266 = arith.constant 320000 : i32
      %lt3A_267 = vector.broadcast %lt3A_266 : i32 to vector<16xi32>
      %lt3A_268 = arith.cmpi slt, %add3A_265, %lt3A_267 : vector<16xi32>
      %jit3A_269 = arith.constant 0.000000e+00 : f32
      %broadcast_in_dim3A_270 = vector.broadcast %jit3A_269 : f32 to vector<16xf32>
      %select_n3A_271 = arith.select %lt3A_268, %exp3A_261, %broadcast_in_dim3A_270 : vector<16xi1>, vector<16xf32>
      %swap3A_272 = arith.constant 16 : index
      %swap3A_273 = tpu.vector_load %arg18[%swap3A_272] {strides = array<i32>} : memref<64xf32, #tpu.memory_space<vmem>>, vector<16xf32>,
      tpu.vector_store %arg18[%swap3A_272], %select_n3A_271 {strides = array<i32>} : memref<64xf32, #tpu.memory_space<vmem>>, vector<16xf32>,
      %swap3A_274 = arith.constant 16 : index
      %swap3A_275 = tpu.vector_load %arg16[%swap3A_274] {strides = array<i32>} : memref<64xi32, #tpu.memory_space<vmem>>, vector<16xi32>,
      tpu.vector_store %arg16[%swap3A_274], %get3A_250 {strides = array<i32>} : memref<64xi32, #tpu.memory_space<vmem>>, vector<16xi32>,
      tpu.vector_store_idx %arg10[%get3A_250], %select_n3A_271 {add = true} : memref<10000xf32, #tpu.memory_space<vmem>>[vector<16xi32>], vector<16xf32>,
      %get3A_276 = arith.constant 96 : index
      %get3A_277 = tpu.vector_load %arg11[%get3A_276] {strides = array<i32>} : memref<128xi32, #tpu.memory_space<vmem>>, vector<16xi32>,
      %get3A_278 = arith.constant 96 : index
      %get3A_279 = tpu.vector_load %arg12[%get3A_278] {strides = array<i32>} : memref<128xi32, #tpu.memory_space<vmem>>, vector<16xi32>,
      %gather3A_280 = tpu.vector_load_idx %arg8[%get3A_277] : memref<10240xf32, #tpu.memory_space<vmem>>[vector<16xi32>], vector<16xf32>,
      %gather3A_281 = tpu.vector_load_idx %arg9[%get3A_279] : memref<10240xf32, #tpu.memory_space<vmem>>[vector<16xi32>], vector<16xf32>,
      %add3A_282 = arith.addf %gather3A_280, %gather3A_281 : vector<16xf32>
      %ge3A_283 = arith.constant 0.000000e+00 : f32
      %ge3A_284 = vector.broadcast %ge3A_283 : f32 to vector<16xf32>
      %ge3A_285 = arith.cmpf oge, %add3A_282, %ge3A_284 : vector<16xf32>
      %mul3A_286 = arith.constant 2.000000e-01 : f32
      %mul3A_287 = vector.broadcast %mul3A_286 : f32 to vector<16xf32>
      %mul3A_288 = arith.mulf %mul3A_287, %add3A_282 : vector<16xf32>
      %select_n3A_289 = arith.select %ge3A_285, %add3A_282, %mul3A_288 : vector<16xi1>, vector<16xf32>
      %exp3A_290 = math.exp %select_n3A_289 : vector<16xf32>
      %add3A_291 = arith.constant 96 : i32
      %add3A_292 = arith.addi %add3A_87, %add3A_291 : i32
      %add3A_293 = vector.broadcast %add3A_292 : i32 to vector<16xi32>
      %add3A_294 = arith.addi %add3A_293, %iota3A : vector<16xi32>
      %lt3A_295 = arith.constant 320000 : i32
      %lt3A_296 = vector.broadcast %lt3A_295 : i32 to vector<16xi32>
      %lt3A_297 = arith.cmpi slt, %add3A_294, %lt3A_296 : vector<16xi32>
      %jit3A_298 = arith.constant 0.000000e+00 : f32
      %broadcast_in_dim3A_299 = vector.broadcast %jit3A_298 : f32 to vector<16xf32>
      %select_n3A_300 = arith.select %lt3A_297, %exp3A_290, %broadcast_in_dim3A_299 : vector<16xi1>, vector<16xf32>
      %swap3A_301 = arith.constant 32 : index
      %swap3A_302 = tpu.vector_load %arg18[%swap3A_301] {strides = array<i32>} : memref<64xf32, #tpu.memory_space<vmem>>, vector<16xf32>,
      tpu.vector_store %arg18[%swap3A_301], %select_n3A_300 {strides = array<i32>} : memref<64xf32, #tpu.memory_space<vmem>>, vector<16xf32>,
      %swap3A_303 = arith.constant 32 : index
      %swap3A_304 = tpu.vector_load %arg16[%swap3A_303] {strides = array<i32>} : memref<64xi32, #tpu.memory_space<vmem>>, vector<16xi32>,
      tpu.vector_store %arg16[%swap3A_303], %get3A_279 {strides = array<i32>} : memref<64xi32, #tpu.memory_space<vmem>>, vector<16xi32>,
      tpu.vector_store_idx %arg10[%get3A_279], %select_n3A_300 {add = true} : memref<10000xf32, #tpu.memory_space<vmem>>[vector<16xi32>], vector<16xf32>,
      %get3A_305 = arith.constant 112 : index
      %get3A_306 = tpu.vector_load %arg11[%get3A_305] {strides = array<i32>} : memref<128xi32, #tpu.memory_space<vmem>>, vector<16xi32>,
      %get3A_307 = arith.constant 112 : index
      %get3A_308 = tpu.vector_load %arg12[%get3A_307] {strides = array<i32>} : memref<128xi32, #tpu.memory_space<vmem>>, vector<16xi32>,
      %gather3A_309 = tpu.vector_load_idx %arg8[%get3A_306] : memref<10240xf32, #tpu.memory_space<vmem>>[vector<16xi32>], vector<16xf32>,
      %gather3A_310 = tpu.vector_load_idx %arg9[%get3A_308] : memref<10240xf32, #tpu.memory_space<vmem>>[vector<16xi32>], vector<16xf32>,
      %add3A_311 = arith.addf %gather3A_309, %gather3A_310 : vector<16xf32>
      %ge3A_312 = arith.constant 0.000000e+00 : f32
      %ge3A_313 = vector.broadcast %ge3A_312 : f32 to vector<16xf32>
      %ge3A_314 = arith.cmpf oge, %add3A_311, %ge3A_313 : vector<16xf32>
      %mul3A_315 = arith.constant 2.000000e-01 : f32
      %mul3A_316 = vector.broadcast %mul3A_315 : f32 to vector<16xf32>
      %mul3A_317 = arith.mulf %mul3A_316, %add3A_311 : vector<16xf32>
      %select_n3A_318 = arith.select %ge3A_314, %add3A_311, %mul3A_317 : vector<16xi1>, vector<16xf32>
      %exp3A_319 = math.exp %select_n3A_318 : vector<16xf32>
      %add3A_320 = arith.constant 112 : i32
      %add3A_321 = arith.addi %add3A_87, %add3A_320 : i32
      %add3A_322 = vector.broadcast %add3A_321 : i32 to vector<16xi32>
      %add3A_323 = arith.addi %add3A_322, %iota3A : vector<16xi32>
      %lt3A_324 = arith.constant 320000 : i32
      %lt3A_325 = vector.broadcast %lt3A_324 : i32 to vector<16xi32>
      %lt3A_326 = arith.cmpi slt, %add3A_323, %lt3A_325 : vector<16xi32>
      %jit3A_327 = arith.constant 0.000000e+00 : f32
      %broadcast_in_dim3A_328 = vector.broadcast %jit3A_327 : f32 to vector<16xf32>
      %select_n3A_329 = arith.select %lt3A_326, %exp3A_319, %broadcast_in_dim3A_328 : vector<16xi1>, vector<16xf32>
      %swap3A_330 = arith.constant 48 : index
      %swap3A_331 = tpu.vector_load %arg18[%swap3A_330] {strides = array<i32>} : memref<64xf32, #tpu.memory_space<vmem>>, vector<16xf32>,
      tpu.vector_store %arg18[%swap3A_330], %select_n3A_329 {strides = array<i32>} : memref<64xf32, #tpu.memory_space<vmem>>, vector<16xf32>,
      %swap3A_332 = arith.constant 48 : index
      %swap3A_333 = tpu.vector_load %arg16[%swap3A_332] {strides = array<i32>} : memref<64xi32, #tpu.memory_space<vmem>>, vector<16xi32>,
      tpu.vector_store %arg16[%swap3A_332], %get3A_308 {strides = array<i32>} : memref<64xi32, #tpu.memory_space<vmem>>, vector<16xi32>,
      tpu.vector_store_idx %arg10[%get3A_308], %select_n3A_329 {add = true} : memref<10000xf32, #tpu.memory_space<vmem>>[vector<16xi32>], vector<16xf32>,
      %dma_wait3A_334 = arith.constant 64 : i32
      %dma_wait3A_335 = tpu.memref_slice %arg11[%dma_wait3A_334] : memref<128xi32, #tpu.memory_space<vmem>> -> memref<64xi32, #tpu.memory_space<vmem>>
      %dma_wait3A_336 = arith.constant 0 : i32
      %dma_wait3A_337 = arith.constant 0 : i32
      %dma_wait3A_338 = tpu.memref_slice %arg5[%dma_wait3A_336, %dma_wait3A_337] : memref<10240x128xf32, #tpu.memory_space<hbm>> -> memref<10240x128xf32, #tpu.memory_space<hbm>>
      tpu.wait_indirect_dma semaphore(%arg23 : memref<!tpu.dma_semaphore, #tpu.memory_space<semaphore_mem>>) src(%dma_wait3A_338 : memref<10240x128xf32, #tpu.memory_space<hbm>>) dst(%arg20 : memref<64x128xf32, #tpu.memory_space<vmem>>)
      %scan3A_339 = arith.constant 0 : i32
      %scan3A_340 = arith.constant 0 : i32
      %scan3A_341 = arith.constant 16 : i32
      %scan3A_342 = arith.addi %scan3A_340, %scan3A_341 : i32
      %scan3A_343 = arith.constant 1 : i32
      scf.for %scan3A_615 = %scan3A_340 to %scan3A_342 step %scan3A_343  : i32 {
        %mul3A_616 = arith.constant 4 : i32
        %mul3A_617 = arith.muli %scan3A_615, %mul3A_616 : i32
        %add3A_618 = arith.constant 0 : i32
        %add3A_619 = arith.addi %mul3A_617, %add3A_618 : i32
        %broadcast_in_dim3A_620 = vector.broadcast %add3A_619 : i32 to vector<16xi32>
        %gather3A_621 = tpu.vector_load_idx %arg18[%broadcast_in_dim3A_620] : memref<64xf32, #tpu.memory_space<vmem>>[vector<16xi32>], vector<16xf32>,
        %get3A_622 = arith.index_cast %add3A_619 : i32 to index
        %get3A_623 = arith.constant 0 : index
        %get3A_624 = tpu.vector_load %arg20[%get3A_622, %get3A_623] {strides = array<i32>} : memref<64x128xf32, #tpu.memory_space<vmem>>, vector<16xf32>,
        %mul3A_625 = arith.mulf %get3A_624, %gather3A_621 : vector<16xf32>
        %swap3A_626 = arith.index_cast %add3A_619 : i32 to index
        %swap3A_627 = arith.constant 0 : index
        %swap3A_628 = tpu.vector_load %arg20[%swap3A_626, %swap3A_627] {strides = array<i32>} : memref<64x128xf32, #tpu.memory_space<vmem>>, vector<16xf32>,
        tpu.vector_store %arg20[%swap3A_626, %swap3A_627], %mul3A_625 {strides = array<i32>} : memref<64x128xf32, #tpu.memory_space<vmem>>, vector<16xf32>,
        %get3A_629 = arith.index_cast %add3A_619 : i32 to index
        %get3A_630 = arith.constant 16 : index
        %get3A_631 = tpu.vector_load %arg20[%get3A_629, %get3A_630] {strides = array<i32>} : memref<64x128xf32, #tpu.memory_space<vmem>>, vector<16xf32>,
        %mul3A_632 = arith.mulf %get3A_631, %gather3A_621 : vector<16xf32>
        %swap3A_633 = arith.index_cast %add3A_619 : i32 to index
        %swap3A_634 = arith.constant 16 : index
        %swap3A_635 = tpu.vector_load %arg20[%swap3A_633, %swap3A_634] {strides = array<i32>} : memref<64x128xf32, #tpu.memory_space<vmem>>, vector<16xf32>,
        tpu.vector_store %arg20[%swap3A_633, %swap3A_634], %mul3A_632 {strides = array<i32>} : memref<64x128xf32, #tpu.memory_space<vmem>>, vector<16xf32>,
        %get3A_636 = arith.index_cast %add3A_619 : i32 to index
        %get3A_637 = arith.constant 32 : index
        %get3A_638 = tpu.vector_load %arg20[%get3A_636, %get3A_637] {strides = array<i32>} : memref<64x128xf32, #tpu.memory_space<vmem>>, vector<16xf32>,
        %mul3A_639 = arith.mulf %get3A_638, %gather3A_621 : vector<16xf32>
        %swap3A_640 = arith.index_cast %add3A_619 : i32 to index
        %swap3A_641 = arith.constant 32 : index
        %swap3A_642 = tpu.vector_load %arg20[%swap3A_640, %swap3A_641] {strides = array<i32>} : memref<64x128xf32, #tpu.memory_space<vmem>>, vector<16xf32>,
        tpu.vector_store %arg20[%swap3A_640, %swap3A_641], %mul3A_639 {strides = array<i32>} : memref<64x128xf32, #tpu.memory_space<vmem>>, vector<16xf32>,
        %get3A_643 = arith.index_cast %add3A_619 : i32 to index
        %get3A_644 = arith.constant 48 : index
        %get3A_645 = tpu.vector_load %arg20[%get3A_643, %get3A_644] {strides = array<i32>} : memref<64x128xf32, #tpu.memory_space<vmem>>, vector<16xf32>,
        %mul3A_646 = arith.mulf %get3A_645, %gather3A_621 : vector<16xf32>
        %swap3A_647 = arith.index_cast %add3A_619 : i32 to index
        %swap3A_648 = arith.constant 48 : index
        %swap3A_649 = tpu.vector_load %arg20[%swap3A_647, %swap3A_648] {strides = array<i32>} : memref<64x128xf32, #tpu.memory_space<vmem>>, vector<16xf32>,
        tpu.vector_store %arg20[%swap3A_647, %swap3A_648], %mul3A_646 {strides = array<i32>} : memref<64x128xf32, #tpu.memory_space<vmem>>, vector<16xf32>,
        %get3A_650 = arith.index_cast %add3A_619 : i32 to index
        %get3A_651 = arith.constant 64 : index
        %get3A_652 = tpu.vector_load %arg20[%get3A_650, %get3A_651] {strides = array<i32>} : memref<64x128xf32, #tpu.memory_space<vmem>>, vector<16xf32>,
        %mul3A_653 = arith.mulf %get3A_652, %gather3A_621 : vector<16xf32>
        %swap3A_654 = arith.index_cast %add3A_619 : i32 to index
        %swap3A_655 = arith.constant 64 : index
        %swap3A_656 = tpu.vector_load %arg20[%swap3A_654, %swap3A_655] {strides = array<i32>} : memref<64x128xf32, #tpu.memory_space<vmem>>, vector<16xf32>,
        tpu.vector_store %arg20[%swap3A_654, %swap3A_655], %mul3A_653 {strides = array<i32>} : memref<64x128xf32, #tpu.memory_space<vmem>>, vector<16xf32>,
        %get3A_657 = arith.index_cast %add3A_619 : i32 to index
        %get3A_658 = arith.constant 80 : index
        %get3A_659 = tpu.vector_load %arg20[%get3A_657, %get3A_658] {strides = array<i32>} : memref<64x128xf32, #tpu.memory_space<vmem>>, vector<16xf32>,
        %mul3A_660 = arith.mulf %get3A_659, %gather3A_621 : vector<16xf32>
        %swap3A_661 = arith.index_cast %add3A_619 : i32 to index
        %swap3A_662 = arith.constant 80 : index
        %swap3A_663 = tpu.vector_load %arg20[%swap3A_661, %swap3A_662] {strides = array<i32>} : memref<64x128xf32, #tpu.memory_space<vmem>>, vector<16xf32>,
        tpu.vector_store %arg20[%swap3A_661, %swap3A_662], %mul3A_660 {strides = array<i32>} : memref<64x128xf32, #tpu.memory_space<vmem>>, vector<16xf32>,
        %get3A_664 = arith.index_cast %add3A_619 : i32 to index
        %get3A_665 = arith.constant 96 : index
        %get3A_666 = tpu.vector_load %arg20[%get3A_664, %get3A_665] {strides = array<i32>} : memref<64x128xf32, #tpu.memory_space<vmem>>, vector<16xf32>,
        %mul3A_667 = arith.mulf %get3A_666, %gather3A_621 : vector<16xf32>
        %swap3A_668 = arith.index_cast %add3A_619 : i32 to index
        %swap3A_669 = arith.constant 96 : index
        %swap3A_670 = tpu.vector_load %arg20[%swap3A_668, %swap3A_669] {strides = array<i32>} : memref<64x128xf32, #tpu.memory_space<vmem>>, vector<16xf32>,
        tpu.vector_store %arg20[%swap3A_668, %swap3A_669], %mul3A_667 {strides = array<i32>} : memref<64x128xf32, #tpu.memory_space<vmem>>, vector<16xf32>,
        %get3A_671 = arith.index_cast %add3A_619 : i32 to index
        %get3A_672 = arith.constant 112 : index
        %get3A_673 = tpu.vector_load %arg20[%get3A_671, %get3A_672] {strides = array<i32>} : memref<64x128xf32, #tpu.memory_space<vmem>>, vector<16xf32>,
        %mul3A_674 = arith.mulf %get3A_673, %gather3A_621 : vector<16xf32>
        %swap3A_675 = arith.index_cast %add3A_619 : i32 to index
        %swap3A_676 = arith.constant 112 : index
        %swap3A_677 = tpu.vector_load %arg20[%swap3A_675, %swap3A_676] {strides = array<i32>} : memref<64x128xf32, #tpu.memory_space<vmem>>, vector<16xf32>,
        tpu.vector_store %arg20[%swap3A_675, %swap3A_676], %mul3A_674 {strides = array<i32>} : memref<64x128xf32, #tpu.memory_space<vmem>>, vector<16xf32>,
        %mul3A_678 = arith.constant 4 : i32
        %mul3A_679 = arith.muli %scan3A_615, %mul3A_678 : i32
        %add3A_680 = arith.constant 1 : i32
        %add3A_681 = arith.addi %mul3A_679, %add3A_680 : i32
        %broadcast_in_dim3A_682 = vector.broadcast %add3A_681 : i32 to vector<16xi32>
        %gather3A_683 = tpu.vector_load_idx %arg18[%broadcast_in_dim3A_682] : memref<64xf32, #tpu.memory_space<vmem>>[vector<16xi32>], vector<16xf32>,
        %get3A_684 = arith.index_cast %add3A_681 : i32 to index
        %get3A_685 = arith.constant 0 : index
        %get3A_686 = tpu.vector_load %arg20[%get3A_684, %get3A_685] {strides = array<i32>} : memref<64x128xf32, #tpu.memory_space<vmem>>, vector<16xf32>,
        %mul3A_687 = arith.mulf %get3A_686, %gather3A_683 : vector<16xf32>
        %swap3A_688 = arith.index_cast %add3A_681 : i32 to index
        %swap3A_689 = arith.constant 0 : index
        %swap3A_690 = tpu.vector_load %arg20[%swap3A_688, %swap3A_689] {strides = array<i32>} : memref<64x128xf32, #tpu.memory_space<vmem>>, vector<16xf32>,
        tpu.vector_store %arg20[%swap3A_688, %swap3A_689], %mul3A_687 {strides = array<i32>} : memref<64x128xf32, #tpu.memory_space<vmem>>, vector<16xf32>,
        %get3A_691 = arith.index_cast %add3A_681 : i32 to index
        %get3A_692 = arith.constant 16 : index
        %get3A_693 = tpu.vector_load %arg20[%get3A_691, %get3A_692] {strides = array<i32>} : memref<64x128xf32, #tpu.memory_space<vmem>>, vector<16xf32>,
        %mul3A_694 = arith.mulf %get3A_693, %gather3A_683 : vector<16xf32>
        %swap3A_695 = arith.index_cast %add3A_681 : i32 to index
        %swap3A_696 = arith.constant 16 : index
        %swap3A_697 = tpu.vector_load %arg20[%swap3A_695, %swap3A_696] {strides = array<i32>} : memref<64x128xf32, #tpu.memory_space<vmem>>, vector<16xf32>,
        tpu.vector_store %arg20[%swap3A_695, %swap3A_696], %mul3A_694 {strides = array<i32>} : memref<64x128xf32, #tpu.memory_space<vmem>>, vector<16xf32>,
        %get3A_698 = arith.index_cast %add3A_681 : i32 to index
        %get3A_699 = arith.constant 32 : index
        %get3A_700 = tpu.vector_load %arg20[%get3A_698, %get3A_699] {strides = array<i32>} : memref<64x128xf32, #tpu.memory_space<vmem>>, vector<16xf32>,
        %mul3A_701 = arith.mulf %get3A_700, %gather3A_683 : vector<16xf32>
        %swap3A_702 = arith.index_cast %add3A_681 : i32 to index
        %swap3A_703 = arith.constant 32 : index
        %swap3A_704 = tpu.vector_load %arg20[%swap3A_702, %swap3A_703] {strides = array<i32>} : memref<64x128xf32, #tpu.memory_space<vmem>>, vector<16xf32>,
        tpu.vector_store %arg20[%swap3A_702, %swap3A_703], %mul3A_701 {strides = array<i32>} : memref<64x128xf32, #tpu.memory_space<vmem>>, vector<16xf32>,
        %get3A_705 = arith.index_cast %add3A_681 : i32 to index
        %get3A_706 = arith.constant 48 : index
        %get3A_707 = tpu.vector_load %arg20[%get3A_705, %get3A_706] {strides = array<i32>} : memref<64x128xf32, #tpu.memory_space<vmem>>, vector<16xf32>,
        %mul3A_708 = arith.mulf %get3A_707, %gather3A_683 : vector<16xf32>
        %swap3A_709 = arith.index_cast %add3A_681 : i32 to index
        %swap3A_710 = arith.constant 48 : index
        %swap3A_711 = tpu.vector_load %arg20[%swap3A_709, %swap3A_710] {strides = array<i32>} : memref<64x128xf32, #tpu.memory_space<vmem>>, vector<16xf32>,
        tpu.vector_store %arg20[%swap3A_709, %swap3A_710], %mul3A_708 {strides = array<i32>} : memref<64x128xf32, #tpu.memory_space<vmem>>, vector<16xf32>,
        %get3A_712 = arith.index_cast %add3A_681 : i32 to index
        %get3A_713 = arith.constant 64 : index
        %get3A_714 = tpu.vector_load %arg20[%get3A_712, %get3A_713] {strides = array<i32>} : memref<64x128xf32, #tpu.memory_space<vmem>>, vector<16xf32>,
        %mul3A_715 = arith.mulf %get3A_714, %gather3A_683 : vector<16xf32>
        %swap3A_716 = arith.index_cast %add3A_681 : i32 to index
        %swap3A_717 = arith.constant 64 : index
        %swap3A_718 = tpu.vector_load %arg20[%swap3A_716, %swap3A_717] {strides = array<i32>} : memref<64x128xf32, #tpu.memory_space<vmem>>, vector<16xf32>,
        tpu.vector_store %arg20[%swap3A_716, %swap3A_717], %mul3A_715 {strides = array<i32>} : memref<64x128xf32, #tpu.memory_space<vmem>>, vector<16xf32>,
        %get3A_719 = arith.index_cast %add3A_681 : i32 to index
        %get3A_720 = arith.constant 80 : index
        %get3A_721 = tpu.vector_load %arg20[%get3A_719, %get3A_720] {strides = array<i32>} : memref<64x128xf32, #tpu.memory_space<vmem>>, vector<16xf32>,
        %mul3A_722 = arith.mulf %get3A_721, %gather3A_683 : vector<16xf32>
        %swap3A_723 = arith.index_cast %add3A_681 : i32 to index
        %swap3A_724 = arith.constant 80 : index
        %swap3A_725 = tpu.vector_load %arg20[%swap3A_723, %swap3A_724] {strides = array<i32>} : memref<64x128xf32, #tpu.memory_space<vmem>>, vector<16xf32>,
        tpu.vector_store %arg20[%swap3A_723, %swap3A_724], %mul3A_722 {strides = array<i32>} : memref<64x128xf32, #tpu.memory_space<vmem>>, vector<16xf32>,
        %get3A_726 = arith.index_cast %add3A_681 : i32 to index
        %get3A_727 = arith.constant 96 : index
        %get3A_728 = tpu.vector_load %arg20[%get3A_726, %get3A_727] {strides = array<i32>} : memref<64x128xf32, #tpu.memory_space<vmem>>, vector<16xf32>,
        %mul3A_729 = arith.mulf %get3A_728, %gather3A_683 : vector<16xf32>
        %swap3A_730 = arith.index_cast %add3A_681 : i32 to index
        %swap3A_731 = arith.constant 96 : index
        %swap3A_732 = tpu.vector_load %arg20[%swap3A_730, %swap3A_731] {strides = array<i32>} : memref<64x128xf32, #tpu.memory_space<vmem>>, vector<16xf32>,
        tpu.vector_store %arg20[%swap3A_730, %swap3A_731], %mul3A_729 {strides = array<i32>} : memref<64x128xf32, #tpu.memory_space<vmem>>, vector<16xf32>,
        %get3A_733 = arith.index_cast %add3A_681 : i32 to index
        %get3A_734 = arith.constant 112 : index
        %get3A_735 = tpu.vector_load %arg20[%get3A_733, %get3A_734] {strides = array<i32>} : memref<64x128xf32, #tpu.memory_space<vmem>>, vector<16xf32>,
        %mul3A_736 = arith.mulf %get3A_735, %gather3A_683 : vector<16xf32>
        %swap3A_737 = arith.index_cast %add3A_681 : i32 to index
        %swap3A_738 = arith.constant 112 : index
        %swap3A_739 = tpu.vector_load %arg20[%swap3A_737, %swap3A_738] {strides = array<i32>} : memref<64x128xf32, #tpu.memory_space<vmem>>, vector<16xf32>,
        tpu.vector_store %arg20[%swap3A_737, %swap3A_738], %mul3A_736 {strides = array<i32>} : memref<64x128xf32, #tpu.memory_space<vmem>>, vector<16xf32>,
        %mul3A_740 = arith.constant 4 : i32
        %mul3A_741 = arith.muli %scan3A_615, %mul3A_740 : i32
        %add3A_742 = arith.constant 2 : i32
        %add3A_743 = arith.addi %mul3A_741, %add3A_742 : i32
        %broadcast_in_dim3A_744 = vector.broadcast %add3A_743 : i32 to vector<16xi32>
        %gather3A_745 = tpu.vector_load_idx %arg18[%broadcast_in_dim3A_744] : memref<64xf32, #tpu.memory_space<vmem>>[vector<16xi32>], vector<16xf32>,
        %get3A_746 = arith.index_cast %add3A_743 : i32 to index
        %get3A_747 = arith.constant 0 : index
        %get3A_748 = tpu.vector_load %arg20[%get3A_746, %get3A_747] {strides = array<i32>} : memref<64x128xf32, #tpu.memory_space<vmem>>, vector<16xf32>,
        %mul3A_749 = arith.mulf %get3A_748, %gather3A_745 : vector<16xf32>
        %swap3A_750 = arith.index_cast %add3A_743 : i32 to index
        %swap3A_751 = arith.constant 0 : index
        %swap3A_752 = tpu.vector_load %arg20[%swap3A_750, %swap3A_751] {strides = array<i32>} : memref<64x128xf32, #tpu.memory_space<vmem>>, vector<16xf32>,
        tpu.vector_store %arg20[%swap3A_750, %swap3A_751], %mul3A_749 {strides = array<i32>} : memref<64x128xf32, #tpu.memory_space<vmem>>, vector<16xf32>,
        %get3A_753 = arith.index_cast %add3A_743 : i32 to index
        %get3A_754 = arith.constant 16 : index
        %get3A_755 = tpu.vector_load %arg20[%get3A_753, %get3A_754] {strides = array<i32>} : memref<64x128xf32, #tpu.memory_space<vmem>>, vector<16xf32>,
        %mul3A_756 = arith.mulf %get3A_755, %gather3A_745 : vector<16xf32>
        %swap3A_757 = arith.index_cast %add3A_743 : i32 to index
        %swap3A_758 = arith.constant 16 : index
        %swap3A_759 = tpu.vector_load %arg20[%swap3A_757, %swap3A_758] {strides = array<i32>} : memref<64x128xf32, #tpu.memory_space<vmem>>, vector<16xf32>,
        tpu.vector_store %arg20[%swap3A_757, %swap3A_758], %mul3A_756 {strides = array<i32>} : memref<64x128xf32, #tpu.memory_space<vmem>>, vector<16xf32>,
        %get3A_760 = arith.index_cast %add3A_743 : i32 to index
        %get3A_761 = arith.constant 32 : index
        %get3A_762 = tpu.vector_load %arg20[%get3A_760, %get3A_761] {strides = array<i32>} : memref<64x128xf32, #tpu.memory_space<vmem>>, vector<16xf32>,
        %mul3A_763 = arith.mulf %get3A_762, %gather3A_745 : vector<16xf32>
        %swap3A_764 = arith.index_cast %add3A_743 : i32 to index
        %swap3A_765 = arith.constant 32 : index
        %swap3A_766 = tpu.vector_load %arg20[%swap3A_764, %swap3A_765] {strides = array<i32>} : memref<64x128xf32, #tpu.memory_space<vmem>>, vector<16xf32>,
        tpu.vector_store %arg20[%swap3A_764, %swap3A_765], %mul3A_763 {strides = array<i32>} : memref<64x128xf32, #tpu.memory_space<vmem>>, vector<16xf32>,
        %get3A_767 = arith.index_cast %add3A_743 : i32 to index
        %get3A_768 = arith.constant 48 : index
        %get3A_769 = tpu.vector_load %arg20[%get3A_767, %get3A_768] {strides = array<i32>} : memref<64x128xf32, #tpu.memory_space<vmem>>, vector<16xf32>,
        %mul3A_770 = arith.mulf %get3A_769, %gather3A_745 : vector<16xf32>
        %swap3A_771 = arith.index_cast %add3A_743 : i32 to index
        %swap3A_772 = arith.constant 48 : index
        %swap3A_773 = tpu.vector_load %arg20[%swap3A_771, %swap3A_772] {strides = array<i32>} : memref<64x128xf32, #tpu.memory_space<vmem>>, vector<16xf32>,
        tpu.vector_store %arg20[%swap3A_771, %swap3A_772], %mul3A_770 {strides = array<i32>} : memref<64x128xf32, #tpu.memory_space<vmem>>, vector<16xf32>,
        %get3A_774 = arith.index_cast %add3A_743 : i32 to index
        %get3A_775 = arith.constant 64 : index
        %get3A_776 = tpu.vector_load %arg20[%get3A_774, %get3A_775] {strides = array<i32>} : memref<64x128xf32, #tpu.memory_space<vmem>>, vector<16xf32>,
        %mul3A_777 = arith.mulf %get3A_776, %gather3A_745 : vector<16xf32>
        %swap3A_778 = arith.index_cast %add3A_743 : i32 to index
        %swap3A_779 = arith.constant 64 : index
        %swap3A_780 = tpu.vector_load %arg20[%swap3A_778, %swap3A_779] {strides = array<i32>} : memref<64x128xf32, #tpu.memory_space<vmem>>, vector<16xf32>,
        tpu.vector_store %arg20[%swap3A_778, %swap3A_779], %mul3A_777 {strides = array<i32>} : memref<64x128xf32, #tpu.memory_space<vmem>>, vector<16xf32>,
        %get3A_781 = arith.index_cast %add3A_743 : i32 to index
        %get3A_782 = arith.constant 80 : index
        %get3A_783 = tpu.vector_load %arg20[%get3A_781, %get3A_782] {strides = array<i32>} : memref<64x128xf32, #tpu.memory_space<vmem>>, vector<16xf32>,
        %mul3A_784 = arith.mulf %get3A_783, %gather3A_745 : vector<16xf32>
        %swap3A_785 = arith.index_cast %add3A_743 : i32 to index
        %swap3A_786 = arith.constant 80 : index
        %swap3A_787 = tpu.vector_load %arg20[%swap3A_785, %swap3A_786] {strides = array<i32>} : memref<64x128xf32, #tpu.memory_space<vmem>>, vector<16xf32>,
        tpu.vector_store %arg20[%swap3A_785, %swap3A_786], %mul3A_784 {strides = array<i32>} : memref<64x128xf32, #tpu.memory_space<vmem>>, vector<16xf32>,
        %get3A_788 = arith.index_cast %add3A_743 : i32 to index
        %get3A_789 = arith.constant 96 : index
        %get3A_790 = tpu.vector_load %arg20[%get3A_788, %get3A_789] {strides = array<i32>} : memref<64x128xf32, #tpu.memory_space<vmem>>, vector<16xf32>,
        %mul3A_791 = arith.mulf %get3A_790, %gather3A_745 : vector<16xf32>
        %swap3A_792 = arith.index_cast %add3A_743 : i32 to index
        %swap3A_793 = arith.constant 96 : index
        %swap3A_794 = tpu.vector_load %arg20[%swap3A_792, %swap3A_793] {strides = array<i32>} : memref<64x128xf32, #tpu.memory_space<vmem>>, vector<16xf32>,
        tpu.vector_store %arg20[%swap3A_792, %swap3A_793], %mul3A_791 {strides = array<i32>} : memref<64x128xf32, #tpu.memory_space<vmem>>, vector<16xf32>,
        %get3A_795 = arith.index_cast %add3A_743 : i32 to index
        %get3A_796 = arith.constant 112 : index
        %get3A_797 = tpu.vector_load %arg20[%get3A_795, %get3A_796] {strides = array<i32>} : memref<64x128xf32, #tpu.memory_space<vmem>>, vector<16xf32>,
        %mul3A_798 = arith.mulf %get3A_797, %gather3A_745 : vector<16xf32>
        %swap3A_799 = arith.index_cast %add3A_743 : i32 to index
        %swap3A_800 = arith.constant 112 : index
        %swap3A_801 = tpu.vector_load %arg20[%swap3A_799, %swap3A_800] {strides = array<i32>} : memref<64x128xf32, #tpu.memory_space<vmem>>, vector<16xf32>,
        tpu.vector_store %arg20[%swap3A_799, %swap3A_800], %mul3A_798 {strides = array<i32>} : memref<64x128xf32, #tpu.memory_space<vmem>>, vector<16xf32>,
        %mul3A_802 = arith.constant 4 : i32
        %mul3A_803 = arith.muli %scan3A_615, %mul3A_802 : i32
        %add3A_804 = arith.constant 3 : i32
        %add3A_805 = arith.addi %mul3A_803, %add3A_804 : i32
        %broadcast_in_dim3A_806 = vector.broadcast %add3A_805 : i32 to vector<16xi32>
        %gather3A_807 = tpu.vector_load_idx %arg18[%broadcast_in_dim3A_806] : memref<64xf32, #tpu.memory_space<vmem>>[vector<16xi32>], vector<16xf32>,
        %get3A_808 = arith.index_cast %add3A_805 : i32 to index
        %get3A_809 = arith.constant 0 : index
        %get3A_810 = tpu.vector_load %arg20[%get3A_808, %get3A_809] {strides = array<i32>} : memref<64x128xf32, #tpu.memory_space<vmem>>, vector<16xf32>,
        %mul3A_811 = arith.mulf %get3A_810, %gather3A_807 : vector<16xf32>
        %swap3A_812 = arith.index_cast %add3A_805 : i32 to index
        %swap3A_813 = arith.constant 0 : index
        %swap3A_814 = tpu.vector_load %arg20[%swap3A_812, %swap3A_813] {strides = array<i32>} : memref<64x128xf32, #tpu.memory_space<vmem>>, vector<16xf32>,
        tpu.vector_store %arg20[%swap3A_812, %swap3A_813], %mul3A_811 {strides = array<i32>} : memref<64x128xf32, #tpu.memory_space<vmem>>, vector<16xf32>,
        %get3A_815 = arith.index_cast %add3A_805 : i32 to index
        %get3A_816 = arith.constant 16 : index
        %get3A_817 = tpu.vector_load %arg20[%get3A_815, %get3A_816] {strides = array<i32>} : memref<64x128xf32, #tpu.memory_space<vmem>>, vector<16xf32>,
        %mul3A_818 = arith.mulf %get3A_817, %gather3A_807 : vector<16xf32>
        %swap3A_819 = arith.index_cast %add3A_805 : i32 to index
        %swap3A_820 = arith.constant 16 : index
        %swap3A_821 = tpu.vector_load %arg20[%swap3A_819, %swap3A_820] {strides = array<i32>} : memref<64x128xf32, #tpu.memory_space<vmem>>, vector<16xf32>,
        tpu.vector_store %arg20[%swap3A_819, %swap3A_820], %mul3A_818 {strides = array<i32>} : memref<64x128xf32, #tpu.memory_space<vmem>>, vector<16xf32>,
        %get3A_822 = arith.index_cast %add3A_805 : i32 to index
        %get3A_823 = arith.constant 32 : index
        %get3A_824 = tpu.vector_load %arg20[%get3A_822, %get3A_823] {strides = array<i32>} : memref<64x128xf32, #tpu.memory_space<vmem>>, vector<16xf32>,
        %mul3A_825 = arith.mulf %get3A_824, %gather3A_807 : vector<16xf32>
        %swap3A_826 = arith.index_cast %add3A_805 : i32 to index
        %swap3A_827 = arith.constant 32 : index
        %swap3A_828 = tpu.vector_load %arg20[%swap3A_826, %swap3A_827] {strides = array<i32>} : memref<64x128xf32, #tpu.memory_space<vmem>>, vector<16xf32>,
        tpu.vector_store %arg20[%swap3A_826, %swap3A_827], %mul3A_825 {strides = array<i32>} : memref<64x128xf32, #tpu.memory_space<vmem>>, vector<16xf32>,
        %get3A_829 = arith.index_cast %add3A_805 : i32 to index
        %get3A_830 = arith.constant 48 : index
        %get3A_831 = tpu.vector_load %arg20[%get3A_829, %get3A_830] {strides = array<i32>} : memref<64x128xf32, #tpu.memory_space<vmem>>, vector<16xf32>,
        %mul3A_832 = arith.mulf %get3A_831, %gather3A_807 : vector<16xf32>
        %swap3A_833 = arith.index_cast %add3A_805 : i32 to index
        %swap3A_834 = arith.constant 48 : index
        %swap3A_835 = tpu.vector_load %arg20[%swap3A_833, %swap3A_834] {strides = array<i32>} : memref<64x128xf32, #tpu.memory_space<vmem>>, vector<16xf32>,
        tpu.vector_store %arg20[%swap3A_833, %swap3A_834], %mul3A_832 {strides = array<i32>} : memref<64x128xf32, #tpu.memory_space<vmem>>, vector<16xf32>,
        %get3A_836 = arith.index_cast %add3A_805 : i32 to index
        %get3A_837 = arith.constant 64 : index
        %get3A_838 = tpu.vector_load %arg20[%get3A_836, %get3A_837] {strides = array<i32>} : memref<64x128xf32, #tpu.memory_space<vmem>>, vector<16xf32>,
        %mul3A_839 = arith.mulf %get3A_838, %gather3A_807 : vector<16xf32>
        %swap3A_840 = arith.index_cast %add3A_805 : i32 to index
        %swap3A_841 = arith.constant 64 : index
        %swap3A_842 = tpu.vector_load %arg20[%swap3A_840, %swap3A_841] {strides = array<i32>} : memref<64x128xf32, #tpu.memory_space<vmem>>, vector<16xf32>,
        tpu.vector_store %arg20[%swap3A_840, %swap3A_841], %mul3A_839 {strides = array<i32>} : memref<64x128xf32, #tpu.memory_space<vmem>>, vector<16xf32>,
        %get3A_843 = arith.index_cast %add3A_805 : i32 to index
        %get3A_844 = arith.constant 80 : index
        %get3A_845 = tpu.vector_load %arg20[%get3A_843, %get3A_844] {strides = array<i32>} : memref<64x128xf32, #tpu.memory_space<vmem>>, vector<16xf32>,
        %mul3A_846 = arith.mulf %get3A_845, %gather3A_807 : vector<16xf32>
        %swap3A_847 = arith.index_cast %add3A_805 : i32 to index
        %swap3A_848 = arith.constant 80 : index
        %swap3A_849 = tpu.vector_load %arg20[%swap3A_847, %swap3A_848] {strides = array<i32>} : memref<64x128xf32, #tpu.memory_space<vmem>>, vector<16xf32>,
        tpu.vector_store %arg20[%swap3A_847, %swap3A_848], %mul3A_846 {strides = array<i32>} : memref<64x128xf32, #tpu.memory_space<vmem>>, vector<16xf32>,
        %get3A_850 = arith.index_cast %add3A_805 : i32 to index
        %get3A_851 = arith.constant 96 : index
        %get3A_852 = tpu.vector_load %arg20[%get3A_850, %get3A_851] {strides = array<i32>} : memref<64x128xf32, #tpu.memory_space<vmem>>, vector<16xf32>,
        %mul3A_853 = arith.mulf %get3A_852, %gather3A_807 : vector<16xf32>
        %swap3A_854 = arith.index_cast %add3A_805 : i32 to index
        %swap3A_855 = arith.constant 96 : index
        %swap3A_856 = tpu.vector_load %arg20[%swap3A_854, %swap3A_855] {strides = array<i32>} : memref<64x128xf32, #tpu.memory_space<vmem>>, vector<16xf32>,
        tpu.vector_store %arg20[%swap3A_854, %swap3A_855], %mul3A_853 {strides = array<i32>} : memref<64x128xf32, #tpu.memory_space<vmem>>, vector<16xf32>,
        %get3A_857 = arith.index_cast %add3A_805 : i32 to index
        %get3A_858 = arith.constant 112 : index
        %get3A_859 = tpu.vector_load %arg20[%get3A_857, %get3A_858] {strides = array<i32>} : memref<64x128xf32, #tpu.memory_space<vmem>>, vector<16xf32>,
        %mul3A_860 = arith.mulf %get3A_859, %gather3A_807 : vector<16xf32>
        %swap3A_861 = arith.index_cast %add3A_805 : i32 to index
        %swap3A_862 = arith.constant 112 : index
        %swap3A_863 = tpu.vector_load %arg20[%swap3A_861, %swap3A_862] {strides = array<i32>} : memref<64x128xf32, #tpu.memory_space<vmem>>, vector<16xf32>,
        tpu.vector_store %arg20[%swap3A_861, %swap3A_862], %mul3A_860 {strides = array<i32>} : memref<64x128xf32, #tpu.memory_space<vmem>>, vector<16xf32>,
      }
      %scan3A_344 = arith.constant 16 : i32
      "tpu.region"() ({
        %run_scoped3A_615 = tpu.sem_alloc : memref<!tpu.dma_semaphore, #tpu.memory_space<semaphore_mem>>
        %dma_start3A_616 = arith.constant 0 : i32
        %dma_start3A_617 = arith.constant 0 : i32
        %dma_start3A_618 = tpu.memref_slice %arg21[%dma_start3A_616, %dma_start3A_617] : memref<10240x128xf32, #tpu.memory_space<vmem_shared>> -> memref<10240x128xf32, #tpu.memory_space<vmem_shared>>
        tpu.enqueue_indirect_dma source(%arg20 : memref<64x128xf32, #tpu.memory_space<vmem>>) target(%dma_start3A_618 : memref<10240x128xf32, #tpu.memory_space<vmem_shared>>) offsets(%arg16 : memref<64xi32, #tpu.memory_space<vmem>>) semaphore(%run_scoped3A_615 : memref<!tpu.dma_semaphore, #tpu.memory_space<semaphore_mem>>) {add = true}
        %dma_wait3A_619 = arith.constant 0 : i32
        %dma_wait3A_620 = arith.constant 0 : i32
        %dma_wait3A_621 = tpu.memref_slice %arg21[%dma_wait3A_619, %dma_wait3A_620] : memref<10240x128xf32, #tpu.memory_space<vmem_shared>> -> memref<10240x128xf32, #tpu.memory_space<vmem_shared>>
        tpu.wait_indirect_dma semaphore(%run_scoped3A_615 : memref<!tpu.dma_semaphore, #tpu.memory_space<semaphore_mem>>) src(%arg20 : memref<64x128xf32, #tpu.memory_space<vmem>>) dst(%dma_wait3A_621 : memref<10240x128xf32, #tpu.memory_space<vmem_shared>>)
        tpu.yield
      }) : () -> ()
      %add3A_345 = arith.constant 128 : i32
      %add3A_346 = arith.addi %add3A_87, %add3A_345 : i32
      %add3A_347 = arith.constant 1 : i32
      %add3A_348 = arith.addi %while3A_82, %add3A_347 : i32
      %lt3A_349 = arith.cmpi slt, %add3A_348, %select_n3A_11 : i32
      %convert_element_type3A_350 = arith.extui %lt3A_349 : i1 to i32
      %cond3A_351 = arith.constant 0 : i32
      %cond3A_352 = arith.cmpi ne, %convert_element_type3A_350, %cond3A_351 : i32
      scf.if %cond3A_352 {
        %add3A_615 = arith.constant 128 : i32
        %add3A_616 = arith.addi %add3A_346, %add3A_615 : i32
        %dma_start3A_617 = tpu.memref_slice %arg2[%add3A_616] : memref<323584xi32, #tpu.memory_space<hbm>> -> memref<128xi32, #tpu.memory_space<hbm>>
        %dma_start3A_618 = tpu.memref_slice %arg2[%add3A_616] : memref<323584xi32, #tpu.memory_space<hbm>> -> memref<128xi32, #tpu.memory_space<hbm>>
        tpu.enqueue_dma source(%dma_start3A_618 : memref<128xi32, #tpu.memory_space<hbm>>) target(%arg11 : memref<128xi32, #tpu.memory_space<vmem>>) target_semaphore(%arg24 : memref<!tpu.dma_semaphore, #tpu.memory_space<semaphore_mem>>)
        %dma_start3A_619 = tpu.memref_slice %arg3[%add3A_616] : memref<323584xi32, #tpu.memory_space<hbm>> -> memref<128xi32, #tpu.memory_space<hbm>>
        %dma_start3A_620 = tpu.memref_slice %arg3[%add3A_616] : memref<323584xi32, #tpu.memory_space<hbm>> -> memref<128xi32, #tpu.memory_space<hbm>>
        tpu.enqueue_dma source(%dma_start3A_620 : memref<128xi32, #tpu.memory_space<hbm>>) target(%arg12 : memref<128xi32, #tpu.memory_space<vmem>>) target_semaphore(%arg24 : memref<!tpu.dma_semaphore, #tpu.memory_space<semaphore_mem>>)
      } else {
      }
      %dma_start3A_353 = arith.constant 64 : i32
      %dma_start3A_354 = tpu.memref_slice %arg13[%dma_start3A_353] : memref<128xi32, #tpu.memory_space<vmem>> -> memref<64xi32, #tpu.memory_space<vmem>>
      %dma_start3A_355 = arith.constant 0 : i32
      %dma_start3A_356 = arith.constant 0 : i32
      %dma_start3A_357 = tpu.memref_slice %arg5[%dma_start3A_355, %dma_start3A_356] : memref<10240x128xf32, #tpu.memory_space<hbm>> -> memref<10240x128xf32, #tpu.memory_space<hbm>>
      tpu.enqueue_indirect_dma source(%dma_start3A_357 : memref<10240x128xf32, #tpu.memory_space<hbm>>) target(%arg20 : memref<64x128xf32, #tpu.memory_space<vmem>>) offsets(%dma_start3A_354 : memref<64xi32, #tpu.memory_space<vmem>>) semaphore(%arg23 : memref<!tpu.dma_semaphore, #tpu.memory_space<semaphore_mem>>)
      %get3A_358 = arith.constant 0 : index
      %get3A_359 = tpu.vector_load %arg13[%get3A_358] {strides = array<i32>} : memref<128xi32, #tpu.memory_space<vmem>>, vector<16xi32>,
      %get3A_360 = arith.constant 0 : index
      %get3A_361 = tpu.vector_load %arg14[%get3A_360] {strides = array<i32>} : memref<128xi32, #tpu.memory_space<vmem>>, vector<16xi32>,
      %gather3A_362 = tpu.vector_load_idx %arg8[%get3A_359] : memref<10240xf32, #tpu.memory_space<vmem>>[vector<16xi32>], vector<16xf32>,
      %gather3A_363 = tpu.vector_load_idx %arg9[%get3A_361] : memref<10240xf32, #tpu.memory_space<vmem>>[vector<16xi32>], vector<16xf32>,
      %add3A_364 = arith.addf %gather3A_362, %gather3A_363 : vector<16xf32>
      %ge3A_365 = arith.constant 0.000000e+00 : f32
      %ge3A_366 = vector.broadcast %ge3A_365 : f32 to vector<16xf32>
      %ge3A_367 = arith.cmpf oge, %add3A_364, %ge3A_366 : vector<16xf32>
      %mul3A_368 = arith.constant 2.000000e-01 : f32
      %mul3A_369 = vector.broadcast %mul3A_368 : f32 to vector<16xf32>
      %mul3A_370 = arith.mulf %mul3A_369, %add3A_364 : vector<16xf32>
      %select_n3A_371 = arith.select %ge3A_367, %add3A_364, %mul3A_370 : vector<16xi1>, vector<16xf32>
      %exp3A_372 = math.exp %select_n3A_371 : vector<16xf32>
      %add3A_373 = arith.constant 0 : i32
      %add3A_374 = arith.addi %add3A_346, %add3A_373 : i32
      %add3A_375 = vector.broadcast %add3A_374 : i32 to vector<16xi32>
      %add3A_376 = arith.addi %add3A_375, %iota3A : vector<16xi32>
      %lt3A_377 = arith.constant 320000 : i32
      %lt3A_378 = vector.broadcast %lt3A_377 : i32 to vector<16xi32>
      %lt3A_379 = arith.cmpi slt, %add3A_376, %lt3A_378 : vector<16xi32>
      %jit3A_380 = arith.constant 0.000000e+00 : f32
      %broadcast_in_dim3A_381 = vector.broadcast %jit3A_380 : f32 to vector<16xf32>
      %select_n3A_382 = arith.select %lt3A_379, %exp3A_372, %broadcast_in_dim3A_381 : vector<16xi1>, vector<16xf32>
      %swap3A_383 = arith.constant 0 : index
      %swap3A_384 = tpu.vector_load %arg17[%swap3A_383] {strides = array<i32>} : memref<64xf32, #tpu.memory_space<vmem>>, vector<16xf32>,
      tpu.vector_store %arg17[%swap3A_383], %select_n3A_382 {strides = array<i32>} : memref<64xf32, #tpu.memory_space<vmem>>, vector<16xf32>,
      %swap3A_385 = arith.constant 0 : index
      %swap3A_386 = tpu.vector_load %arg15[%swap3A_385] {strides = array<i32>} : memref<64xi32, #tpu.memory_space<vmem>>, vector<16xi32>,
      tpu.vector_store %arg15[%swap3A_385], %get3A_361 {strides = array<i32>} : memref<64xi32, #tpu.memory_space<vmem>>, vector<16xi32>,
      tpu.vector_store_idx %arg10[%get3A_361], %select_n3A_382 {add = true} : memref<10000xf32, #tpu.memory_space<vmem>>[vector<16xi32>], vector<16xf32>,
      %get3A_387 = arith.constant 16 : index
      %get3A_388 = tpu.vector_load %arg13[%get3A_387] {strides = array<i32>} : memref<128xi32, #tpu.memory_space<vmem>>, vector<16xi32>,
      %get3A_389 = arith.constant 16 : index
      %get3A_390 = tpu.vector_load %arg14[%get3A_389] {strides = array<i32>} : memref<128xi32, #tpu.memory_space<vmem>>, vector<16xi32>,
      %gather3A_391 = tpu.vector_load_idx %arg8[%get3A_388] : memref<10240xf32, #tpu.memory_space<vmem>>[vector<16xi32>], vector<16xf32>,
      %gather3A_392 = tpu.vector_load_idx %arg9[%get3A_390] : memref<10240xf32, #tpu.memory_space<vmem>>[vector<16xi32>], vector<16xf32>,
      %add3A_393 = arith.addf %gather3A_391, %gather3A_392 : vector<16xf32>
      %ge3A_394 = arith.constant 0.000000e+00 : f32
      %ge3A_395 = vector.broadcast %ge3A_394 : f32 to vector<16xf32>
      %ge3A_396 = arith.cmpf oge, %add3A_393, %ge3A_395 : vector<16xf32>
      %mul3A_397 = arith.constant 2.000000e-01 : f32
      %mul3A_398 = vector.broadcast %mul3A_397 : f32 to vector<16xf32>
      %mul3A_399 = arith.mulf %mul3A_398, %add3A_393 : vector<16xf32>
      %select_n3A_400 = arith.select %ge3A_396, %add3A_393, %mul3A_399 : vector<16xi1>, vector<16xf32>
      %exp3A_401 = math.exp %select_n3A_400 : vector<16xf32>
      %add3A_402 = arith.constant 16 : i32
      %add3A_403 = arith.addi %add3A_346, %add3A_402 : i32
      %add3A_404 = vector.broadcast %add3A_403 : i32 to vector<16xi32>
      %add3A_405 = arith.addi %add3A_404, %iota3A : vector<16xi32>
      %lt3A_406 = arith.constant 320000 : i32
      %lt3A_407 = vector.broadcast %lt3A_406 : i32 to vector<16xi32>
      %lt3A_408 = arith.cmpi slt, %add3A_405, %lt3A_407 : vector<16xi32>
      %jit3A_409 = arith.constant 0.000000e+00 : f32
      %broadcast_in_dim3A_410 = vector.broadcast %jit3A_409 : f32 to vector<16xf32>
      %select_n3A_411 = arith.select %lt3A_408, %exp3A_401, %broadcast_in_dim3A_410 : vector<16xi1>, vector<16xf32>
      %swap3A_412 = arith.constant 16 : index
      %swap3A_413 = tpu.vector_load %arg17[%swap3A_412] {strides = array<i32>} : memref<64xf32, #tpu.memory_space<vmem>>, vector<16xf32>,
      tpu.vector_store %arg17[%swap3A_412], %select_n3A_411 {strides = array<i32>} : memref<64xf32, #tpu.memory_space<vmem>>, vector<16xf32>,
      %swap3A_414 = arith.constant 16 : index
      %swap3A_415 = tpu.vector_load %arg15[%swap3A_414] {strides = array<i32>} : memref<64xi32, #tpu.memory_space<vmem>>, vector<16xi32>,
      tpu.vector_store %arg15[%swap3A_414], %get3A_390 {strides = array<i32>} : memref<64xi32, #tpu.memory_space<vmem>>, vector<16xi32>,
      tpu.vector_store_idx %arg10[%get3A_390], %select_n3A_411 {add = true} : memref<10000xf32, #tpu.memory_space<vmem>>[vector<16xi32>], vector<16xf32>,
      %get3A_416 = arith.constant 32 : index
      %get3A_417 = tpu.vector_load %arg13[%get3A_416] {strides = array<i32>} : memref<128xi32, #tpu.memory_space<vmem>>, vector<16xi32>,
      %get3A_418 = arith.constant 32 : index
      %get3A_419 = tpu.vector_load %arg14[%get3A_418] {strides = array<i32>} : memref<128xi32, #tpu.memory_space<vmem>>, vector<16xi32>,
      %gather3A_420 = tpu.vector_load_idx %arg8[%get3A_417] : memref<10240xf32, #tpu.memory_space<vmem>>[vector<16xi32>], vector<16xf32>,
      %gather3A_421 = tpu.vector_load_idx %arg9[%get3A_419] : memref<10240xf32, #tpu.memory_space<vmem>>[vector<16xi32>], vector<16xf32>,
      %add3A_422 = arith.addf %gather3A_420, %gather3A_421 : vector<16xf32>
      %ge3A_423 = arith.constant 0.000000e+00 : f32
      %ge3A_424 = vector.broadcast %ge3A_423 : f32 to vector<16xf32>
      %ge3A_425 = arith.cmpf oge, %add3A_422, %ge3A_424 : vector<16xf32>
      %mul3A_426 = arith.constant 2.000000e-01 : f32
      %mul3A_427 = vector.broadcast %mul3A_426 : f32 to vector<16xf32>
      %mul3A_428 = arith.mulf %mul3A_427, %add3A_422 : vector<16xf32>
      %select_n3A_429 = arith.select %ge3A_425, %add3A_422, %mul3A_428 : vector<16xi1>, vector<16xf32>
      %exp3A_430 = math.exp %select_n3A_429 : vector<16xf32>
      %add3A_431 = arith.constant 32 : i32
      %add3A_432 = arith.addi %add3A_346, %add3A_431 : i32
      %add3A_433 = vector.broadcast %add3A_432 : i32 to vector<16xi32>
      %add3A_434 = arith.addi %add3A_433, %iota3A : vector<16xi32>
      %lt3A_435 = arith.constant 320000 : i32
      %lt3A_436 = vector.broadcast %lt3A_435 : i32 to vector<16xi32>
      %lt3A_437 = arith.cmpi slt, %add3A_434, %lt3A_436 : vector<16xi32>
      %jit3A_438 = arith.constant 0.000000e+00 : f32
      %broadcast_in_dim3A_439 = vector.broadcast %jit3A_438 : f32 to vector<16xf32>
      %select_n3A_440 = arith.select %lt3A_437, %exp3A_430, %broadcast_in_dim3A_439 : vector<16xi1>, vector<16xf32>
      %swap3A_441 = arith.constant 32 : index
      %swap3A_442 = tpu.vector_load %arg17[%swap3A_441] {strides = array<i32>} : memref<64xf32, #tpu.memory_space<vmem>>, vector<16xf32>,
      tpu.vector_store %arg17[%swap3A_441], %select_n3A_440 {strides = array<i32>} : memref<64xf32, #tpu.memory_space<vmem>>, vector<16xf32>,
      %swap3A_443 = arith.constant 32 : index
      %swap3A_444 = tpu.vector_load %arg15[%swap3A_443] {strides = array<i32>} : memref<64xi32, #tpu.memory_space<vmem>>, vector<16xi32>,
      tpu.vector_store %arg15[%swap3A_443], %get3A_419 {strides = array<i32>} : memref<64xi32, #tpu.memory_space<vmem>>, vector<16xi32>,
      tpu.vector_store_idx %arg10[%get3A_419], %select_n3A_440 {add = true} : memref<10000xf32, #tpu.memory_space<vmem>>[vector<16xi32>], vector<16xf32>,
      %get3A_445 = arith.constant 48 : index
      %get3A_446 = tpu.vector_load %arg13[%get3A_445] {strides = array<i32>} : memref<128xi32, #tpu.memory_space<vmem>>, vector<16xi32>,
      %get3A_447 = arith.constant 48 : index
      %get3A_448 = tpu.vector_load %arg14[%get3A_447] {strides = array<i32>} : memref<128xi32, #tpu.memory_space<vmem>>, vector<16xi32>,
      %gather3A_449 = tpu.vector_load_idx %arg8[%get3A_446] : memref<10240xf32, #tpu.memory_space<vmem>>[vector<16xi32>], vector<16xf32>,
      %gather3A_450 = tpu.vector_load_idx %arg9[%get3A_448] : memref<10240xf32, #tpu.memory_space<vmem>>[vector<16xi32>], vector<16xf32>,
      %add3A_451 = arith.addf %gather3A_449, %gather3A_450 : vector<16xf32>
      %ge3A_452 = arith.constant 0.000000e+00 : f32
      %ge3A_453 = vector.broadcast %ge3A_452 : f32 to vector<16xf32>
      %ge3A_454 = arith.cmpf oge, %add3A_451, %ge3A_453 : vector<16xf32>
      %mul3A_455 = arith.constant 2.000000e-01 : f32
      %mul3A_456 = vector.broadcast %mul3A_455 : f32 to vector<16xf32>
      %mul3A_457 = arith.mulf %mul3A_456, %add3A_451 : vector<16xf32>
      %select_n3A_458 = arith.select %ge3A_454, %add3A_451, %mul3A_457 : vector<16xi1>, vector<16xf32>
      %exp3A_459 = math.exp %select_n3A_458 : vector<16xf32>
      %add3A_460 = arith.constant 48 : i32
      %add3A_461 = arith.addi %add3A_346, %add3A_460 : i32
      %add3A_462 = vector.broadcast %add3A_461 : i32 to vector<16xi32>
      %add3A_463 = arith.addi %add3A_462, %iota3A : vector<16xi32>
      %lt3A_464 = arith.constant 320000 : i32
      %lt3A_465 = vector.broadcast %lt3A_464 : i32 to vector<16xi32>
      %lt3A_466 = arith.cmpi slt, %add3A_463, %lt3A_465 : vector<16xi32>
      %jit3A_467 = arith.constant 0.000000e+00 : f32
      %broadcast_in_dim3A_468 = vector.broadcast %jit3A_467 : f32 to vector<16xf32>
      %select_n3A_469 = arith.select %lt3A_466, %exp3A_459, %broadcast_in_dim3A_468 : vector<16xi1>, vector<16xf32>
      %swap3A_470 = arith.constant 48 : index
      %swap3A_471 = tpu.vector_load %arg17[%swap3A_470] {strides = array<i32>} : memref<64xf32, #tpu.memory_space<vmem>>, vector<16xf32>,
      tpu.vector_store %arg17[%swap3A_470], %select_n3A_469 {strides = array<i32>} : memref<64xf32, #tpu.memory_space<vmem>>, vector<16xf32>,
      %swap3A_472 = arith.constant 48 : index
      %swap3A_473 = tpu.vector_load %arg15[%swap3A_472] {strides = array<i32>} : memref<64xi32, #tpu.memory_space<vmem>>, vector<16xi32>,
      tpu.vector_store %arg15[%swap3A_472], %get3A_448 {strides = array<i32>} : memref<64xi32, #tpu.memory_space<vmem>>, vector<16xi32>,
      tpu.vector_store_idx %arg10[%get3A_448], %select_n3A_469 {add = true} : memref<10000xf32, #tpu.memory_space<vmem>>[vector<16xi32>], vector<16xf32>,
      %dma_wait3A_474 = arith.constant 0 : i32
      %dma_wait3A_475 = tpu.memref_slice %arg13[%dma_wait3A_474] : memref<128xi32, #tpu.memory_space<vmem>> -> memref<64xi32, #tpu.memory_space<vmem>>
      %dma_wait3A_476 = arith.constant 0 : i32
      %dma_wait3A_477 = arith.constant 0 : i32
      %dma_wait3A_478 = tpu.memref_slice %arg5[%dma_wait3A_476, %dma_wait3A_477] : memref<10240x128xf32, #tpu.memory_space<hbm>> -> memref<10240x128xf32, #tpu.memory_space<hbm>>
      tpu.wait_indirect_dma semaphore(%arg22 : memref<!tpu.dma_semaphore, #tpu.memory_space<semaphore_mem>>) src(%dma_wait3A_478 : memref<10240x128xf32, #tpu.memory_space<hbm>>) dst(%arg19 : memref<64x128xf32, #tpu.memory_space<vmem>>)
      %scan3A_479 = arith.constant 0 : i32
      %scan3A_480 = arith.constant 0 : i32
      %scan3A_481 = arith.constant 16 : i32
      %scan3A_482 = arith.addi %scan3A_480, %scan3A_481 : i32
      %scan3A_483 = arith.constant 1 : i32
      scf.for %scan3A_615 = %scan3A_480 to %scan3A_482 step %scan3A_483  : i32 {
        %mul3A_616 = arith.constant 4 : i32
        %mul3A_617 = arith.muli %scan3A_615, %mul3A_616 : i32
        %add3A_618 = arith.constant 0 : i32
        %add3A_619 = arith.addi %mul3A_617, %add3A_618 : i32
        %broadcast_in_dim3A_620 = vector.broadcast %add3A_619 : i32 to vector<16xi32>
        %gather3A_621 = tpu.vector_load_idx %arg17[%broadcast_in_dim3A_620] : memref<64xf32, #tpu.memory_space<vmem>>[vector<16xi32>], vector<16xf32>,
        %get3A_622 = arith.index_cast %add3A_619 : i32 to index
        %get3A_623 = arith.constant 0 : index
        %get3A_624 = tpu.vector_load %arg19[%get3A_622, %get3A_623] {strides = array<i32>} : memref<64x128xf32, #tpu.memory_space<vmem>>, vector<16xf32>,
        %mul3A_625 = arith.mulf %get3A_624, %gather3A_621 : vector<16xf32>
        %swap3A_626 = arith.index_cast %add3A_619 : i32 to index
        %swap3A_627 = arith.constant 0 : index
        %swap3A_628 = tpu.vector_load %arg19[%swap3A_626, %swap3A_627] {strides = array<i32>} : memref<64x128xf32, #tpu.memory_space<vmem>>, vector<16xf32>,
        tpu.vector_store %arg19[%swap3A_626, %swap3A_627], %mul3A_625 {strides = array<i32>} : memref<64x128xf32, #tpu.memory_space<vmem>>, vector<16xf32>,
        %get3A_629 = arith.index_cast %add3A_619 : i32 to index
        %get3A_630 = arith.constant 16 : index
        %get3A_631 = tpu.vector_load %arg19[%get3A_629, %get3A_630] {strides = array<i32>} : memref<64x128xf32, #tpu.memory_space<vmem>>, vector<16xf32>,
        %mul3A_632 = arith.mulf %get3A_631, %gather3A_621 : vector<16xf32>
        %swap3A_633 = arith.index_cast %add3A_619 : i32 to index
        %swap3A_634 = arith.constant 16 : index
        %swap3A_635 = tpu.vector_load %arg19[%swap3A_633, %swap3A_634] {strides = array<i32>} : memref<64x128xf32, #tpu.memory_space<vmem>>, vector<16xf32>,
        tpu.vector_store %arg19[%swap3A_633, %swap3A_634], %mul3A_632 {strides = array<i32>} : memref<64x128xf32, #tpu.memory_space<vmem>>, vector<16xf32>,
        %get3A_636 = arith.index_cast %add3A_619 : i32 to index
        %get3A_637 = arith.constant 32 : index
        %get3A_638 = tpu.vector_load %arg19[%get3A_636, %get3A_637] {strides = array<i32>} : memref<64x128xf32, #tpu.memory_space<vmem>>, vector<16xf32>,
        %mul3A_639 = arith.mulf %get3A_638, %gather3A_621 : vector<16xf32>
        %swap3A_640 = arith.index_cast %add3A_619 : i32 to index
        %swap3A_641 = arith.constant 32 : index
        %swap3A_642 = tpu.vector_load %arg19[%swap3A_640, %swap3A_641] {strides = array<i32>} : memref<64x128xf32, #tpu.memory_space<vmem>>, vector<16xf32>,
        tpu.vector_store %arg19[%swap3A_640, %swap3A_641], %mul3A_639 {strides = array<i32>} : memref<64x128xf32, #tpu.memory_space<vmem>>, vector<16xf32>,
        %get3A_643 = arith.index_cast %add3A_619 : i32 to index
        %get3A_644 = arith.constant 48 : index
        %get3A_645 = tpu.vector_load %arg19[%get3A_643, %get3A_644] {strides = array<i32>} : memref<64x128xf32, #tpu.memory_space<vmem>>, vector<16xf32>,
        %mul3A_646 = arith.mulf %get3A_645, %gather3A_621 : vector<16xf32>
        %swap3A_647 = arith.index_cast %add3A_619 : i32 to index
        %swap3A_648 = arith.constant 48 : index
        %swap3A_649 = tpu.vector_load %arg19[%swap3A_647, %swap3A_648] {strides = array<i32>} : memref<64x128xf32, #tpu.memory_space<vmem>>, vector<16xf32>,
        tpu.vector_store %arg19[%swap3A_647, %swap3A_648], %mul3A_646 {strides = array<i32>} : memref<64x128xf32, #tpu.memory_space<vmem>>, vector<16xf32>,
        %get3A_650 = arith.index_cast %add3A_619 : i32 to index
        %get3A_651 = arith.constant 64 : index
        %get3A_652 = tpu.vector_load %arg19[%get3A_650, %get3A_651] {strides = array<i32>} : memref<64x128xf32, #tpu.memory_space<vmem>>, vector<16xf32>,
        %mul3A_653 = arith.mulf %get3A_652, %gather3A_621 : vector<16xf32>
        %swap3A_654 = arith.index_cast %add3A_619 : i32 to index
        %swap3A_655 = arith.constant 64 : index
        %swap3A_656 = tpu.vector_load %arg19[%swap3A_654, %swap3A_655] {strides = array<i32>} : memref<64x128xf32, #tpu.memory_space<vmem>>, vector<16xf32>,
        tpu.vector_store %arg19[%swap3A_654, %swap3A_655], %mul3A_653 {strides = array<i32>} : memref<64x128xf32, #tpu.memory_space<vmem>>, vector<16xf32>,
        %get3A_657 = arith.index_cast %add3A_619 : i32 to index
        %get3A_658 = arith.constant 80 : index
        %get3A_659 = tpu.vector_load %arg19[%get3A_657, %get3A_658] {strides = array<i32>} : memref<64x128xf32, #tpu.memory_space<vmem>>, vector<16xf32>,
        %mul3A_660 = arith.mulf %get3A_659, %gather3A_621 : vector<16xf32>
        %swap3A_661 = arith.index_cast %add3A_619 : i32 to index
        %swap3A_662 = arith.constant 80 : index
        %swap3A_663 = tpu.vector_load %arg19[%swap3A_661, %swap3A_662] {strides = array<i32>} : memref<64x128xf32, #tpu.memory_space<vmem>>, vector<16xf32>,
        tpu.vector_store %arg19[%swap3A_661, %swap3A_662], %mul3A_660 {strides = array<i32>} : memref<64x128xf32, #tpu.memory_space<vmem>>, vector<16xf32>,
        %get3A_664 = arith.index_cast %add3A_619 : i32 to index
        %get3A_665 = arith.constant 96 : index
        %get3A_666 = tpu.vector_load %arg19[%get3A_664, %get3A_665] {strides = array<i32>} : memref<64x128xf32, #tpu.memory_space<vmem>>, vector<16xf32>,
        %mul3A_667 = arith.mulf %get3A_666, %gather3A_621 : vector<16xf32>
        %swap3A_668 = arith.index_cast %add3A_619 : i32 to index
        %swap3A_669 = arith.constant 96 : index
        %swap3A_670 = tpu.vector_load %arg19[%swap3A_668, %swap3A_669] {strides = array<i32>} : memref<64x128xf32, #tpu.memory_space<vmem>>, vector<16xf32>,
        tpu.vector_store %arg19[%swap3A_668, %swap3A_669], %mul3A_667 {strides = array<i32>} : memref<64x128xf32, #tpu.memory_space<vmem>>, vector<16xf32>,
        %get3A_671 = arith.index_cast %add3A_619 : i32 to index
        %get3A_672 = arith.constant 112 : index
        %get3A_673 = tpu.vector_load %arg19[%get3A_671, %get3A_672] {strides = array<i32>} : memref<64x128xf32, #tpu.memory_space<vmem>>, vector<16xf32>,
        %mul3A_674 = arith.mulf %get3A_673, %gather3A_621 : vector<16xf32>
        %swap3A_675 = arith.index_cast %add3A_619 : i32 to index
        %swap3A_676 = arith.constant 112 : index
        %swap3A_677 = tpu.vector_load %arg19[%swap3A_675, %swap3A_676] {strides = array<i32>} : memref<64x128xf32, #tpu.memory_space<vmem>>, vector<16xf32>,
        tpu.vector_store %arg19[%swap3A_675, %swap3A_676], %mul3A_674 {strides = array<i32>} : memref<64x128xf32, #tpu.memory_space<vmem>>, vector<16xf32>,
        %mul3A_678 = arith.constant 4 : i32
        %mul3A_679 = arith.muli %scan3A_615, %mul3A_678 : i32
        %add3A_680 = arith.constant 1 : i32
        %add3A_681 = arith.addi %mul3A_679, %add3A_680 : i32
        %broadcast_in_dim3A_682 = vector.broadcast %add3A_681 : i32 to vector<16xi32>
        %gather3A_683 = tpu.vector_load_idx %arg17[%broadcast_in_dim3A_682] : memref<64xf32, #tpu.memory_space<vmem>>[vector<16xi32>], vector<16xf32>,
        %get3A_684 = arith.index_cast %add3A_681 : i32 to index
        %get3A_685 = arith.constant 0 : index
        %get3A_686 = tpu.vector_load %arg19[%get3A_684, %get3A_685] {strides = array<i32>} : memref<64x128xf32, #tpu.memory_space<vmem>>, vector<16xf32>,
        %mul3A_687 = arith.mulf %get3A_686, %gather3A_683 : vector<16xf32>
        %swap3A_688 = arith.index_cast %add3A_681 : i32 to index
        %swap3A_689 = arith.constant 0 : index
        %swap3A_690 = tpu.vector_load %arg19[%swap3A_688, %swap3A_689] {strides = array<i32>} : memref<64x128xf32, #tpu.memory_space<vmem>>, vector<16xf32>,
        tpu.vector_store %arg19[%swap3A_688, %swap3A_689], %mul3A_687 {strides = array<i32>} : memref<64x128xf32, #tpu.memory_space<vmem>>, vector<16xf32>,
        %get3A_691 = arith.index_cast %add3A_681 : i32 to index
        %get3A_692 = arith.constant 16 : index
        %get3A_693 = tpu.vector_load %arg19[%get3A_691, %get3A_692] {strides = array<i32>} : memref<64x128xf32, #tpu.memory_space<vmem>>, vector<16xf32>,
        %mul3A_694 = arith.mulf %get3A_693, %gather3A_683 : vector<16xf32>
        %swap3A_695 = arith.index_cast %add3A_681 : i32 to index
        %swap3A_696 = arith.constant 16 : index
        %swap3A_697 = tpu.vector_load %arg19[%swap3A_695, %swap3A_696] {strides = array<i32>} : memref<64x128xf32, #tpu.memory_space<vmem>>, vector<16xf32>,
        tpu.vector_store %arg19[%swap3A_695, %swap3A_696], %mul3A_694 {strides = array<i32>} : memref<64x128xf32, #tpu.memory_space<vmem>>, vector<16xf32>,
        %get3A_698 = arith.index_cast %add3A_681 : i32 to index
        %get3A_699 = arith.constant 32 : index
        %get3A_700 = tpu.vector_load %arg19[%get3A_698, %get3A_699] {strides = array<i32>} : memref<64x128xf32, #tpu.memory_space<vmem>>, vector<16xf32>,
        %mul3A_701 = arith.mulf %get3A_700, %gather3A_683 : vector<16xf32>
        %swap3A_702 = arith.index_cast %add3A_681 : i32 to index
        %swap3A_703 = arith.constant 32 : index
        %swap3A_704 = tpu.vector_load %arg19[%swap3A_702, %swap3A_703] {strides = array<i32>} : memref<64x128xf32, #tpu.memory_space<vmem>>, vector<16xf32>,
        tpu.vector_store %arg19[%swap3A_702, %swap3A_703], %mul3A_701 {strides = array<i32>} : memref<64x128xf32, #tpu.memory_space<vmem>>, vector<16xf32>,
        %get3A_705 = arith.index_cast %add3A_681 : i32 to index
        %get3A_706 = arith.constant 48 : index
        %get3A_707 = tpu.vector_load %arg19[%get3A_705, %get3A_706] {strides = array<i32>} : memref<64x128xf32, #tpu.memory_space<vmem>>, vector<16xf32>,
        %mul3A_708 = arith.mulf %get3A_707, %gather3A_683 : vector<16xf32>
        %swap3A_709 = arith.index_cast %add3A_681 : i32 to index
        %swap3A_710 = arith.constant 48 : index
        %swap3A_711 = tpu.vector_load %arg19[%swap3A_709, %swap3A_710] {strides = array<i32>} : memref<64x128xf32, #tpu.memory_space<vmem>>, vector<16xf32>,
        tpu.vector_store %arg19[%swap3A_709, %swap3A_710], %mul3A_708 {strides = array<i32>} : memref<64x128xf32, #tpu.memory_space<vmem>>, vector<16xf32>,
        %get3A_712 = arith.index_cast %add3A_681 : i32 to index
        %get3A_713 = arith.constant 64 : index
        %get3A_714 = tpu.vector_load %arg19[%get3A_712, %get3A_713] {strides = array<i32>} : memref<64x128xf32, #tpu.memory_space<vmem>>, vector<16xf32>,
        %mul3A_715 = arith.mulf %get3A_714, %gather3A_683 : vector<16xf32>
        %swap3A_716 = arith.index_cast %add3A_681 : i32 to index
        %swap3A_717 = arith.constant 64 : index
        %swap3A_718 = tpu.vector_load %arg19[%swap3A_716, %swap3A_717] {strides = array<i32>} : memref<64x128xf32, #tpu.memory_space<vmem>>, vector<16xf32>,
        tpu.vector_store %arg19[%swap3A_716, %swap3A_717], %mul3A_715 {strides = array<i32>} : memref<64x128xf32, #tpu.memory_space<vmem>>, vector<16xf32>,
        %get3A_719 = arith.index_cast %add3A_681 : i32 to index
        %get3A_720 = arith.constant 80 : index
        %get3A_721 = tpu.vector_load %arg19[%get3A_719, %get3A_720] {strides = array<i32>} : memref<64x128xf32, #tpu.memory_space<vmem>>, vector<16xf32>,
        %mul3A_722 = arith.mulf %get3A_721, %gather3A_683 : vector<16xf32>
        %swap3A_723 = arith.index_cast %add3A_681 : i32 to index
        %swap3A_724 = arith.constant 80 : index
        %swap3A_725 = tpu.vector_load %arg19[%swap3A_723, %swap3A_724] {strides = array<i32>} : memref<64x128xf32, #tpu.memory_space<vmem>>, vector<16xf32>,
        tpu.vector_store %arg19[%swap3A_723, %swap3A_724], %mul3A_722 {strides = array<i32>} : memref<64x128xf32, #tpu.memory_space<vmem>>, vector<16xf32>,
        %get3A_726 = arith.index_cast %add3A_681 : i32 to index
        %get3A_727 = arith.constant 96 : index
        %get3A_728 = tpu.vector_load %arg19[%get3A_726, %get3A_727] {strides = array<i32>} : memref<64x128xf32, #tpu.memory_space<vmem>>, vector<16xf32>,
        %mul3A_729 = arith.mulf %get3A_728, %gather3A_683 : vector<16xf32>
        %swap3A_730 = arith.index_cast %add3A_681 : i32 to index
        %swap3A_731 = arith.constant 96 : index
        %swap3A_732 = tpu.vector_load %arg19[%swap3A_730, %swap3A_731] {strides = array<i32>} : memref<64x128xf32, #tpu.memory_space<vmem>>, vector<16xf32>,
        tpu.vector_store %arg19[%swap3A_730, %swap3A_731], %mul3A_729 {strides = array<i32>} : memref<64x128xf32, #tpu.memory_space<vmem>>, vector<16xf32>,
        %get3A_733 = arith.index_cast %add3A_681 : i32 to index
        %get3A_734 = arith.constant 112 : index
        %get3A_735 = tpu.vector_load %arg19[%get3A_733, %get3A_734] {strides = array<i32>} : memref<64x128xf32, #tpu.memory_space<vmem>>, vector<16xf32>,
        %mul3A_736 = arith.mulf %get3A_735, %gather3A_683 : vector<16xf32>
        %swap3A_737 = arith.index_cast %add3A_681 : i32 to index
        %swap3A_738 = arith.constant 112 : index
        %swap3A_739 = tpu.vector_load %arg19[%swap3A_737, %swap3A_738] {strides = array<i32>} : memref<64x128xf32, #tpu.memory_space<vmem>>, vector<16xf32>,
        tpu.vector_store %arg19[%swap3A_737, %swap3A_738], %mul3A_736 {strides = array<i32>} : memref<64x128xf32, #tpu.memory_space<vmem>>, vector<16xf32>,
        %mul3A_740 = arith.constant 4 : i32
        %mul3A_741 = arith.muli %scan3A_615, %mul3A_740 : i32
        %add3A_742 = arith.constant 2 : i32
        %add3A_743 = arith.addi %mul3A_741, %add3A_742 : i32
        %broadcast_in_dim3A_744 = vector.broadcast %add3A_743 : i32 to vector<16xi32>
        %gather3A_745 = tpu.vector_load_idx %arg17[%broadcast_in_dim3A_744] : memref<64xf32, #tpu.memory_space<vmem>>[vector<16xi32>], vector<16xf32>,
        %get3A_746 = arith.index_cast %add3A_743 : i32 to index
        %get3A_747 = arith.constant 0 : index
        %get3A_748 = tpu.vector_load %arg19[%get3A_746, %get3A_747] {strides = array<i32>} : memref<64x128xf32, #tpu.memory_space<vmem>>, vector<16xf32>,
        %mul3A_749 = arith.mulf %get3A_748, %gather3A_745 : vector<16xf32>
        %swap3A_750 = arith.index_cast %add3A_743 : i32 to index
        %swap3A_751 = arith.constant 0 : index
        %swap3A_752 = tpu.vector_load %arg19[%swap3A_750, %swap3A_751] {strides = array<i32>} : memref<64x128xf32, #tpu.memory_space<vmem>>, vector<16xf32>,
        tpu.vector_store %arg19[%swap3A_750, %swap3A_751], %mul3A_749 {strides = array<i32>} : memref<64x128xf32, #tpu.memory_space<vmem>>, vector<16xf32>,
        %get3A_753 = arith.index_cast %add3A_743 : i32 to index
        %get3A_754 = arith.constant 16 : index
        %get3A_755 = tpu.vector_load %arg19[%get3A_753, %get3A_754] {strides = array<i32>} : memref<64x128xf32, #tpu.memory_space<vmem>>, vector<16xf32>,
        %mul3A_756 = arith.mulf %get3A_755, %gather3A_745 : vector<16xf32>
        %swap3A_757 = arith.index_cast %add3A_743 : i32 to index
        %swap3A_758 = arith.constant 16 : index
        %swap3A_759 = tpu.vector_load %arg19[%swap3A_757, %swap3A_758] {strides = array<i32>} : memref<64x128xf32, #tpu.memory_space<vmem>>, vector<16xf32>,
        tpu.vector_store %arg19[%swap3A_757, %swap3A_758], %mul3A_756 {strides = array<i32>} : memref<64x128xf32, #tpu.memory_space<vmem>>, vector<16xf32>,
        %get3A_760 = arith.index_cast %add3A_743 : i32 to index
        %get3A_761 = arith.constant 32 : index
        %get3A_762 = tpu.vector_load %arg19[%get3A_760, %get3A_761] {strides = array<i32>} : memref<64x128xf32, #tpu.memory_space<vmem>>, vector<16xf32>,
        %mul3A_763 = arith.mulf %get3A_762, %gather3A_745 : vector<16xf32>
        %swap3A_764 = arith.index_cast %add3A_743 : i32 to index
        %swap3A_765 = arith.constant 32 : index
        %swap3A_766 = tpu.vector_load %arg19[%swap3A_764, %swap3A_765] {strides = array<i32>} : memref<64x128xf32, #tpu.memory_space<vmem>>, vector<16xf32>,
        tpu.vector_store %arg19[%swap3A_764, %swap3A_765], %mul3A_763 {strides = array<i32>} : memref<64x128xf32, #tpu.memory_space<vmem>>, vector<16xf32>,
        %get3A_767 = arith.index_cast %add3A_743 : i32 to index
        %get3A_768 = arith.constant 48 : index
        %get3A_769 = tpu.vector_load %arg19[%get3A_767, %get3A_768] {strides = array<i32>} : memref<64x128xf32, #tpu.memory_space<vmem>>, vector<16xf32>,
        %mul3A_770 = arith.mulf %get3A_769, %gather3A_745 : vector<16xf32>
        %swap3A_771 = arith.index_cast %add3A_743 : i32 to index
        %swap3A_772 = arith.constant 48 : index
        %swap3A_773 = tpu.vector_load %arg19[%swap3A_771, %swap3A_772] {strides = array<i32>} : memref<64x128xf32, #tpu.memory_space<vmem>>, vector<16xf32>,
        tpu.vector_store %arg19[%swap3A_771, %swap3A_772], %mul3A_770 {strides = array<i32>} : memref<64x128xf32, #tpu.memory_space<vmem>>, vector<16xf32>,
        %get3A_774 = arith.index_cast %add3A_743 : i32 to index
        %get3A_775 = arith.constant 64 : index
        %get3A_776 = tpu.vector_load %arg19[%get3A_774, %get3A_775] {strides = array<i32>} : memref<64x128xf32, #tpu.memory_space<vmem>>, vector<16xf32>,
        %mul3A_777 = arith.mulf %get3A_776, %gather3A_745 : vector<16xf32>
        %swap3A_778 = arith.index_cast %add3A_743 : i32 to index
        %swap3A_779 = arith.constant 64 : index
        %swap3A_780 = tpu.vector_load %arg19[%swap3A_778, %swap3A_779] {strides = array<i32>} : memref<64x128xf32, #tpu.memory_space<vmem>>, vector<16xf32>,
        tpu.vector_store %arg19[%swap3A_778, %swap3A_779], %mul3A_777 {strides = array<i32>} : memref<64x128xf32, #tpu.memory_space<vmem>>, vector<16xf32>,
        %get3A_781 = arith.index_cast %add3A_743 : i32 to index
        %get3A_782 = arith.constant 80 : index
        %get3A_783 = tpu.vector_load %arg19[%get3A_781, %get3A_782] {strides = array<i32>} : memref<64x128xf32, #tpu.memory_space<vmem>>, vector<16xf32>,
        %mul3A_784 = arith.mulf %get3A_783, %gather3A_745 : vector<16xf32>
        %swap3A_785 = arith.index_cast %add3A_743 : i32 to index
        %swap3A_786 = arith.constant 80 : index
        %swap3A_787 = tpu.vector_load %arg19[%swap3A_785, %swap3A_786] {strides = array<i32>} : memref<64x128xf32, #tpu.memory_space<vmem>>, vector<16xf32>,
        tpu.vector_store %arg19[%swap3A_785, %swap3A_786], %mul3A_784 {strides = array<i32>} : memref<64x128xf32, #tpu.memory_space<vmem>>, vector<16xf32>,
        %get3A_788 = arith.index_cast %add3A_743 : i32 to index
        %get3A_789 = arith.constant 96 : index
        %get3A_790 = tpu.vector_load %arg19[%get3A_788, %get3A_789] {strides = array<i32>} : memref<64x128xf32, #tpu.memory_space<vmem>>, vector<16xf32>,
        %mul3A_791 = arith.mulf %get3A_790, %gather3A_745 : vector<16xf32>
        %swap3A_792 = arith.index_cast %add3A_743 : i32 to index
        %swap3A_793 = arith.constant 96 : index
        %swap3A_794 = tpu.vector_load %arg19[%swap3A_792, %swap3A_793] {strides = array<i32>} : memref<64x128xf32, #tpu.memory_space<vmem>>, vector<16xf32>,
        tpu.vector_store %arg19[%swap3A_792, %swap3A_793], %mul3A_791 {strides = array<i32>} : memref<64x128xf32, #tpu.memory_space<vmem>>, vector<16xf32>,
        %get3A_795 = arith.index_cast %add3A_743 : i32 to index
        %get3A_796 = arith.constant 112 : index
        %get3A_797 = tpu.vector_load %arg19[%get3A_795, %get3A_796] {strides = array<i32>} : memref<64x128xf32, #tpu.memory_space<vmem>>, vector<16xf32>,
        %mul3A_798 = arith.mulf %get3A_797, %gather3A_745 : vector<16xf32>
        %swap3A_799 = arith.index_cast %add3A_743 : i32 to index
        %swap3A_800 = arith.constant 112 : index
        %swap3A_801 = tpu.vector_load %arg19[%swap3A_799, %swap3A_800] {strides = array<i32>} : memref<64x128xf32, #tpu.memory_space<vmem>>, vector<16xf32>,
        tpu.vector_store %arg19[%swap3A_799, %swap3A_800], %mul3A_798 {strides = array<i32>} : memref<64x128xf32, #tpu.memory_space<vmem>>, vector<16xf32>,
        %mul3A_802 = arith.constant 4 : i32
        %mul3A_803 = arith.muli %scan3A_615, %mul3A_802 : i32
        %add3A_804 = arith.constant 3 : i32
        %add3A_805 = arith.addi %mul3A_803, %add3A_804 : i32
        %broadcast_in_dim3A_806 = vector.broadcast %add3A_805 : i32 to vector<16xi32>
        %gather3A_807 = tpu.vector_load_idx %arg17[%broadcast_in_dim3A_806] : memref<64xf32, #tpu.memory_space<vmem>>[vector<16xi32>], vector<16xf32>,
        %get3A_808 = arith.index_cast %add3A_805 : i32 to index
        %get3A_809 = arith.constant 0 : index
        %get3A_810 = tpu.vector_load %arg19[%get3A_808, %get3A_809] {strides = array<i32>} : memref<64x128xf32, #tpu.memory_space<vmem>>, vector<16xf32>,
        %mul3A_811 = arith.mulf %get3A_810, %gather3A_807 : vector<16xf32>
        %swap3A_812 = arith.index_cast %add3A_805 : i32 to index
        %swap3A_813 = arith.constant 0 : index
        %swap3A_814 = tpu.vector_load %arg19[%swap3A_812, %swap3A_813] {strides = array<i32>} : memref<64x128xf32, #tpu.memory_space<vmem>>, vector<16xf32>,
        tpu.vector_store %arg19[%swap3A_812, %swap3A_813], %mul3A_811 {strides = array<i32>} : memref<64x128xf32, #tpu.memory_space<vmem>>, vector<16xf32>,
        %get3A_815 = arith.index_cast %add3A_805 : i32 to index
        %get3A_816 = arith.constant 16 : index
        %get3A_817 = tpu.vector_load %arg19[%get3A_815, %get3A_816] {strides = array<i32>} : memref<64x128xf32, #tpu.memory_space<vmem>>, vector<16xf32>,
        %mul3A_818 = arith.mulf %get3A_817, %gather3A_807 : vector<16xf32>
        %swap3A_819 = arith.index_cast %add3A_805 : i32 to index
        %swap3A_820 = arith.constant 16 : index
        %swap3A_821 = tpu.vector_load %arg19[%swap3A_819, %swap3A_820] {strides = array<i32>} : memref<64x128xf32, #tpu.memory_space<vmem>>, vector<16xf32>,
        tpu.vector_store %arg19[%swap3A_819, %swap3A_820], %mul3A_818 {strides = array<i32>} : memref<64x128xf32, #tpu.memory_space<vmem>>, vector<16xf32>,
        %get3A_822 = arith.index_cast %add3A_805 : i32 to index
        %get3A_823 = arith.constant 32 : index
        %get3A_824 = tpu.vector_load %arg19[%get3A_822, %get3A_823] {strides = array<i32>} : memref<64x128xf32, #tpu.memory_space<vmem>>, vector<16xf32>,
        %mul3A_825 = arith.mulf %get3A_824, %gather3A_807 : vector<16xf32>
        %swap3A_826 = arith.index_cast %add3A_805 : i32 to index
        %swap3A_827 = arith.constant 32 : index
        %swap3A_828 = tpu.vector_load %arg19[%swap3A_826, %swap3A_827] {strides = array<i32>} : memref<64x128xf32, #tpu.memory_space<vmem>>, vector<16xf32>,
        tpu.vector_store %arg19[%swap3A_826, %swap3A_827], %mul3A_825 {strides = array<i32>} : memref<64x128xf32, #tpu.memory_space<vmem>>, vector<16xf32>,
        %get3A_829 = arith.index_cast %add3A_805 : i32 to index
        %get3A_830 = arith.constant 48 : index
        %get3A_831 = tpu.vector_load %arg19[%get3A_829, %get3A_830] {strides = array<i32>} : memref<64x128xf32, #tpu.memory_space<vmem>>, vector<16xf32>,
        %mul3A_832 = arith.mulf %get3A_831, %gather3A_807 : vector<16xf32>
        %swap3A_833 = arith.index_cast %add3A_805 : i32 to index
        %swap3A_834 = arith.constant 48 : index
        %swap3A_835 = tpu.vector_load %arg19[%swap3A_833, %swap3A_834] {strides = array<i32>} : memref<64x128xf32, #tpu.memory_space<vmem>>, vector<16xf32>,
        tpu.vector_store %arg19[%swap3A_833, %swap3A_834], %mul3A_832 {strides = array<i32>} : memref<64x128xf32, #tpu.memory_space<vmem>>, vector<16xf32>,
        %get3A_836 = arith.index_cast %add3A_805 : i32 to index
        %get3A_837 = arith.constant 64 : index
        %get3A_838 = tpu.vector_load %arg19[%get3A_836, %get3A_837] {strides = array<i32>} : memref<64x128xf32, #tpu.memory_space<vmem>>, vector<16xf32>,
        %mul3A_839 = arith.mulf %get3A_838, %gather3A_807 : vector<16xf32>
        %swap3A_840 = arith.index_cast %add3A_805 : i32 to index
        %swap3A_841 = arith.constant 64 : index
        %swap3A_842 = tpu.vector_load %arg19[%swap3A_840, %swap3A_841] {strides = array<i32>} : memref<64x128xf32, #tpu.memory_space<vmem>>, vector<16xf32>,
        tpu.vector_store %arg19[%swap3A_840, %swap3A_841], %mul3A_839 {strides = array<i32>} : memref<64x128xf32, #tpu.memory_space<vmem>>, vector<16xf32>,
        %get3A_843 = arith.index_cast %add3A_805 : i32 to index
        %get3A_844 = arith.constant 80 : index
        %get3A_845 = tpu.vector_load %arg19[%get3A_843, %get3A_844] {strides = array<i32>} : memref<64x128xf32, #tpu.memory_space<vmem>>, vector<16xf32>,
        %mul3A_846 = arith.mulf %get3A_845, %gather3A_807 : vector<16xf32>
        %swap3A_847 = arith.index_cast %add3A_805 : i32 to index
        %swap3A_848 = arith.constant 80 : index
        %swap3A_849 = tpu.vector_load %arg19[%swap3A_847, %swap3A_848] {strides = array<i32>} : memref<64x128xf32, #tpu.memory_space<vmem>>, vector<16xf32>,
        tpu.vector_store %arg19[%swap3A_847, %swap3A_848], %mul3A_846 {strides = array<i32>} : memref<64x128xf32, #tpu.memory_space<vmem>>, vector<16xf32>,
        %get3A_850 = arith.index_cast %add3A_805 : i32 to index
        %get3A_851 = arith.constant 96 : index
        %get3A_852 = tpu.vector_load %arg19[%get3A_850, %get3A_851] {strides = array<i32>} : memref<64x128xf32, #tpu.memory_space<vmem>>, vector<16xf32>,
        %mul3A_853 = arith.mulf %get3A_852, %gather3A_807 : vector<16xf32>
        %swap3A_854 = arith.index_cast %add3A_805 : i32 to index
        %swap3A_855 = arith.constant 96 : index
        %swap3A_856 = tpu.vector_load %arg19[%swap3A_854, %swap3A_855] {strides = array<i32>} : memref<64x128xf32, #tpu.memory_space<vmem>>, vector<16xf32>,
        tpu.vector_store %arg19[%swap3A_854, %swap3A_855], %mul3A_853 {strides = array<i32>} : memref<64x128xf32, #tpu.memory_space<vmem>>, vector<16xf32>,
        %get3A_857 = arith.index_cast %add3A_805 : i32 to index
        %get3A_858 = arith.constant 112 : index
        %get3A_859 = tpu.vector_load %arg19[%get3A_857, %get3A_858] {strides = array<i32>} : memref<64x128xf32, #tpu.memory_space<vmem>>, vector<16xf32>,
        %mul3A_860 = arith.mulf %get3A_859, %gather3A_807 : vector<16xf32>
        %swap3A_861 = arith.index_cast %add3A_805 : i32 to index
        %swap3A_862 = arith.constant 112 : index
        %swap3A_863 = tpu.vector_load %arg19[%swap3A_861, %swap3A_862] {strides = array<i32>} : memref<64x128xf32, #tpu.memory_space<vmem>>, vector<16xf32>,
        tpu.vector_store %arg19[%swap3A_861, %swap3A_862], %mul3A_860 {strides = array<i32>} : memref<64x128xf32, #tpu.memory_space<vmem>>, vector<16xf32>,
      }
      %scan3A_484 = arith.constant 16 : i32
      "tpu.region"() ({
        %run_scoped3A_615 = tpu.sem_alloc : memref<!tpu.dma_semaphore, #tpu.memory_space<semaphore_mem>>
        %dma_start3A_616 = arith.constant 0 : i32
        %dma_start3A_617 = arith.constant 0 : i32
        %dma_start3A_618 = tpu.memref_slice %arg21[%dma_start3A_616, %dma_start3A_617] : memref<10240x128xf32, #tpu.memory_space<vmem_shared>> -> memref<10240x128xf32, #tpu.memory_space<vmem_shared>>
        tpu.enqueue_indirect_dma source(%arg19 : memref<64x128xf32, #tpu.memory_space<vmem>>) target(%dma_start3A_618 : memref<10240x128xf32, #tpu.memory_space<vmem_shared>>) offsets(%arg15 : memref<64xi32, #tpu.memory_space<vmem>>) semaphore(%run_scoped3A_615 : memref<!tpu.dma_semaphore, #tpu.memory_space<semaphore_mem>>) {add = true}
        %dma_wait3A_619 = arith.constant 0 : i32
        %dma_wait3A_620 = arith.constant 0 : i32
        %dma_wait3A_621 = tpu.memref_slice %arg21[%dma_wait3A_619, %dma_wait3A_620] : memref<10240x128xf32, #tpu.memory_space<vmem_shared>> -> memref<10240x128xf32, #tpu.memory_space<vmem_shared>>
        tpu.wait_indirect_dma semaphore(%run_scoped3A_615 : memref<!tpu.dma_semaphore, #tpu.memory_space<semaphore_mem>>) src(%arg19 : memref<64x128xf32, #tpu.memory_space<vmem>>) dst(%dma_wait3A_621 : memref<10240x128xf32, #tpu.memory_space<vmem_shared>>)
        tpu.yield
      }) : () -> ()
      %convert_element_type3A_485 = arith.extui %lt3A_349 : i1 to i32
      %cond3A_486 = arith.constant 0 : i32
      %cond3A_487 = arith.cmpi ne, %convert_element_type3A_485, %cond3A_486 : i32
      scf.if %cond3A_487 {
        %dma_wait3A_615 = arith.constant 0 : i32
        %dma_wait3A_616 = tpu.memref_slice %arg2[%dma_wait3A_615] : memref<323584xi32, #tpu.memory_space<hbm>> -> memref<128xi32, #tpu.memory_space<hbm>>
        %dma_wait3A_617 = arith.constant 0 : i32
        %dma_wait3A_618 = tpu.memref_slice %arg2[%dma_wait3A_617] : memref<323584xi32, #tpu.memory_space<hbm>> -> memref<128xi32, #tpu.memory_space<hbm>>
        tpu.wait_dma2 semaphore(%arg24 : memref<!tpu.dma_semaphore, #tpu.memory_space<semaphore_mem>>) src(%dma_wait3A_618 : memref<128xi32, #tpu.memory_space<hbm>>) dst(%arg11 : memref<128xi32, #tpu.memory_space<vmem>>)
        %dma_wait3A_619 = arith.constant 0 : i32
        %dma_wait3A_620 = tpu.memref_slice %arg3[%dma_wait3A_619] : memref<323584xi32, #tpu.memory_space<hbm>> -> memref<128xi32, #tpu.memory_space<hbm>>
        %dma_wait3A_621 = arith.constant 0 : i32
        %dma_wait3A_622 = tpu.memref_slice %arg3[%dma_wait3A_621] : memref<323584xi32, #tpu.memory_space<hbm>> -> memref<128xi32, #tpu.memory_space<hbm>>
        tpu.wait_dma2 semaphore(%arg24 : memref<!tpu.dma_semaphore, #tpu.memory_space<semaphore_mem>>) src(%dma_wait3A_622 : memref<128xi32, #tpu.memory_space<hbm>>) dst(%arg12 : memref<128xi32, #tpu.memory_space<vmem>>)
        %dma_start3A_623 = arith.constant 0 : i32
        %dma_start3A_624 = tpu.memref_slice %arg11[%dma_start3A_623] : memref<128xi32, #tpu.memory_space<vmem>> -> memref<64xi32, #tpu.memory_space<vmem>>
        %dma_start3A_625 = arith.constant 0 : i32
        %dma_start3A_626 = arith.constant 0 : i32
        %dma_start3A_627 = tpu.memref_slice %arg5[%dma_start3A_625, %dma_start3A_626] : memref<10240x128xf32, #tpu.memory_space<hbm>> -> memref<10240x128xf32, #tpu.memory_space<hbm>>
        tpu.enqueue_indirect_dma source(%dma_start3A_627 : memref<10240x128xf32, #tpu.memory_space<hbm>>) target(%arg19 : memref<64x128xf32, #tpu.memory_space<vmem>>) offsets(%dma_start3A_624 : memref<64xi32, #tpu.memory_space<vmem>>) semaphore(%arg22 : memref<!tpu.dma_semaphore, #tpu.memory_space<semaphore_mem>>)
      } else {
      }
      %get3A_488 = arith.constant 64 : index
      %get3A_489 = tpu.vector_load %arg13[%get3A_488] {strides = array<i32>} : memref<128xi32, #tpu.memory_space<vmem>>, vector<16xi32>,
      %get3A_490 = arith.constant 64 : index
      %get3A_491 = tpu.vector_load %arg14[%get3A_490] {strides = array<i32>} : memref<128xi32, #tpu.memory_space<vmem>>, vector<16xi32>,
      %gather3A_492 = tpu.vector_load_idx %arg8[%get3A_489] : memref<10240xf32, #tpu.memory_space<vmem>>[vector<16xi32>], vector<16xf32>,
      %gather3A_493 = tpu.vector_load_idx %arg9[%get3A_491] : memref<10240xf32, #tpu.memory_space<vmem>>[vector<16xi32>], vector<16xf32>,
      %add3A_494 = arith.addf %gather3A_492, %gather3A_493 : vector<16xf32>
      %ge3A_495 = arith.constant 0.000000e+00 : f32
      %ge3A_496 = vector.broadcast %ge3A_495 : f32 to vector<16xf32>
      %ge3A_497 = arith.cmpf oge, %add3A_494, %ge3A_496 : vector<16xf32>
      %mul3A_498 = arith.constant 2.000000e-01 : f32
      %mul3A_499 = vector.broadcast %mul3A_498 : f32 to vector<16xf32>
      %mul3A_500 = arith.mulf %mul3A_499, %add3A_494 : vector<16xf32>
      %select_n3A_501 = arith.select %ge3A_497, %add3A_494, %mul3A_500 : vector<16xi1>, vector<16xf32>
      %exp3A_502 = math.exp %select_n3A_501 : vector<16xf32>
      %add3A_503 = arith.constant 64 : i32
      %add3A_504 = arith.addi %add3A_346, %add3A_503 : i32
      %add3A_505 = vector.broadcast %add3A_504 : i32 to vector<16xi32>
      %add3A_506 = arith.addi %add3A_505, %iota3A : vector<16xi32>
      %lt3A_507 = arith.constant 320000 : i32
      %lt3A_508 = vector.broadcast %lt3A_507 : i32 to vector<16xi32>
      %lt3A_509 = arith.cmpi slt, %add3A_506, %lt3A_508 : vector<16xi32>
      %jit3A_510 = arith.constant 0.000000e+00 : f32
      %broadcast_in_dim3A_511 = vector.broadcast %jit3A_510 : f32 to vector<16xf32>
      %select_n3A_512 = arith.select %lt3A_509, %exp3A_502, %broadcast_in_dim3A_511 : vector<16xi1>, vector<16xf32>
      %swap3A_513 = arith.constant 0 : index
      %swap3A_514 = tpu.vector_load %arg18[%swap3A_513] {strides = array<i32>} : memref<64xf32, #tpu.memory_space<vmem>>, vector<16xf32>,
      tpu.vector_store %arg18[%swap3A_513], %select_n3A_512 {strides = array<i32>} : memref<64xf32, #tpu.memory_space<vmem>>, vector<16xf32>,
      %swap3A_515 = arith.constant 0 : index
      %swap3A_516 = tpu.vector_load %arg16[%swap3A_515] {strides = array<i32>} : memref<64xi32, #tpu.memory_space<vmem>>, vector<16xi32>,
      tpu.vector_store %arg16[%swap3A_515], %get3A_491 {strides = array<i32>} : memref<64xi32, #tpu.memory_space<vmem>>, vector<16xi32>,
      tpu.vector_store_idx %arg10[%get3A_491], %select_n3A_512 {add = true} : memref<10000xf32, #tpu.memory_space<vmem>>[vector<16xi32>], vector<16xf32>,
      %get3A_517 = arith.constant 80 : index
      %get3A_518 = tpu.vector_load %arg13[%get3A_517] {strides = array<i32>} : memref<128xi32, #tpu.memory_space<vmem>>, vector<16xi32>,
      %get3A_519 = arith.constant 80 : index
      %get3A_520 = tpu.vector_load %arg14[%get3A_519] {strides = array<i32>} : memref<128xi32, #tpu.memory_space<vmem>>, vector<16xi32>,
      %gather3A_521 = tpu.vector_load_idx %arg8[%get3A_518] : memref<10240xf32, #tpu.memory_space<vmem>>[vector<16xi32>], vector<16xf32>,
      %gather3A_522 = tpu.vector_load_idx %arg9[%get3A_520] : memref<10240xf32, #tpu.memory_space<vmem>>[vector<16xi32>], vector<16xf32>,
      %add3A_523 = arith.addf %gather3A_521, %gather3A_522 : vector<16xf32>
      %ge3A_524 = arith.constant 0.000000e+00 : f32
      %ge3A_525 = vector.broadcast %ge3A_524 : f32 to vector<16xf32>
      %ge3A_526 = arith.cmpf oge, %add3A_523, %ge3A_525 : vector<16xf32>
      %mul3A_527 = arith.constant 2.000000e-01 : f32
      %mul3A_528 = vector.broadcast %mul3A_527 : f32 to vector<16xf32>
      %mul3A_529 = arith.mulf %mul3A_528, %add3A_523 : vector<16xf32>
      %select_n3A_530 = arith.select %ge3A_526, %add3A_523, %mul3A_529 : vector<16xi1>, vector<16xf32>
      %exp3A_531 = math.exp %select_n3A_530 : vector<16xf32>
      %add3A_532 = arith.constant 80 : i32
      %add3A_533 = arith.addi %add3A_346, %add3A_532 : i32
      %add3A_534 = vector.broadcast %add3A_533 : i32 to vector<16xi32>
      %add3A_535 = arith.addi %add3A_534, %iota3A : vector<16xi32>
      %lt3A_536 = arith.constant 320000 : i32
      %lt3A_537 = vector.broadcast %lt3A_536 : i32 to vector<16xi32>
      %lt3A_538 = arith.cmpi slt, %add3A_535, %lt3A_537 : vector<16xi32>
      %jit3A_539 = arith.constant 0.000000e+00 : f32
      %broadcast_in_dim3A_540 = vector.broadcast %jit3A_539 : f32 to vector<16xf32>
      %select_n3A_541 = arith.select %lt3A_538, %exp3A_531, %broadcast_in_dim3A_540 : vector<16xi1>, vector<16xf32>
      %swap3A_542 = arith.constant 16 : index
      %swap3A_543 = tpu.vector_load %arg18[%swap3A_542] {strides = array<i32>} : memref<64xf32, #tpu.memory_space<vmem>>, vector<16xf32>,
      tpu.vector_store %arg18[%swap3A_542], %select_n3A_541 {strides = array<i32>} : memref<64xf32, #tpu.memory_space<vmem>>, vector<16xf32>,
      %swap3A_544 = arith.constant 16 : index
      %swap3A_545 = tpu.vector_load %arg16[%swap3A_544] {strides = array<i32>} : memref<64xi32, #tpu.memory_space<vmem>>, vector<16xi32>,
      tpu.vector_store %arg16[%swap3A_544], %get3A_520 {strides = array<i32>} : memref<64xi32, #tpu.memory_space<vmem>>, vector<16xi32>,
      tpu.vector_store_idx %arg10[%get3A_520], %select_n3A_541 {add = true} : memref<10000xf32, #tpu.memory_space<vmem>>[vector<16xi32>], vector<16xf32>,
      %get3A_546 = arith.constant 96 : index
      %get3A_547 = tpu.vector_load %arg13[%get3A_546] {strides = array<i32>} : memref<128xi32, #tpu.memory_space<vmem>>, vector<16xi32>,
      %get3A_548 = arith.constant 96 : index
      %get3A_549 = tpu.vector_load %arg14[%get3A_548] {strides = array<i32>} : memref<128xi32, #tpu.memory_space<vmem>>, vector<16xi32>,
      %gather3A_550 = tpu.vector_load_idx %arg8[%get3A_547] : memref<10240xf32, #tpu.memory_space<vmem>>[vector<16xi32>], vector<16xf32>,
      %gather3A_551 = tpu.vector_load_idx %arg9[%get3A_549] : memref<10240xf32, #tpu.memory_space<vmem>>[vector<16xi32>], vector<16xf32>,
      %add3A_552 = arith.addf %gather3A_550, %gather3A_551 : vector<16xf32>
      %ge3A_553 = arith.constant 0.000000e+00 : f32
      %ge3A_554 = vector.broadcast %ge3A_553 : f32 to vector<16xf32>
      %ge3A_555 = arith.cmpf oge, %add3A_552, %ge3A_554 : vector<16xf32>
      %mul3A_556 = arith.constant 2.000000e-01 : f32
      %mul3A_557 = vector.broadcast %mul3A_556 : f32 to vector<16xf32>
      %mul3A_558 = arith.mulf %mul3A_557, %add3A_552 : vector<16xf32>
      %select_n3A_559 = arith.select %ge3A_555, %add3A_552, %mul3A_558 : vector<16xi1>, vector<16xf32>
      %exp3A_560 = math.exp %select_n3A_559 : vector<16xf32>
      %add3A_561 = arith.constant 96 : i32
      %add3A_562 = arith.addi %add3A_346, %add3A_561 : i32
      %add3A_563 = vector.broadcast %add3A_562 : i32 to vector<16xi32>
      %add3A_564 = arith.addi %add3A_563, %iota3A : vector<16xi32>
      %lt3A_565 = arith.constant 320000 : i32
      %lt3A_566 = vector.broadcast %lt3A_565 : i32 to vector<16xi32>
      %lt3A_567 = arith.cmpi slt, %add3A_564, %lt3A_566 : vector<16xi32>
      %jit3A_568 = arith.constant 0.000000e+00 : f32
      %broadcast_in_dim3A_569 = vector.broadcast %jit3A_568 : f32 to vector<16xf32>
      %select_n3A_570 = arith.select %lt3A_567, %exp3A_560, %broadcast_in_dim3A_569 : vector<16xi1>, vector<16xf32>
      %swap3A_571 = arith.constant 32 : index
      %swap3A_572 = tpu.vector_load %arg18[%swap3A_571] {strides = array<i32>} : memref<64xf32, #tpu.memory_space<vmem>>, vector<16xf32>,
      tpu.vector_store %arg18[%swap3A_571], %select_n3A_570 {strides = array<i32>} : memref<64xf32, #tpu.memory_space<vmem>>, vector<16xf32>,
      %swap3A_573 = arith.constant 32 : index
      %swap3A_574 = tpu.vector_load %arg16[%swap3A_573] {strides = array<i32>} : memref<64xi32, #tpu.memory_space<vmem>>, vector<16xi32>,
      tpu.vector_store %arg16[%swap3A_573], %get3A_549 {strides = array<i32>} : memref<64xi32, #tpu.memory_space<vmem>>, vector<16xi32>,
      tpu.vector_store_idx %arg10[%get3A_549], %select_n3A_570 {add = true} : memref<10000xf32, #tpu.memory_space<vmem>>[vector<16xi32>], vector<16xf32>,
      %get3A_575 = arith.constant 112 : index
      %get3A_576 = tpu.vector_load %arg13[%get3A_575] {strides = array<i32>} : memref<128xi32, #tpu.memory_space<vmem>>, vector<16xi32>,
      %get3A_577 = arith.constant 112 : index
      %get3A_578 = tpu.vector_load %arg14[%get3A_577] {strides = array<i32>} : memref<128xi32, #tpu.memory_space<vmem>>, vector<16xi32>,
      %gather3A_579 = tpu.vector_load_idx %arg8[%get3A_576] : memref<10240xf32, #tpu.memory_space<vmem>>[vector<16xi32>], vector<16xf32>,
      %gather3A_580 = tpu.vector_load_idx %arg9[%get3A_578] : memref<10240xf32, #tpu.memory_space<vmem>>[vector<16xi32>], vector<16xf32>,
      %add3A_581 = arith.addf %gather3A_579, %gather3A_580 : vector<16xf32>
      %ge3A_582 = arith.constant 0.000000e+00 : f32
      %ge3A_583 = vector.broadcast %ge3A_582 : f32 to vector<16xf32>
      %ge3A_584 = arith.cmpf oge, %add3A_581, %ge3A_583 : vector<16xf32>
      %mul3A_585 = arith.constant 2.000000e-01 : f32
      %mul3A_586 = vector.broadcast %mul3A_585 : f32 to vector<16xf32>
      %mul3A_587 = arith.mulf %mul3A_586, %add3A_581 : vector<16xf32>
      %select_n3A_588 = arith.select %ge3A_584, %add3A_581, %mul3A_587 : vector<16xi1>, vector<16xf32>
      %exp3A_589 = math.exp %select_n3A_588 : vector<16xf32>
      %add3A_590 = arith.constant 112 : i32
      %add3A_591 = arith.addi %add3A_346, %add3A_590 : i32
      %add3A_592 = vector.broadcast %add3A_591 : i32 to vector<16xi32>
      %add3A_593 = arith.addi %add3A_592, %iota3A : vector<16xi32>
      %lt3A_594 = arith.constant 320000 : i32
      %lt3A_595 = vector.broadcast %lt3A_594 : i32 to vector<16xi32>
      %lt3A_596 = arith.cmpi slt, %add3A_593, %lt3A_595 : vector<16xi32>
      %jit3A_597 = arith.constant 0.000000e+00 : f32
      %broadcast_in_dim3A_598 = vector.broadcast %jit3A_597 : f32 to vector<16xf32>
      %select_n3A_599 = arith.select %lt3A_596, %exp3A_589, %broadcast_in_dim3A_598 : vector<16xi1>, vector<16xf32>
      %swap3A_600 = arith.constant 48 : index
      %swap3A_601 = tpu.vector_load %arg18[%swap3A_600] {strides = array<i32>} : memref<64xf32, #tpu.memory_space<vmem>>, vector<16xf32>,
      tpu.vector_store %arg18[%swap3A_600], %select_n3A_599 {strides = array<i32>} : memref<64xf32, #tpu.memory_space<vmem>>, vector<16xf32>,
      %swap3A_602 = arith.constant 48 : index
      %swap3A_603 = tpu.vector_load %arg16[%swap3A_602] {strides = array<i32>} : memref<64xi32, #tpu.memory_space<vmem>>, vector<16xi32>,
      tpu.vector_store %arg16[%swap3A_602], %get3A_578 {strides = array<i32>} : memref<64xi32, #tpu.memory_space<vmem>>, vector<16xi32>,
      tpu.vector_store_idx %arg10[%get3A_578], %select_n3A_599 {add = true} : memref<10000xf32, #tpu.memory_space<vmem>>[vector<16xi32>], vector<16xf32>,
      %dma_wait3A_604 = arith.constant 64 : i32
      %dma_wait3A_605 = tpu.memref_slice %arg13[%dma_wait3A_604] : memref<128xi32, #tpu.memory_space<vmem>> -> memref<64xi32, #tpu.memory_space<vmem>>
      %dma_wait3A_606 = arith.constant 0 : i32
      %dma_wait3A_607 = arith.constant 0 : i32
      %dma_wait3A_608 = tpu.memref_slice %arg5[%dma_wait3A_606, %dma_wait3A_607] : memref<10240x128xf32, #tpu.memory_space<hbm>> -> memref<10240x128xf32, #tpu.memory_space<hbm>>
      tpu.wait_indirect_dma semaphore(%arg23 : memref<!tpu.dma_semaphore, #tpu.memory_space<semaphore_mem>>) src(%dma_wait3A_608 : memref<10240x128xf32, #tpu.memory_space<hbm>>) dst(%arg20 : memref<64x128xf32, #tpu.memory_space<vmem>>)
      %scan3A_609 = arith.constant 0 : i32
      %scan3A_610 = arith.constant 0 : i32
      %scan3A_611 = arith.constant 16 : i32
      %scan3A_612 = arith.addi %scan3A_610, %scan3A_611 : i32
      %scan3A_613 = arith.constant 1 : i32
      scf.for %scan3A_615 = %scan3A_610 to %scan3A_612 step %scan3A_613  : i32 {
        %mul3A_616 = arith.constant 4 : i32
        %mul3A_617 = arith.muli %scan3A_615, %mul3A_616 : i32
        %add3A_618 = arith.constant 0 : i32
        %add3A_619 = arith.addi %mul3A_617, %add3A_618 : i32
        %broadcast_in_dim3A_620 = vector.broadcast %add3A_619 : i32 to vector<16xi32>
        %gather3A_621 = tpu.vector_load_idx %arg18[%broadcast_in_dim3A_620] : memref<64xf32, #tpu.memory_space<vmem>>[vector<16xi32>], vector<16xf32>,
        %get3A_622 = arith.index_cast %add3A_619 : i32 to index
        %get3A_623 = arith.constant 0 : index
        %get3A_624 = tpu.vector_load %arg20[%get3A_622, %get3A_623] {strides = array<i32>} : memref<64x128xf32, #tpu.memory_space<vmem>>, vector<16xf32>,
        %mul3A_625 = arith.mulf %get3A_624, %gather3A_621 : vector<16xf32>
        %swap3A_626 = arith.index_cast %add3A_619 : i32 to index
        %swap3A_627 = arith.constant 0 : index
        %swap3A_628 = tpu.vector_load %arg20[%swap3A_626, %swap3A_627] {strides = array<i32>} : memref<64x128xf32, #tpu.memory_space<vmem>>, vector<16xf32>,
        tpu.vector_store %arg20[%swap3A_626, %swap3A_627], %mul3A_625 {strides = array<i32>} : memref<64x128xf32, #tpu.memory_space<vmem>>, vector<16xf32>,
        %get3A_629 = arith.index_cast %add3A_619 : i32 to index
        %get3A_630 = arith.constant 16 : index
        %get3A_631 = tpu.vector_load %arg20[%get3A_629, %get3A_630] {strides = array<i32>} : memref<64x128xf32, #tpu.memory_space<vmem>>, vector<16xf32>,
        %mul3A_632 = arith.mulf %get3A_631, %gather3A_621 : vector<16xf32>
        %swap3A_633 = arith.index_cast %add3A_619 : i32 to index
        %swap3A_634 = arith.constant 16 : index
        %swap3A_635 = tpu.vector_load %arg20[%swap3A_633, %swap3A_634] {strides = array<i32>} : memref<64x128xf32, #tpu.memory_space<vmem>>, vector<16xf32>,
        tpu.vector_store %arg20[%swap3A_633, %swap3A_634], %mul3A_632 {strides = array<i32>} : memref<64x128xf32, #tpu.memory_space<vmem>>, vector<16xf32>,
        %get3A_636 = arith.index_cast %add3A_619 : i32 to index
        %get3A_637 = arith.constant 32 : index
        %get3A_638 = tpu.vector_load %arg20[%get3A_636, %get3A_637] {strides = array<i32>} : memref<64x128xf32, #tpu.memory_space<vmem>>, vector<16xf32>,
        %mul3A_639 = arith.mulf %get3A_638, %gather3A_621 : vector<16xf32>
        %swap3A_640 = arith.index_cast %add3A_619 : i32 to index
        %swap3A_641 = arith.constant 32 : index
        %swap3A_642 = tpu.vector_load %arg20[%swap3A_640, %swap3A_641] {strides = array<i32>} : memref<64x128xf32, #tpu.memory_space<vmem>>, vector<16xf32>,
        tpu.vector_store %arg20[%swap3A_640, %swap3A_641], %mul3A_639 {strides = array<i32>} : memref<64x128xf32, #tpu.memory_space<vmem>>, vector<16xf32>,
        %get3A_643 = arith.index_cast %add3A_619 : i32 to index
        %get3A_644 = arith.constant 48 : index
        %get3A_645 = tpu.vector_load %arg20[%get3A_643, %get3A_644] {strides = array<i32>} : memref<64x128xf32, #tpu.memory_space<vmem>>, vector<16xf32>,
        %mul3A_646 = arith.mulf %get3A_645, %gather3A_621 : vector<16xf32>
        %swap3A_647 = arith.index_cast %add3A_619 : i32 to index
        %swap3A_648 = arith.constant 48 : index
        %swap3A_649 = tpu.vector_load %arg20[%swap3A_647, %swap3A_648] {strides = array<i32>} : memref<64x128xf32, #tpu.memory_space<vmem>>, vector<16xf32>,
        tpu.vector_store %arg20[%swap3A_647, %swap3A_648], %mul3A_646 {strides = array<i32>} : memref<64x128xf32, #tpu.memory_space<vmem>>, vector<16xf32>,
        %get3A_650 = arith.index_cast %add3A_619 : i32 to index
        %get3A_651 = arith.constant 64 : index
        %get3A_652 = tpu.vector_load %arg20[%get3A_650, %get3A_651] {strides = array<i32>} : memref<64x128xf32, #tpu.memory_space<vmem>>, vector<16xf32>,
        %mul3A_653 = arith.mulf %get3A_652, %gather3A_621 : vector<16xf32>
        %swap3A_654 = arith.index_cast %add3A_619 : i32 to index
        %swap3A_655 = arith.constant 64 : index
        %swap3A_656 = tpu.vector_load %arg20[%swap3A_654, %swap3A_655] {strides = array<i32>} : memref<64x128xf32, #tpu.memory_space<vmem>>, vector<16xf32>,
        tpu.vector_store %arg20[%swap3A_654, %swap3A_655], %mul3A_653 {strides = array<i32>} : memref<64x128xf32, #tpu.memory_space<vmem>>, vector<16xf32>,
        %get3A_657 = arith.index_cast %add3A_619 : i32 to index
        %get3A_658 = arith.constant 80 : index
        %get3A_659 = tpu.vector_load %arg20[%get3A_657, %get3A_658] {strides = array<i32>} : memref<64x128xf32, #tpu.memory_space<vmem>>, vector<16xf32>,
        %mul3A_660 = arith.mulf %get3A_659, %gather3A_621 : vector<16xf32>
        %swap3A_661 = arith.index_cast %add3A_619 : i32 to index
        %swap3A_662 = arith.constant 80 : index
        %swap3A_663 = tpu.vector_load %arg20[%swap3A_661, %swap3A_662] {strides = array<i32>} : memref<64x128xf32, #tpu.memory_space<vmem>>, vector<16xf32>,
        tpu.vector_store %arg20[%swap3A_661, %swap3A_662], %mul3A_660 {strides = array<i32>} : memref<64x128xf32, #tpu.memory_space<vmem>>, vector<16xf32>,
        %get3A_664 = arith.index_cast %add3A_619 : i32 to index
        %get3A_665 = arith.constant 96 : index
        %get3A_666 = tpu.vector_load %arg20[%get3A_664, %get3A_665] {strides = array<i32>} : memref<64x128xf32, #tpu.memory_space<vmem>>, vector<16xf32>,
        %mul3A_667 = arith.mulf %get3A_666, %gather3A_621 : vector<16xf32>
        %swap3A_668 = arith.index_cast %add3A_619 : i32 to index
        %swap3A_669 = arith.constant 96 : index
        %swap3A_670 = tpu.vector_load %arg20[%swap3A_668, %swap3A_669] {strides = array<i32>} : memref<64x128xf32, #tpu.memory_space<vmem>>, vector<16xf32>,
        tpu.vector_store %arg20[%swap3A_668, %swap3A_669], %mul3A_667 {strides = array<i32>} : memref<64x128xf32, #tpu.memory_space<vmem>>, vector<16xf32>,
        %get3A_671 = arith.index_cast %add3A_619 : i32 to index
        %get3A_672 = arith.constant 112 : index
        %get3A_673 = tpu.vector_load %arg20[%get3A_671, %get3A_672] {strides = array<i32>} : memref<64x128xf32, #tpu.memory_space<vmem>>, vector<16xf32>,
        %mul3A_674 = arith.mulf %get3A_673, %gather3A_621 : vector<16xf32>
        %swap3A_675 = arith.index_cast %add3A_619 : i32 to index
        %swap3A_676 = arith.constant 112 : index
        %swap3A_677 = tpu.vector_load %arg20[%swap3A_675, %swap3A_676] {strides = array<i32>} : memref<64x128xf32, #tpu.memory_space<vmem>>, vector<16xf32>,
        tpu.vector_store %arg20[%swap3A_675, %swap3A_676], %mul3A_674 {strides = array<i32>} : memref<64x128xf32, #tpu.memory_space<vmem>>, vector<16xf32>,
        %mul3A_678 = arith.constant 4 : i32
        %mul3A_679 = arith.muli %scan3A_615, %mul3A_678 : i32
        %add3A_680 = arith.constant 1 : i32
        %add3A_681 = arith.addi %mul3A_679, %add3A_680 : i32
        %broadcast_in_dim3A_682 = vector.broadcast %add3A_681 : i32 to vector<16xi32>
        %gather3A_683 = tpu.vector_load_idx %arg18[%broadcast_in_dim3A_682] : memref<64xf32, #tpu.memory_space<vmem>>[vector<16xi32>], vector<16xf32>,
        %get3A_684 = arith.index_cast %add3A_681 : i32 to index
        %get3A_685 = arith.constant 0 : index
        %get3A_686 = tpu.vector_load %arg20[%get3A_684, %get3A_685] {strides = array<i32>} : memref<64x128xf32, #tpu.memory_space<vmem>>, vector<16xf32>,
        %mul3A_687 = arith.mulf %get3A_686, %gather3A_683 : vector<16xf32>
        %swap3A_688 = arith.index_cast %add3A_681 : i32 to index
        %swap3A_689 = arith.constant 0 : index
        %swap3A_690 = tpu.vector_load %arg20[%swap3A_688, %swap3A_689] {strides = array<i32>} : memref<64x128xf32, #tpu.memory_space<vmem>>, vector<16xf32>,
        tpu.vector_store %arg20[%swap3A_688, %swap3A_689], %mul3A_687 {strides = array<i32>} : memref<64x128xf32, #tpu.memory_space<vmem>>, vector<16xf32>,
        %get3A_691 = arith.index_cast %add3A_681 : i32 to index
        %get3A_692 = arith.constant 16 : index
        %get3A_693 = tpu.vector_load %arg20[%get3A_691, %get3A_692] {strides = array<i32>} : memref<64x128xf32, #tpu.memory_space<vmem>>, vector<16xf32>,
        %mul3A_694 = arith.mulf %get3A_693, %gather3A_683 : vector<16xf32>
        %swap3A_695 = arith.index_cast %add3A_681 : i32 to index
        %swap3A_696 = arith.constant 16 : index
        %swap3A_697 = tpu.vector_load %arg20[%swap3A_695, %swap3A_696] {strides = array<i32>} : memref<64x128xf32, #tpu.memory_space<vmem>>, vector<16xf32>,
        tpu.vector_store %arg20[%swap3A_695, %swap3A_696], %mul3A_694 {strides = array<i32>} : memref<64x128xf32, #tpu.memory_space<vmem>>, vector<16xf32>,
        %get3A_698 = arith.index_cast %add3A_681 : i32 to index
        %get3A_699 = arith.constant 32 : index
        %get3A_700 = tpu.vector_load %arg20[%get3A_698, %get3A_699] {strides = array<i32>} : memref<64x128xf32, #tpu.memory_space<vmem>>, vector<16xf32>,
        %mul3A_701 = arith.mulf %get3A_700, %gather3A_683 : vector<16xf32>
        %swap3A_702 = arith.index_cast %add3A_681 : i32 to index
        %swap3A_703 = arith.constant 32 : index
        %swap3A_704 = tpu.vector_load %arg20[%swap3A_702, %swap3A_703] {strides = array<i32>} : memref<64x128xf32, #tpu.memory_space<vmem>>, vector<16xf32>,
        tpu.vector_store %arg20[%swap3A_702, %swap3A_703], %mul3A_701 {strides = array<i32>} : memref<64x128xf32, #tpu.memory_space<vmem>>, vector<16xf32>,
        %get3A_705 = arith.index_cast %add3A_681 : i32 to index
        %get3A_706 = arith.constant 48 : index
        %get3A_707 = tpu.vector_load %arg20[%get3A_705, %get3A_706] {strides = array<i32>} : memref<64x128xf32, #tpu.memory_space<vmem>>, vector<16xf32>,
        %mul3A_708 = arith.mulf %get3A_707, %gather3A_683 : vector<16xf32>
        %swap3A_709 = arith.index_cast %add3A_681 : i32 to index
        %swap3A_710 = arith.constant 48 : index
        %swap3A_711 = tpu.vector_load %arg20[%swap3A_709, %swap3A_710] {strides = array<i32>} : memref<64x128xf32, #tpu.memory_space<vmem>>, vector<16xf32>,
        tpu.vector_store %arg20[%swap3A_709, %swap3A_710], %mul3A_708 {strides = array<i32>} : memref<64x128xf32, #tpu.memory_space<vmem>>, vector<16xf32>,
        %get3A_712 = arith.index_cast %add3A_681 : i32 to index
        %get3A_713 = arith.constant 64 : index
        %get3A_714 = tpu.vector_load %arg20[%get3A_712, %get3A_713] {strides = array<i32>} : memref<64x128xf32, #tpu.memory_space<vmem>>, vector<16xf32>,
        %mul3A_715 = arith.mulf %get3A_714, %gather3A_683 : vector<16xf32>
        %swap3A_716 = arith.index_cast %add3A_681 : i32 to index
        %swap3A_717 = arith.constant 64 : index
        %swap3A_718 = tpu.vector_load %arg20[%swap3A_716, %swap3A_717] {strides = array<i32>} : memref<64x128xf32, #tpu.memory_space<vmem>>, vector<16xf32>,
        tpu.vector_store %arg20[%swap3A_716, %swap3A_717], %mul3A_715 {strides = array<i32>} : memref<64x128xf32, #tpu.memory_space<vmem>>, vector<16xf32>,
        %get3A_719 = arith.index_cast %add3A_681 : i32 to index
        %get3A_720 = arith.constant 80 : index
        %get3A_721 = tpu.vector_load %arg20[%get3A_719, %get3A_720] {strides = array<i32>} : memref<64x128xf32, #tpu.memory_space<vmem>>, vector<16xf32>,
        %mul3A_722 = arith.mulf %get3A_721, %gather3A_683 : vector<16xf32>
        %swap3A_723 = arith.index_cast %add3A_681 : i32 to index
        %swap3A_724 = arith.constant 80 : index
        %swap3A_725 = tpu.vector_load %arg20[%swap3A_723, %swap3A_724] {strides = array<i32>} : memref<64x128xf32, #tpu.memory_space<vmem>>, vector<16xf32>,
        tpu.vector_store %arg20[%swap3A_723, %swap3A_724], %mul3A_722 {strides = array<i32>} : memref<64x128xf32, #tpu.memory_space<vmem>>, vector<16xf32>,
        %get3A_726 = arith.index_cast %add3A_681 : i32 to index
        %get3A_727 = arith.constant 96 : index
        %get3A_728 = tpu.vector_load %arg20[%get3A_726, %get3A_727] {strides = array<i32>} : memref<64x128xf32, #tpu.memory_space<vmem>>, vector<16xf32>,
        %mul3A_729 = arith.mulf %get3A_728, %gather3A_683 : vector<16xf32>
        %swap3A_730 = arith.index_cast %add3A_681 : i32 to index
        %swap3A_731 = arith.constant 96 : index
        %swap3A_732 = tpu.vector_load %arg20[%swap3A_730, %swap3A_731] {strides = array<i32>} : memref<64x128xf32, #tpu.memory_space<vmem>>, vector<16xf32>,
        tpu.vector_store %arg20[%swap3A_730, %swap3A_731], %mul3A_729 {strides = array<i32>} : memref<64x128xf32, #tpu.memory_space<vmem>>, vector<16xf32>,
        %get3A_733 = arith.index_cast %add3A_681 : i32 to index
        %get3A_734 = arith.constant 112 : index
        %get3A_735 = tpu.vector_load %arg20[%get3A_733, %get3A_734] {strides = array<i32>} : memref<64x128xf32, #tpu.memory_space<vmem>>, vector<16xf32>,
        %mul3A_736 = arith.mulf %get3A_735, %gather3A_683 : vector<16xf32>
        %swap3A_737 = arith.index_cast %add3A_681 : i32 to index
        %swap3A_738 = arith.constant 112 : index
        %swap3A_739 = tpu.vector_load %arg20[%swap3A_737, %swap3A_738] {strides = array<i32>} : memref<64x128xf32, #tpu.memory_space<vmem>>, vector<16xf32>,
        tpu.vector_store %arg20[%swap3A_737, %swap3A_738], %mul3A_736 {strides = array<i32>} : memref<64x128xf32, #tpu.memory_space<vmem>>, vector<16xf32>,
        %mul3A_740 = arith.constant 4 : i32
        %mul3A_741 = arith.muli %scan3A_615, %mul3A_740 : i32
        %add3A_742 = arith.constant 2 : i32
        %add3A_743 = arith.addi %mul3A_741, %add3A_742 : i32
        %broadcast_in_dim3A_744 = vector.broadcast %add3A_743 : i32 to vector<16xi32>
        %gather3A_745 = tpu.vector_load_idx %arg18[%broadcast_in_dim3A_744] : memref<64xf32, #tpu.memory_space<vmem>>[vector<16xi32>], vector<16xf32>,
        %get3A_746 = arith.index_cast %add3A_743 : i32 to index
        %get3A_747 = arith.constant 0 : index
        %get3A_748 = tpu.vector_load %arg20[%get3A_746, %get3A_747] {strides = array<i32>} : memref<64x128xf32, #tpu.memory_space<vmem>>, vector<16xf32>,
        %mul3A_749 = arith.mulf %get3A_748, %gather3A_745 : vector<16xf32>
        %swap3A_750 = arith.index_cast %add3A_743 : i32 to index
        %swap3A_751 = arith.constant 0 : index
        %swap3A_752 = tpu.vector_load %arg20[%swap3A_750, %swap3A_751] {strides = array<i32>} : memref<64x128xf32, #tpu.memory_space<vmem>>, vector<16xf32>,
        tpu.vector_store %arg20[%swap3A_750, %swap3A_751], %mul3A_749 {strides = array<i32>} : memref<64x128xf32, #tpu.memory_space<vmem>>, vector<16xf32>,
        %get3A_753 = arith.index_cast %add3A_743 : i32 to index
        %get3A_754 = arith.constant 16 : index
        %get3A_755 = tpu.vector_load %arg20[%get3A_753, %get3A_754] {strides = array<i32>} : memref<64x128xf32, #tpu.memory_space<vmem>>, vector<16xf32>,
        %mul3A_756 = arith.mulf %get3A_755, %gather3A_745 : vector<16xf32>
        %swap3A_757 = arith.index_cast %add3A_743 : i32 to index
        %swap3A_758 = arith.constant 16 : index
        %swap3A_759 = tpu.vector_load %arg20[%swap3A_757, %swap3A_758] {strides = array<i32>} : memref<64x128xf32, #tpu.memory_space<vmem>>, vector<16xf32>,
        tpu.vector_store %arg20[%swap3A_757, %swap3A_758], %mul3A_756 {strides = array<i32>} : memref<64x128xf32, #tpu.memory_space<vmem>>, vector<16xf32>,
        %get3A_760 = arith.index_cast %add3A_743 : i32 to index
        %get3A_761 = arith.constant 32 : index
        %get3A_762 = tpu.vector_load %arg20[%get3A_760, %get3A_761] {strides = array<i32>} : memref<64x128xf32, #tpu.memory_space<vmem>>, vector<16xf32>,
        %mul3A_763 = arith.mulf %get3A_762, %gather3A_745 : vector<16xf32>
        %swap3A_764 = arith.index_cast %add3A_743 : i32 to index
        %swap3A_765 = arith.constant 32 : index
        %swap3A_766 = tpu.vector_load %arg20[%swap3A_764, %swap3A_765] {strides = array<i32>} : memref<64x128xf32, #tpu.memory_space<vmem>>, vector<16xf32>,
        tpu.vector_store %arg20[%swap3A_764, %swap3A_765], %mul3A_763 {strides = array<i32>} : memref<64x128xf32, #tpu.memory_space<vmem>>, vector<16xf32>,
        %get3A_767 = arith.index_cast %add3A_743 : i32 to index
        %get3A_768 = arith.constant 48 : index
        %get3A_769 = tpu.vector_load %arg20[%get3A_767, %get3A_768] {strides = array<i32>} : memref<64x128xf32, #tpu.memory_space<vmem>>, vector<16xf32>,
        %mul3A_770 = arith.mulf %get3A_769, %gather3A_745 : vector<16xf32>
        %swap3A_771 = arith.index_cast %add3A_743 : i32 to index
        %swap3A_772 = arith.constant 48 : index
        %swap3A_773 = tpu.vector_load %arg20[%swap3A_771, %swap3A_772] {strides = array<i32>} : memref<64x128xf32, #tpu.memory_space<vmem>>, vector<16xf32>,
        tpu.vector_store %arg20[%swap3A_771, %swap3A_772], %mul3A_770 {strides = array<i32>} : memref<64x128xf32, #tpu.memory_space<vmem>>, vector<16xf32>,
        %get3A_774 = arith.index_cast %add3A_743 : i32 to index
        %get3A_775 = arith.constant 64 : index
        %get3A_776 = tpu.vector_load %arg20[%get3A_774, %get3A_775] {strides = array<i32>} : memref<64x128xf32, #tpu.memory_space<vmem>>, vector<16xf32>,
        %mul3A_777 = arith.mulf %get3A_776, %gather3A_745 : vector<16xf32>
        %swap3A_778 = arith.index_cast %add3A_743 : i32 to index
        %swap3A_779 = arith.constant 64 : index
        %swap3A_780 = tpu.vector_load %arg20[%swap3A_778, %swap3A_779] {strides = array<i32>} : memref<64x128xf32, #tpu.memory_space<vmem>>, vector<16xf32>,
        tpu.vector_store %arg20[%swap3A_778, %swap3A_779], %mul3A_777 {strides = array<i32>} : memref<64x128xf32, #tpu.memory_space<vmem>>, vector<16xf32>,
        %get3A_781 = arith.index_cast %add3A_743 : i32 to index
        %get3A_782 = arith.constant 80 : index
        %get3A_783 = tpu.vector_load %arg20[%get3A_781, %get3A_782] {strides = array<i32>} : memref<64x128xf32, #tpu.memory_space<vmem>>, vector<16xf32>,
        %mul3A_784 = arith.mulf %get3A_783, %gather3A_745 : vector<16xf32>
        %swap3A_785 = arith.index_cast %add3A_743 : i32 to index
        %swap3A_786 = arith.constant 80 : index
        %swap3A_787 = tpu.vector_load %arg20[%swap3A_785, %swap3A_786] {strides = array<i32>} : memref<64x128xf32, #tpu.memory_space<vmem>>, vector<16xf32>,
        tpu.vector_store %arg20[%swap3A_785, %swap3A_786], %mul3A_784 {strides = array<i32>} : memref<64x128xf32, #tpu.memory_space<vmem>>, vector<16xf32>,
        %get3A_788 = arith.index_cast %add3A_743 : i32 to index
        %get3A_789 = arith.constant 96 : index
        %get3A_790 = tpu.vector_load %arg20[%get3A_788, %get3A_789] {strides = array<i32>} : memref<64x128xf32, #tpu.memory_space<vmem>>, vector<16xf32>,
        %mul3A_791 = arith.mulf %get3A_790, %gather3A_745 : vector<16xf32>
        %swap3A_792 = arith.index_cast %add3A_743 : i32 to index
        %swap3A_793 = arith.constant 96 : index
        %swap3A_794 = tpu.vector_load %arg20[%swap3A_792, %swap3A_793] {strides = array<i32>} : memref<64x128xf32, #tpu.memory_space<vmem>>, vector<16xf32>,
        tpu.vector_store %arg20[%swap3A_792, %swap3A_793], %mul3A_791 {strides = array<i32>} : memref<64x128xf32, #tpu.memory_space<vmem>>, vector<16xf32>,
        %get3A_795 = arith.index_cast %add3A_743 : i32 to index
        %get3A_796 = arith.constant 112 : index
        %get3A_797 = tpu.vector_load %arg20[%get3A_795, %get3A_796] {strides = array<i32>} : memref<64x128xf32, #tpu.memory_space<vmem>>, vector<16xf32>,
        %mul3A_798 = arith.mulf %get3A_797, %gather3A_745 : vector<16xf32>
        %swap3A_799 = arith.index_cast %add3A_743 : i32 to index
        %swap3A_800 = arith.constant 112 : index
        %swap3A_801 = tpu.vector_load %arg20[%swap3A_799, %swap3A_800] {strides = array<i32>} : memref<64x128xf32, #tpu.memory_space<vmem>>, vector<16xf32>,
        tpu.vector_store %arg20[%swap3A_799, %swap3A_800], %mul3A_798 {strides = array<i32>} : memref<64x128xf32, #tpu.memory_space<vmem>>, vector<16xf32>,
        %mul3A_802 = arith.constant 4 : i32
        %mul3A_803 = arith.muli %scan3A_615, %mul3A_802 : i32
        %add3A_804 = arith.constant 3 : i32
        %add3A_805 = arith.addi %mul3A_803, %add3A_804 : i32
        %broadcast_in_dim3A_806 = vector.broadcast %add3A_805 : i32 to vector<16xi32>
        %gather3A_807 = tpu.vector_load_idx %arg18[%broadcast_in_dim3A_806] : memref<64xf32, #tpu.memory_space<vmem>>[vector<16xi32>], vector<16xf32>,
        %get3A_808 = arith.index_cast %add3A_805 : i32 to index
        %get3A_809 = arith.constant 0 : index
        %get3A_810 = tpu.vector_load %arg20[%get3A_808, %get3A_809] {strides = array<i32>} : memref<64x128xf32, #tpu.memory_space<vmem>>, vector<16xf32>,
        %mul3A_811 = arith.mulf %get3A_810, %gather3A_807 : vector<16xf32>
        %swap3A_812 = arith.index_cast %add3A_805 : i32 to index
        %swap3A_813 = arith.constant 0 : index
        %swap3A_814 = tpu.vector_load %arg20[%swap3A_812, %swap3A_813] {strides = array<i32>} : memref<64x128xf32, #tpu.memory_space<vmem>>, vector<16xf32>,
        tpu.vector_store %arg20[%swap3A_812, %swap3A_813], %mul3A_811 {strides = array<i32>} : memref<64x128xf32, #tpu.memory_space<vmem>>, vector<16xf32>,
        %get3A_815 = arith.index_cast %add3A_805 : i32 to index
        %get3A_816 = arith.constant 16 : index
        %get3A_817 = tpu.vector_load %arg20[%get3A_815, %get3A_816] {strides = array<i32>} : memref<64x128xf32, #tpu.memory_space<vmem>>, vector<16xf32>,
        %mul3A_818 = arith.mulf %get3A_817, %gather3A_807 : vector<16xf32>
        %swap3A_819 = arith.index_cast %add3A_805 : i32 to index
        %swap3A_820 = arith.constant 16 : index
        %swap3A_821 = tpu.vector_load %arg20[%swap3A_819, %swap3A_820] {strides = array<i32>} : memref<64x128xf32, #tpu.memory_space<vmem>>, vector<16xf32>,
        tpu.vector_store %arg20[%swap3A_819, %swap3A_820], %mul3A_818 {strides = array<i32>} : memref<64x128xf32, #tpu.memory_space<vmem>>, vector<16xf32>,
        %get3A_822 = arith.index_cast %add3A_805 : i32 to index
        %get3A_823 = arith.constant 32 : index
        %get3A_824 = tpu.vector_load %arg20[%get3A_822, %get3A_823] {strides = array<i32>} : memref<64x128xf32, #tpu.memory_space<vmem>>, vector<16xf32>,
        %mul3A_825 = arith.mulf %get3A_824, %gather3A_807 : vector<16xf32>
        %swap3A_826 = arith.index_cast %add3A_805 : i32 to index
        %swap3A_827 = arith.constant 32 : index
        %swap3A_828 = tpu.vector_load %arg20[%swap3A_826, %swap3A_827] {strides = array<i32>} : memref<64x128xf32, #tpu.memory_space<vmem>>, vector<16xf32>,
        tpu.vector_store %arg20[%swap3A_826, %swap3A_827], %mul3A_825 {strides = array<i32>} : memref<64x128xf32, #tpu.memory_space<vmem>>, vector<16xf32>,
        %get3A_829 = arith.index_cast %add3A_805 : i32 to index
        %get3A_830 = arith.constant 48 : index
        %get3A_831 = tpu.vector_load %arg20[%get3A_829, %get3A_830] {strides = array<i32>} : memref<64x128xf32, #tpu.memory_space<vmem>>, vector<16xf32>,
        %mul3A_832 = arith.mulf %get3A_831, %gather3A_807 : vector<16xf32>
        %swap3A_833 = arith.index_cast %add3A_805 : i32 to index
        %swap3A_834 = arith.constant 48 : index
        %swap3A_835 = tpu.vector_load %arg20[%swap3A_833, %swap3A_834] {strides = array<i32>} : memref<64x128xf32, #tpu.memory_space<vmem>>, vector<16xf32>,
        tpu.vector_store %arg20[%swap3A_833, %swap3A_834], %mul3A_832 {strides = array<i32>} : memref<64x128xf32, #tpu.memory_space<vmem>>, vector<16xf32>,
        %get3A_836 = arith.index_cast %add3A_805 : i32 to index
        %get3A_837 = arith.constant 64 : index
        %get3A_838 = tpu.vector_load %arg20[%get3A_836, %get3A_837] {strides = array<i32>} : memref<64x128xf32, #tpu.memory_space<vmem>>, vector<16xf32>,
        %mul3A_839 = arith.mulf %get3A_838, %gather3A_807 : vector<16xf32>
        %swap3A_840 = arith.index_cast %add3A_805 : i32 to index
        %swap3A_841 = arith.constant 64 : index
        %swap3A_842 = tpu.vector_load %arg20[%swap3A_840, %swap3A_841] {strides = array<i32>} : memref<64x128xf32, #tpu.memory_space<vmem>>, vector<16xf32>,
        tpu.vector_store %arg20[%swap3A_840, %swap3A_841], %mul3A_839 {strides = array<i32>} : memref<64x128xf32, #tpu.memory_space<vmem>>, vector<16xf32>,
        %get3A_843 = arith.index_cast %add3A_805 : i32 to index
        %get3A_844 = arith.constant 80 : index
        %get3A_845 = tpu.vector_load %arg20[%get3A_843, %get3A_844] {strides = array<i32>} : memref<64x128xf32, #tpu.memory_space<vmem>>, vector<16xf32>,
        %mul3A_846 = arith.mulf %get3A_845, %gather3A_807 : vector<16xf32>
        %swap3A_847 = arith.index_cast %add3A_805 : i32 to index
        %swap3A_848 = arith.constant 80 : index
        %swap3A_849 = tpu.vector_load %arg20[%swap3A_847, %swap3A_848] {strides = array<i32>} : memref<64x128xf32, #tpu.memory_space<vmem>>, vector<16xf32>,
        tpu.vector_store %arg20[%swap3A_847, %swap3A_848], %mul3A_846 {strides = array<i32>} : memref<64x128xf32, #tpu.memory_space<vmem>>, vector<16xf32>,
        %get3A_850 = arith.index_cast %add3A_805 : i32 to index
        %get3A_851 = arith.constant 96 : index
        %get3A_852 = tpu.vector_load %arg20[%get3A_850, %get3A_851] {strides = array<i32>} : memref<64x128xf32, #tpu.memory_space<vmem>>, vector<16xf32>,
        %mul3A_853 = arith.mulf %get3A_852, %gather3A_807 : vector<16xf32>
        %swap3A_854 = arith.index_cast %add3A_805 : i32 to index
        %swap3A_855 = arith.constant 96 : index
        %swap3A_856 = tpu.vector_load %arg20[%swap3A_854, %swap3A_855] {strides = array<i32>} : memref<64x128xf32, #tpu.memory_space<vmem>>, vector<16xf32>,
        tpu.vector_store %arg20[%swap3A_854, %swap3A_855], %mul3A_853 {strides = array<i32>} : memref<64x128xf32, #tpu.memory_space<vmem>>, vector<16xf32>,
        %get3A_857 = arith.index_cast %add3A_805 : i32 to index
        %get3A_858 = arith.constant 112 : index
        %get3A_859 = tpu.vector_load %arg20[%get3A_857, %get3A_858] {strides = array<i32>} : memref<64x128xf32, #tpu.memory_space<vmem>>, vector<16xf32>,
        %mul3A_860 = arith.mulf %get3A_859, %gather3A_807 : vector<16xf32>
        %swap3A_861 = arith.index_cast %add3A_805 : i32 to index
        %swap3A_862 = arith.constant 112 : index
        %swap3A_863 = tpu.vector_load %arg20[%swap3A_861, %swap3A_862] {strides = array<i32>} : memref<64x128xf32, #tpu.memory_space<vmem>>, vector<16xf32>,
        tpu.vector_store %arg20[%swap3A_861, %swap3A_862], %mul3A_860 {strides = array<i32>} : memref<64x128xf32, #tpu.memory_space<vmem>>, vector<16xf32>,
      }
      %scan3A_614 = arith.constant 16 : i32
      "tpu.region"() ({
        %run_scoped3A_615 = tpu.sem_alloc : memref<!tpu.dma_semaphore, #tpu.memory_space<semaphore_mem>>
        %dma_start3A_616 = arith.constant 0 : i32
        %dma_start3A_617 = arith.constant 0 : i32
        %dma_start3A_618 = tpu.memref_slice %arg21[%dma_start3A_616, %dma_start3A_617] : memref<10240x128xf32, #tpu.memory_space<vmem_shared>> -> memref<10240x128xf32, #tpu.memory_space<vmem_shared>>
        tpu.enqueue_indirect_dma source(%arg20 : memref<64x128xf32, #tpu.memory_space<vmem>>) target(%dma_start3A_618 : memref<10240x128xf32, #tpu.memory_space<vmem_shared>>) offsets(%arg16 : memref<64xi32, #tpu.memory_space<vmem>>) semaphore(%run_scoped3A_615 : memref<!tpu.dma_semaphore, #tpu.memory_space<semaphore_mem>>) {add = true}
        %dma_wait3A_619 = arith.constant 0 : i32
        %dma_wait3A_620 = arith.constant 0 : i32
        %dma_wait3A_621 = tpu.memref_slice %arg21[%dma_wait3A_619, %dma_wait3A_620] : memref<10240x128xf32, #tpu.memory_space<vmem_shared>> -> memref<10240x128xf32, #tpu.memory_space<vmem_shared>>
        tpu.wait_indirect_dma semaphore(%run_scoped3A_615 : memref<!tpu.dma_semaphore, #tpu.memory_space<semaphore_mem>>) src(%arg20 : memref<64x128xf32, #tpu.memory_space<vmem>>) dst(%dma_wait3A_621 : memref<10240x128xf32, #tpu.memory_space<vmem_shared>>)
        tpu.yield
      }) : () -> ()
    }
    %while3A_76 = arith.constant 1 : i32
    scf.for %while3A_82 = %while3A_74 to %while3A_70 step %while3A_76  : i32 {
      %mul3A_83 = arith.constant 2 : i32
      %mul3A_84 = arith.muli %mul3A_83, %while3A_82 : i32
      %mul3A_85 = arith.constant 128 : i32
      %mul3A_86 = arith.muli %mul3A_84, %mul3A_85 : i32
      %add3A_87 = arith.addi %select_n3A, %mul3A_86 : i32
      %ge3A = arith.constant 0 : i32
      %ge3A_88 = arith.cmpi sge, %while3A_82, %ge3A : i32
      %convert_element_type3A = arith.extui %ge3A_88 : i1 to i32
      %cond3A = arith.constant 0 : i32
      %cond3A_89 = arith.cmpi ne, %convert_element_type3A, %cond3A : i32
      scf.if %cond3A_89 {
        %add3A_615 = arith.constant 128 : i32
        %add3A_616 = arith.addi %add3A_87, %add3A_615 : i32
        %dma_start3A_617 = tpu.memref_slice %arg2[%add3A_616] : memref<323584xi32, #tpu.memory_space<hbm>> -> memref<128xi32, #tpu.memory_space<hbm>>
        %dma_start3A_618 = tpu.memref_slice %arg2[%add3A_616] : memref<323584xi32, #tpu.memory_space<hbm>> -> memref<128xi32, #tpu.memory_space<hbm>>
        tpu.enqueue_dma source(%dma_start3A_618 : memref<128xi32, #tpu.memory_space<hbm>>) target(%arg13 : memref<128xi32, #tpu.memory_space<vmem>>) target_semaphore(%arg25 : memref<!tpu.dma_semaphore, #tpu.memory_space<semaphore_mem>>)
        %dma_start3A_619 = tpu.memref_slice %arg3[%add3A_616] : memref<323584xi32, #tpu.memory_space<hbm>> -> memref<128xi32, #tpu.memory_space<hbm>>
        %dma_start3A_620 = tpu.memref_slice %arg3[%add3A_616] : memref<323584xi32, #tpu.memory_space<hbm>> -> memref<128xi32, #tpu.memory_space<hbm>>
        tpu.enqueue_dma source(%dma_start3A_620 : memref<128xi32, #tpu.memory_space<hbm>>) target(%arg14 : memref<128xi32, #tpu.memory_space<vmem>>) target_semaphore(%arg25 : memref<!tpu.dma_semaphore, #tpu.memory_space<semaphore_mem>>)
      } else {
      }
      %dma_start3A_90 = arith.constant 64 : i32
      %dma_start3A_91 = tpu.memref_slice %arg11[%dma_start3A_90] : memref<128xi32, #tpu.memory_space<vmem>> -> memref<64xi32, #tpu.memory_space<vmem>>
      %dma_start3A_92 = arith.constant 0 : i32
      %dma_start3A_93 = arith.constant 0 : i32
      %dma_start3A_94 = tpu.memref_slice %arg5[%dma_start3A_92, %dma_start3A_93] : memref<10240x128xf32, #tpu.memory_space<hbm>> -> memref<10240x128xf32, #tpu.memory_space<hbm>>
      tpu.enqueue_indirect_dma source(%dma_start3A_94 : memref<10240x128xf32, #tpu.memory_space<hbm>>) target(%arg20 : memref<64x128xf32, #tpu.memory_space<vmem>>) offsets(%dma_start3A_91 : memref<64xi32, #tpu.memory_space<vmem>>) semaphore(%arg23 : memref<!tpu.dma_semaphore, #tpu.memory_space<semaphore_mem>>)
      %get3A = arith.constant 0 : index
      %get3A_95 = tpu.vector_load %arg11[%get3A] {strides = array<i32>} : memref<128xi32, #tpu.memory_space<vmem>>, vector<16xi32>,
      %get3A_96 = arith.constant 0 : index
      %get3A_97 = tpu.vector_load %arg12[%get3A_96] {strides = array<i32>} : memref<128xi32, #tpu.memory_space<vmem>>, vector<16xi32>,
      %gather3A = tpu.vector_load_idx %arg8[%get3A_95] : memref<10240xf32, #tpu.memory_space<vmem>>[vector<16xi32>], vector<16xf32>,
      %gather3A_98 = tpu.vector_load_idx %arg9[%get3A_97] : memref<10240xf32, #tpu.memory_space<vmem>>[vector<16xi32>], vector<16xf32>,
      %add3A_99 = arith.addf %gather3A, %gather3A_98 : vector<16xf32>
      %ge3A_100 = arith.constant 0.000000e+00 : f32
      %ge3A_101 = vector.broadcast %ge3A_100 : f32 to vector<16xf32>
      %ge3A_102 = arith.cmpf oge, %add3A_99, %ge3A_101 : vector<16xf32>
      %mul3A_103 = arith.constant 2.000000e-01 : f32
      %mul3A_104 = vector.broadcast %mul3A_103 : f32 to vector<16xf32>
      %mul3A_105 = arith.mulf %mul3A_104, %add3A_99 : vector<16xf32>
      %select_n3A_106 = arith.select %ge3A_102, %add3A_99, %mul3A_105 : vector<16xi1>, vector<16xf32>
      %exp3A = math.exp %select_n3A_106 : vector<16xf32>
      %add3A_107 = arith.constant 0 : i32
      %add3A_108 = arith.addi %add3A_87, %add3A_107 : i32
      %add3A_109 = vector.broadcast %add3A_108 : i32 to vector<16xi32>
      %add3A_110 = arith.addi %add3A_109, %iota3A : vector<16xi32>
      %lt3A = arith.constant 320000 : i32
      %lt3A_111 = vector.broadcast %lt3A : i32 to vector<16xi32>
      %lt3A_112 = arith.cmpi slt, %add3A_110, %lt3A_111 : vector<16xi32>
      %jit3A_113 = arith.constant 0.000000e+00 : f32
      %broadcast_in_dim3A = vector.broadcast %jit3A_113 : f32 to vector<16xf32>
      %select_n3A_114 = arith.select %lt3A_112, %exp3A, %broadcast_in_dim3A : vector<16xi1>, vector<16xf32>
      %swap3A = arith.constant 0 : index
      %swap3A_115 = tpu.vector_load %arg17[%swap3A] {strides = array<i32>} : memref<64xf32, #tpu.memory_space<vmem>>, vector<16xf32>,
      tpu.vector_store %arg17[%swap3A], %select_n3A_114 {strides = array<i32>} : memref<64xf32, #tpu.memory_space<vmem>>, vector<16xf32>,
      %swap3A_116 = arith.constant 0 : index
      %swap3A_117 = tpu.vector_load %arg15[%swap3A_116] {strides = array<i32>} : memref<64xi32, #tpu.memory_space<vmem>>, vector<16xi32>,
      tpu.vector_store %arg15[%swap3A_116], %get3A_97 {strides = array<i32>} : memref<64xi32, #tpu.memory_space<vmem>>, vector<16xi32>,
      tpu.vector_store_idx %arg10[%get3A_97], %select_n3A_114 {add = true} : memref<10000xf32, #tpu.memory_space<vmem>>[vector<16xi32>], vector<16xf32>,
      %get3A_118 = arith.constant 16 : index
      %get3A_119 = tpu.vector_load %arg11[%get3A_118] {strides = array<i32>} : memref<128xi32, #tpu.memory_space<vmem>>, vector<16xi32>,
      %get3A_120 = arith.constant 16 : index
      %get3A_121 = tpu.vector_load %arg12[%get3A_120] {strides = array<i32>} : memref<128xi32, #tpu.memory_space<vmem>>, vector<16xi32>,
      %gather3A_122 = tpu.vector_load_idx %arg8[%get3A_119] : memref<10240xf32, #tpu.memory_space<vmem>>[vector<16xi32>], vector<16xf32>,
      %gather3A_123 = tpu.vector_load_idx %arg9[%get3A_121] : memref<10240xf32, #tpu.memory_space<vmem>>[vector<16xi32>], vector<16xf32>,
      %add3A_124 = arith.addf %gather3A_122, %gather3A_123 : vector<16xf32>
      %ge3A_125 = arith.constant 0.000000e+00 : f32
      %ge3A_126 = vector.broadcast %ge3A_125 : f32 to vector<16xf32>
      %ge3A_127 = arith.cmpf oge, %add3A_124, %ge3A_126 : vector<16xf32>
      %mul3A_128 = arith.constant 2.000000e-01 : f32
      %mul3A_129 = vector.broadcast %mul3A_128 : f32 to vector<16xf32>
      %mul3A_130 = arith.mulf %mul3A_129, %add3A_124 : vector<16xf32>
      %select_n3A_131 = arith.select %ge3A_127, %add3A_124, %mul3A_130 : vector<16xi1>, vector<16xf32>
      %exp3A_132 = math.exp %select_n3A_131 : vector<16xf32>
      %add3A_133 = arith.constant 16 : i32
      %add3A_134 = arith.addi %add3A_87, %add3A_133 : i32
      %add3A_135 = vector.broadcast %add3A_134 : i32 to vector<16xi32>
      %add3A_136 = arith.addi %add3A_135, %iota3A : vector<16xi32>
      %lt3A_137 = arith.constant 320000 : i32
      %lt3A_138 = vector.broadcast %lt3A_137 : i32 to vector<16xi32>
      %lt3A_139 = arith.cmpi slt, %add3A_136, %lt3A_138 : vector<16xi32>
      %jit3A_140 = arith.constant 0.000000e+00 : f32
      %broadcast_in_dim3A_141 = vector.broadcast %jit3A_140 : f32 to vector<16xf32>
      %select_n3A_142 = arith.select %lt3A_139, %exp3A_132, %broadcast_in_dim3A_141 : vector<16xi1>, vector<16xf32>
      %swap3A_143 = arith.constant 16 : index
      %swap3A_144 = tpu.vector_load %arg17[%swap3A_143] {strides = array<i32>} : memref<64xf32, #tpu.memory_space<vmem>>, vector<16xf32>,
      tpu.vector_store %arg17[%swap3A_143], %select_n3A_142 {strides = array<i32>} : memref<64xf32, #tpu.memory_space<vmem>>, vector<16xf32>,
      %swap3A_145 = arith.constant 16 : index
      %swap3A_146 = tpu.vector_load %arg15[%swap3A_145] {strides = array<i32>} : memref<64xi32, #tpu.memory_space<vmem>>, vector<16xi32>,
      tpu.vector_store %arg15[%swap3A_145], %get3A_121 {strides = array<i32>} : memref<64xi32, #tpu.memory_space<vmem>>, vector<16xi32>,
      tpu.vector_store_idx %arg10[%get3A_121], %select_n3A_142 {add = true} : memref<10000xf32, #tpu.memory_space<vmem>>[vector<16xi32>], vector<16xf32>,
      %get3A_147 = arith.constant 32 : index
      %get3A_148 = tpu.vector_load %arg11[%get3A_147] {strides = array<i32>} : memref<128xi32, #tpu.memory_space<vmem>>, vector<16xi32>,
      %get3A_149 = arith.constant 32 : index
      %get3A_150 = tpu.vector_load %arg12[%get3A_149] {strides = array<i32>} : memref<128xi32, #tpu.memory_space<vmem>>, vector<16xi32>,
      %gather3A_151 = tpu.vector_load_idx %arg8[%get3A_148] : memref<10240xf32, #tpu.memory_space<vmem>>[vector<16xi32>], vector<16xf32>,
      %gather3A_152 = tpu.vector_load_idx %arg9[%get3A_150] : memref<10240xf32, #tpu.memory_space<vmem>>[vector<16xi32>], vector<16xf32>,
      %add3A_153 = arith.addf %gather3A_151, %gather3A_152 : vector<16xf32>
      %ge3A_154 = arith.constant 0.000000e+00 : f32
      %ge3A_155 = vector.broadcast %ge3A_154 : f32 to vector<16xf32>
      %ge3A_156 = arith.cmpf oge, %add3A_153, %ge3A_155 : vector<16xf32>
      %mul3A_157 = arith.constant 2.000000e-01 : f32
      %mul3A_158 = vector.broadcast %mul3A_157 : f32 to vector<16xf32>
      %mul3A_159 = arith.mulf %mul3A_158, %add3A_153 : vector<16xf32>
      %select_n3A_160 = arith.select %ge3A_156, %add3A_153, %mul3A_159 : vector<16xi1>, vector<16xf32>
      %exp3A_161 = math.exp %select_n3A_160 : vector<16xf32>
      %add3A_162 = arith.constant 32 : i32
      %add3A_163 = arith.addi %add3A_87, %add3A_162 : i32
      %add3A_164 = vector.broadcast %add3A_163 : i32 to vector<16xi32>
      %add3A_165 = arith.addi %add3A_164, %iota3A : vector<16xi32>
      %lt3A_166 = arith.constant 320000 : i32
      %lt3A_167 = vector.broadcast %lt3A_166 : i32 to vector<16xi32>
      %lt3A_168 = arith.cmpi slt, %add3A_165, %lt3A_167 : vector<16xi32>
      %jit3A_169 = arith.constant 0.000000e+00 : f32
      %broadcast_in_dim3A_170 = vector.broadcast %jit3A_169 : f32 to vector<16xf32>
      %select_n3A_171 = arith.select %lt3A_168, %exp3A_161, %broadcast_in_dim3A_170 : vector<16xi1>, vector<16xf32>
      %swap3A_172 = arith.constant 32 : index
      %swap3A_173 = tpu.vector_load %arg17[%swap3A_172] {strides = array<i32>} : memref<64xf32, #tpu.memory_space<vmem>>, vector<16xf32>,
      tpu.vector_store %arg17[%swap3A_172], %select_n3A_171 {strides = array<i32>} : memref<64xf32, #tpu.memory_space<vmem>>, vector<16xf32>,
      %swap3A_174 = arith.constant 32 : index
      %swap3A_175 = tpu.vector_load %arg15[%swap3A_174] {strides = array<i32>} : memref<64xi32, #tpu.memory_space<vmem>>, vector<16xi32>,
      tpu.vector_store %arg15[%swap3A_174], %get3A_150 {strides = array<i32>} : memref<64xi32, #tpu.memory_space<vmem>>, vector<16xi32>,
      tpu.vector_store_idx %arg10[%get3A_150], %select_n3A_171 {add = true} : memref<10000xf32, #tpu.memory_space<vmem>>[vector<16xi32>], vector<16xf32>,
      %get3A_176 = arith.constant 48 : index
      %get3A_177 = tpu.vector_load %arg11[%get3A_176] {strides = array<i32>} : memref<128xi32, #tpu.memory_space<vmem>>, vector<16xi32>,
      %get3A_178 = arith.constant 48 : index
      %get3A_179 = tpu.vector_load %arg12[%get3A_178] {strides = array<i32>} : memref<128xi32, #tpu.memory_space<vmem>>, vector<16xi32>,
      %gather3A_180 = tpu.vector_load_idx %arg8[%get3A_177] : memref<10240xf32, #tpu.memory_space<vmem>>[vector<16xi32>], vector<16xf32>,
      %gather3A_181 = tpu.vector_load_idx %arg9[%get3A_179] : memref<10240xf32, #tpu.memory_space<vmem>>[vector<16xi32>], vector<16xf32>,
      %add3A_182 = arith.addf %gather3A_180, %gather3A_181 : vector<16xf32>
      %ge3A_183 = arith.constant 0.000000e+00 : f32
      %ge3A_184 = vector.broadcast %ge3A_183 : f32 to vector<16xf32>
      %ge3A_185 = arith.cmpf oge, %add3A_182, %ge3A_184 : vector<16xf32>
      %mul3A_186 = arith.constant 2.000000e-01 : f32
      %mul3A_187 = vector.broadcast %mul3A_186 : f32 to vector<16xf32>
      %mul3A_188 = arith.mulf %mul3A_187, %add3A_182 : vector<16xf32>
      %select_n3A_189 = arith.select %ge3A_185, %add3A_182, %mul3A_188 : vector<16xi1>, vector<16xf32>
      %exp3A_190 = math.exp %select_n3A_189 : vector<16xf32>
      %add3A_191 = arith.constant 48 : i32
      %add3A_192 = arith.addi %add3A_87, %add3A_191 : i32
      %add3A_193 = vector.broadcast %add3A_192 : i32 to vector<16xi32>
      %add3A_194 = arith.addi %add3A_193, %iota3A : vector<16xi32>
      %lt3A_195 = arith.constant 320000 : i32
      %lt3A_196 = vector.broadcast %lt3A_195 : i32 to vector<16xi32>
      %lt3A_197 = arith.cmpi slt, %add3A_194, %lt3A_196 : vector<16xi32>
      %jit3A_198 = arith.constant 0.000000e+00 : f32
      %broadcast_in_dim3A_199 = vector.broadcast %jit3A_198 : f32 to vector<16xf32>
      %select_n3A_200 = arith.select %lt3A_197, %exp3A_190, %broadcast_in_dim3A_199 : vector<16xi1>, vector<16xf32>
      %swap3A_201 = arith.constant 48 : index
      %swap3A_202 = tpu.vector_load %arg17[%swap3A_201] {strides = array<i32>} : memref<64xf32, #tpu.memory_space<vmem>>, vector<16xf32>,
      tpu.vector_store %arg17[%swap3A_201], %select_n3A_200 {strides = array<i32>} : memref<64xf32, #tpu.memory_space<vmem>>, vector<16xf32>,
      %swap3A_203 = arith.constant 48 : index
      %swap3A_204 = tpu.vector_load %arg15[%swap3A_203] {strides = array<i32>} : memref<64xi32, #tpu.memory_space<vmem>>, vector<16xi32>,
      tpu.vector_store %arg15[%swap3A_203], %get3A_179 {strides = array<i32>} : memref<64xi32, #tpu.memory_space<vmem>>, vector<16xi32>,
      tpu.vector_store_idx %arg10[%get3A_179], %select_n3A_200 {add = true} : memref<10000xf32, #tpu.memory_space<vmem>>[vector<16xi32>], vector<16xf32>,
      %dma_wait3A = arith.constant 0 : i32
      %dma_wait3A_205 = tpu.memref_slice %arg11[%dma_wait3A] : memref<128xi32, #tpu.memory_space<vmem>> -> memref<64xi32, #tpu.memory_space<vmem>>
      %dma_wait3A_206 = arith.constant 0 : i32
      %dma_wait3A_207 = arith.constant 0 : i32
      %dma_wait3A_208 = tpu.memref_slice %arg5[%dma_wait3A_206, %dma_wait3A_207] : memref<10240x128xf32, #tpu.memory_space<hbm>> -> memref<10240x128xf32, #tpu.memory_space<hbm>>
      tpu.wait_indirect_dma semaphore(%arg22 : memref<!tpu.dma_semaphore, #tpu.memory_space<semaphore_mem>>) src(%dma_wait3A_208 : memref<10240x128xf32, #tpu.memory_space<hbm>>) dst(%arg19 : memref<64x128xf32, #tpu.memory_space<vmem>>)
      %scan3A_209 = arith.constant 0 : i32
      %scan3A_210 = arith.constant 0 : i32
      %scan3A_211 = arith.constant 16 : i32
      %scan3A_212 = arith.addi %scan3A_210, %scan3A_211 : i32
      %scan3A_213 = arith.constant 1 : i32
      scf.for %scan3A_615 = %scan3A_210 to %scan3A_212 step %scan3A_213  : i32 {
        %mul3A_616 = arith.constant 4 : i32
        %mul3A_617 = arith.muli %scan3A_615, %mul3A_616 : i32
        %add3A_618 = arith.constant 0 : i32
        %add3A_619 = arith.addi %mul3A_617, %add3A_618 : i32
        %broadcast_in_dim3A_620 = vector.broadcast %add3A_619 : i32 to vector<16xi32>
        %gather3A_621 = tpu.vector_load_idx %arg17[%broadcast_in_dim3A_620] : memref<64xf32, #tpu.memory_space<vmem>>[vector<16xi32>], vector<16xf32>,
        %get3A_622 = arith.index_cast %add3A_619 : i32 to index
        %get3A_623 = arith.constant 0 : index
        %get3A_624 = tpu.vector_load %arg19[%get3A_622, %get3A_623] {strides = array<i32>} : memref<64x128xf32, #tpu.memory_space<vmem>>, vector<16xf32>,
        %mul3A_625 = arith.mulf %get3A_624, %gather3A_621 : vector<16xf32>
        %swap3A_626 = arith.index_cast %add3A_619 : i32 to index
        %swap3A_627 = arith.constant 0 : index
        %swap3A_628 = tpu.vector_load %arg19[%swap3A_626, %swap3A_627] {strides = array<i32>} : memref<64x128xf32, #tpu.memory_space<vmem>>, vector<16xf32>,
        tpu.vector_store %arg19[%swap3A_626, %swap3A_627], %mul3A_625 {strides = array<i32>} : memref<64x128xf32, #tpu.memory_space<vmem>>, vector<16xf32>,
        %get3A_629 = arith.index_cast %add3A_619 : i32 to index
        %get3A_630 = arith.constant 16 : index
        %get3A_631 = tpu.vector_load %arg19[%get3A_629, %get3A_630] {strides = array<i32>} : memref<64x128xf32, #tpu.memory_space<vmem>>, vector<16xf32>,
        %mul3A_632 = arith.mulf %get3A_631, %gather3A_621 : vector<16xf32>
        %swap3A_633 = arith.index_cast %add3A_619 : i32 to index
        %swap3A_634 = arith.constant 16 : index
        %swap3A_635 = tpu.vector_load %arg19[%swap3A_633, %swap3A_634] {strides = array<i32>} : memref<64x128xf32, #tpu.memory_space<vmem>>, vector<16xf32>,
        tpu.vector_store %arg19[%swap3A_633, %swap3A_634], %mul3A_632 {strides = array<i32>} : memref<64x128xf32, #tpu.memory_space<vmem>>, vector<16xf32>,
        %get3A_636 = arith.index_cast %add3A_619 : i32 to index
        %get3A_637 = arith.constant 32 : index
        %get3A_638 = tpu.vector_load %arg19[%get3A_636, %get3A_637] {strides = array<i32>} : memref<64x128xf32, #tpu.memory_space<vmem>>, vector<16xf32>,
        %mul3A_639 = arith.mulf %get3A_638, %gather3A_621 : vector<16xf32>
        %swap3A_640 = arith.index_cast %add3A_619 : i32 to index
        %swap3A_641 = arith.constant 32 : index
        %swap3A_642 = tpu.vector_load %arg19[%swap3A_640, %swap3A_641] {strides = array<i32>} : memref<64x128xf32, #tpu.memory_space<vmem>>, vector<16xf32>,
        tpu.vector_store %arg19[%swap3A_640, %swap3A_641], %mul3A_639 {strides = array<i32>} : memref<64x128xf32, #tpu.memory_space<vmem>>, vector<16xf32>,
        %get3A_643 = arith.index_cast %add3A_619 : i32 to index
        %get3A_644 = arith.constant 48 : index
        %get3A_645 = tpu.vector_load %arg19[%get3A_643, %get3A_644] {strides = array<i32>} : memref<64x128xf32, #tpu.memory_space<vmem>>, vector<16xf32>,
        %mul3A_646 = arith.mulf %get3A_645, %gather3A_621 : vector<16xf32>
        %swap3A_647 = arith.index_cast %add3A_619 : i32 to index
        %swap3A_648 = arith.constant 48 : index
        %swap3A_649 = tpu.vector_load %arg19[%swap3A_647, %swap3A_648] {strides = array<i32>} : memref<64x128xf32, #tpu.memory_space<vmem>>, vector<16xf32>,
        tpu.vector_store %arg19[%swap3A_647, %swap3A_648], %mul3A_646 {strides = array<i32>} : memref<64x128xf32, #tpu.memory_space<vmem>>, vector<16xf32>,
        %get3A_650 = arith.index_cast %add3A_619 : i32 to index
        %get3A_651 = arith.constant 64 : index
        %get3A_652 = tpu.vector_load %arg19[%get3A_650, %get3A_651] {strides = array<i32>} : memref<64x128xf32, #tpu.memory_space<vmem>>, vector<16xf32>,
        %mul3A_653 = arith.mulf %get3A_652, %gather3A_621 : vector<16xf32>
        %swap3A_654 = arith.index_cast %add3A_619 : i32 to index
        %swap3A_655 = arith.constant 64 : index
        %swap3A_656 = tpu.vector_load %arg19[%swap3A_654, %swap3A_655] {strides = array<i32>} : memref<64x128xf32, #tpu.memory_space<vmem>>, vector<16xf32>,
        tpu.vector_store %arg19[%swap3A_654, %swap3A_655], %mul3A_653 {strides = array<i32>} : memref<64x128xf32, #tpu.memory_space<vmem>>, vector<16xf32>,
        %get3A_657 = arith.index_cast %add3A_619 : i32 to index
        %get3A_658 = arith.constant 80 : index
        %get3A_659 = tpu.vector_load %arg19[%get3A_657, %get3A_658] {strides = array<i32>} : memref<64x128xf32, #tpu.memory_space<vmem>>, vector<16xf32>,
        %mul3A_660 = arith.mulf %get3A_659, %gather3A_621 : vector<16xf32>
        %swap3A_661 = arith.index_cast %add3A_619 : i32 to index
        %swap3A_662 = arith.constant 80 : index
        %swap3A_663 = tpu.vector_load %arg19[%swap3A_661, %swap3A_662] {strides = array<i32>} : memref<64x128xf32, #tpu.memory_space<vmem>>, vector<16xf32>,
        tpu.vector_store %arg19[%swap3A_661, %swap3A_662], %mul3A_660 {strides = array<i32>} : memref<64x128xf32, #tpu.memory_space<vmem>>, vector<16xf32>,
        %get3A_664 = arith.index_cast %add3A_619 : i32 to index
        %get3A_665 = arith.constant 96 : index
        %get3A_666 = tpu.vector_load %arg19[%get3A_664, %get3A_665] {strides = array<i32>} : memref<64x128xf32, #tpu.memory_space<vmem>>, vector<16xf32>,
        %mul3A_667 = arith.mulf %get3A_666, %gather3A_621 : vector<16xf32>
        %swap3A_668 = arith.index_cast %add3A_619 : i32 to index
        %swap3A_669 = arith.constant 96 : index
        %swap3A_670 = tpu.vector_load %arg19[%swap3A_668, %swap3A_669] {strides = array<i32>} : memref<64x128xf32, #tpu.memory_space<vmem>>, vector<16xf32>,
        tpu.vector_store %arg19[%swap3A_668, %swap3A_669], %mul3A_667 {strides = array<i32>} : memref<64x128xf32, #tpu.memory_space<vmem>>, vector<16xf32>,
        %get3A_671 = arith.index_cast %add3A_619 : i32 to index
        %get3A_672 = arith.constant 112 : index
        %get3A_673 = tpu.vector_load %arg19[%get3A_671, %get3A_672] {strides = array<i32>} : memref<64x128xf32, #tpu.memory_space<vmem>>, vector<16xf32>,
        %mul3A_674 = arith.mulf %get3A_673, %gather3A_621 : vector<16xf32>
        %swap3A_675 = arith.index_cast %add3A_619 : i32 to index
        %swap3A_676 = arith.constant 112 : index
        %swap3A_677 = tpu.vector_load %arg19[%swap3A_675, %swap3A_676] {strides = array<i32>} : memref<64x128xf32, #tpu.memory_space<vmem>>, vector<16xf32>,
        tpu.vector_store %arg19[%swap3A_675, %swap3A_676], %mul3A_674 {strides = array<i32>} : memref<64x128xf32, #tpu.memory_space<vmem>>, vector<16xf32>,
        %mul3A_678 = arith.constant 4 : i32
        %mul3A_679 = arith.muli %scan3A_615, %mul3A_678 : i32
        %add3A_680 = arith.constant 1 : i32
        %add3A_681 = arith.addi %mul3A_679, %add3A_680 : i32
        %broadcast_in_dim3A_682 = vector.broadcast %add3A_681 : i32 to vector<16xi32>
        %gather3A_683 = tpu.vector_load_idx %arg17[%broadcast_in_dim3A_682] : memref<64xf32, #tpu.memory_space<vmem>>[vector<16xi32>], vector<16xf32>,
        %get3A_684 = arith.index_cast %add3A_681 : i32 to index
        %get3A_685 = arith.constant 0 : index
        %get3A_686 = tpu.vector_load %arg19[%get3A_684, %get3A_685] {strides = array<i32>} : memref<64x128xf32, #tpu.memory_space<vmem>>, vector<16xf32>,
        %mul3A_687 = arith.mulf %get3A_686, %gather3A_683 : vector<16xf32>
        %swap3A_688 = arith.index_cast %add3A_681 : i32 to index
        %swap3A_689 = arith.constant 0 : index
        %swap3A_690 = tpu.vector_load %arg19[%swap3A_688, %swap3A_689] {strides = array<i32>} : memref<64x128xf32, #tpu.memory_space<vmem>>, vector<16xf32>,
        tpu.vector_store %arg19[%swap3A_688, %swap3A_689], %mul3A_687 {strides = array<i32>} : memref<64x128xf32, #tpu.memory_space<vmem>>, vector<16xf32>,
        %get3A_691 = arith.index_cast %add3A_681 : i32 to index
        %get3A_692 = arith.constant 16 : index
        %get3A_693 = tpu.vector_load %arg19[%get3A_691, %get3A_692] {strides = array<i32>} : memref<64x128xf32, #tpu.memory_space<vmem>>, vector<16xf32>,
        %mul3A_694 = arith.mulf %get3A_693, %gather3A_683 : vector<16xf32>
        %swap3A_695 = arith.index_cast %add3A_681 : i32 to index
        %swap3A_696 = arith.constant 16 : index
        %swap3A_697 = tpu.vector_load %arg19[%swap3A_695, %swap3A_696] {strides = array<i32>} : memref<64x128xf32, #tpu.memory_space<vmem>>, vector<16xf32>,
        tpu.vector_store %arg19[%swap3A_695, %swap3A_696], %mul3A_694 {strides = array<i32>} : memref<64x128xf32, #tpu.memory_space<vmem>>, vector<16xf32>,
        %get3A_698 = arith.index_cast %add3A_681 : i32 to index
        %get3A_699 = arith.constant 32 : index
        %get3A_700 = tpu.vector_load %arg19[%get3A_698, %get3A_699] {strides = array<i32>} : memref<64x128xf32, #tpu.memory_space<vmem>>, vector<16xf32>,
        %mul3A_701 = arith.mulf %get3A_700, %gather3A_683 : vector<16xf32>
        %swap3A_702 = arith.index_cast %add3A_681 : i32 to index
        %swap3A_703 = arith.constant 32 : index
        %swap3A_704 = tpu.vector_load %arg19[%swap3A_702, %swap3A_703] {strides = array<i32>} : memref<64x128xf32, #tpu.memory_space<vmem>>, vector<16xf32>,
        tpu.vector_store %arg19[%swap3A_702, %swap3A_703], %mul3A_701 {strides = array<i32>} : memref<64x128xf32, #tpu.memory_space<vmem>>, vector<16xf32>,
        %get3A_705 = arith.index_cast %add3A_681 : i32 to index
        %get3A_706 = arith.constant 48 : index
        %get3A_707 = tpu.vector_load %arg19[%get3A_705, %get3A_706] {strides = array<i32>} : memref<64x128xf32, #tpu.memory_space<vmem>>, vector<16xf32>,
        %mul3A_708 = arith.mulf %get3A_707, %gather3A_683 : vector<16xf32>
        %swap3A_709 = arith.index_cast %add3A_681 : i32 to index
        %swap3A_710 = arith.constant 48 : index
        %swap3A_711 = tpu.vector_load %arg19[%swap3A_709, %swap3A_710] {strides = array<i32>} : memref<64x128xf32, #tpu.memory_space<vmem>>, vector<16xf32>,
        tpu.vector_store %arg19[%swap3A_709, %swap3A_710], %mul3A_708 {strides = array<i32>} : memref<64x128xf32, #tpu.memory_space<vmem>>, vector<16xf32>,
        %get3A_712 = arith.index_cast %add3A_681 : i32 to index
        %get3A_713 = arith.constant 64 : index
        %get3A_714 = tpu.vector_load %arg19[%get3A_712, %get3A_713] {strides = array<i32>} : memref<64x128xf32, #tpu.memory_space<vmem>>, vector<16xf32>,
        %mul3A_715 = arith.mulf %get3A_714, %gather3A_683 : vector<16xf32>
        %swap3A_716 = arith.index_cast %add3A_681 : i32 to index
        %swap3A_717 = arith.constant 64 : index
        %swap3A_718 = tpu.vector_load %arg19[%swap3A_716, %swap3A_717] {strides = array<i32>} : memref<64x128xf32, #tpu.memory_space<vmem>>, vector<16xf32>,
        tpu.vector_store %arg19[%swap3A_716, %swap3A_717], %mul3A_715 {strides = array<i32>} : memref<64x128xf32, #tpu.memory_space<vmem>>, vector<16xf32>,
        %get3A_719 = arith.index_cast %add3A_681 : i32 to index
        %get3A_720 = arith.constant 80 : index
        %get3A_721 = tpu.vector_load %arg19[%get3A_719, %get3A_720] {strides = array<i32>} : memref<64x128xf32, #tpu.memory_space<vmem>>, vector<16xf32>,
        %mul3A_722 = arith.mulf %get3A_721, %gather3A_683 : vector<16xf32>
        %swap3A_723 = arith.index_cast %add3A_681 : i32 to index
        %swap3A_724 = arith.constant 80 : index
        %swap3A_725 = tpu.vector_load %arg19[%swap3A_723, %swap3A_724] {strides = array<i32>} : memref<64x128xf32, #tpu.memory_space<vmem>>, vector<16xf32>,
        tpu.vector_store %arg19[%swap3A_723, %swap3A_724], %mul3A_722 {strides = array<i32>} : memref<64x128xf32, #tpu.memory_space<vmem>>, vector<16xf32>,
        %get3A_726 = arith.index_cast %add3A_681 : i32 to index
        %get3A_727 = arith.constant 96 : index
        %get3A_728 = tpu.vector_load %arg19[%get3A_726, %get3A_727] {strides = array<i32>} : memref<64x128xf32, #tpu.memory_space<vmem>>, vector<16xf32>,
        %mul3A_729 = arith.mulf %get3A_728, %gather3A_683 : vector<16xf32>
        %swap3A_730 = arith.index_cast %add3A_681 : i32 to index
        %swap3A_731 = arith.constant 96 : index
        %swap3A_732 = tpu.vector_load %arg19[%swap3A_730, %swap3A_731] {strides = array<i32>} : memref<64x128xf32, #tpu.memory_space<vmem>>, vector<16xf32>,
        tpu.vector_store %arg19[%swap3A_730, %swap3A_731], %mul3A_729 {strides = array<i32>} : memref<64x128xf32, #tpu.memory_space<vmem>>, vector<16xf32>,
        %get3A_733 = arith.index_cast %add3A_681 : i32 to index
        %get3A_734 = arith.constant 112 : index
        %get3A_735 = tpu.vector_load %arg19[%get3A_733, %get3A_734] {strides = array<i32>} : memref<64x128xf32, #tpu.memory_space<vmem>>, vector<16xf32>,
        %mul3A_736 = arith.mulf %get3A_735, %gather3A_683 : vector<16xf32>
        %swap3A_737 = arith.index_cast %add3A_681 : i32 to index
        %swap3A_738 = arith.constant 112 : index
        %swap3A_739 = tpu.vector_load %arg19[%swap3A_737, %swap3A_738] {strides = array<i32>} : memref<64x128xf32, #tpu.memory_space<vmem>>, vector<16xf32>,
        tpu.vector_store %arg19[%swap3A_737, %swap3A_738], %mul3A_736 {strides = array<i32>} : memref<64x128xf32, #tpu.memory_space<vmem>>, vector<16xf32>,
        %mul3A_740 = arith.constant 4 : i32
        %mul3A_741 = arith.muli %scan3A_615, %mul3A_740 : i32
        %add3A_742 = arith.constant 2 : i32
        %add3A_743 = arith.addi %mul3A_741, %add3A_742 : i32
        %broadcast_in_dim3A_744 = vector.broadcast %add3A_743 : i32 to vector<16xi32>
        %gather3A_745 = tpu.vector_load_idx %arg17[%broadcast_in_dim3A_744] : memref<64xf32, #tpu.memory_space<vmem>>[vector<16xi32>], vector<16xf32>,
        %get3A_746 = arith.index_cast %add3A_743 : i32 to index
        %get3A_747 = arith.constant 0 : index
        %get3A_748 = tpu.vector_load %arg19[%get3A_746, %get3A_747] {strides = array<i32>} : memref<64x128xf32, #tpu.memory_space<vmem>>, vector<16xf32>,
        %mul3A_749 = arith.mulf %get3A_748, %gather3A_745 : vector<16xf32>
        %swap3A_750 = arith.index_cast %add3A_743 : i32 to index
        %swap3A_751 = arith.constant 0 : index
        %swap3A_752 = tpu.vector_load %arg19[%swap3A_750, %swap3A_751] {strides = array<i32>} : memref<64x128xf32, #tpu.memory_space<vmem>>, vector<16xf32>,
        tpu.vector_store %arg19[%swap3A_750, %swap3A_751], %mul3A_749 {strides = array<i32>} : memref<64x128xf32, #tpu.memory_space<vmem>>, vector<16xf32>,
        %get3A_753 = arith.index_cast %add3A_743 : i32 to index
        %get3A_754 = arith.constant 16 : index
        %get3A_755 = tpu.vector_load %arg19[%get3A_753, %get3A_754] {strides = array<i32>} : memref<64x128xf32, #tpu.memory_space<vmem>>, vector<16xf32>,
        %mul3A_756 = arith.mulf %get3A_755, %gather3A_745 : vector<16xf32>
        %swap3A_757 = arith.index_cast %add3A_743 : i32 to index
        %swap3A_758 = arith.constant 16 : index
        %swap3A_759 = tpu.vector_load %arg19[%swap3A_757, %swap3A_758] {strides = array<i32>} : memref<64x128xf32, #tpu.memory_space<vmem>>, vector<16xf32>,
        tpu.vector_store %arg19[%swap3A_757, %swap3A_758], %mul3A_756 {strides = array<i32>} : memref<64x128xf32, #tpu.memory_space<vmem>>, vector<16xf32>,
        %get3A_760 = arith.index_cast %add3A_743 : i32 to index
        %get3A_761 = arith.constant 32 : index
        %get3A_762 = tpu.vector_load %arg19[%get3A_760, %get3A_761] {strides = array<i32>} : memref<64x128xf32, #tpu.memory_space<vmem>>, vector<16xf32>,
        %mul3A_763 = arith.mulf %get3A_762, %gather3A_745 : vector<16xf32>
        %swap3A_764 = arith.index_cast %add3A_743 : i32 to index
        %swap3A_765 = arith.constant 32 : index
        %swap3A_766 = tpu.vector_load %arg19[%swap3A_764, %swap3A_765] {strides = array<i32>} : memref<64x128xf32, #tpu.memory_space<vmem>>, vector<16xf32>,
        tpu.vector_store %arg19[%swap3A_764, %swap3A_765], %mul3A_763 {strides = array<i32>} : memref<64x128xf32, #tpu.memory_space<vmem>>, vector<16xf32>,
        %get3A_767 = arith.index_cast %add3A_743 : i32 to index
        %get3A_768 = arith.constant 48 : index
        %get3A_769 = tpu.vector_load %arg19[%get3A_767, %get3A_768] {strides = array<i32>} : memref<64x128xf32, #tpu.memory_space<vmem>>, vector<16xf32>,
        %mul3A_770 = arith.mulf %get3A_769, %gather3A_745 : vector<16xf32>
        %swap3A_771 = arith.index_cast %add3A_743 : i32 to index
        %swap3A_772 = arith.constant 48 : index
        %swap3A_773 = tpu.vector_load %arg19[%swap3A_771, %swap3A_772] {strides = array<i32>} : memref<64x128xf32, #tpu.memory_space<vmem>>, vector<16xf32>,
        tpu.vector_store %arg19[%swap3A_771, %swap3A_772], %mul3A_770 {strides = array<i32>} : memref<64x128xf32, #tpu.memory_space<vmem>>, vector<16xf32>,
        %get3A_774 = arith.index_cast %add3A_743 : i32 to index
        %get3A_775 = arith.constant 64 : index
        %get3A_776 = tpu.vector_load %arg19[%get3A_774, %get3A_775] {strides = array<i32>} : memref<64x128xf32, #tpu.memory_space<vmem>>, vector<16xf32>,
        %mul3A_777 = arith.mulf %get3A_776, %gather3A_745 : vector<16xf32>
        %swap3A_778 = arith.index_cast %add3A_743 : i32 to index
        %swap3A_779 = arith.constant 64 : index
        %swap3A_780 = tpu.vector_load %arg19[%swap3A_778, %swap3A_779] {strides = array<i32>} : memref<64x128xf32, #tpu.memory_space<vmem>>, vector<16xf32>,
        tpu.vector_store %arg19[%swap3A_778, %swap3A_779], %mul3A_777 {strides = array<i32>} : memref<64x128xf32, #tpu.memory_space<vmem>>, vector<16xf32>,
        %get3A_781 = arith.index_cast %add3A_743 : i32 to index
        %get3A_782 = arith.constant 80 : index
        %get3A_783 = tpu.vector_load %arg19[%get3A_781, %get3A_782] {strides = array<i32>} : memref<64x128xf32, #tpu.memory_space<vmem>>, vector<16xf32>,
        %mul3A_784 = arith.mulf %get3A_783, %gather3A_745 : vector<16xf32>
        %swap3A_785 = arith.index_cast %add3A_743 : i32 to index
        %swap3A_786 = arith.constant 80 : index
        %swap3A_787 = tpu.vector_load %arg19[%swap3A_785, %swap3A_786] {strides = array<i32>} : memref<64x128xf32, #tpu.memory_space<vmem>>, vector<16xf32>,
        tpu.vector_store %arg19[%swap3A_785, %swap3A_786], %mul3A_784 {strides = array<i32>} : memref<64x128xf32, #tpu.memory_space<vmem>>, vector<16xf32>,
        %get3A_788 = arith.index_cast %add3A_743 : i32 to index
        %get3A_789 = arith.constant 96 : index
        %get3A_790 = tpu.vector_load %arg19[%get3A_788, %get3A_789] {strides = array<i32>} : memref<64x128xf32, #tpu.memory_space<vmem>>, vector<16xf32>,
        %mul3A_791 = arith.mulf %get3A_790, %gather3A_745 : vector<16xf32>
        %swap3A_792 = arith.index_cast %add3A_743 : i32 to index
        %swap3A_793 = arith.constant 96 : index
        %swap3A_794 = tpu.vector_load %arg19[%swap3A_792, %swap3A_793] {strides = array<i32>} : memref<64x128xf32, #tpu.memory_space<vmem>>, vector<16xf32>,
        tpu.vector_store %arg19[%swap3A_792, %swap3A_793], %mul3A_791 {strides = array<i32>} : memref<64x128xf32, #tpu.memory_space<vmem>>, vector<16xf32>,
        %get3A_795 = arith.index_cast %add3A_743 : i32 to index
        %get3A_796 = arith.constant 112 : index
        %get3A_797 = tpu.vector_load %arg19[%get3A_795, %get3A_796] {strides = array<i32>} : memref<64x128xf32, #tpu.memory_space<vmem>>, vector<16xf32>,
        %mul3A_798 = arith.mulf %get3A_797, %gather3A_745 : vector<16xf32>
        %swap3A_799 = arith.index_cast %add3A_743 : i32 to index
        %swap3A_800 = arith.constant 112 : index
        %swap3A_801 = tpu.vector_load %arg19[%swap3A_799, %swap3A_800] {strides = array<i32>} : memref<64x128xf32, #tpu.memory_space<vmem>>, vector<16xf32>,
        tpu.vector_store %arg19[%swap3A_799, %swap3A_800], %mul3A_798 {strides = array<i32>} : memref<64x128xf32, #tpu.memory_space<vmem>>, vector<16xf32>,
        %mul3A_802 = arith.constant 4 : i32
        %mul3A_803 = arith.muli %scan3A_615, %mul3A_802 : i32
        %add3A_804 = arith.constant 3 : i32
        %add3A_805 = arith.addi %mul3A_803, %add3A_804 : i32
        %broadcast_in_dim3A_806 = vector.broadcast %add3A_805 : i32 to vector<16xi32>
        %gather3A_807 = tpu.vector_load_idx %arg17[%broadcast_in_dim3A_806] : memref<64xf32, #tpu.memory_space<vmem>>[vector<16xi32>], vector<16xf32>,
        %get3A_808 = arith.index_cast %add3A_805 : i32 to index
        %get3A_809 = arith.constant 0 : index
        %get3A_810 = tpu.vector_load %arg19[%get3A_808, %get3A_809] {strides = array<i32>} : memref<64x128xf32, #tpu.memory_space<vmem>>, vector<16xf32>,
        %mul3A_811 = arith.mulf %get3A_810, %gather3A_807 : vector<16xf32>
        %swap3A_812 = arith.index_cast %add3A_805 : i32 to index
        %swap3A_813 = arith.constant 0 : index
        %swap3A_814 = tpu.vector_load %arg19[%swap3A_812, %swap3A_813] {strides = array<i32>} : memref<64x128xf32, #tpu.memory_space<vmem>>, vector<16xf32>,
        tpu.vector_store %arg19[%swap3A_812, %swap3A_813], %mul3A_811 {strides = array<i32>} : memref<64x128xf32, #tpu.memory_space<vmem>>, vector<16xf32>,
        %get3A_815 = arith.index_cast %add3A_805 : i32 to index
        %get3A_816 = arith.constant 16 : index
        %get3A_817 = tpu.vector_load %arg19[%get3A_815, %get3A_816] {strides = array<i32>} : memref<64x128xf32, #tpu.memory_space<vmem>>, vector<16xf32>,
        %mul3A_818 = arith.mulf %get3A_817, %gather3A_807 : vector<16xf32>
        %swap3A_819 = arith.index_cast %add3A_805 : i32 to index
        %swap3A_820 = arith.constant 16 : index
        %swap3A_821 = tpu.vector_load %arg19[%swap3A_819, %swap3A_820] {strides = array<i32>} : memref<64x128xf32, #tpu.memory_space<vmem>>, vector<16xf32>,
        tpu.vector_store %arg19[%swap3A_819, %swap3A_820], %mul3A_818 {strides = array<i32>} : memref<64x128xf32, #tpu.memory_space<vmem>>, vector<16xf32>,
        %get3A_822 = arith.index_cast %add3A_805 : i32 to index
        %get3A_823 = arith.constant 32 : index
        %get3A_824 = tpu.vector_load %arg19[%get3A_822, %get3A_823] {strides = array<i32>} : memref<64x128xf32, #tpu.memory_space<vmem>>, vector<16xf32>,
        %mul3A_825 = arith.mulf %get3A_824, %gather3A_807 : vector<16xf32>
        %swap3A_826 = arith.index_cast %add3A_805 : i32 to index
        %swap3A_827 = arith.constant 32 : index
        %swap3A_828 = tpu.vector_load %arg19[%swap3A_826, %swap3A_827] {strides = array<i32>} : memref<64x128xf32, #tpu.memory_space<vmem>>, vector<16xf32>,
        tpu.vector_store %arg19[%swap3A_826, %swap3A_827], %mul3A_825 {strides = array<i32>} : memref<64x128xf32, #tpu.memory_space<vmem>>, vector<16xf32>,
        %get3A_829 = arith.index_cast %add3A_805 : i32 to index
        %get3A_830 = arith.constant 48 : index
        %get3A_831 = tpu.vector_load %arg19[%get3A_829, %get3A_830] {strides = array<i32>} : memref<64x128xf32, #tpu.memory_space<vmem>>, vector<16xf32>,
        %mul3A_832 = arith.mulf %get3A_831, %gather3A_807 : vector<16xf32>
        %swap3A_833 = arith.index_cast %add3A_805 : i32 to index
        %swap3A_834 = arith.constant 48 : index
        %swap3A_835 = tpu.vector_load %arg19[%swap3A_833, %swap3A_834] {strides = array<i32>} : memref<64x128xf32, #tpu.memory_space<vmem>>, vector<16xf32>,
        tpu.vector_store %arg19[%swap3A_833, %swap3A_834], %mul3A_832 {strides = array<i32>} : memref<64x128xf32, #tpu.memory_space<vmem>>, vector<16xf32>,
        %get3A_836 = arith.index_cast %add3A_805 : i32 to index
        %get3A_837 = arith.constant 64 : index
        %get3A_838 = tpu.vector_load %arg19[%get3A_836, %get3A_837] {strides = array<i32>} : memref<64x128xf32, #tpu.memory_space<vmem>>, vector<16xf32>,
        %mul3A_839 = arith.mulf %get3A_838, %gather3A_807 : vector<16xf32>
        %swap3A_840 = arith.index_cast %add3A_805 : i32 to index
        %swap3A_841 = arith.constant 64 : index
        %swap3A_842 = tpu.vector_load %arg19[%swap3A_840, %swap3A_841] {strides = array<i32>} : memref<64x128xf32, #tpu.memory_space<vmem>>, vector<16xf32>,
        tpu.vector_store %arg19[%swap3A_840, %swap3A_841], %mul3A_839 {strides = array<i32>} : memref<64x128xf32, #tpu.memory_space<vmem>>, vector<16xf32>,
        %get3A_843 = arith.index_cast %add3A_805 : i32 to index
        %get3A_844 = arith.constant 80 : index
        %get3A_845 = tpu.vector_load %arg19[%get3A_843, %get3A_844] {strides = array<i32>} : memref<64x128xf32, #tpu.memory_space<vmem>>, vector<16xf32>,
        %mul3A_846 = arith.mulf %get3A_845, %gather3A_807 : vector<16xf32>
        %swap3A_847 = arith.index_cast %add3A_805 : i32 to index
        %swap3A_848 = arith.constant 80 : index
        %swap3A_849 = tpu.vector_load %arg19[%swap3A_847, %swap3A_848] {strides = array<i32>} : memref<64x128xf32, #tpu.memory_space<vmem>>, vector<16xf32>,
        tpu.vector_store %arg19[%swap3A_847, %swap3A_848], %mul3A_846 {strides = array<i32>} : memref<64x128xf32, #tpu.memory_space<vmem>>, vector<16xf32>,
        %get3A_850 = arith.index_cast %add3A_805 : i32 to index
        %get3A_851 = arith.constant 96 : index
        %get3A_852 = tpu.vector_load %arg19[%get3A_850, %get3A_851] {strides = array<i32>} : memref<64x128xf32, #tpu.memory_space<vmem>>, vector<16xf32>,
        %mul3A_853 = arith.mulf %get3A_852, %gather3A_807 : vector<16xf32>
        %swap3A_854 = arith.index_cast %add3A_805 : i32 to index
        %swap3A_855 = arith.constant 96 : index
        %swap3A_856 = tpu.vector_load %arg19[%swap3A_854, %swap3A_855] {strides = array<i32>} : memref<64x128xf32, #tpu.memory_space<vmem>>, vector<16xf32>,
        tpu.vector_store %arg19[%swap3A_854, %swap3A_855], %mul3A_853 {strides = array<i32>} : memref<64x128xf32, #tpu.memory_space<vmem>>, vector<16xf32>,
        %get3A_857 = arith.index_cast %add3A_805 : i32 to index
        %get3A_858 = arith.constant 112 : index
        %get3A_859 = tpu.vector_load %arg19[%get3A_857, %get3A_858] {strides = array<i32>} : memref<64x128xf32, #tpu.memory_space<vmem>>, vector<16xf32>,
        %mul3A_860 = arith.mulf %get3A_859, %gather3A_807 : vector<16xf32>
        %swap3A_861 = arith.index_cast %add3A_805 : i32 to index
        %swap3A_862 = arith.constant 112 : index
        %swap3A_863 = tpu.vector_load %arg19[%swap3A_861, %swap3A_862] {strides = array<i32>} : memref<64x128xf32, #tpu.memory_space<vmem>>, vector<16xf32>,
        tpu.vector_store %arg19[%swap3A_861, %swap3A_862], %mul3A_860 {strides = array<i32>} : memref<64x128xf32, #tpu.memory_space<vmem>>, vector<16xf32>,
      }
      %scan3A_214 = arith.constant 16 : i32
      "tpu.region"() ({
        %run_scoped3A_615 = tpu.sem_alloc : memref<!tpu.dma_semaphore, #tpu.memory_space<semaphore_mem>>
        %dma_start3A_616 = arith.constant 0 : i32
        %dma_start3A_617 = arith.constant 0 : i32
        %dma_start3A_618 = tpu.memref_slice %arg21[%dma_start3A_616, %dma_start3A_617] : memref<10240x128xf32, #tpu.memory_space<vmem_shared>> -> memref<10240x128xf32, #tpu.memory_space<vmem_shared>>
        tpu.enqueue_indirect_dma source(%arg19 : memref<64x128xf32, #tpu.memory_space<vmem>>) target(%dma_start3A_618 : memref<10240x128xf32, #tpu.memory_space<vmem_shared>>) offsets(%arg15 : memref<64xi32, #tpu.memory_space<vmem>>) semaphore(%run_scoped3A_615 : memref<!tpu.dma_semaphore, #tpu.memory_space<semaphore_mem>>) {add = true}
        %dma_wait3A_619 = arith.constant 0 : i32
        %dma_wait3A_620 = arith.constant 0 : i32
        %dma_wait3A_621 = tpu.memref_slice %arg21[%dma_wait3A_619, %dma_wait3A_620] : memref<10240x128xf32, #tpu.memory_space<vmem_shared>> -> memref<10240x128xf32, #tpu.memory_space<vmem_shared>>
        tpu.wait_indirect_dma semaphore(%run_scoped3A_615 : memref<!tpu.dma_semaphore, #tpu.memory_space<semaphore_mem>>) src(%arg19 : memref<64x128xf32, #tpu.memory_space<vmem>>) dst(%dma_wait3A_621 : memref<10240x128xf32, #tpu.memory_space<vmem_shared>>)
        tpu.yield
      }) : () -> ()
      %convert_element_type3A_215 = arith.extui %ge3A_88 : i1 to i32
      %cond3A_216 = arith.constant 0 : i32
      %cond3A_217 = arith.cmpi ne, %convert_element_type3A_215, %cond3A_216 : i32
      scf.if %cond3A_217 {
        %dma_wait3A_615 = arith.constant 0 : i32
        %dma_wait3A_616 = tpu.memref_slice %arg2[%dma_wait3A_615] : memref<323584xi32, #tpu.memory_space<hbm>> -> memref<128xi32, #tpu.memory_space<hbm>>
        %dma_wait3A_617 = arith.constant 0 : i32
        %dma_wait3A_618 = tpu.memref_slice %arg2[%dma_wait3A_617] : memref<323584xi32, #tpu.memory_space<hbm>> -> memref<128xi32, #tpu.memory_space<hbm>>
        tpu.wait_dma2 semaphore(%arg25 : memref<!tpu.dma_semaphore, #tpu.memory_space<semaphore_mem>>) src(%dma_wait3A_618 : memref<128xi32, #tpu.memory_space<hbm>>) dst(%arg13 : memref<128xi32, #tpu.memory_space<vmem>>)
        %dma_wait3A_619 = arith.constant 0 : i32
        %dma_wait3A_620 = tpu.memref_slice %arg3[%dma_wait3A_619] : memref<323584xi32, #tpu.memory_space<hbm>> -> memref<128xi32, #tpu.memory_space<hbm>>
        %dma_wait3A_621 = arith.constant 0 : i32
        %dma_wait3A_622 = tpu.memref_slice %arg3[%dma_wait3A_621] : memref<323584xi32, #tpu.memory_space<hbm>> -> memref<128xi32, #tpu.memory_space<hbm>>
        tpu.wait_dma2 semaphore(%arg25 : memref<!tpu.dma_semaphore, #tpu.memory_space<semaphore_mem>>) src(%dma_wait3A_622 : memref<128xi32, #tpu.memory_space<hbm>>) dst(%arg14 : memref<128xi32, #tpu.memory_space<vmem>>)
        %dma_start3A_623 = arith.constant 0 : i32
        %dma_start3A_624 = tpu.memref_slice %arg13[%dma_start3A_623] : memref<128xi32, #tpu.memory_space<vmem>> -> memref<64xi32, #tpu.memory_space<vmem>>
        %dma_start3A_625 = arith.constant 0 : i32
        %dma_start3A_626 = arith.constant 0 : i32
        %dma_start3A_627 = tpu.memref_slice %arg5[%dma_start3A_625, %dma_start3A_626] : memref<10240x128xf32, #tpu.memory_space<hbm>> -> memref<10240x128xf32, #tpu.memory_space<hbm>>
        tpu.enqueue_indirect_dma source(%dma_start3A_627 : memref<10240x128xf32, #tpu.memory_space<hbm>>) target(%arg19 : memref<64x128xf32, #tpu.memory_space<vmem>>) offsets(%dma_start3A_624 : memref<64xi32, #tpu.memory_space<vmem>>) semaphore(%arg22 : memref<!tpu.dma_semaphore, #tpu.memory_space<semaphore_mem>>)
      } else {
      }
      %get3A_218 = arith.constant 64 : index
      %get3A_219 = tpu.vector_load %arg11[%get3A_218] {strides = array<i32>} : memref<128xi32, #tpu.memory_space<vmem>>, vector<16xi32>,
      %get3A_220 = arith.constant 64 : index
      %get3A_221 = tpu.vector_load %arg12[%get3A_220] {strides = array<i32>} : memref<128xi32, #tpu.memory_space<vmem>>, vector<16xi32>,
      %gather3A_222 = tpu.vector_load_idx %arg8[%get3A_219] : memref<10240xf32, #tpu.memory_space<vmem>>[vector<16xi32>], vector<16xf32>,
      %gather3A_223 = tpu.vector_load_idx %arg9[%get3A_221] : memref<10240xf32, #tpu.memory_space<vmem>>[vector<16xi32>], vector<16xf32>,
      %add3A_224 = arith.addf %gather3A_222, %gather3A_223 : vector<16xf32>
      %ge3A_225 = arith.constant 0.000000e+00 : f32
      %ge3A_226 = vector.broadcast %ge3A_225 : f32 to vector<16xf32>
      %ge3A_227 = arith.cmpf oge, %add3A_224, %ge3A_226 : vector<16xf32>
      %mul3A_228 = arith.constant 2.000000e-01 : f32
      %mul3A_229 = vector.broadcast %mul3A_228 : f32 to vector<16xf32>
      %mul3A_230 = arith.mulf %mul3A_229, %add3A_224 : vector<16xf32>
      %select_n3A_231 = arith.select %ge3A_227, %add3A_224, %mul3A_230 : vector<16xi1>, vector<16xf32>
      %exp3A_232 = math.exp %select_n3A_231 : vector<16xf32>
      %add3A_233 = arith.constant 64 : i32
      %add3A_234 = arith.addi %add3A_87, %add3A_233 : i32
      %add3A_235 = vector.broadcast %add3A_234 : i32 to vector<16xi32>
      %add3A_236 = arith.addi %add3A_235, %iota3A : vector<16xi32>
      %lt3A_237 = arith.constant 320000 : i32
      %lt3A_238 = vector.broadcast %lt3A_237 : i32 to vector<16xi32>
      %lt3A_239 = arith.cmpi slt, %add3A_236, %lt3A_238 : vector<16xi32>
      %jit3A_240 = arith.constant 0.000000e+00 : f32
      %broadcast_in_dim3A_241 = vector.broadcast %jit3A_240 : f32 to vector<16xf32>
      %select_n3A_242 = arith.select %lt3A_239, %exp3A_232, %broadcast_in_dim3A_241 : vector<16xi1>, vector<16xf32>
      %swap3A_243 = arith.constant 0 : index
      %swap3A_244 = tpu.vector_load %arg18[%swap3A_243] {strides = array<i32>} : memref<64xf32, #tpu.memory_space<vmem>>, vector<16xf32>,
      tpu.vector_store %arg18[%swap3A_243], %select_n3A_242 {strides = array<i32>} : memref<64xf32, #tpu.memory_space<vmem>>, vector<16xf32>,
      %swap3A_245 = arith.constant 0 : index
      %swap3A_246 = tpu.vector_load %arg16[%swap3A_245] {strides = array<i32>} : memref<64xi32, #tpu.memory_space<vmem>>, vector<16xi32>,
      tpu.vector_store %arg16[%swap3A_245], %get3A_221 {strides = array<i32>} : memref<64xi32, #tpu.memory_space<vmem>>, vector<16xi32>,
      tpu.vector_store_idx %arg10[%get3A_221], %select_n3A_242 {add = true} : memref<10000xf32, #tpu.memory_space<vmem>>[vector<16xi32>], vector<16xf32>,
      %get3A_247 = arith.constant 80 : index
      %get3A_248 = tpu.vector_load %arg11[%get3A_247] {strides = array<i32>} : memref<128xi32, #tpu.memory_space<vmem>>, vector<16xi32>,
      %get3A_249 = arith.constant 80 : index
      %get3A_250 = tpu.vector_load %arg12[%get3A_249] {strides = array<i32>} : memref<128xi32, #tpu.memory_space<vmem>>, vector<16xi32>,
      %gather3A_251 = tpu.vector_load_idx %arg8[%get3A_248] : memref<10240xf32, #tpu.memory_space<vmem>>[vector<16xi32>], vector<16xf32>,
      %gather3A_252 = tpu.vector_load_idx %arg9[%get3A_250] : memref<10240xf32, #tpu.memory_space<vmem>>[vector<16xi32>], vector<16xf32>,
      %add3A_253 = arith.addf %gather3A_251, %gather3A_252 : vector<16xf32>
      %ge3A_254 = arith.constant 0.000000e+00 : f32
      %ge3A_255 = vector.broadcast %ge3A_254 : f32 to vector<16xf32>
      %ge3A_256 = arith.cmpf oge, %add3A_253, %ge3A_255 : vector<16xf32>
      %mul3A_257 = arith.constant 2.000000e-01 : f32
      %mul3A_258 = vector.broadcast %mul3A_257 : f32 to vector<16xf32>
      %mul3A_259 = arith.mulf %mul3A_258, %add3A_253 : vector<16xf32>
      %select_n3A_260 = arith.select %ge3A_256, %add3A_253, %mul3A_259 : vector<16xi1>, vector<16xf32>
      %exp3A_261 = math.exp %select_n3A_260 : vector<16xf32>
      %add3A_262 = arith.constant 80 : i32
      %add3A_263 = arith.addi %add3A_87, %add3A_262 : i32
      %add3A_264 = vector.broadcast %add3A_263 : i32 to vector<16xi32>
      %add3A_265 = arith.addi %add3A_264, %iota3A : vector<16xi32>
      %lt3A_266 = arith.constant 320000 : i32
      %lt3A_267 = vector.broadcast %lt3A_266 : i32 to vector<16xi32>
      %lt3A_268 = arith.cmpi slt, %add3A_265, %lt3A_267 : vector<16xi32>
      %jit3A_269 = arith.constant 0.000000e+00 : f32
      %broadcast_in_dim3A_270 = vector.broadcast %jit3A_269 : f32 to vector<16xf32>
      %select_n3A_271 = arith.select %lt3A_268, %exp3A_261, %broadcast_in_dim3A_270 : vector<16xi1>, vector<16xf32>
      %swap3A_272 = arith.constant 16 : index
      %swap3A_273 = tpu.vector_load %arg18[%swap3A_272] {strides = array<i32>} : memref<64xf32, #tpu.memory_space<vmem>>, vector<16xf32>,
      tpu.vector_store %arg18[%swap3A_272], %select_n3A_271 {strides = array<i32>} : memref<64xf32, #tpu.memory_space<vmem>>, vector<16xf32>,
      %swap3A_274 = arith.constant 16 : index
      %swap3A_275 = tpu.vector_load %arg16[%swap3A_274] {strides = array<i32>} : memref<64xi32, #tpu.memory_space<vmem>>, vector<16xi32>,
      tpu.vector_store %arg16[%swap3A_274], %get3A_250 {strides = array<i32>} : memref<64xi32, #tpu.memory_space<vmem>>, vector<16xi32>,
      tpu.vector_store_idx %arg10[%get3A_250], %select_n3A_271 {add = true} : memref<10000xf32, #tpu.memory_space<vmem>>[vector<16xi32>], vector<16xf32>,
      %get3A_276 = arith.constant 96 : index
      %get3A_277 = tpu.vector_load %arg11[%get3A_276] {strides = array<i32>} : memref<128xi32, #tpu.memory_space<vmem>>, vector<16xi32>,
      %get3A_278 = arith.constant 96 : index
      %get3A_279 = tpu.vector_load %arg12[%get3A_278] {strides = array<i32>} : memref<128xi32, #tpu.memory_space<vmem>>, vector<16xi32>,
      %gather3A_280 = tpu.vector_load_idx %arg8[%get3A_277] : memref<10240xf32, #tpu.memory_space<vmem>>[vector<16xi32>], vector<16xf32>,
      %gather3A_281 = tpu.vector_load_idx %arg9[%get3A_279] : memref<10240xf32, #tpu.memory_space<vmem>>[vector<16xi32>], vector<16xf32>,
      %add3A_282 = arith.addf %gather3A_280, %gather3A_281 : vector<16xf32>
      %ge3A_283 = arith.constant 0.000000e+00 : f32
      %ge3A_284 = vector.broadcast %ge3A_283 : f32 to vector<16xf32>
      %ge3A_285 = arith.cmpf oge, %add3A_282, %ge3A_284 : vector<16xf32>
      %mul3A_286 = arith.constant 2.000000e-01 : f32
      %mul3A_287 = vector.broadcast %mul3A_286 : f32 to vector<16xf32>
      %mul3A_288 = arith.mulf %mul3A_287, %add3A_282 : vector<16xf32>
      %select_n3A_289 = arith.select %ge3A_285, %add3A_282, %mul3A_288 : vector<16xi1>, vector<16xf32>
      %exp3A_290 = math.exp %select_n3A_289 : vector<16xf32>
      %add3A_291 = arith.constant 96 : i32
      %add3A_292 = arith.addi %add3A_87, %add3A_291 : i32
      %add3A_293 = vector.broadcast %add3A_292 : i32 to vector<16xi32>
      %add3A_294 = arith.addi %add3A_293, %iota3A : vector<16xi32>
      %lt3A_295 = arith.constant 320000 : i32
      %lt3A_296 = vector.broadcast %lt3A_295 : i32 to vector<16xi32>
      %lt3A_297 = arith.cmpi slt, %add3A_294, %lt3A_296 : vector<16xi32>
      %jit3A_298 = arith.constant 0.000000e+00 : f32
      %broadcast_in_dim3A_299 = vector.broadcast %jit3A_298 : f32 to vector<16xf32>
      %select_n3A_300 = arith.select %lt3A_297, %exp3A_290, %broadcast_in_dim3A_299 : vector<16xi1>, vector<16xf32>
      %swap3A_301 = arith.constant 32 : index
      %swap3A_302 = tpu.vector_load %arg18[%swap3A_301] {strides = array<i32>} : memref<64xf32, #tpu.memory_space<vmem>>, vector<16xf32>,
      tpu.vector_store %arg18[%swap3A_301], %select_n3A_300 {strides = array<i32>} : memref<64xf32, #tpu.memory_space<vmem>>, vector<16xf32>,
      %swap3A_303 = arith.constant 32 : index
      %swap3A_304 = tpu.vector_load %arg16[%swap3A_303] {strides = array<i32>} : memref<64xi32, #tpu.memory_space<vmem>>, vector<16xi32>,
      tpu.vector_store %arg16[%swap3A_303], %get3A_279 {strides = array<i32>} : memref<64xi32, #tpu.memory_space<vmem>>, vector<16xi32>,
      tpu.vector_store_idx %arg10[%get3A_279], %select_n3A_300 {add = true} : memref<10000xf32, #tpu.memory_space<vmem>>[vector<16xi32>], vector<16xf32>,
      %get3A_305 = arith.constant 112 : index
      %get3A_306 = tpu.vector_load %arg11[%get3A_305] {strides = array<i32>} : memref<128xi32, #tpu.memory_space<vmem>>, vector<16xi32>,
      %get3A_307 = arith.constant 112 : index
      %get3A_308 = tpu.vector_load %arg12[%get3A_307] {strides = array<i32>} : memref<128xi32, #tpu.memory_space<vmem>>, vector<16xi32>,
      %gather3A_309 = tpu.vector_load_idx %arg8[%get3A_306] : memref<10240xf32, #tpu.memory_space<vmem>>[vector<16xi32>], vector<16xf32>,
      %gather3A_310 = tpu.vector_load_idx %arg9[%get3A_308] : memref<10240xf32, #tpu.memory_space<vmem>>[vector<16xi32>], vector<16xf32>,
      %add3A_311 = arith.addf %gather3A_309, %gather3A_310 : vector<16xf32>
      %ge3A_312 = arith.constant 0.000000e+00 : f32
      %ge3A_313 = vector.broadcast %ge3A_312 : f32 to vector<16xf32>
      %ge3A_314 = arith.cmpf oge, %add3A_311, %ge3A_313 : vector<16xf32>
      %mul3A_315 = arith.constant 2.000000e-01 : f32
      %mul3A_316 = vector.broadcast %mul3A_315 : f32 to vector<16xf32>
      %mul3A_317 = arith.mulf %mul3A_316, %add3A_311 : vector<16xf32>
      %select_n3A_318 = arith.select %ge3A_314, %add3A_311, %mul3A_317 : vector<16xi1>, vector<16xf32>
      %exp3A_319 = math.exp %select_n3A_318 : vector<16xf32>
      %add3A_320 = arith.constant 112 : i32
      %add3A_321 = arith.addi %add3A_87, %add3A_320 : i32
      %add3A_322 = vector.broadcast %add3A_321 : i32 to vector<16xi32>
      %add3A_323 = arith.addi %add3A_322, %iota3A : vector<16xi32>
      %lt3A_324 = arith.constant 320000 : i32
      %lt3A_325 = vector.broadcast %lt3A_324 : i32 to vector<16xi32>
      %lt3A_326 = arith.cmpi slt, %add3A_323, %lt3A_325 : vector<16xi32>
      %jit3A_327 = arith.constant 0.000000e+00 : f32
      %broadcast_in_dim3A_328 = vector.broadcast %jit3A_327 : f32 to vector<16xf32>
      %select_n3A_329 = arith.select %lt3A_326, %exp3A_319, %broadcast_in_dim3A_328 : vector<16xi1>, vector<16xf32>
      %swap3A_330 = arith.constant 48 : index
      %swap3A_331 = tpu.vector_load %arg18[%swap3A_330] {strides = array<i32>} : memref<64xf32, #tpu.memory_space<vmem>>, vector<16xf32>,
      tpu.vector_store %arg18[%swap3A_330], %select_n3A_329 {strides = array<i32>} : memref<64xf32, #tpu.memory_space<vmem>>, vector<16xf32>,
      %swap3A_332 = arith.constant 48 : index
      %swap3A_333 = tpu.vector_load %arg16[%swap3A_332] {strides = array<i32>} : memref<64xi32, #tpu.memory_space<vmem>>, vector<16xi32>,
      tpu.vector_store %arg16[%swap3A_332], %get3A_308 {strides = array<i32>} : memref<64xi32, #tpu.memory_space<vmem>>, vector<16xi32>,
      tpu.vector_store_idx %arg10[%get3A_308], %select_n3A_329 {add = true} : memref<10000xf32, #tpu.memory_space<vmem>>[vector<16xi32>], vector<16xf32>,
      %dma_wait3A_334 = arith.constant 64 : i32
      %dma_wait3A_335 = tpu.memref_slice %arg11[%dma_wait3A_334] : memref<128xi32, #tpu.memory_space<vmem>> -> memref<64xi32, #tpu.memory_space<vmem>>
      %dma_wait3A_336 = arith.constant 0 : i32
      %dma_wait3A_337 = arith.constant 0 : i32
      %dma_wait3A_338 = tpu.memref_slice %arg5[%dma_wait3A_336, %dma_wait3A_337] : memref<10240x128xf32, #tpu.memory_space<hbm>> -> memref<10240x128xf32, #tpu.memory_space<hbm>>
      tpu.wait_indirect_dma semaphore(%arg23 : memref<!tpu.dma_semaphore, #tpu.memory_space<semaphore_mem>>) src(%dma_wait3A_338 : memref<10240x128xf32, #tpu.memory_space<hbm>>) dst(%arg20 : memref<64x128xf32, #tpu.memory_space<vmem>>)
      %scan3A_339 = arith.constant 0 : i32
      %scan3A_340 = arith.constant 0 : i32
      %scan3A_341 = arith.constant 16 : i32
      %scan3A_342 = arith.addi %scan3A_340, %scan3A_341 : i32
      %scan3A_343 = arith.constant 1 : i32
      scf.for %scan3A_615 = %scan3A_340 to %scan3A_342 step %scan3A_343  : i32 {
        %mul3A_616 = arith.constant 4 : i32
        %mul3A_617 = arith.muli %scan3A_615, %mul3A_616 : i32
        %add3A_618 = arith.constant 0 : i32
        %add3A_619 = arith.addi %mul3A_617, %add3A_618 : i32
        %broadcast_in_dim3A_620 = vector.broadcast %add3A_619 : i32 to vector<16xi32>
        %gather3A_621 = tpu.vector_load_idx %arg18[%broadcast_in_dim3A_620] : memref<64xf32, #tpu.memory_space<vmem>>[vector<16xi32>], vector<16xf32>,
        %get3A_622 = arith.index_cast %add3A_619 : i32 to index
        %get3A_623 = arith.constant 0 : index
        %get3A_624 = tpu.vector_load %arg20[%get3A_622, %get3A_623] {strides = array<i32>} : memref<64x128xf32, #tpu.memory_space<vmem>>, vector<16xf32>,
        %mul3A_625 = arith.mulf %get3A_624, %gather3A_621 : vector<16xf32>
        %swap3A_626 = arith.index_cast %add3A_619 : i32 to index
        %swap3A_627 = arith.constant 0 : index
        %swap3A_628 = tpu.vector_load %arg20[%swap3A_626, %swap3A_627] {strides = array<i32>} : memref<64x128xf32, #tpu.memory_space<vmem>>, vector<16xf32>,
        tpu.vector_store %arg20[%swap3A_626, %swap3A_627], %mul3A_625 {strides = array<i32>} : memref<64x128xf32, #tpu.memory_space<vmem>>, vector<16xf32>,
        %get3A_629 = arith.index_cast %add3A_619 : i32 to index
        %get3A_630 = arith.constant 16 : index
        %get3A_631 = tpu.vector_load %arg20[%get3A_629, %get3A_630] {strides = array<i32>} : memref<64x128xf32, #tpu.memory_space<vmem>>, vector<16xf32>,
        %mul3A_632 = arith.mulf %get3A_631, %gather3A_621 : vector<16xf32>
        %swap3A_633 = arith.index_cast %add3A_619 : i32 to index
        %swap3A_634 = arith.constant 16 : index
        %swap3A_635 = tpu.vector_load %arg20[%swap3A_633, %swap3A_634] {strides = array<i32>} : memref<64x128xf32, #tpu.memory_space<vmem>>, vector<16xf32>,
        tpu.vector_store %arg20[%swap3A_633, %swap3A_634], %mul3A_632 {strides = array<i32>} : memref<64x128xf32, #tpu.memory_space<vmem>>, vector<16xf32>,
        %get3A_636 = arith.index_cast %add3A_619 : i32 to index
        %get3A_637 = arith.constant 32 : index
        %get3A_638 = tpu.vector_load %arg20[%get3A_636, %get3A_637] {strides = array<i32>} : memref<64x128xf32, #tpu.memory_space<vmem>>, vector<16xf32>,
        %mul3A_639 = arith.mulf %get3A_638, %gather3A_621 : vector<16xf32>
        %swap3A_640 = arith.index_cast %add3A_619 : i32 to index
        %swap3A_641 = arith.constant 32 : index
        %swap3A_642 = tpu.vector_load %arg20[%swap3A_640, %swap3A_641] {strides = array<i32>} : memref<64x128xf32, #tpu.memory_space<vmem>>, vector<16xf32>,
        tpu.vector_store %arg20[%swap3A_640, %swap3A_641], %mul3A_639 {strides = array<i32>} : memref<64x128xf32, #tpu.memory_space<vmem>>, vector<16xf32>,
        %get3A_643 = arith.index_cast %add3A_619 : i32 to index
        %get3A_644 = arith.constant 48 : index
        %get3A_645 = tpu.vector_load %arg20[%get3A_643, %get3A_644] {strides = array<i32>} : memref<64x128xf32, #tpu.memory_space<vmem>>, vector<16xf32>,
        %mul3A_646 = arith.mulf %get3A_645, %gather3A_621 : vector<16xf32>
        %swap3A_647 = arith.index_cast %add3A_619 : i32 to index
        %swap3A_648 = arith.constant 48 : index
        %swap3A_649 = tpu.vector_load %arg20[%swap3A_647, %swap3A_648] {strides = array<i32>} : memref<64x128xf32, #tpu.memory_space<vmem>>, vector<16xf32>,
        tpu.vector_store %arg20[%swap3A_647, %swap3A_648], %mul3A_646 {strides = array<i32>} : memref<64x128xf32, #tpu.memory_space<vmem>>, vector<16xf32>,
        %get3A_650 = arith.index_cast %add3A_619 : i32 to index
        %get3A_651 = arith.constant 64 : index
        %get3A_652 = tpu.vector_load %arg20[%get3A_650, %get3A_651] {strides = array<i32>} : memref<64x128xf32, #tpu.memory_space<vmem>>, vector<16xf32>,
        %mul3A_653 = arith.mulf %get3A_652, %gather3A_621 : vector<16xf32>
        %swap3A_654 = arith.index_cast %add3A_619 : i32 to index
        %swap3A_655 = arith.constant 64 : index
        %swap3A_656 = tpu.vector_load %arg20[%swap3A_654, %swap3A_655] {strides = array<i32>} : memref<64x128xf32, #tpu.memory_space<vmem>>, vector<16xf32>,
        tpu.vector_store %arg20[%swap3A_654, %swap3A_655], %mul3A_653 {strides = array<i32>} : memref<64x128xf32, #tpu.memory_space<vmem>>, vector<16xf32>,
        %get3A_657 = arith.index_cast %add3A_619 : i32 to index
        %get3A_658 = arith.constant 80 : index
        %get3A_659 = tpu.vector_load %arg20[%get3A_657, %get3A_658] {strides = array<i32>} : memref<64x128xf32, #tpu.memory_space<vmem>>, vector<16xf32>,
        %mul3A_660 = arith.mulf %get3A_659, %gather3A_621 : vector<16xf32>
        %swap3A_661 = arith.index_cast %add3A_619 : i32 to index
        %swap3A_662 = arith.constant 80 : index
        %swap3A_663 = tpu.vector_load %arg20[%swap3A_661, %swap3A_662] {strides = array<i32>} : memref<64x128xf32, #tpu.memory_space<vmem>>, vector<16xf32>,
        tpu.vector_store %arg20[%swap3A_661, %swap3A_662], %mul3A_660 {strides = array<i32>} : memref<64x128xf32, #tpu.memory_space<vmem>>, vector<16xf32>,
        %get3A_664 = arith.index_cast %add3A_619 : i32 to index
        %get3A_665 = arith.constant 96 : index
        %get3A_666 = tpu.vector_load %arg20[%get3A_664, %get3A_665] {strides = array<i32>} : memref<64x128xf32, #tpu.memory_space<vmem>>, vector<16xf32>,
        %mul3A_667 = arith.mulf %get3A_666, %gather3A_621 : vector<16xf32>
        %swap3A_668 = arith.index_cast %add3A_619 : i32 to index
        %swap3A_669 = arith.constant 96 : index
        %swap3A_670 = tpu.vector_load %arg20[%swap3A_668, %swap3A_669] {strides = array<i32>} : memref<64x128xf32, #tpu.memory_space<vmem>>, vector<16xf32>,
        tpu.vector_store %arg20[%swap3A_668, %swap3A_669], %mul3A_667 {strides = array<i32>} : memref<64x128xf32, #tpu.memory_space<vmem>>, vector<16xf32>,
        %get3A_671 = arith.index_cast %add3A_619 : i32 to index
        %get3A_672 = arith.constant 112 : index
        %get3A_673 = tpu.vector_load %arg20[%get3A_671, %get3A_672] {strides = array<i32>} : memref<64x128xf32, #tpu.memory_space<vmem>>, vector<16xf32>,
        %mul3A_674 = arith.mulf %get3A_673, %gather3A_621 : vector<16xf32>
        %swap3A_675 = arith.index_cast %add3A_619 : i32 to index
        %swap3A_676 = arith.constant 112 : index
        %swap3A_677 = tpu.vector_load %arg20[%swap3A_675, %swap3A_676] {strides = array<i32>} : memref<64x128xf32, #tpu.memory_space<vmem>>, vector<16xf32>,
        tpu.vector_store %arg20[%swap3A_675, %swap3A_676], %mul3A_674 {strides = array<i32>} : memref<64x128xf32, #tpu.memory_space<vmem>>, vector<16xf32>,
        %mul3A_678 = arith.constant 4 : i32
        %mul3A_679 = arith.muli %scan3A_615, %mul3A_678 : i32
        %add3A_680 = arith.constant 1 : i32
        %add3A_681 = arith.addi %mul3A_679, %add3A_680 : i32
        %broadcast_in_dim3A_682 = vector.broadcast %add3A_681 : i32 to vector<16xi32>
        %gather3A_683 = tpu.vector_load_idx %arg18[%broadcast_in_dim3A_682] : memref<64xf32, #tpu.memory_space<vmem>>[vector<16xi32>], vector<16xf32>,
        %get3A_684 = arith.index_cast %add3A_681 : i32 to index
        %get3A_685 = arith.constant 0 : index
        %get3A_686 = tpu.vector_load %arg20[%get3A_684, %get3A_685] {strides = array<i32>} : memref<64x128xf32, #tpu.memory_space<vmem>>, vector<16xf32>,
        %mul3A_687 = arith.mulf %get3A_686, %gather3A_683 : vector<16xf32>
        %swap3A_688 = arith.index_cast %add3A_681 : i32 to index
        %swap3A_689 = arith.constant 0 : index
        %swap3A_690 = tpu.vector_load %arg20[%swap3A_688, %swap3A_689] {strides = array<i32>} : memref<64x128xf32, #tpu.memory_space<vmem>>, vector<16xf32>,
        tpu.vector_store %arg20[%swap3A_688, %swap3A_689], %mul3A_687 {strides = array<i32>} : memref<64x128xf32, #tpu.memory_space<vmem>>, vector<16xf32>,
        %get3A_691 = arith.index_cast %add3A_681 : i32 to index
        %get3A_692 = arith.constant 16 : index
        %get3A_693 = tpu.vector_load %arg20[%get3A_691, %get3A_692] {strides = array<i32>} : memref<64x128xf32, #tpu.memory_space<vmem>>, vector<16xf32>,
        %mul3A_694 = arith.mulf %get3A_693, %gather3A_683 : vector<16xf32>
        %swap3A_695 = arith.index_cast %add3A_681 : i32 to index
        %swap3A_696 = arith.constant 16 : index
        %swap3A_697 = tpu.vector_load %arg20[%swap3A_695, %swap3A_696] {strides = array<i32>} : memref<64x128xf32, #tpu.memory_space<vmem>>, vector<16xf32>,
        tpu.vector_store %arg20[%swap3A_695, %swap3A_696], %mul3A_694 {strides = array<i32>} : memref<64x128xf32, #tpu.memory_space<vmem>>, vector<16xf32>,
        %get3A_698 = arith.index_cast %add3A_681 : i32 to index
        %get3A_699 = arith.constant 32 : index
        %get3A_700 = tpu.vector_load %arg20[%get3A_698, %get3A_699] {strides = array<i32>} : memref<64x128xf32, #tpu.memory_space<vmem>>, vector<16xf32>,
        %mul3A_701 = arith.mulf %get3A_700, %gather3A_683 : vector<16xf32>
        %swap3A_702 = arith.index_cast %add3A_681 : i32 to index
        %swap3A_703 = arith.constant 32 : index
        %swap3A_704 = tpu.vector_load %arg20[%swap3A_702, %swap3A_703] {strides = array<i32>} : memref<64x128xf32, #tpu.memory_space<vmem>>, vector<16xf32>,
        tpu.vector_store %arg20[%swap3A_702, %swap3A_703], %mul3A_701 {strides = array<i32>} : memref<64x128xf32, #tpu.memory_space<vmem>>, vector<16xf32>,
        %get3A_705 = arith.index_cast %add3A_681 : i32 to index
        %get3A_706 = arith.constant 48 : index
        %get3A_707 = tpu.vector_load %arg20[%get3A_705, %get3A_706] {strides = array<i32>} : memref<64x128xf32, #tpu.memory_space<vmem>>, vector<16xf32>,
        %mul3A_708 = arith.mulf %get3A_707, %gather3A_683 : vector<16xf32>
        %swap3A_709 = arith.index_cast %add3A_681 : i32 to index
        %swap3A_710 = arith.constant 48 : index
        %swap3A_711 = tpu.vector_load %arg20[%swap3A_709, %swap3A_710] {strides = array<i32>} : memref<64x128xf32, #tpu.memory_space<vmem>>, vector<16xf32>,
        tpu.vector_store %arg20[%swap3A_709, %swap3A_710], %mul3A_708 {strides = array<i32>} : memref<64x128xf32, #tpu.memory_space<vmem>>, vector<16xf32>,
        %get3A_712 = arith.index_cast %add3A_681 : i32 to index
        %get3A_713 = arith.constant 64 : index
        %get3A_714 = tpu.vector_load %arg20[%get3A_712, %get3A_713] {strides = array<i32>} : memref<64x128xf32, #tpu.memory_space<vmem>>, vector<16xf32>,
        %mul3A_715 = arith.mulf %get3A_714, %gather3A_683 : vector<16xf32>
        %swap3A_716 = arith.index_cast %add3A_681 : i32 to index
        %swap3A_717 = arith.constant 64 : index
        %swap3A_718 = tpu.vector_load %arg20[%swap3A_716, %swap3A_717] {strides = array<i32>} : memref<64x128xf32, #tpu.memory_space<vmem>>, vector<16xf32>,
        tpu.vector_store %arg20[%swap3A_716, %swap3A_717], %mul3A_715 {strides = array<i32>} : memref<64x128xf32, #tpu.memory_space<vmem>>, vector<16xf32>,
        %get3A_719 = arith.index_cast %add3A_681 : i32 to index
        %get3A_720 = arith.constant 80 : index
        %get3A_721 = tpu.vector_load %arg20[%get3A_719, %get3A_720] {strides = array<i32>} : memref<64x128xf32, #tpu.memory_space<vmem>>, vector<16xf32>,
        %mul3A_722 = arith.mulf %get3A_721, %gather3A_683 : vector<16xf32>
        %swap3A_723 = arith.index_cast %add3A_681 : i32 to index
        %swap3A_724 = arith.constant 80 : index
        %swap3A_725 = tpu.vector_load %arg20[%swap3A_723, %swap3A_724] {strides = array<i32>} : memref<64x128xf32, #tpu.memory_space<vmem>>, vector<16xf32>,
        tpu.vector_store %arg20[%swap3A_723, %swap3A_724], %mul3A_722 {strides = array<i32>} : memref<64x128xf32, #tpu.memory_space<vmem>>, vector<16xf32>,
        %get3A_726 = arith.index_cast %add3A_681 : i32 to index
        %get3A_727 = arith.constant 96 : index
        %get3A_728 = tpu.vector_load %arg20[%get3A_726, %get3A_727] {strides = array<i32>} : memref<64x128xf32, #tpu.memory_space<vmem>>, vector<16xf32>,
        %mul3A_729 = arith.mulf %get3A_728, %gather3A_683 : vector<16xf32>
        %swap3A_730 = arith.index_cast %add3A_681 : i32 to index
        %swap3A_731 = arith.constant 96 : index
        %swap3A_732 = tpu.vector_load %arg20[%swap3A_730, %swap3A_731] {strides = array<i32>} : memref<64x128xf32, #tpu.memory_space<vmem>>, vector<16xf32>,
        tpu.vector_store %arg20[%swap3A_730, %swap3A_731], %mul3A_729 {strides = array<i32>} : memref<64x128xf32, #tpu.memory_space<vmem>>, vector<16xf32>,
        %get3A_733 = arith.index_cast %add3A_681 : i32 to index
        %get3A_734 = arith.constant 112 : index
        %get3A_735 = tpu.vector_load %arg20[%get3A_733, %get3A_734] {strides = array<i32>} : memref<64x128xf32, #tpu.memory_space<vmem>>, vector<16xf32>,
        %mul3A_736 = arith.mulf %get3A_735, %gather3A_683 : vector<16xf32>
        %swap3A_737 = arith.index_cast %add3A_681 : i32 to index
        %swap3A_738 = arith.constant 112 : index
        %swap3A_739 = tpu.vector_load %arg20[%swap3A_737, %swap3A_738] {strides = array<i32>} : memref<64x128xf32, #tpu.memory_space<vmem>>, vector<16xf32>,
        tpu.vector_store %arg20[%swap3A_737, %swap3A_738], %mul3A_736 {strides = array<i32>} : memref<64x128xf32, #tpu.memory_space<vmem>>, vector<16xf32>,
        %mul3A_740 = arith.constant 4 : i32
        %mul3A_741 = arith.muli %scan3A_615, %mul3A_740 : i32
        %add3A_742 = arith.constant 2 : i32
        %add3A_743 = arith.addi %mul3A_741, %add3A_742 : i32
        %broadcast_in_dim3A_744 = vector.broadcast %add3A_743 : i32 to vector<16xi32>
        %gather3A_745 = tpu.vector_load_idx %arg18[%broadcast_in_dim3A_744] : memref<64xf32, #tpu.memory_space<vmem>>[vector<16xi32>], vector<16xf32>,
        %get3A_746 = arith.index_cast %add3A_743 : i32 to index
        %get3A_747 = arith.constant 0 : index
        %get3A_748 = tpu.vector_load %arg20[%get3A_746, %get3A_747] {strides = array<i32>} : memref<64x128xf32, #tpu.memory_space<vmem>>, vector<16xf32>,
        %mul3A_749 = arith.mulf %get3A_748, %gather3A_745 : vector<16xf32>
        %swap3A_750 = arith.index_cast %add3A_743 : i32 to index
        %swap3A_751 = arith.constant 0 : index
        %swap3A_752 = tpu.vector_load %arg20[%swap3A_750, %swap3A_751] {strides = array<i32>} : memref<64x128xf32, #tpu.memory_space<vmem>>, vector<16xf32>,
        tpu.vector_store %arg20[%swap3A_750, %swap3A_751], %mul3A_749 {strides = array<i32>} : memref<64x128xf32, #tpu.memory_space<vmem>>, vector<16xf32>,
        %get3A_753 = arith.index_cast %add3A_743 : i32 to index
        %get3A_754 = arith.constant 16 : index
        %get3A_755 = tpu.vector_load %arg20[%get3A_753, %get3A_754] {strides = array<i32>} : memref<64x128xf32, #tpu.memory_space<vmem>>, vector<16xf32>,
        %mul3A_756 = arith.mulf %get3A_755, %gather3A_745 : vector<16xf32>
        %swap3A_757 = arith.index_cast %add3A_743 : i32 to index
        %swap3A_758 = arith.constant 16 : index
        %swap3A_759 = tpu.vector_load %arg20[%swap3A_757, %swap3A_758] {strides = array<i32>} : memref<64x128xf32, #tpu.memory_space<vmem>>, vector<16xf32>,
        tpu.vector_store %arg20[%swap3A_757, %swap3A_758], %mul3A_756 {strides = array<i32>} : memref<64x128xf32, #tpu.memory_space<vmem>>, vector<16xf32>,
        %get3A_760 = arith.index_cast %add3A_743 : i32 to index
        %get3A_761 = arith.constant 32 : index
        %get3A_762 = tpu.vector_load %arg20[%get3A_760, %get3A_761] {strides = array<i32>} : memref<64x128xf32, #tpu.memory_space<vmem>>, vector<16xf32>,
        %mul3A_763 = arith.mulf %get3A_762, %gather3A_745 : vector<16xf32>
        %swap3A_764 = arith.index_cast %add3A_743 : i32 to index
        %swap3A_765 = arith.constant 32 : index
        %swap3A_766 = tpu.vector_load %arg20[%swap3A_764, %swap3A_765] {strides = array<i32>} : memref<64x128xf32, #tpu.memory_space<vmem>>, vector<16xf32>,
        tpu.vector_store %arg20[%swap3A_764, %swap3A_765], %mul3A_763 {strides = array<i32>} : memref<64x128xf32, #tpu.memory_space<vmem>>, vector<16xf32>,
        %get3A_767 = arith.index_cast %add3A_743 : i32 to index
        %get3A_768 = arith.constant 48 : index
        %get3A_769 = tpu.vector_load %arg20[%get3A_767, %get3A_768] {strides = array<i32>} : memref<64x128xf32, #tpu.memory_space<vmem>>, vector<16xf32>,
        %mul3A_770 = arith.mulf %get3A_769, %gather3A_745 : vector<16xf32>
        %swap3A_771 = arith.index_cast %add3A_743 : i32 to index
        %swap3A_772 = arith.constant 48 : index
        %swap3A_773 = tpu.vector_load %arg20[%swap3A_771, %swap3A_772] {strides = array<i32>} : memref<64x128xf32, #tpu.memory_space<vmem>>, vector<16xf32>,
        tpu.vector_store %arg20[%swap3A_771, %swap3A_772], %mul3A_770 {strides = array<i32>} : memref<64x128xf32, #tpu.memory_space<vmem>>, vector<16xf32>,
        %get3A_774 = arith.index_cast %add3A_743 : i32 to index
        %get3A_775 = arith.constant 64 : index
        %get3A_776 = tpu.vector_load %arg20[%get3A_774, %get3A_775] {strides = array<i32>} : memref<64x128xf32, #tpu.memory_space<vmem>>, vector<16xf32>,
        %mul3A_777 = arith.mulf %get3A_776, %gather3A_745 : vector<16xf32>
        %swap3A_778 = arith.index_cast %add3A_743 : i32 to index
        %swap3A_779 = arith.constant 64 : index
        %swap3A_780 = tpu.vector_load %arg20[%swap3A_778, %swap3A_779] {strides = array<i32>} : memref<64x128xf32, #tpu.memory_space<vmem>>, vector<16xf32>,
        tpu.vector_store %arg20[%swap3A_778, %swap3A_779], %mul3A_777 {strides = array<i32>} : memref<64x128xf32, #tpu.memory_space<vmem>>, vector<16xf32>,
        %get3A_781 = arith.index_cast %add3A_743 : i32 to index
        %get3A_782 = arith.constant 80 : index
        %get3A_783 = tpu.vector_load %arg20[%get3A_781, %get3A_782] {strides = array<i32>} : memref<64x128xf32, #tpu.memory_space<vmem>>, vector<16xf32>,
        %mul3A_784 = arith.mulf %get3A_783, %gather3A_745 : vector<16xf32>
        %swap3A_785 = arith.index_cast %add3A_743 : i32 to index
        %swap3A_786 = arith.constant 80 : index
        %swap3A_787 = tpu.vector_load %arg20[%swap3A_785, %swap3A_786] {strides = array<i32>} : memref<64x128xf32, #tpu.memory_space<vmem>>, vector<16xf32>,
        tpu.vector_store %arg20[%swap3A_785, %swap3A_786], %mul3A_784 {strides = array<i32>} : memref<64x128xf32, #tpu.memory_space<vmem>>, vector<16xf32>,
        %get3A_788 = arith.index_cast %add3A_743 : i32 to index
        %get3A_789 = arith.constant 96 : index
        %get3A_790 = tpu.vector_load %arg20[%get3A_788, %get3A_789] {strides = array<i32>} : memref<64x128xf32, #tpu.memory_space<vmem>>, vector<16xf32>,
        %mul3A_791 = arith.mulf %get3A_790, %gather3A_745 : vector<16xf32>
        %swap3A_792 = arith.index_cast %add3A_743 : i32 to index
        %swap3A_793 = arith.constant 96 : index
        %swap3A_794 = tpu.vector_load %arg20[%swap3A_792, %swap3A_793] {strides = array<i32>} : memref<64x128xf32, #tpu.memory_space<vmem>>, vector<16xf32>,
        tpu.vector_store %arg20[%swap3A_792, %swap3A_793], %mul3A_791 {strides = array<i32>} : memref<64x128xf32, #tpu.memory_space<vmem>>, vector<16xf32>,
        %get3A_795 = arith.index_cast %add3A_743 : i32 to index
        %get3A_796 = arith.constant 112 : index
        %get3A_797 = tpu.vector_load %arg20[%get3A_795, %get3A_796] {strides = array<i32>} : memref<64x128xf32, #tpu.memory_space<vmem>>, vector<16xf32>,
        %mul3A_798 = arith.mulf %get3A_797, %gather3A_745 : vector<16xf32>
        %swap3A_799 = arith.index_cast %add3A_743 : i32 to index
        %swap3A_800 = arith.constant 112 : index
        %swap3A_801 = tpu.vector_load %arg20[%swap3A_799, %swap3A_800] {strides = array<i32>} : memref<64x128xf32, #tpu.memory_space<vmem>>, vector<16xf32>,
        tpu.vector_store %arg20[%swap3A_799, %swap3A_800], %mul3A_798 {strides = array<i32>} : memref<64x128xf32, #tpu.memory_space<vmem>>, vector<16xf32>,
        %mul3A_802 = arith.constant 4 : i32
        %mul3A_803 = arith.muli %scan3A_615, %mul3A_802 : i32
        %add3A_804 = arith.constant 3 : i32
        %add3A_805 = arith.addi %mul3A_803, %add3A_804 : i32
        %broadcast_in_dim3A_806 = vector.broadcast %add3A_805 : i32 to vector<16xi32>
        %gather3A_807 = tpu.vector_load_idx %arg18[%broadcast_in_dim3A_806] : memref<64xf32, #tpu.memory_space<vmem>>[vector<16xi32>], vector<16xf32>,
        %get3A_808 = arith.index_cast %add3A_805 : i32 to index
        %get3A_809 = arith.constant 0 : index
        %get3A_810 = tpu.vector_load %arg20[%get3A_808, %get3A_809] {strides = array<i32>} : memref<64x128xf32, #tpu.memory_space<vmem>>, vector<16xf32>,
        %mul3A_811 = arith.mulf %get3A_810, %gather3A_807 : vector<16xf32>
        %swap3A_812 = arith.index_cast %add3A_805 : i32 to index
        %swap3A_813 = arith.constant 0 : index
        %swap3A_814 = tpu.vector_load %arg20[%swap3A_812, %swap3A_813] {strides = array<i32>} : memref<64x128xf32, #tpu.memory_space<vmem>>, vector<16xf32>,
        tpu.vector_store %arg20[%swap3A_812, %swap3A_813], %mul3A_811 {strides = array<i32>} : memref<64x128xf32, #tpu.memory_space<vmem>>, vector<16xf32>,
        %get3A_815 = arith.index_cast %add3A_805 : i32 to index
        %get3A_816 = arith.constant 16 : index
        %get3A_817 = tpu.vector_load %arg20[%get3A_815, %get3A_816] {strides = array<i32>} : memref<64x128xf32, #tpu.memory_space<vmem>>, vector<16xf32>,
        %mul3A_818 = arith.mulf %get3A_817, %gather3A_807 : vector<16xf32>
        %swap3A_819 = arith.index_cast %add3A_805 : i32 to index
        %swap3A_820 = arith.constant 16 : index
        %swap3A_821 = tpu.vector_load %arg20[%swap3A_819, %swap3A_820] {strides = array<i32>} : memref<64x128xf32, #tpu.memory_space<vmem>>, vector<16xf32>,
        tpu.vector_store %arg20[%swap3A_819, %swap3A_820], %mul3A_818 {strides = array<i32>} : memref<64x128xf32, #tpu.memory_space<vmem>>, vector<16xf32>,
        %get3A_822 = arith.index_cast %add3A_805 : i32 to index
        %get3A_823 = arith.constant 32 : index
        %get3A_824 = tpu.vector_load %arg20[%get3A_822, %get3A_823] {strides = array<i32>} : memref<64x128xf32, #tpu.memory_space<vmem>>, vector<16xf32>,
        %mul3A_825 = arith.mulf %get3A_824, %gather3A_807 : vector<16xf32>
        %swap3A_826 = arith.index_cast %add3A_805 : i32 to index
        %swap3A_827 = arith.constant 32 : index
        %swap3A_828 = tpu.vector_load %arg20[%swap3A_826, %swap3A_827] {strides = array<i32>} : memref<64x128xf32, #tpu.memory_space<vmem>>, vector<16xf32>,
        tpu.vector_store %arg20[%swap3A_826, %swap3A_827], %mul3A_825 {strides = array<i32>} : memref<64x128xf32, #tpu.memory_space<vmem>>, vector<16xf32>,
        %get3A_829 = arith.index_cast %add3A_805 : i32 to index
        %get3A_830 = arith.constant 48 : index
        %get3A_831 = tpu.vector_load %arg20[%get3A_829, %get3A_830] {strides = array<i32>} : memref<64x128xf32, #tpu.memory_space<vmem>>, vector<16xf32>,
        %mul3A_832 = arith.mulf %get3A_831, %gather3A_807 : vector<16xf32>
        %swap3A_833 = arith.index_cast %add3A_805 : i32 to index
        %swap3A_834 = arith.constant 48 : index
        %swap3A_835 = tpu.vector_load %arg20[%swap3A_833, %swap3A_834] {strides = array<i32>} : memref<64x128xf32, #tpu.memory_space<vmem>>, vector<16xf32>,
        tpu.vector_store %arg20[%swap3A_833, %swap3A_834], %mul3A_832 {strides = array<i32>} : memref<64x128xf32, #tpu.memory_space<vmem>>, vector<16xf32>,
        %get3A_836 = arith.index_cast %add3A_805 : i32 to index
        %get3A_837 = arith.constant 64 : index
        %get3A_838 = tpu.vector_load %arg20[%get3A_836, %get3A_837] {strides = array<i32>} : memref<64x128xf32, #tpu.memory_space<vmem>>, vector<16xf32>,
        %mul3A_839 = arith.mulf %get3A_838, %gather3A_807 : vector<16xf32>
        %swap3A_840 = arith.index_cast %add3A_805 : i32 to index
        %swap3A_841 = arith.constant 64 : index
        %swap3A_842 = tpu.vector_load %arg20[%swap3A_840, %swap3A_841] {strides = array<i32>} : memref<64x128xf32, #tpu.memory_space<vmem>>, vector<16xf32>,
        tpu.vector_store %arg20[%swap3A_840, %swap3A_841], %mul3A_839 {strides = array<i32>} : memref<64x128xf32, #tpu.memory_space<vmem>>, vector<16xf32>,
        %get3A_843 = arith.index_cast %add3A_805 : i32 to index
        %get3A_844 = arith.constant 80 : index
        %get3A_845 = tpu.vector_load %arg20[%get3A_843, %get3A_844] {strides = array<i32>} : memref<64x128xf32, #tpu.memory_space<vmem>>, vector<16xf32>,
        %mul3A_846 = arith.mulf %get3A_845, %gather3A_807 : vector<16xf32>
        %swap3A_847 = arith.index_cast %add3A_805 : i32 to index
        %swap3A_848 = arith.constant 80 : index
        %swap3A_849 = tpu.vector_load %arg20[%swap3A_847, %swap3A_848] {strides = array<i32>} : memref<64x128xf32, #tpu.memory_space<vmem>>, vector<16xf32>,
        tpu.vector_store %arg20[%swap3A_847, %swap3A_848], %mul3A_846 {strides = array<i32>} : memref<64x128xf32, #tpu.memory_space<vmem>>, vector<16xf32>,
        %get3A_850 = arith.index_cast %add3A_805 : i32 to index
        %get3A_851 = arith.constant 96 : index
        %get3A_852 = tpu.vector_load %arg20[%get3A_850, %get3A_851] {strides = array<i32>} : memref<64x128xf32, #tpu.memory_space<vmem>>, vector<16xf32>,
        %mul3A_853 = arith.mulf %get3A_852, %gather3A_807 : vector<16xf32>
        %swap3A_854 = arith.index_cast %add3A_805 : i32 to index
        %swap3A_855 = arith.constant 96 : index
        %swap3A_856 = tpu.vector_load %arg20[%swap3A_854, %swap3A_855] {strides = array<i32>} : memref<64x128xf32, #tpu.memory_space<vmem>>, vector<16xf32>,
        tpu.vector_store %arg20[%swap3A_854, %swap3A_855], %mul3A_853 {strides = array<i32>} : memref<64x128xf32, #tpu.memory_space<vmem>>, vector<16xf32>,
        %get3A_857 = arith.index_cast %add3A_805 : i32 to index
        %get3A_858 = arith.constant 112 : index
        %get3A_859 = tpu.vector_load %arg20[%get3A_857, %get3A_858] {strides = array<i32>} : memref<64x128xf32, #tpu.memory_space<vmem>>, vector<16xf32>,
        %mul3A_860 = arith.mulf %get3A_859, %gather3A_807 : vector<16xf32>
        %swap3A_861 = arith.index_cast %add3A_805 : i32 to index
        %swap3A_862 = arith.constant 112 : index
        %swap3A_863 = tpu.vector_load %arg20[%swap3A_861, %swap3A_862] {strides = array<i32>} : memref<64x128xf32, #tpu.memory_space<vmem>>, vector<16xf32>,
        tpu.vector_store %arg20[%swap3A_861, %swap3A_862], %mul3A_860 {strides = array<i32>} : memref<64x128xf32, #tpu.memory_space<vmem>>, vector<16xf32>,
      }
      %scan3A_344 = arith.constant 16 : i32
      "tpu.region"() ({
        %run_scoped3A_615 = tpu.sem_alloc : memref<!tpu.dma_semaphore, #tpu.memory_space<semaphore_mem>>
        %dma_start3A_616 = arith.constant 0 : i32
        %dma_start3A_617 = arith.constant 0 : i32
        %dma_start3A_618 = tpu.memref_slice %arg21[%dma_start3A_616, %dma_start3A_617] : memref<10240x128xf32, #tpu.memory_space<vmem_shared>> -> memref<10240x128xf32, #tpu.memory_space<vmem_shared>>
        tpu.enqueue_indirect_dma source(%arg20 : memref<64x128xf32, #tpu.memory_space<vmem>>) target(%dma_start3A_618 : memref<10240x128xf32, #tpu.memory_space<vmem_shared>>) offsets(%arg16 : memref<64xi32, #tpu.memory_space<vmem>>) semaphore(%run_scoped3A_615 : memref<!tpu.dma_semaphore, #tpu.memory_space<semaphore_mem>>) {add = true}
        %dma_wait3A_619 = arith.constant 0 : i32
        %dma_wait3A_620 = arith.constant 0 : i32
        %dma_wait3A_621 = tpu.memref_slice %arg21[%dma_wait3A_619, %dma_wait3A_620] : memref<10240x128xf32, #tpu.memory_space<vmem_shared>> -> memref<10240x128xf32, #tpu.memory_space<vmem_shared>>
        tpu.wait_indirect_dma semaphore(%run_scoped3A_615 : memref<!tpu.dma_semaphore, #tpu.memory_space<semaphore_mem>>) src(%arg20 : memref<64x128xf32, #tpu.memory_space<vmem>>) dst(%dma_wait3A_621 : memref<10240x128xf32, #tpu.memory_space<vmem_shared>>)
        tpu.yield
      }) : () -> ()
      %add3A_345 = arith.constant 128 : i32
      %add3A_346 = arith.addi %add3A_87, %add3A_345 : i32
      %add3A_347 = arith.constant 1 : i32
      %add3A_348 = arith.addi %while3A_82, %add3A_347 : i32
      %lt3A_349 = arith.cmpi slt, %add3A_348, %select_n3A_11 : i32
      %convert_element_type3A_350 = arith.extui %lt3A_349 : i1 to i32
      %cond3A_351 = arith.constant 0 : i32
      %cond3A_352 = arith.cmpi ne, %convert_element_type3A_350, %cond3A_351 : i32
      scf.if %cond3A_352 {
        %add3A_615 = arith.constant 128 : i32
        %add3A_616 = arith.addi %add3A_346, %add3A_615 : i32
        %dma_start3A_617 = tpu.memref_slice %arg2[%add3A_616] : memref<323584xi32, #tpu.memory_space<hbm>> -> memref<128xi32, #tpu.memory_space<hbm>>
        %dma_start3A_618 = tpu.memref_slice %arg2[%add3A_616] : memref<323584xi32, #tpu.memory_space<hbm>> -> memref<128xi32, #tpu.memory_space<hbm>>
        tpu.enqueue_dma source(%dma_start3A_618 : memref<128xi32, #tpu.memory_space<hbm>>) target(%arg11 : memref<128xi32, #tpu.memory_space<vmem>>) target_semaphore(%arg24 : memref<!tpu.dma_semaphore, #tpu.memory_space<semaphore_mem>>)
        %dma_start3A_619 = tpu.memref_slice %arg3[%add3A_616] : memref<323584xi32, #tpu.memory_space<hbm>> -> memref<128xi32, #tpu.memory_space<hbm>>
        %dma_start3A_620 = tpu.memref_slice %arg3[%add3A_616] : memref<323584xi32, #tpu.memory_space<hbm>> -> memref<128xi32, #tpu.memory_space<hbm>>
        tpu.enqueue_dma source(%dma_start3A_620 : memref<128xi32, #tpu.memory_space<hbm>>) target(%arg12 : memref<128xi32, #tpu.memory_space<vmem>>) target_semaphore(%arg24 : memref<!tpu.dma_semaphore, #tpu.memory_space<semaphore_mem>>)
      } else {
      }
      %dma_start3A_353 = arith.constant 64 : i32
      %dma_start3A_354 = tpu.memref_slice %arg13[%dma_start3A_353] : memref<128xi32, #tpu.memory_space<vmem>> -> memref<64xi32, #tpu.memory_space<vmem>>
      %dma_start3A_355 = arith.constant 0 : i32
      %dma_start3A_356 = arith.constant 0 : i32
      %dma_start3A_357 = tpu.memref_slice %arg5[%dma_start3A_355, %dma_start3A_356] : memref<10240x128xf32, #tpu.memory_space<hbm>> -> memref<10240x128xf32, #tpu.memory_space<hbm>>
      tpu.enqueue_indirect_dma source(%dma_start3A_357 : memref<10240x128xf32, #tpu.memory_space<hbm>>) target(%arg20 : memref<64x128xf32, #tpu.memory_space<vmem>>) offsets(%dma_start3A_354 : memref<64xi32, #tpu.memory_space<vmem>>) semaphore(%arg23 : memref<!tpu.dma_semaphore, #tpu.memory_space<semaphore_mem>>)
      %get3A_358 = arith.constant 0 : index
      %get3A_359 = tpu.vector_load %arg13[%get3A_358] {strides = array<i32>} : memref<128xi32, #tpu.memory_space<vmem>>, vector<16xi32>,
      %get3A_360 = arith.constant 0 : index
      %get3A_361 = tpu.vector_load %arg14[%get3A_360] {strides = array<i32>} : memref<128xi32, #tpu.memory_space<vmem>>, vector<16xi32>,
      %gather3A_362 = tpu.vector_load_idx %arg8[%get3A_359] : memref<10240xf32, #tpu.memory_space<vmem>>[vector<16xi32>], vector<16xf32>,
      %gather3A_363 = tpu.vector_load_idx %arg9[%get3A_361] : memref<10240xf32, #tpu.memory_space<vmem>>[vector<16xi32>], vector<16xf32>,
      %add3A_364 = arith.addf %gather3A_362, %gather3A_363 : vector<16xf32>
      %ge3A_365 = arith.constant 0.000000e+00 : f32
      %ge3A_366 = vector.broadcast %ge3A_365 : f32 to vector<16xf32>
      %ge3A_367 = arith.cmpf oge, %add3A_364, %ge3A_366 : vector<16xf32>
      %mul3A_368 = arith.constant 2.000000e-01 : f32
      %mul3A_369 = vector.broadcast %mul3A_368 : f32 to vector<16xf32>
      %mul3A_370 = arith.mulf %mul3A_369, %add3A_364 : vector<16xf32>
      %select_n3A_371 = arith.select %ge3A_367, %add3A_364, %mul3A_370 : vector<16xi1>, vector<16xf32>
      %exp3A_372 = math.exp %select_n3A_371 : vector<16xf32>
      %add3A_373 = arith.constant 0 : i32
      %add3A_374 = arith.addi %add3A_346, %add3A_373 : i32
      %add3A_375 = vector.broadcast %add3A_374 : i32 to vector<16xi32>
      %add3A_376 = arith.addi %add3A_375, %iota3A : vector<16xi32>
      %lt3A_377 = arith.constant 320000 : i32
      %lt3A_378 = vector.broadcast %lt3A_377 : i32 to vector<16xi32>
      %lt3A_379 = arith.cmpi slt, %add3A_376, %lt3A_378 : vector<16xi32>
      %jit3A_380 = arith.constant 0.000000e+00 : f32
      %broadcast_in_dim3A_381 = vector.broadcast %jit3A_380 : f32 to vector<16xf32>
      %select_n3A_382 = arith.select %lt3A_379, %exp3A_372, %broadcast_in_dim3A_381 : vector<16xi1>, vector<16xf32>
      %swap3A_383 = arith.constant 0 : index
      %swap3A_384 = tpu.vector_load %arg17[%swap3A_383] {strides = array<i32>} : memref<64xf32, #tpu.memory_space<vmem>>, vector<16xf32>,
      tpu.vector_store %arg17[%swap3A_383], %select_n3A_382 {strides = array<i32>} : memref<64xf32, #tpu.memory_space<vmem>>, vector<16xf32>,
      %swap3A_385 = arith.constant 0 : index
      %swap3A_386 = tpu.vector_load %arg15[%swap3A_385] {strides = array<i32>} : memref<64xi32, #tpu.memory_space<vmem>>, vector<16xi32>,
      tpu.vector_store %arg15[%swap3A_385], %get3A_361 {strides = array<i32>} : memref<64xi32, #tpu.memory_space<vmem>>, vector<16xi32>,
      tpu.vector_store_idx %arg10[%get3A_361], %select_n3A_382 {add = true} : memref<10000xf32, #tpu.memory_space<vmem>>[vector<16xi32>], vector<16xf32>,
      %get3A_387 = arith.constant 16 : index
      %get3A_388 = tpu.vector_load %arg13[%get3A_387] {strides = array<i32>} : memref<128xi32, #tpu.memory_space<vmem>>, vector<16xi32>,
      %get3A_389 = arith.constant 16 : index
      %get3A_390 = tpu.vector_load %arg14[%get3A_389] {strides = array<i32>} : memref<128xi32, #tpu.memory_space<vmem>>, vector<16xi32>,
      %gather3A_391 = tpu.vector_load_idx %arg8[%get3A_388] : memref<10240xf32, #tpu.memory_space<vmem>>[vector<16xi32>], vector<16xf32>,
      %gather3A_392 = tpu.vector_load_idx %arg9[%get3A_390] : memref<10240xf32, #tpu.memory_space<vmem>>[vector<16xi32>], vector<16xf32>,
      %add3A_393 = arith.addf %gather3A_391, %gather3A_392 : vector<16xf32>
      %ge3A_394 = arith.constant 0.000000e+00 : f32
      %ge3A_395 = vector.broadcast %ge3A_394 : f32 to vector<16xf32>
      %ge3A_396 = arith.cmpf oge, %add3A_393, %ge3A_395 : vector<16xf32>
      %mul3A_397 = arith.constant 2.000000e-01 : f32
      %mul3A_398 = vector.broadcast %mul3A_397 : f32 to vector<16xf32>
      %mul3A_399 = arith.mulf %mul3A_398, %add3A_393 : vector<16xf32>
      %select_n3A_400 = arith.select %ge3A_396, %add3A_393, %mul3A_399 : vector<16xi1>, vector<16xf32>
      %exp3A_401 = math.exp %select_n3A_400 : vector<16xf32>
      %add3A_402 = arith.constant 16 : i32
      %add3A_403 = arith.addi %add3A_346, %add3A_402 : i32
      %add3A_404 = vector.broadcast %add3A_403 : i32 to vector<16xi32>
      %add3A_405 = arith.addi %add3A_404, %iota3A : vector<16xi32>
      %lt3A_406 = arith.constant 320000 : i32
      %lt3A_407 = vector.broadcast %lt3A_406 : i32 to vector<16xi32>
      %lt3A_408 = arith.cmpi slt, %add3A_405, %lt3A_407 : vector<16xi32>
      %jit3A_409 = arith.constant 0.000000e+00 : f32
      %broadcast_in_dim3A_410 = vector.broadcast %jit3A_409 : f32 to vector<16xf32>
      %select_n3A_411 = arith.select %lt3A_408, %exp3A_401, %broadcast_in_dim3A_410 : vector<16xi1>, vector<16xf32>
      %swap3A_412 = arith.constant 16 : index
      %swap3A_413 = tpu.vector_load %arg17[%swap3A_412] {strides = array<i32>} : memref<64xf32, #tpu.memory_space<vmem>>, vector<16xf32>,
      tpu.vector_store %arg17[%swap3A_412], %select_n3A_411 {strides = array<i32>} : memref<64xf32, #tpu.memory_space<vmem>>, vector<16xf32>,
      %swap3A_414 = arith.constant 16 : index
      %swap3A_415 = tpu.vector_load %arg15[%swap3A_414] {strides = array<i32>} : memref<64xi32, #tpu.memory_space<vmem>>, vector<16xi32>,
      tpu.vector_store %arg15[%swap3A_414], %get3A_390 {strides = array<i32>} : memref<64xi32, #tpu.memory_space<vmem>>, vector<16xi32>,
      tpu.vector_store_idx %arg10[%get3A_390], %select_n3A_411 {add = true} : memref<10000xf32, #tpu.memory_space<vmem>>[vector<16xi32>], vector<16xf32>,
      %get3A_416 = arith.constant 32 : index
      %get3A_417 = tpu.vector_load %arg13[%get3A_416] {strides = array<i32>} : memref<128xi32, #tpu.memory_space<vmem>>, vector<16xi32>,
      %get3A_418 = arith.constant 32 : index
      %get3A_419 = tpu.vector_load %arg14[%get3A_418] {strides = array<i32>} : memref<128xi32, #tpu.memory_space<vmem>>, vector<16xi32>,
      %gather3A_420 = tpu.vector_load_idx %arg8[%get3A_417] : memref<10240xf32, #tpu.memory_space<vmem>>[vector<16xi32>], vector<16xf32>,
      %gather3A_421 = tpu.vector_load_idx %arg9[%get3A_419] : memref<10240xf32, #tpu.memory_space<vmem>>[vector<16xi32>], vector<16xf32>,
      %add3A_422 = arith.addf %gather3A_420, %gather3A_421 : vector<16xf32>
      %ge3A_423 = arith.constant 0.000000e+00 : f32
      %ge3A_424 = vector.broadcast %ge3A_423 : f32 to vector<16xf32>
      %ge3A_425 = arith.cmpf oge, %add3A_422, %ge3A_424 : vector<16xf32>
      %mul3A_426 = arith.constant 2.000000e-01 : f32
      %mul3A_427 = vector.broadcast %mul3A_426 : f32 to vector<16xf32>
      %mul3A_428 = arith.mulf %mul3A_427, %add3A_422 : vector<16xf32>
      %select_n3A_429 = arith.select %ge3A_425, %add3A_422, %mul3A_428 : vector<16xi1>, vector<16xf32>
      %exp3A_430 = math.exp %select_n3A_429 : vector<16xf32>
      %add3A_431 = arith.constant 32 : i32
      %add3A_432 = arith.addi %add3A_346, %add3A_431 : i32
      %add3A_433 = vector.broadcast %add3A_432 : i32 to vector<16xi32>
      %add3A_434 = arith.addi %add3A_433, %iota3A : vector<16xi32>
      %lt3A_435 = arith.constant 320000 : i32
      %lt3A_436 = vector.broadcast %lt3A_435 : i32 to vector<16xi32>
      %lt3A_437 = arith.cmpi slt, %add3A_434, %lt3A_436 : vector<16xi32>
      %jit3A_438 = arith.constant 0.000000e+00 : f32
      %broadcast_in_dim3A_439 = vector.broadcast %jit3A_438 : f32 to vector<16xf32>
      %select_n3A_440 = arith.select %lt3A_437, %exp3A_430, %broadcast_in_dim3A_439 : vector<16xi1>, vector<16xf32>
      %swap3A_441 = arith.constant 32 : index
      %swap3A_442 = tpu.vector_load %arg17[%swap3A_441] {strides = array<i32>} : memref<64xf32, #tpu.memory_space<vmem>>, vector<16xf32>,
      tpu.vector_store %arg17[%swap3A_441], %select_n3A_440 {strides = array<i32>} : memref<64xf32, #tpu.memory_space<vmem>>, vector<16xf32>,
      %swap3A_443 = arith.constant 32 : index
      %swap3A_444 = tpu.vector_load %arg15[%swap3A_443] {strides = array<i32>} : memref<64xi32, #tpu.memory_space<vmem>>, vector<16xi32>,
      tpu.vector_store %arg15[%swap3A_443], %get3A_419 {strides = array<i32>} : memref<64xi32, #tpu.memory_space<vmem>>, vector<16xi32>,
      tpu.vector_store_idx %arg10[%get3A_419], %select_n3A_440 {add = true} : memref<10000xf32, #tpu.memory_space<vmem>>[vector<16xi32>], vector<16xf32>,
      %get3A_445 = arith.constant 48 : index
      %get3A_446 = tpu.vector_load %arg13[%get3A_445] {strides = array<i32>} : memref<128xi32, #tpu.memory_space<vmem>>, vector<16xi32>,
      %get3A_447 = arith.constant 48 : index
      %get3A_448 = tpu.vector_load %arg14[%get3A_447] {strides = array<i32>} : memref<128xi32, #tpu.memory_space<vmem>>, vector<16xi32>,
      %gather3A_449 = tpu.vector_load_idx %arg8[%get3A_446] : memref<10240xf32, #tpu.memory_space<vmem>>[vector<16xi32>], vector<16xf32>,
      %gather3A_450 = tpu.vector_load_idx %arg9[%get3A_448] : memref<10240xf32, #tpu.memory_space<vmem>>[vector<16xi32>], vector<16xf32>,
      %add3A_451 = arith.addf %gather3A_449, %gather3A_450 : vector<16xf32>
      %ge3A_452 = arith.constant 0.000000e+00 : f32
      %ge3A_453 = vector.broadcast %ge3A_452 : f32 to vector<16xf32>
      %ge3A_454 = arith.cmpf oge, %add3A_451, %ge3A_453 : vector<16xf32>
      %mul3A_455 = arith.constant 2.000000e-01 : f32
      %mul3A_456 = vector.broadcast %mul3A_455 : f32 to vector<16xf32>
      %mul3A_457 = arith.mulf %mul3A_456, %add3A_451 : vector<16xf32>
      %select_n3A_458 = arith.select %ge3A_454, %add3A_451, %mul3A_457 : vector<16xi1>, vector<16xf32>
      %exp3A_459 = math.exp %select_n3A_458 : vector<16xf32>
      %add3A_460 = arith.constant 48 : i32
      %add3A_461 = arith.addi %add3A_346, %add3A_460 : i32
      %add3A_462 = vector.broadcast %add3A_461 : i32 to vector<16xi32>
      %add3A_463 = arith.addi %add3A_462, %iota3A : vector<16xi32>
      %lt3A_464 = arith.constant 320000 : i32
      %lt3A_465 = vector.broadcast %lt3A_464 : i32 to vector<16xi32>
      %lt3A_466 = arith.cmpi slt, %add3A_463, %lt3A_465 : vector<16xi32>
      %jit3A_467 = arith.constant 0.000000e+00 : f32
      %broadcast_in_dim3A_468 = vector.broadcast %jit3A_467 : f32 to vector<16xf32>
      %select_n3A_469 = arith.select %lt3A_466, %exp3A_459, %broadcast_in_dim3A_468 : vector<16xi1>, vector<16xf32>
      %swap3A_470 = arith.constant 48 : index
      %swap3A_471 = tpu.vector_load %arg17[%swap3A_470] {strides = array<i32>} : memref<64xf32, #tpu.memory_space<vmem>>, vector<16xf32>,
      tpu.vector_store %arg17[%swap3A_470], %select_n3A_469 {strides = array<i32>} : memref<64xf32, #tpu.memory_space<vmem>>, vector<16xf32>,
      %swap3A_472 = arith.constant 48 : index
      %swap3A_473 = tpu.vector_load %arg15[%swap3A_472] {strides = array<i32>} : memref<64xi32, #tpu.memory_space<vmem>>, vector<16xi32>,
      tpu.vector_store %arg15[%swap3A_472], %get3A_448 {strides = array<i32>} : memref<64xi32, #tpu.memory_space<vmem>>, vector<16xi32>,
      tpu.vector_store_idx %arg10[%get3A_448], %select_n3A_469 {add = true} : memref<10000xf32, #tpu.memory_space<vmem>>[vector<16xi32>], vector<16xf32>,
      %dma_wait3A_474 = arith.constant 0 : i32
      %dma_wait3A_475 = tpu.memref_slice %arg13[%dma_wait3A_474] : memref<128xi32, #tpu.memory_space<vmem>> -> memref<64xi32, #tpu.memory_space<vmem>>
      %dma_wait3A_476 = arith.constant 0 : i32
      %dma_wait3A_477 = arith.constant 0 : i32
      %dma_wait3A_478 = tpu.memref_slice %arg5[%dma_wait3A_476, %dma_wait3A_477] : memref<10240x128xf32, #tpu.memory_space<hbm>> -> memref<10240x128xf32, #tpu.memory_space<hbm>>
      tpu.wait_indirect_dma semaphore(%arg22 : memref<!tpu.dma_semaphore, #tpu.memory_space<semaphore_mem>>) src(%dma_wait3A_478 : memref<10240x128xf32, #tpu.memory_space<hbm>>) dst(%arg19 : memref<64x128xf32, #tpu.memory_space<vmem>>)
      %scan3A_479 = arith.constant 0 : i32
      %scan3A_480 = arith.constant 0 : i32
      %scan3A_481 = arith.constant 16 : i32
      %scan3A_482 = arith.addi %scan3A_480, %scan3A_481 : i32
      %scan3A_483 = arith.constant 1 : i32
      scf.for %scan3A_615 = %scan3A_480 to %scan3A_482 step %scan3A_483  : i32 {
        %mul3A_616 = arith.constant 4 : i32
        %mul3A_617 = arith.muli %scan3A_615, %mul3A_616 : i32
        %add3A_618 = arith.constant 0 : i32
        %add3A_619 = arith.addi %mul3A_617, %add3A_618 : i32
        %broadcast_in_dim3A_620 = vector.broadcast %add3A_619 : i32 to vector<16xi32>
        %gather3A_621 = tpu.vector_load_idx %arg17[%broadcast_in_dim3A_620] : memref<64xf32, #tpu.memory_space<vmem>>[vector<16xi32>], vector<16xf32>,
        %get3A_622 = arith.index_cast %add3A_619 : i32 to index
        %get3A_623 = arith.constant 0 : index
        %get3A_624 = tpu.vector_load %arg19[%get3A_622, %get3A_623] {strides = array<i32>} : memref<64x128xf32, #tpu.memory_space<vmem>>, vector<16xf32>,
        %mul3A_625 = arith.mulf %get3A_624, %gather3A_621 : vector<16xf32>
        %swap3A_626 = arith.index_cast %add3A_619 : i32 to index
        %swap3A_627 = arith.constant 0 : index
        %swap3A_628 = tpu.vector_load %arg19[%swap3A_626, %swap3A_627] {strides = array<i32>} : memref<64x128xf32, #tpu.memory_space<vmem>>, vector<16xf32>,
        tpu.vector_store %arg19[%swap3A_626, %swap3A_627], %mul3A_625 {strides = array<i32>} : memref<64x128xf32, #tpu.memory_space<vmem>>, vector<16xf32>,
        %get3A_629 = arith.index_cast %add3A_619 : i32 to index
        %get3A_630 = arith.constant 16 : index
        %get3A_631 = tpu.vector_load %arg19[%get3A_629, %get3A_630] {strides = array<i32>} : memref<64x128xf32, #tpu.memory_space<vmem>>, vector<16xf32>,
        %mul3A_632 = arith.mulf %get3A_631, %gather3A_621 : vector<16xf32>
        %swap3A_633 = arith.index_cast %add3A_619 : i32 to index
        %swap3A_634 = arith.constant 16 : index
        %swap3A_635 = tpu.vector_load %arg19[%swap3A_633, %swap3A_634] {strides = array<i32>} : memref<64x128xf32, #tpu.memory_space<vmem>>, vector<16xf32>,
        tpu.vector_store %arg19[%swap3A_633, %swap3A_634], %mul3A_632 {strides = array<i32>} : memref<64x128xf32, #tpu.memory_space<vmem>>, vector<16xf32>,
        %get3A_636 = arith.index_cast %add3A_619 : i32 to index
        %get3A_637 = arith.constant 32 : index
        %get3A_638 = tpu.vector_load %arg19[%get3A_636, %get3A_637] {strides = array<i32>} : memref<64x128xf32, #tpu.memory_space<vmem>>, vector<16xf32>,
        %mul3A_639 = arith.mulf %get3A_638, %gather3A_621 : vector<16xf32>
        %swap3A_640 = arith.index_cast %add3A_619 : i32 to index
        %swap3A_641 = arith.constant 32 : index
        %swap3A_642 = tpu.vector_load %arg19[%swap3A_640, %swap3A_641] {strides = array<i32>} : memref<64x128xf32, #tpu.memory_space<vmem>>, vector<16xf32>,
        tpu.vector_store %arg19[%swap3A_640, %swap3A_641], %mul3A_639 {strides = array<i32>} : memref<64x128xf32, #tpu.memory_space<vmem>>, vector<16xf32>,
        %get3A_643 = arith.index_cast %add3A_619 : i32 to index
        %get3A_644 = arith.constant 48 : index
        %get3A_645 = tpu.vector_load %arg19[%get3A_643, %get3A_644] {strides = array<i32>} : memref<64x128xf32, #tpu.memory_space<vmem>>, vector<16xf32>,
        %mul3A_646 = arith.mulf %get3A_645, %gather3A_621 : vector<16xf32>
        %swap3A_647 = arith.index_cast %add3A_619 : i32 to index
        %swap3A_648 = arith.constant 48 : index
        %swap3A_649 = tpu.vector_load %arg19[%swap3A_647, %swap3A_648] {strides = array<i32>} : memref<64x128xf32, #tpu.memory_space<vmem>>, vector<16xf32>,
        tpu.vector_store %arg19[%swap3A_647, %swap3A_648], %mul3A_646 {strides = array<i32>} : memref<64x128xf32, #tpu.memory_space<vmem>>, vector<16xf32>,
        %get3A_650 = arith.index_cast %add3A_619 : i32 to index
        %get3A_651 = arith.constant 64 : index
        %get3A_652 = tpu.vector_load %arg19[%get3A_650, %get3A_651] {strides = array<i32>} : memref<64x128xf32, #tpu.memory_space<vmem>>, vector<16xf32>,
        %mul3A_653 = arith.mulf %get3A_652, %gather3A_621 : vector<16xf32>
        %swap3A_654 = arith.index_cast %add3A_619 : i32 to index
        %swap3A_655 = arith.constant 64 : index
        %swap3A_656 = tpu.vector_load %arg19[%swap3A_654, %swap3A_655] {strides = array<i32>} : memref<64x128xf32, #tpu.memory_space<vmem>>, vector<16xf32>,
        tpu.vector_store %arg19[%swap3A_654, %swap3A_655], %mul3A_653 {strides = array<i32>} : memref<64x128xf32, #tpu.memory_space<vmem>>, vector<16xf32>,
        %get3A_657 = arith.index_cast %add3A_619 : i32 to index
        %get3A_658 = arith.constant 80 : index
        %get3A_659 = tpu.vector_load %arg19[%get3A_657, %get3A_658] {strides = array<i32>} : memref<64x128xf32, #tpu.memory_space<vmem>>, vector<16xf32>,
        %mul3A_660 = arith.mulf %get3A_659, %gather3A_621 : vector<16xf32>
        %swap3A_661 = arith.index_cast %add3A_619 : i32 to index
        %swap3A_662 = arith.constant 80 : index
        %swap3A_663 = tpu.vector_load %arg19[%swap3A_661, %swap3A_662] {strides = array<i32>} : memref<64x128xf32, #tpu.memory_space<vmem>>, vector<16xf32>,
        tpu.vector_store %arg19[%swap3A_661, %swap3A_662], %mul3A_660 {strides = array<i32>} : memref<64x128xf32, #tpu.memory_space<vmem>>, vector<16xf32>,
        %get3A_664 = arith.index_cast %add3A_619 : i32 to index
        %get3A_665 = arith.constant 96 : index
        %get3A_666 = tpu.vector_load %arg19[%get3A_664, %get3A_665] {strides = array<i32>} : memref<64x128xf32, #tpu.memory_space<vmem>>, vector<16xf32>,
        %mul3A_667 = arith.mulf %get3A_666, %gather3A_621 : vector<16xf32>
        %swap3A_668 = arith.index_cast %add3A_619 : i32 to index
        %swap3A_669 = arith.constant 96 : index
        %swap3A_670 = tpu.vector_load %arg19[%swap3A_668, %swap3A_669] {strides = array<i32>} : memref<64x128xf32, #tpu.memory_space<vmem>>, vector<16xf32>,
        tpu.vector_store %arg19[%swap3A_668, %swap3A_669], %mul3A_667 {strides = array<i32>} : memref<64x128xf32, #tpu.memory_space<vmem>>, vector<16xf32>,
        %get3A_671 = arith.index_cast %add3A_619 : i32 to index
        %get3A_672 = arith.constant 112 : index
        %get3A_673 = tpu.vector_load %arg19[%get3A_671, %get3A_672] {strides = array<i32>} : memref<64x128xf32, #tpu.memory_space<vmem>>, vector<16xf32>,
        %mul3A_674 = arith.mulf %get3A_673, %gather3A_621 : vector<16xf32>
        %swap3A_675 = arith.index_cast %add3A_619 : i32 to index
        %swap3A_676 = arith.constant 112 : index
        %swap3A_677 = tpu.vector_load %arg19[%swap3A_675, %swap3A_676] {strides = array<i32>} : memref<64x128xf32, #tpu.memory_space<vmem>>, vector<16xf32>,
        tpu.vector_store %arg19[%swap3A_675, %swap3A_676], %mul3A_674 {strides = array<i32>} : memref<64x128xf32, #tpu.memory_space<vmem>>, vector<16xf32>,
        %mul3A_678 = arith.constant 4 : i32
        %mul3A_679 = arith.muli %scan3A_615, %mul3A_678 : i32
        %add3A_680 = arith.constant 1 : i32
        %add3A_681 = arith.addi %mul3A_679, %add3A_680 : i32
        %broadcast_in_dim3A_682 = vector.broadcast %add3A_681 : i32 to vector<16xi32>
        %gather3A_683 = tpu.vector_load_idx %arg17[%broadcast_in_dim3A_682] : memref<64xf32, #tpu.memory_space<vmem>>[vector<16xi32>], vector<16xf32>,
        %get3A_684 = arith.index_cast %add3A_681 : i32 to index
        %get3A_685 = arith.constant 0 : index
        %get3A_686 = tpu.vector_load %arg19[%get3A_684, %get3A_685] {strides = array<i32>} : memref<64x128xf32, #tpu.memory_space<vmem>>, vector<16xf32>,
        %mul3A_687 = arith.mulf %get3A_686, %gather3A_683 : vector<16xf32>
        %swap3A_688 = arith.index_cast %add3A_681 : i32 to index
        %swap3A_689 = arith.constant 0 : index
        %swap3A_690 = tpu.vector_load %arg19[%swap3A_688, %swap3A_689] {strides = array<i32>} : memref<64x128xf32, #tpu.memory_space<vmem>>, vector<16xf32>,
        tpu.vector_store %arg19[%swap3A_688, %swap3A_689], %mul3A_687 {strides = array<i32>} : memref<64x128xf32, #tpu.memory_space<vmem>>, vector<16xf32>,
        %get3A_691 = arith.index_cast %add3A_681 : i32 to index
        %get3A_692 = arith.constant 16 : index
        %get3A_693 = tpu.vector_load %arg19[%get3A_691, %get3A_692] {strides = array<i32>} : memref<64x128xf32, #tpu.memory_space<vmem>>, vector<16xf32>,
        %mul3A_694 = arith.mulf %get3A_693, %gather3A_683 : vector<16xf32>
        %swap3A_695 = arith.index_cast %add3A_681 : i32 to index
        %swap3A_696 = arith.constant 16 : index
        %swap3A_697 = tpu.vector_load %arg19[%swap3A_695, %swap3A_696] {strides = array<i32>} : memref<64x128xf32, #tpu.memory_space<vmem>>, vector<16xf32>,
        tpu.vector_store %arg19[%swap3A_695, %swap3A_696], %mul3A_694 {strides = array<i32>} : memref<64x128xf32, #tpu.memory_space<vmem>>, vector<16xf32>,
        %get3A_698 = arith.index_cast %add3A_681 : i32 to index
        %get3A_699 = arith.constant 32 : index
        %get3A_700 = tpu.vector_load %arg19[%get3A_698, %get3A_699] {strides = array<i32>} : memref<64x128xf32, #tpu.memory_space<vmem>>, vector<16xf32>,
        %mul3A_701 = arith.mulf %get3A_700, %gather3A_683 : vector<16xf32>
        %swap3A_702 = arith.index_cast %add3A_681 : i32 to index
        %swap3A_703 = arith.constant 32 : index
        %swap3A_704 = tpu.vector_load %arg19[%swap3A_702, %swap3A_703] {strides = array<i32>} : memref<64x128xf32, #tpu.memory_space<vmem>>, vector<16xf32>,
        tpu.vector_store %arg19[%swap3A_702, %swap3A_703], %mul3A_701 {strides = array<i32>} : memref<64x128xf32, #tpu.memory_space<vmem>>, vector<16xf32>,
        %get3A_705 = arith.index_cast %add3A_681 : i32 to index
        %get3A_706 = arith.constant 48 : index
        %get3A_707 = tpu.vector_load %arg19[%get3A_705, %get3A_706] {strides = array<i32>} : memref<64x128xf32, #tpu.memory_space<vmem>>, vector<16xf32>,
        %mul3A_708 = arith.mulf %get3A_707, %gather3A_683 : vector<16xf32>
        %swap3A_709 = arith.index_cast %add3A_681 : i32 to index
        %swap3A_710 = arith.constant 48 : index
        %swap3A_711 = tpu.vector_load %arg19[%swap3A_709, %swap3A_710] {strides = array<i32>} : memref<64x128xf32, #tpu.memory_space<vmem>>, vector<16xf32>,
        tpu.vector_store %arg19[%swap3A_709, %swap3A_710], %mul3A_708 {strides = array<i32>} : memref<64x128xf32, #tpu.memory_space<vmem>>, vector<16xf32>,
        %get3A_712 = arith.index_cast %add3A_681 : i32 to index
        %get3A_713 = arith.constant 64 : index
        %get3A_714 = tpu.vector_load %arg19[%get3A_712, %get3A_713] {strides = array<i32>} : memref<64x128xf32, #tpu.memory_space<vmem>>, vector<16xf32>,
        %mul3A_715 = arith.mulf %get3A_714, %gather3A_683 : vector<16xf32>
        %swap3A_716 = arith.index_cast %add3A_681 : i32 to index
        %swap3A_717 = arith.constant 64 : index
        %swap3A_718 = tpu.vector_load %arg19[%swap3A_716, %swap3A_717] {strides = array<i32>} : memref<64x128xf32, #tpu.memory_space<vmem>>, vector<16xf32>,
        tpu.vector_store %arg19[%swap3A_716, %swap3A_717], %mul3A_715 {strides = array<i32>} : memref<64x128xf32, #tpu.memory_space<vmem>>, vector<16xf32>,
        %get3A_719 = arith.index_cast %add3A_681 : i32 to index
        %get3A_720 = arith.constant 80 : index
        %get3A_721 = tpu.vector_load %arg19[%get3A_719, %get3A_720] {strides = array<i32>} : memref<64x128xf32, #tpu.memory_space<vmem>>, vector<16xf32>,
        %mul3A_722 = arith.mulf %get3A_721, %gather3A_683 : vector<16xf32>
        %swap3A_723 = arith.index_cast %add3A_681 : i32 to index
        %swap3A_724 = arith.constant 80 : index
        %swap3A_725 = tpu.vector_load %arg19[%swap3A_723, %swap3A_724] {strides = array<i32>} : memref<64x128xf32, #tpu.memory_space<vmem>>, vector<16xf32>,
        tpu.vector_store %arg19[%swap3A_723, %swap3A_724], %mul3A_722 {strides = array<i32>} : memref<64x128xf32, #tpu.memory_space<vmem>>, vector<16xf32>,
        %get3A_726 = arith.index_cast %add3A_681 : i32 to index
        %get3A_727 = arith.constant 96 : index
        %get3A_728 = tpu.vector_load %arg19[%get3A_726, %get3A_727] {strides = array<i32>} : memref<64x128xf32, #tpu.memory_space<vmem>>, vector<16xf32>,
        %mul3A_729 = arith.mulf %get3A_728, %gather3A_683 : vector<16xf32>
        %swap3A_730 = arith.index_cast %add3A_681 : i32 to index
        %swap3A_731 = arith.constant 96 : index
        %swap3A_732 = tpu.vector_load %arg19[%swap3A_730, %swap3A_731] {strides = array<i32>} : memref<64x128xf32, #tpu.memory_space<vmem>>, vector<16xf32>,
        tpu.vector_store %arg19[%swap3A_730, %swap3A_731], %mul3A_729 {strides = array<i32>} : memref<64x128xf32, #tpu.memory_space<vmem>>, vector<16xf32>,
        %get3A_733 = arith.index_cast %add3A_681 : i32 to index
        %get3A_734 = arith.constant 112 : index
        %get3A_735 = tpu.vector_load %arg19[%get3A_733, %get3A_734] {strides = array<i32>} : memref<64x128xf32, #tpu.memory_space<vmem>>, vector<16xf32>,
        %mul3A_736 = arith.mulf %get3A_735, %gather3A_683 : vector<16xf32>
        %swap3A_737 = arith.index_cast %add3A_681 : i32 to index
        %swap3A_738 = arith.constant 112 : index
        %swap3A_739 = tpu.vector_load %arg19[%swap3A_737, %swap3A_738] {strides = array<i32>} : memref<64x128xf32, #tpu.memory_space<vmem>>, vector<16xf32>,
        tpu.vector_store %arg19[%swap3A_737, %swap3A_738], %mul3A_736 {strides = array<i32>} : memref<64x128xf32, #tpu.memory_space<vmem>>, vector<16xf32>,
        %mul3A_740 = arith.constant 4 : i32
        %mul3A_741 = arith.muli %scan3A_615, %mul3A_740 : i32
        %add3A_742 = arith.constant 2 : i32
        %add3A_743 = arith.addi %mul3A_741, %add3A_742 : i32
        %broadcast_in_dim3A_744 = vector.broadcast %add3A_743 : i32 to vector<16xi32>
        %gather3A_745 = tpu.vector_load_idx %arg17[%broadcast_in_dim3A_744] : memref<64xf32, #tpu.memory_space<vmem>>[vector<16xi32>], vector<16xf32>,
        %get3A_746 = arith.index_cast %add3A_743 : i32 to index
        %get3A_747 = arith.constant 0 : index
        %get3A_748 = tpu.vector_load %arg19[%get3A_746, %get3A_747] {strides = array<i32>} : memref<64x128xf32, #tpu.memory_space<vmem>>, vector<16xf32>,
        %mul3A_749 = arith.mulf %get3A_748, %gather3A_745 : vector<16xf32>
        %swap3A_750 = arith.index_cast %add3A_743 : i32 to index
        %swap3A_751 = arith.constant 0 : index
        %swap3A_752 = tpu.vector_load %arg19[%swap3A_750, %swap3A_751] {strides = array<i32>} : memref<64x128xf32, #tpu.memory_space<vmem>>, vector<16xf32>,
        tpu.vector_store %arg19[%swap3A_750, %swap3A_751], %mul3A_749 {strides = array<i32>} : memref<64x128xf32, #tpu.memory_space<vmem>>, vector<16xf32>,
        %get3A_753 = arith.index_cast %add3A_743 : i32 to index
        %get3A_754 = arith.constant 16 : index
        %get3A_755 = tpu.vector_load %arg19[%get3A_753, %get3A_754] {strides = array<i32>} : memref<64x128xf32, #tpu.memory_space<vmem>>, vector<16xf32>,
        %mul3A_756 = arith.mulf %get3A_755, %gather3A_745 : vector<16xf32>
        %swap3A_757 = arith.index_cast %add3A_743 : i32 to index
        %swap3A_758 = arith.constant 16 : index
        %swap3A_759 = tpu.vector_load %arg19[%swap3A_757, %swap3A_758] {strides = array<i32>} : memref<64x128xf32, #tpu.memory_space<vmem>>, vector<16xf32>,
        tpu.vector_store %arg19[%swap3A_757, %swap3A_758], %mul3A_756 {strides = array<i32>} : memref<64x128xf32, #tpu.memory_space<vmem>>, vector<16xf32>,
        %get3A_760 = arith.index_cast %add3A_743 : i32 to index
        %get3A_761 = arith.constant 32 : index
        %get3A_762 = tpu.vector_load %arg19[%get3A_760, %get3A_761] {strides = array<i32>} : memref<64x128xf32, #tpu.memory_space<vmem>>, vector<16xf32>,
        %mul3A_763 = arith.mulf %get3A_762, %gather3A_745 : vector<16xf32>
        %swap3A_764 = arith.index_cast %add3A_743 : i32 to index
        %swap3A_765 = arith.constant 32 : index
        %swap3A_766 = tpu.vector_load %arg19[%swap3A_764, %swap3A_765] {strides = array<i32>} : memref<64x128xf32, #tpu.memory_space<vmem>>, vector<16xf32>,
        tpu.vector_store %arg19[%swap3A_764, %swap3A_765], %mul3A_763 {strides = array<i32>} : memref<64x128xf32, #tpu.memory_space<vmem>>, vector<16xf32>,
        %get3A_767 = arith.index_cast %add3A_743 : i32 to index
        %get3A_768 = arith.constant 48 : index
        %get3A_769 = tpu.vector_load %arg19[%get3A_767, %get3A_768] {strides = array<i32>} : memref<64x128xf32, #tpu.memory_space<vmem>>, vector<16xf32>,
        %mul3A_770 = arith.mulf %get3A_769, %gather3A_745 : vector<16xf32>
        %swap3A_771 = arith.index_cast %add3A_743 : i32 to index
        %swap3A_772 = arith.constant 48 : index
        %swap3A_773 = tpu.vector_load %arg19[%swap3A_771, %swap3A_772] {strides = array<i32>} : memref<64x128xf32, #tpu.memory_space<vmem>>, vector<16xf32>,
        tpu.vector_store %arg19[%swap3A_771, %swap3A_772], %mul3A_770 {strides = array<i32>} : memref<64x128xf32, #tpu.memory_space<vmem>>, vector<16xf32>,
        %get3A_774 = arith.index_cast %add3A_743 : i32 to index
        %get3A_775 = arith.constant 64 : index
        %get3A_776 = tpu.vector_load %arg19[%get3A_774, %get3A_775] {strides = array<i32>} : memref<64x128xf32, #tpu.memory_space<vmem>>, vector<16xf32>,
        %mul3A_777 = arith.mulf %get3A_776, %gather3A_745 : vector<16xf32>
        %swap3A_778 = arith.index_cast %add3A_743 : i32 to index
        %swap3A_779 = arith.constant 64 : index
        %swap3A_780 = tpu.vector_load %arg19[%swap3A_778, %swap3A_779] {strides = array<i32>} : memref<64x128xf32, #tpu.memory_space<vmem>>, vector<16xf32>,
        tpu.vector_store %arg19[%swap3A_778, %swap3A_779], %mul3A_777 {strides = array<i32>} : memref<64x128xf32, #tpu.memory_space<vmem>>, vector<16xf32>,
        %get3A_781 = arith.index_cast %add3A_743 : i32 to index
        %get3A_782 = arith.constant 80 : index
        %get3A_783 = tpu.vector_load %arg19[%get3A_781, %get3A_782] {strides = array<i32>} : memref<64x128xf32, #tpu.memory_space<vmem>>, vector<16xf32>,
        %mul3A_784 = arith.mulf %get3A_783, %gather3A_745 : vector<16xf32>
        %swap3A_785 = arith.index_cast %add3A_743 : i32 to index
        %swap3A_786 = arith.constant 80 : index
        %swap3A_787 = tpu.vector_load %arg19[%swap3A_785, %swap3A_786] {strides = array<i32>} : memref<64x128xf32, #tpu.memory_space<vmem>>, vector<16xf32>,
        tpu.vector_store %arg19[%swap3A_785, %swap3A_786], %mul3A_784 {strides = array<i32>} : memref<64x128xf32, #tpu.memory_space<vmem>>, vector<16xf32>,
        %get3A_788 = arith.index_cast %add3A_743 : i32 to index
        %get3A_789 = arith.constant 96 : index
        %get3A_790 = tpu.vector_load %arg19[%get3A_788, %get3A_789] {strides = array<i32>} : memref<64x128xf32, #tpu.memory_space<vmem>>, vector<16xf32>,
        %mul3A_791 = arith.mulf %get3A_790, %gather3A_745 : vector<16xf32>
        %swap3A_792 = arith.index_cast %add3A_743 : i32 to index
        %swap3A_793 = arith.constant 96 : index
        %swap3A_794 = tpu.vector_load %arg19[%swap3A_792, %swap3A_793] {strides = array<i32>} : memref<64x128xf32, #tpu.memory_space<vmem>>, vector<16xf32>,
        tpu.vector_store %arg19[%swap3A_792, %swap3A_793], %mul3A_791 {strides = array<i32>} : memref<64x128xf32, #tpu.memory_space<vmem>>, vector<16xf32>,
        %get3A_795 = arith.index_cast %add3A_743 : i32 to index
        %get3A_796 = arith.constant 112 : index
        %get3A_797 = tpu.vector_load %arg19[%get3A_795, %get3A_796] {strides = array<i32>} : memref<64x128xf32, #tpu.memory_space<vmem>>, vector<16xf32>,
        %mul3A_798 = arith.mulf %get3A_797, %gather3A_745 : vector<16xf32>
        %swap3A_799 = arith.index_cast %add3A_743 : i32 to index
        %swap3A_800 = arith.constant 112 : index
        %swap3A_801 = tpu.vector_load %arg19[%swap3A_799, %swap3A_800] {strides = array<i32>} : memref<64x128xf32, #tpu.memory_space<vmem>>, vector<16xf32>,
        tpu.vector_store %arg19[%swap3A_799, %swap3A_800], %mul3A_798 {strides = array<i32>} : memref<64x128xf32, #tpu.memory_space<vmem>>, vector<16xf32>,
        %mul3A_802 = arith.constant 4 : i32
        %mul3A_803 = arith.muli %scan3A_615, %mul3A_802 : i32
        %add3A_804 = arith.constant 3 : i32
        %add3A_805 = arith.addi %mul3A_803, %add3A_804 : i32
        %broadcast_in_dim3A_806 = vector.broadcast %add3A_805 : i32 to vector<16xi32>
        %gather3A_807 = tpu.vector_load_idx %arg17[%broadcast_in_dim3A_806] : memref<64xf32, #tpu.memory_space<vmem>>[vector<16xi32>], vector<16xf32>,
        %get3A_808 = arith.index_cast %add3A_805 : i32 to index
        %get3A_809 = arith.constant 0 : index
        %get3A_810 = tpu.vector_load %arg19[%get3A_808, %get3A_809] {strides = array<i32>} : memref<64x128xf32, #tpu.memory_space<vmem>>, vector<16xf32>,
        %mul3A_811 = arith.mulf %get3A_810, %gather3A_807 : vector<16xf32>
        %swap3A_812 = arith.index_cast %add3A_805 : i32 to index
        %swap3A_813 = arith.constant 0 : index
        %swap3A_814 = tpu.vector_load %arg19[%swap3A_812, %swap3A_813] {strides = array<i32>} : memref<64x128xf32, #tpu.memory_space<vmem>>, vector<16xf32>,
        tpu.vector_store %arg19[%swap3A_812, %swap3A_813], %mul3A_811 {strides = array<i32>} : memref<64x128xf32, #tpu.memory_space<vmem>>, vector<16xf32>,
        %get3A_815 = arith.index_cast %add3A_805 : i32 to index
        %get3A_816 = arith.constant 16 : index
        %get3A_817 = tpu.vector_load %arg19[%get3A_815, %get3A_816] {strides = array<i32>} : memref<64x128xf32, #tpu.memory_space<vmem>>, vector<16xf32>,
        %mul3A_818 = arith.mulf %get3A_817, %gather3A_807 : vector<16xf32>
        %swap3A_819 = arith.index_cast %add3A_805 : i32 to index
        %swap3A_820 = arith.constant 16 : index
        %swap3A_821 = tpu.vector_load %arg19[%swap3A_819, %swap3A_820] {strides = array<i32>} : memref<64x128xf32, #tpu.memory_space<vmem>>, vector<16xf32>,
        tpu.vector_store %arg19[%swap3A_819, %swap3A_820], %mul3A_818 {strides = array<i32>} : memref<64x128xf32, #tpu.memory_space<vmem>>, vector<16xf32>,
        %get3A_822 = arith.index_cast %add3A_805 : i32 to index
        %get3A_823 = arith.constant 32 : index
        %get3A_824 = tpu.vector_load %arg19[%get3A_822, %get3A_823] {strides = array<i32>} : memref<64x128xf32, #tpu.memory_space<vmem>>, vector<16xf32>,
        %mul3A_825 = arith.mulf %get3A_824, %gather3A_807 : vector<16xf32>
        %swap3A_826 = arith.index_cast %add3A_805 : i32 to index
        %swap3A_827 = arith.constant 32 : index
        %swap3A_828 = tpu.vector_load %arg19[%swap3A_826, %swap3A_827] {strides = array<i32>} : memref<64x128xf32, #tpu.memory_space<vmem>>, vector<16xf32>,
        tpu.vector_store %arg19[%swap3A_826, %swap3A_827], %mul3A_825 {strides = array<i32>} : memref<64x128xf32, #tpu.memory_space<vmem>>, vector<16xf32>,
        %get3A_829 = arith.index_cast %add3A_805 : i32 to index
        %get3A_830 = arith.constant 48 : index
        %get3A_831 = tpu.vector_load %arg19[%get3A_829, %get3A_830] {strides = array<i32>} : memref<64x128xf32, #tpu.memory_space<vmem>>, vector<16xf32>,
        %mul3A_832 = arith.mulf %get3A_831, %gather3A_807 : vector<16xf32>
        %swap3A_833 = arith.index_cast %add3A_805 : i32 to index
        %swap3A_834 = arith.constant 48 : index
        %swap3A_835 = tpu.vector_load %arg19[%swap3A_833, %swap3A_834] {strides = array<i32>} : memref<64x128xf32, #tpu.memory_space<vmem>>, vector<16xf32>,
        tpu.vector_store %arg19[%swap3A_833, %swap3A_834], %mul3A_832 {strides = array<i32>} : memref<64x128xf32, #tpu.memory_space<vmem>>, vector<16xf32>,
        %get3A_836 = arith.index_cast %add3A_805 : i32 to index
        %get3A_837 = arith.constant 64 : index
        %get3A_838 = tpu.vector_load %arg19[%get3A_836, %get3A_837] {strides = array<i32>} : memref<64x128xf32, #tpu.memory_space<vmem>>, vector<16xf32>,
        %mul3A_839 = arith.mulf %get3A_838, %gather3A_807 : vector<16xf32>
        %swap3A_840 = arith.index_cast %add3A_805 : i32 to index
        %swap3A_841 = arith.constant 64 : index
        %swap3A_842 = tpu.vector_load %arg19[%swap3A_840, %swap3A_841] {strides = array<i32>} : memref<64x128xf32, #tpu.memory_space<vmem>>, vector<16xf32>,
        tpu.vector_store %arg19[%swap3A_840, %swap3A_841], %mul3A_839 {strides = array<i32>} : memref<64x128xf32, #tpu.memory_space<vmem>>, vector<16xf32>,
        %get3A_843 = arith.index_cast %add3A_805 : i32 to index
        %get3A_844 = arith.constant 80 : index
        %get3A_845 = tpu.vector_load %arg19[%get3A_843, %get3A_844] {strides = array<i32>} : memref<64x128xf32, #tpu.memory_space<vmem>>, vector<16xf32>,
        %mul3A_846 = arith.mulf %get3A_845, %gather3A_807 : vector<16xf32>
        %swap3A_847 = arith.index_cast %add3A_805 : i32 to index
        %swap3A_848 = arith.constant 80 : index
        %swap3A_849 = tpu.vector_load %arg19[%swap3A_847, %swap3A_848] {strides = array<i32>} : memref<64x128xf32, #tpu.memory_space<vmem>>, vector<16xf32>,
        tpu.vector_store %arg19[%swap3A_847, %swap3A_848], %mul3A_846 {strides = array<i32>} : memref<64x128xf32, #tpu.memory_space<vmem>>, vector<16xf32>,
        %get3A_850 = arith.index_cast %add3A_805 : i32 to index
        %get3A_851 = arith.constant 96 : index
        %get3A_852 = tpu.vector_load %arg19[%get3A_850, %get3A_851] {strides = array<i32>} : memref<64x128xf32, #tpu.memory_space<vmem>>, vector<16xf32>,
        %mul3A_853 = arith.mulf %get3A_852, %gather3A_807 : vector<16xf32>
        %swap3A_854 = arith.index_cast %add3A_805 : i32 to index
        %swap3A_855 = arith.constant 96 : index
        %swap3A_856 = tpu.vector_load %arg19[%swap3A_854, %swap3A_855] {strides = array<i32>} : memref<64x128xf32, #tpu.memory_space<vmem>>, vector<16xf32>,
        tpu.vector_store %arg19[%swap3A_854, %swap3A_855], %mul3A_853 {strides = array<i32>} : memref<64x128xf32, #tpu.memory_space<vmem>>, vector<16xf32>,
        %get3A_857 = arith.index_cast %add3A_805 : i32 to index
        %get3A_858 = arith.constant 112 : index
        %get3A_859 = tpu.vector_load %arg19[%get3A_857, %get3A_858] {strides = array<i32>} : memref<64x128xf32, #tpu.memory_space<vmem>>, vector<16xf32>,
        %mul3A_860 = arith.mulf %get3A_859, %gather3A_807 : vector<16xf32>
        %swap3A_861 = arith.index_cast %add3A_805 : i32 to index
        %swap3A_862 = arith.constant 112 : index
        %swap3A_863 = tpu.vector_load %arg19[%swap3A_861, %swap3A_862] {strides = array<i32>} : memref<64x128xf32, #tpu.memory_space<vmem>>, vector<16xf32>,
        tpu.vector_store %arg19[%swap3A_861, %swap3A_862], %mul3A_860 {strides = array<i32>} : memref<64x128xf32, #tpu.memory_space<vmem>>, vector<16xf32>,
      }
      %scan3A_484 = arith.constant 16 : i32
      "tpu.region"() ({
        %run_scoped3A_615 = tpu.sem_alloc : memref<!tpu.dma_semaphore, #tpu.memory_space<semaphore_mem>>
        %dma_start3A_616 = arith.constant 0 : i32
        %dma_start3A_617 = arith.constant 0 : i32
        %dma_start3A_618 = tpu.memref_slice %arg21[%dma_start3A_616, %dma_start3A_617] : memref<10240x128xf32, #tpu.memory_space<vmem_shared>> -> memref<10240x128xf32, #tpu.memory_space<vmem_shared>>
        tpu.enqueue_indirect_dma source(%arg19 : memref<64x128xf32, #tpu.memory_space<vmem>>) target(%dma_start3A_618 : memref<10240x128xf32, #tpu.memory_space<vmem_shared>>) offsets(%arg15 : memref<64xi32, #tpu.memory_space<vmem>>) semaphore(%run_scoped3A_615 : memref<!tpu.dma_semaphore, #tpu.memory_space<semaphore_mem>>) {add = true}
        %dma_wait3A_619 = arith.constant 0 : i32
        %dma_wait3A_620 = arith.constant 0 : i32
        %dma_wait3A_621 = tpu.memref_slice %arg21[%dma_wait3A_619, %dma_wait3A_620] : memref<10240x128xf32, #tpu.memory_space<vmem_shared>> -> memref<10240x128xf32, #tpu.memory_space<vmem_shared>>
        tpu.wait_indirect_dma semaphore(%run_scoped3A_615 : memref<!tpu.dma_semaphore, #tpu.memory_space<semaphore_mem>>) src(%arg19 : memref<64x128xf32, #tpu.memory_space<vmem>>) dst(%dma_wait3A_621 : memref<10240x128xf32, #tpu.memory_space<vmem_shared>>)
        tpu.yield
      }) : () -> ()
      %convert_element_type3A_485 = arith.extui %lt3A_349 : i1 to i32
      %cond3A_486 = arith.constant 0 : i32
      %cond3A_487 = arith.cmpi ne, %convert_element_type3A_485, %cond3A_486 : i32
      scf.if %cond3A_487 {
        %dma_wait3A_615 = arith.constant 0 : i32
        %dma_wait3A_616 = tpu.memref_slice %arg2[%dma_wait3A_615] : memref<323584xi32, #tpu.memory_space<hbm>> -> memref<128xi32, #tpu.memory_space<hbm>>
        %dma_wait3A_617 = arith.constant 0 : i32
        %dma_wait3A_618 = tpu.memref_slice %arg2[%dma_wait3A_617] : memref<323584xi32, #tpu.memory_space<hbm>> -> memref<128xi32, #tpu.memory_space<hbm>>
        tpu.wait_dma2 semaphore(%arg24 : memref<!tpu.dma_semaphore, #tpu.memory_space<semaphore_mem>>) src(%dma_wait3A_618 : memref<128xi32, #tpu.memory_space<hbm>>) dst(%arg11 : memref<128xi32, #tpu.memory_space<vmem>>)
        %dma_wait3A_619 = arith.constant 0 : i32
        %dma_wait3A_620 = tpu.memref_slice %arg3[%dma_wait3A_619] : memref<323584xi32, #tpu.memory_space<hbm>> -> memref<128xi32, #tpu.memory_space<hbm>>
        %dma_wait3A_621 = arith.constant 0 : i32
        %dma_wait3A_622 = tpu.memref_slice %arg3[%dma_wait3A_621] : memref<323584xi32, #tpu.memory_space<hbm>> -> memref<128xi32, #tpu.memory_space<hbm>>
        tpu.wait_dma2 semaphore(%arg24 : memref<!tpu.dma_semaphore, #tpu.memory_space<semaphore_mem>>) src(%dma_wait3A_622 : memref<128xi32, #tpu.memory_space<hbm>>) dst(%arg12 : memref<128xi32, #tpu.memory_space<vmem>>)
        %dma_start3A_623 = arith.constant 0 : i32
        %dma_start3A_624 = tpu.memref_slice %arg11[%dma_start3A_623] : memref<128xi32, #tpu.memory_space<vmem>> -> memref<64xi32, #tpu.memory_space<vmem>>
        %dma_start3A_625 = arith.constant 0 : i32
        %dma_start3A_626 = arith.constant 0 : i32
        %dma_start3A_627 = tpu.memref_slice %arg5[%dma_start3A_625, %dma_start3A_626] : memref<10240x128xf32, #tpu.memory_space<hbm>> -> memref<10240x128xf32, #tpu.memory_space<hbm>>
        tpu.enqueue_indirect_dma source(%dma_start3A_627 : memref<10240x128xf32, #tpu.memory_space<hbm>>) target(%arg19 : memref<64x128xf32, #tpu.memory_space<vmem>>) offsets(%dma_start3A_624 : memref<64xi32, #tpu.memory_space<vmem>>) semaphore(%arg22 : memref<!tpu.dma_semaphore, #tpu.memory_space<semaphore_mem>>)
      } else {
      }
      %get3A_488 = arith.constant 64 : index
      %get3A_489 = tpu.vector_load %arg13[%get3A_488] {strides = array<i32>} : memref<128xi32, #tpu.memory_space<vmem>>, vector<16xi32>,
      %get3A_490 = arith.constant 64 : index
      %get3A_491 = tpu.vector_load %arg14[%get3A_490] {strides = array<i32>} : memref<128xi32, #tpu.memory_space<vmem>>, vector<16xi32>,
      %gather3A_492 = tpu.vector_load_idx %arg8[%get3A_489] : memref<10240xf32, #tpu.memory_space<vmem>>[vector<16xi32>], vector<16xf32>,
      %gather3A_493 = tpu.vector_load_idx %arg9[%get3A_491] : memref<10240xf32, #tpu.memory_space<vmem>>[vector<16xi32>], vector<16xf32>,
      %add3A_494 = arith.addf %gather3A_492, %gather3A_493 : vector<16xf32>
      %ge3A_495 = arith.constant 0.000000e+00 : f32
      %ge3A_496 = vector.broadcast %ge3A_495 : f32 to vector<16xf32>
      %ge3A_497 = arith.cmpf oge, %add3A_494, %ge3A_496 : vector<16xf32>
      %mul3A_498 = arith.constant 2.000000e-01 : f32
      %mul3A_499 = vector.broadcast %mul3A_498 : f32 to vector<16xf32>
      %mul3A_500 = arith.mulf %mul3A_499, %add3A_494 : vector<16xf32>
      %select_n3A_501 = arith.select %ge3A_497, %add3A_494, %mul3A_500 : vector<16xi1>, vector<16xf32>
      %exp3A_502 = math.exp %select_n3A_501 : vector<16xf32>
      %add3A_503 = arith.constant 64 : i32
      %add3A_504 = arith.addi %add3A_346, %add3A_503 : i32
      %add3A_505 = vector.broadcast %add3A_504 : i32 to vector<16xi32>
      %add3A_506 = arith.addi %add3A_505, %iota3A : vector<16xi32>
      %lt3A_507 = arith.constant 320000 : i32
      %lt3A_508 = vector.broadcast %lt3A_507 : i32 to vector<16xi32>
      %lt3A_509 = arith.cmpi slt, %add3A_506, %lt3A_508 : vector<16xi32>
      %jit3A_510 = arith.constant 0.000000e+00 : f32
      %broadcast_in_dim3A_511 = vector.broadcast %jit3A_510 : f32 to vector<16xf32>
      %select_n3A_512 = arith.select %lt3A_509, %exp3A_502, %broadcast_in_dim3A_511 : vector<16xi1>, vector<16xf32>
      %swap3A_513 = arith.constant 0 : index
      %swap3A_514 = tpu.vector_load %arg18[%swap3A_513] {strides = array<i32>} : memref<64xf32, #tpu.memory_space<vmem>>, vector<16xf32>,
      tpu.vector_store %arg18[%swap3A_513], %select_n3A_512 {strides = array<i32>} : memref<64xf32, #tpu.memory_space<vmem>>, vector<16xf32>,
      %swap3A_515 = arith.constant 0 : index
      %swap3A_516 = tpu.vector_load %arg16[%swap3A_515] {strides = array<i32>} : memref<64xi32, #tpu.memory_space<vmem>>, vector<16xi32>,
      tpu.vector_store %arg16[%swap3A_515], %get3A_491 {strides = array<i32>} : memref<64xi32, #tpu.memory_space<vmem>>, vector<16xi32>,
      tpu.vector_store_idx %arg10[%get3A_491], %select_n3A_512 {add = true} : memref<10000xf32, #tpu.memory_space<vmem>>[vector<16xi32>], vector<16xf32>,
      %get3A_517 = arith.constant 80 : index
      %get3A_518 = tpu.vector_load %arg13[%get3A_517] {strides = array<i32>} : memref<128xi32, #tpu.memory_space<vmem>>, vector<16xi32>,
      %get3A_519 = arith.constant 80 : index
      %get3A_520 = tpu.vector_load %arg14[%get3A_519] {strides = array<i32>} : memref<128xi32, #tpu.memory_space<vmem>>, vector<16xi32>,
      %gather3A_521 = tpu.vector_load_idx %arg8[%get3A_518] : memref<10240xf32, #tpu.memory_space<vmem>>[vector<16xi32>], vector<16xf32>,
      %gather3A_522 = tpu.vector_load_idx %arg9[%get3A_520] : memref<10240xf32, #tpu.memory_space<vmem>>[vector<16xi32>], vector<16xf32>,
      %add3A_523 = arith.addf %gather3A_521, %gather3A_522 : vector<16xf32>
      %ge3A_524 = arith.constant 0.000000e+00 : f32
      %ge3A_525 = vector.broadcast %ge3A_524 : f32 to vector<16xf32>
      %ge3A_526 = arith.cmpf oge, %add3A_523, %ge3A_525 : vector<16xf32>
      %mul3A_527 = arith.constant 2.000000e-01 : f32
      %mul3A_528 = vector.broadcast %mul3A_527 : f32 to vector<16xf32>
      %mul3A_529 = arith.mulf %mul3A_528, %add3A_523 : vector<16xf32>
      %select_n3A_530 = arith.select %ge3A_526, %add3A_523, %mul3A_529 : vector<16xi1>, vector<16xf32>
      %exp3A_531 = math.exp %select_n3A_530 : vector<16xf32>
      %add3A_532 = arith.constant 80 : i32
      %add3A_533 = arith.addi %add3A_346, %add3A_532 : i32
      %add3A_534 = vector.broadcast %add3A_533 : i32 to vector<16xi32>
      %add3A_535 = arith.addi %add3A_534, %iota3A : vector<16xi32>
      %lt3A_536 = arith.constant 320000 : i32
      %lt3A_537 = vector.broadcast %lt3A_536 : i32 to vector<16xi32>
      %lt3A_538 = arith.cmpi slt, %add3A_535, %lt3A_537 : vector<16xi32>
      %jit3A_539 = arith.constant 0.000000e+00 : f32
      %broadcast_in_dim3A_540 = vector.broadcast %jit3A_539 : f32 to vector<16xf32>
      %select_n3A_541 = arith.select %lt3A_538, %exp3A_531, %broadcast_in_dim3A_540 : vector<16xi1>, vector<16xf32>
      %swap3A_542 = arith.constant 16 : index
      %swap3A_543 = tpu.vector_load %arg18[%swap3A_542] {strides = array<i32>} : memref<64xf32, #tpu.memory_space<vmem>>, vector<16xf32>,
      tpu.vector_store %arg18[%swap3A_542], %select_n3A_541 {strides = array<i32>} : memref<64xf32, #tpu.memory_space<vmem>>, vector<16xf32>,
      %swap3A_544 = arith.constant 16 : index
      %swap3A_545 = tpu.vector_load %arg16[%swap3A_544] {strides = array<i32>} : memref<64xi32, #tpu.memory_space<vmem>>, vector<16xi32>,
      tpu.vector_store %arg16[%swap3A_544], %get3A_520 {strides = array<i32>} : memref<64xi32, #tpu.memory_space<vmem>>, vector<16xi32>,
      tpu.vector_store_idx %arg10[%get3A_520], %select_n3A_541 {add = true} : memref<10000xf32, #tpu.memory_space<vmem>>[vector<16xi32>], vector<16xf32>,
      %get3A_546 = arith.constant 96 : index
      %get3A_547 = tpu.vector_load %arg13[%get3A_546] {strides = array<i32>} : memref<128xi32, #tpu.memory_space<vmem>>, vector<16xi32>,
      %get3A_548 = arith.constant 96 : index
      %get3A_549 = tpu.vector_load %arg14[%get3A_548] {strides = array<i32>} : memref<128xi32, #tpu.memory_space<vmem>>, vector<16xi32>,
      %gather3A_550 = tpu.vector_load_idx %arg8[%get3A_547] : memref<10240xf32, #tpu.memory_space<vmem>>[vector<16xi32>], vector<16xf32>,
      %gather3A_551 = tpu.vector_load_idx %arg9[%get3A_549] : memref<10240xf32, #tpu.memory_space<vmem>>[vector<16xi32>], vector<16xf32>,
      %add3A_552 = arith.addf %gather3A_550, %gather3A_551 : vector<16xf32>
      %ge3A_553 = arith.constant 0.000000e+00 : f32
      %ge3A_554 = vector.broadcast %ge3A_553 : f32 to vector<16xf32>
      %ge3A_555 = arith.cmpf oge, %add3A_552, %ge3A_554 : vector<16xf32>
      %mul3A_556 = arith.constant 2.000000e-01 : f32
      %mul3A_557 = vector.broadcast %mul3A_556 : f32 to vector<16xf32>
      %mul3A_558 = arith.mulf %mul3A_557, %add3A_552 : vector<16xf32>
      %select_n3A_559 = arith.select %ge3A_555, %add3A_552, %mul3A_558 : vector<16xi1>, vector<16xf32>
      %exp3A_560 = math.exp %select_n3A_559 : vector<16xf32>
      %add3A_561 = arith.constant 96 : i32
      %add3A_562 = arith.addi %add3A_346, %add3A_561 : i32
      %add3A_563 = vector.broadcast %add3A_562 : i32 to vector<16xi32>
      %add3A_564 = arith.addi %add3A_563, %iota3A : vector<16xi32>
      %lt3A_565 = arith.constant 320000 : i32
      %lt3A_566 = vector.broadcast %lt3A_565 : i32 to vector<16xi32>
      %lt3A_567 = arith.cmpi slt, %add3A_564, %lt3A_566 : vector<16xi32>
      %jit3A_568 = arith.constant 0.000000e+00 : f32
      %broadcast_in_dim3A_569 = vector.broadcast %jit3A_568 : f32 to vector<16xf32>
      %select_n3A_570 = arith.select %lt3A_567, %exp3A_560, %broadcast_in_dim3A_569 : vector<16xi1>, vector<16xf32>
      %swap3A_571 = arith.constant 32 : index
      %swap3A_572 = tpu.vector_load %arg18[%swap3A_571] {strides = array<i32>} : memref<64xf32, #tpu.memory_space<vmem>>, vector<16xf32>,
      tpu.vector_store %arg18[%swap3A_571], %select_n3A_570 {strides = array<i32>} : memref<64xf32, #tpu.memory_space<vmem>>, vector<16xf32>,
      %swap3A_573 = arith.constant 32 : index
      %swap3A_574 = tpu.vector_load %arg16[%swap3A_573] {strides = array<i32>} : memref<64xi32, #tpu.memory_space<vmem>>, vector<16xi32>,
      tpu.vector_store %arg16[%swap3A_573], %get3A_549 {strides = array<i32>} : memref<64xi32, #tpu.memory_space<vmem>>, vector<16xi32>,
      tpu.vector_store_idx %arg10[%get3A_549], %select_n3A_570 {add = true} : memref<10000xf32, #tpu.memory_space<vmem>>[vector<16xi32>], vector<16xf32>,
      %get3A_575 = arith.constant 112 : index
      %get3A_576 = tpu.vector_load %arg13[%get3A_575] {strides = array<i32>} : memref<128xi32, #tpu.memory_space<vmem>>, vector<16xi32>,
      %get3A_577 = arith.constant 112 : index
      %get3A_578 = tpu.vector_load %arg14[%get3A_577] {strides = array<i32>} : memref<128xi32, #tpu.memory_space<vmem>>, vector<16xi32>,
      %gather3A_579 = tpu.vector_load_idx %arg8[%get3A_576] : memref<10240xf32, #tpu.memory_space<vmem>>[vector<16xi32>], vector<16xf32>,
      %gather3A_580 = tpu.vector_load_idx %arg9[%get3A_578] : memref<10240xf32, #tpu.memory_space<vmem>>[vector<16xi32>], vector<16xf32>,
      %add3A_581 = arith.addf %gather3A_579, %gather3A_580 : vector<16xf32>
      %ge3A_582 = arith.constant 0.000000e+00 : f32
      %ge3A_583 = vector.broadcast %ge3A_582 : f32 to vector<16xf32>
      %ge3A_584 = arith.cmpf oge, %add3A_581, %ge3A_583 : vector<16xf32>
      %mul3A_585 = arith.constant 2.000000e-01 : f32
      %mul3A_586 = vector.broadcast %mul3A_585 : f32 to vector<16xf32>
      %mul3A_587 = arith.mulf %mul3A_586, %add3A_581 : vector<16xf32>
      %select_n3A_588 = arith.select %ge3A_584, %add3A_581, %mul3A_587 : vector<16xi1>, vector<16xf32>
      %exp3A_589 = math.exp %select_n3A_588 : vector<16xf32>
      %add3A_590 = arith.constant 112 : i32
      %add3A_591 = arith.addi %add3A_346, %add3A_590 : i32
      %add3A_592 = vector.broadcast %add3A_591 : i32 to vector<16xi32>
      %add3A_593 = arith.addi %add3A_592, %iota3A : vector<16xi32>
      %lt3A_594 = arith.constant 320000 : i32
      %lt3A_595 = vector.broadcast %lt3A_594 : i32 to vector<16xi32>
      %lt3A_596 = arith.cmpi slt, %add3A_593, %lt3A_595 : vector<16xi32>
      %jit3A_597 = arith.constant 0.000000e+00 : f32
      %broadcast_in_dim3A_598 = vector.broadcast %jit3A_597 : f32 to vector<16xf32>
      %select_n3A_599 = arith.select %lt3A_596, %exp3A_589, %broadcast_in_dim3A_598 : vector<16xi1>, vector<16xf32>
      %swap3A_600 = arith.constant 48 : index
      %swap3A_601 = tpu.vector_load %arg18[%swap3A_600] {strides = array<i32>} : memref<64xf32, #tpu.memory_space<vmem>>, vector<16xf32>,
      tpu.vector_store %arg18[%swap3A_600], %select_n3A_599 {strides = array<i32>} : memref<64xf32, #tpu.memory_space<vmem>>, vector<16xf32>,
      %swap3A_602 = arith.constant 48 : index
      %swap3A_603 = tpu.vector_load %arg16[%swap3A_602] {strides = array<i32>} : memref<64xi32, #tpu.memory_space<vmem>>, vector<16xi32>,
      tpu.vector_store %arg16[%swap3A_602], %get3A_578 {strides = array<i32>} : memref<64xi32, #tpu.memory_space<vmem>>, vector<16xi32>,
      tpu.vector_store_idx %arg10[%get3A_578], %select_n3A_599 {add = true} : memref<10000xf32, #tpu.memory_space<vmem>>[vector<16xi32>], vector<16xf32>,
      %dma_wait3A_604 = arith.constant 64 : i32
      %dma_wait3A_605 = tpu.memref_slice %arg13[%dma_wait3A_604] : memref<128xi32, #tpu.memory_space<vmem>> -> memref<64xi32, #tpu.memory_space<vmem>>
      %dma_wait3A_606 = arith.constant 0 : i32
      %dma_wait3A_607 = arith.constant 0 : i32
      %dma_wait3A_608 = tpu.memref_slice %arg5[%dma_wait3A_606, %dma_wait3A_607] : memref<10240x128xf32, #tpu.memory_space<hbm>> -> memref<10240x128xf32, #tpu.memory_space<hbm>>
      tpu.wait_indirect_dma semaphore(%arg23 : memref<!tpu.dma_semaphore, #tpu.memory_space<semaphore_mem>>) src(%dma_wait3A_608 : memref<10240x128xf32, #tpu.memory_space<hbm>>) dst(%arg20 : memref<64x128xf32, #tpu.memory_space<vmem>>)
      %scan3A_609 = arith.constant 0 : i32
      %scan3A_610 = arith.constant 0 : i32
      %scan3A_611 = arith.constant 16 : i32
      %scan3A_612 = arith.addi %scan3A_610, %scan3A_611 : i32
      %scan3A_613 = arith.constant 1 : i32
      scf.for %scan3A_615 = %scan3A_610 to %scan3A_612 step %scan3A_613  : i32 {
        %mul3A_616 = arith.constant 4 : i32
        %mul3A_617 = arith.muli %scan3A_615, %mul3A_616 : i32
        %add3A_618 = arith.constant 0 : i32
        %add3A_619 = arith.addi %mul3A_617, %add3A_618 : i32
        %broadcast_in_dim3A_620 = vector.broadcast %add3A_619 : i32 to vector<16xi32>
        %gather3A_621 = tpu.vector_load_idx %arg18[%broadcast_in_dim3A_620] : memref<64xf32, #tpu.memory_space<vmem>>[vector<16xi32>], vector<16xf32>,
        %get3A_622 = arith.index_cast %add3A_619 : i32 to index
        %get3A_623 = arith.constant 0 : index
        %get3A_624 = tpu.vector_load %arg20[%get3A_622, %get3A_623] {strides = array<i32>} : memref<64x128xf32, #tpu.memory_space<vmem>>, vector<16xf32>,
        %mul3A_625 = arith.mulf %get3A_624, %gather3A_621 : vector<16xf32>
        %swap3A_626 = arith.index_cast %add3A_619 : i32 to index
        %swap3A_627 = arith.constant 0 : index
        %swap3A_628 = tpu.vector_load %arg20[%swap3A_626, %swap3A_627] {strides = array<i32>} : memref<64x128xf32, #tpu.memory_space<vmem>>, vector<16xf32>,
        tpu.vector_store %arg20[%swap3A_626, %swap3A_627], %mul3A_625 {strides = array<i32>} : memref<64x128xf32, #tpu.memory_space<vmem>>, vector<16xf32>,
        %get3A_629 = arith.index_cast %add3A_619 : i32 to index
        %get3A_630 = arith.constant 16 : index
        %get3A_631 = tpu.vector_load %arg20[%get3A_629, %get3A_630] {strides = array<i32>} : memref<64x128xf32, #tpu.memory_space<vmem>>, vector<16xf32>,
        %mul3A_632 = arith.mulf %get3A_631, %gather3A_621 : vector<16xf32>
        %swap3A_633 = arith.index_cast %add3A_619 : i32 to index
        %swap3A_634 = arith.constant 16 : index
        %swap3A_635 = tpu.vector_load %arg20[%swap3A_633, %swap3A_634] {strides = array<i32>} : memref<64x128xf32, #tpu.memory_space<vmem>>, vector<16xf32>,
        tpu.vector_store %arg20[%swap3A_633, %swap3A_634], %mul3A_632 {strides = array<i32>} : memref<64x128xf32, #tpu.memory_space<vmem>>, vector<16xf32>,
        %get3A_636 = arith.index_cast %add3A_619 : i32 to index
        %get3A_637 = arith.constant 32 : index
        %get3A_638 = tpu.vector_load %arg20[%get3A_636, %get3A_637] {strides = array<i32>} : memref<64x128xf32, #tpu.memory_space<vmem>>, vector<16xf32>,
        %mul3A_639 = arith.mulf %get3A_638, %gather3A_621 : vector<16xf32>
        %swap3A_640 = arith.index_cast %add3A_619 : i32 to index
        %swap3A_641 = arith.constant 32 : index
        %swap3A_642 = tpu.vector_load %arg20[%swap3A_640, %swap3A_641] {strides = array<i32>} : memref<64x128xf32, #tpu.memory_space<vmem>>, vector<16xf32>,
        tpu.vector_store %arg20[%swap3A_640, %swap3A_641], %mul3A_639 {strides = array<i32>} : memref<64x128xf32, #tpu.memory_space<vmem>>, vector<16xf32>,
        %get3A_643 = arith.index_cast %add3A_619 : i32 to index
        %get3A_644 = arith.constant 48 : index
        %get3A_645 = tpu.vector_load %arg20[%get3A_643, %get3A_644] {strides = array<i32>} : memref<64x128xf32, #tpu.memory_space<vmem>>, vector<16xf32>,
        %mul3A_646 = arith.mulf %get3A_645, %gather3A_621 : vector<16xf32>
        %swap3A_647 = arith.index_cast %add3A_619 : i32 to index
        %swap3A_648 = arith.constant 48 : index
        %swap3A_649 = tpu.vector_load %arg20[%swap3A_647, %swap3A_648] {strides = array<i32>} : memref<64x128xf32, #tpu.memory_space<vmem>>, vector<16xf32>,
        tpu.vector_store %arg20[%swap3A_647, %swap3A_648], %mul3A_646 {strides = array<i32>} : memref<64x128xf32, #tpu.memory_space<vmem>>, vector<16xf32>,
        %get3A_650 = arith.index_cast %add3A_619 : i32 to index
        %get3A_651 = arith.constant 64 : index
        %get3A_652 = tpu.vector_load %arg20[%get3A_650, %get3A_651] {strides = array<i32>} : memref<64x128xf32, #tpu.memory_space<vmem>>, vector<16xf32>,
        %mul3A_653 = arith.mulf %get3A_652, %gather3A_621 : vector<16xf32>
        %swap3A_654 = arith.index_cast %add3A_619 : i32 to index
        %swap3A_655 = arith.constant 64 : index
        %swap3A_656 = tpu.vector_load %arg20[%swap3A_654, %swap3A_655] {strides = array<i32>} : memref<64x128xf32, #tpu.memory_space<vmem>>, vector<16xf32>,
        tpu.vector_store %arg20[%swap3A_654, %swap3A_655], %mul3A_653 {strides = array<i32>} : memref<64x128xf32, #tpu.memory_space<vmem>>, vector<16xf32>,
        %get3A_657 = arith.index_cast %add3A_619 : i32 to index
        %get3A_658 = arith.constant 80 : index
        %get3A_659 = tpu.vector_load %arg20[%get3A_657, %get3A_658] {strides = array<i32>} : memref<64x128xf32, #tpu.memory_space<vmem>>, vector<16xf32>,
        %mul3A_660 = arith.mulf %get3A_659, %gather3A_621 : vector<16xf32>
        %swap3A_661 = arith.index_cast %add3A_619 : i32 to index
        %swap3A_662 = arith.constant 80 : index
        %swap3A_663 = tpu.vector_load %arg20[%swap3A_661, %swap3A_662] {strides = array<i32>} : memref<64x128xf32, #tpu.memory_space<vmem>>, vector<16xf32>,
        tpu.vector_store %arg20[%swap3A_661, %swap3A_662], %mul3A_660 {strides = array<i32>} : memref<64x128xf32, #tpu.memory_space<vmem>>, vector<16xf32>,
        %get3A_664 = arith.index_cast %add3A_619 : i32 to index
        %get3A_665 = arith.constant 96 : index
        %get3A_666 = tpu.vector_load %arg20[%get3A_664, %get3A_665] {strides = array<i32>} : memref<64x128xf32, #tpu.memory_space<vmem>>, vector<16xf32>,
        %mul3A_667 = arith.mulf %get3A_666, %gather3A_621 : vector<16xf32>
        %swap3A_668 = arith.index_cast %add3A_619 : i32 to index
        %swap3A_669 = arith.constant 96 : index
        %swap3A_670 = tpu.vector_load %arg20[%swap3A_668, %swap3A_669] {strides = array<i32>} : memref<64x128xf32, #tpu.memory_space<vmem>>, vector<16xf32>,
        tpu.vector_store %arg20[%swap3A_668, %swap3A_669], %mul3A_667 {strides = array<i32>} : memref<64x128xf32, #tpu.memory_space<vmem>>, vector<16xf32>,
        %get3A_671 = arith.index_cast %add3A_619 : i32 to index
        %get3A_672 = arith.constant 112 : index
        %get3A_673 = tpu.vector_load %arg20[%get3A_671, %get3A_672] {strides = array<i32>} : memref<64x128xf32, #tpu.memory_space<vmem>>, vector<16xf32>,
        %mul3A_674 = arith.mulf %get3A_673, %gather3A_621 : vector<16xf32>
        %swap3A_675 = arith.index_cast %add3A_619 : i32 to index
        %swap3A_676 = arith.constant 112 : index
        %swap3A_677 = tpu.vector_load %arg20[%swap3A_675, %swap3A_676] {strides = array<i32>} : memref<64x128xf32, #tpu.memory_space<vmem>>, vector<16xf32>,
        tpu.vector_store %arg20[%swap3A_675, %swap3A_676], %mul3A_674 {strides = array<i32>} : memref<64x128xf32, #tpu.memory_space<vmem>>, vector<16xf32>,
        %mul3A_678 = arith.constant 4 : i32
        %mul3A_679 = arith.muli %scan3A_615, %mul3A_678 : i32
        %add3A_680 = arith.constant 1 : i32
        %add3A_681 = arith.addi %mul3A_679, %add3A_680 : i32
        %broadcast_in_dim3A_682 = vector.broadcast %add3A_681 : i32 to vector<16xi32>
        %gather3A_683 = tpu.vector_load_idx %arg18[%broadcast_in_dim3A_682] : memref<64xf32, #tpu.memory_space<vmem>>[vector<16xi32>], vector<16xf32>,
        %get3A_684 = arith.index_cast %add3A_681 : i32 to index
        %get3A_685 = arith.constant 0 : index
        %get3A_686 = tpu.vector_load %arg20[%get3A_684, %get3A_685] {strides = array<i32>} : memref<64x128xf32, #tpu.memory_space<vmem>>, vector<16xf32>,
        %mul3A_687 = arith.mulf %get3A_686, %gather3A_683 : vector<16xf32>
        %swap3A_688 = arith.index_cast %add3A_681 : i32 to index
        %swap3A_689 = arith.constant 0 : index
        %swap3A_690 = tpu.vector_load %arg20[%swap3A_688, %swap3A_689] {strides = array<i32>} : memref<64x128xf32, #tpu.memory_space<vmem>>, vector<16xf32>,
        tpu.vector_store %arg20[%swap3A_688, %swap3A_689], %mul3A_687 {strides = array<i32>} : memref<64x128xf32, #tpu.memory_space<vmem>>, vector<16xf32>,
        %get3A_691 = arith.index_cast %add3A_681 : i32 to index
        %get3A_692 = arith.constant 16 : index
        %get3A_693 = tpu.vector_load %arg20[%get3A_691, %get3A_692] {strides = array<i32>} : memref<64x128xf32, #tpu.memory_space<vmem>>, vector<16xf32>,
        %mul3A_694 = arith.mulf %get3A_693, %gather3A_683 : vector<16xf32>
        %swap3A_695 = arith.index_cast %add3A_681 : i32 to index
        %swap3A_696 = arith.constant 16 : index
        %swap3A_697 = tpu.vector_load %arg20[%swap3A_695, %swap3A_696] {strides = array<i32>} : memref<64x128xf32, #tpu.memory_space<vmem>>, vector<16xf32>,
        tpu.vector_store %arg20[%swap3A_695, %swap3A_696], %mul3A_694 {strides = array<i32>} : memref<64x128xf32, #tpu.memory_space<vmem>>, vector<16xf32>,
        %get3A_698 = arith.index_cast %add3A_681 : i32 to index
        %get3A_699 = arith.constant 32 : index
        %get3A_700 = tpu.vector_load %arg20[%get3A_698, %get3A_699] {strides = array<i32>} : memref<64x128xf32, #tpu.memory_space<vmem>>, vector<16xf32>,
        %mul3A_701 = arith.mulf %get3A_700, %gather3A_683 : vector<16xf32>
        %swap3A_702 = arith.index_cast %add3A_681 : i32 to index
        %swap3A_703 = arith.constant 32 : index
        %swap3A_704 = tpu.vector_load %arg20[%swap3A_702, %swap3A_703] {strides = array<i32>} : memref<64x128xf32, #tpu.memory_space<vmem>>, vector<16xf32>,
        tpu.vector_store %arg20[%swap3A_702, %swap3A_703], %mul3A_701 {strides = array<i32>} : memref<64x128xf32, #tpu.memory_space<vmem>>, vector<16xf32>,
        %get3A_705 = arith.index_cast %add3A_681 : i32 to index
        %get3A_706 = arith.constant 48 : index
        %get3A_707 = tpu.vector_load %arg20[%get3A_705, %get3A_706] {strides = array<i32>} : memref<64x128xf32, #tpu.memory_space<vmem>>, vector<16xf32>,
        %mul3A_708 = arith.mulf %get3A_707, %gather3A_683 : vector<16xf32>
        %swap3A_709 = arith.index_cast %add3A_681 : i32 to index
        %swap3A_710 = arith.constant 48 : index
        %swap3A_711 = tpu.vector_load %arg20[%swap3A_709, %swap3A_710] {strides = array<i32>} : memref<64x128xf32, #tpu.memory_space<vmem>>, vector<16xf32>,
        tpu.vector_store %arg20[%swap3A_709, %swap3A_710], %mul3A_708 {strides = array<i32>} : memref<64x128xf32, #tpu.memory_space<vmem>>, vector<16xf32>,
        %get3A_712 = arith.index_cast %add3A_681 : i32 to index
        %get3A_713 = arith.constant 64 : index
        %get3A_714 = tpu.vector_load %arg20[%get3A_712, %get3A_713] {strides = array<i32>} : memref<64x128xf32, #tpu.memory_space<vmem>>, vector<16xf32>,
        %mul3A_715 = arith.mulf %get3A_714, %gather3A_683 : vector<16xf32>
        %swap3A_716 = arith.index_cast %add3A_681 : i32 to index
        %swap3A_717 = arith.constant 64 : index
        %swap3A_718 = tpu.vector_load %arg20[%swap3A_716, %swap3A_717] {strides = array<i32>} : memref<64x128xf32, #tpu.memory_space<vmem>>, vector<16xf32>,
        tpu.vector_store %arg20[%swap3A_716, %swap3A_717], %mul3A_715 {strides = array<i32>} : memref<64x128xf32, #tpu.memory_space<vmem>>, vector<16xf32>,
        %get3A_719 = arith.index_cast %add3A_681 : i32 to index
        %get3A_720 = arith.constant 80 : index
        %get3A_721 = tpu.vector_load %arg20[%get3A_719, %get3A_720] {strides = array<i32>} : memref<64x128xf32, #tpu.memory_space<vmem>>, vector<16xf32>,
        %mul3A_722 = arith.mulf %get3A_721, %gather3A_683 : vector<16xf32>
        %swap3A_723 = arith.index_cast %add3A_681 : i32 to index
        %swap3A_724 = arith.constant 80 : index
        %swap3A_725 = tpu.vector_load %arg20[%swap3A_723, %swap3A_724] {strides = array<i32>} : memref<64x128xf32, #tpu.memory_space<vmem>>, vector<16xf32>,
        tpu.vector_store %arg20[%swap3A_723, %swap3A_724], %mul3A_722 {strides = array<i32>} : memref<64x128xf32, #tpu.memory_space<vmem>>, vector<16xf32>,
        %get3A_726 = arith.index_cast %add3A_681 : i32 to index
        %get3A_727 = arith.constant 96 : index
        %get3A_728 = tpu.vector_load %arg20[%get3A_726, %get3A_727] {strides = array<i32>} : memref<64x128xf32, #tpu.memory_space<vmem>>, vector<16xf32>,
        %mul3A_729 = arith.mulf %get3A_728, %gather3A_683 : vector<16xf32>
        %swap3A_730 = arith.index_cast %add3A_681 : i32 to index
        %swap3A_731 = arith.constant 96 : index
        %swap3A_732 = tpu.vector_load %arg20[%swap3A_730, %swap3A_731] {strides = array<i32>} : memref<64x128xf32, #tpu.memory_space<vmem>>, vector<16xf32>,
        tpu.vector_store %arg20[%swap3A_730, %swap3A_731], %mul3A_729 {strides = array<i32>} : memref<64x128xf32, #tpu.memory_space<vmem>>, vector<16xf32>,
        %get3A_733 = arith.index_cast %add3A_681 : i32 to index
        %get3A_734 = arith.constant 112 : index
        %get3A_735 = tpu.vector_load %arg20[%get3A_733, %get3A_734] {strides = array<i32>} : memref<64x128xf32, #tpu.memory_space<vmem>>, vector<16xf32>,
        %mul3A_736 = arith.mulf %get3A_735, %gather3A_683 : vector<16xf32>
        %swap3A_737 = arith.index_cast %add3A_681 : i32 to index
        %swap3A_738 = arith.constant 112 : index
        %swap3A_739 = tpu.vector_load %arg20[%swap3A_737, %swap3A_738] {strides = array<i32>} : memref<64x128xf32, #tpu.memory_space<vmem>>, vector<16xf32>,
        tpu.vector_store %arg20[%swap3A_737, %swap3A_738], %mul3A_736 {strides = array<i32>} : memref<64x128xf32, #tpu.memory_space<vmem>>, vector<16xf32>,
        %mul3A_740 = arith.constant 4 : i32
        %mul3A_741 = arith.muli %scan3A_615, %mul3A_740 : i32
        %add3A_742 = arith.constant 2 : i32
        %add3A_743 = arith.addi %mul3A_741, %add3A_742 : i32
        %broadcast_in_dim3A_744 = vector.broadcast %add3A_743 : i32 to vector<16xi32>
        %gather3A_745 = tpu.vector_load_idx %arg18[%broadcast_in_dim3A_744] : memref<64xf32, #tpu.memory_space<vmem>>[vector<16xi32>], vector<16xf32>,
        %get3A_746 = arith.index_cast %add3A_743 : i32 to index
        %get3A_747 = arith.constant 0 : index
        %get3A_748 = tpu.vector_load %arg20[%get3A_746, %get3A_747] {strides = array<i32>} : memref<64x128xf32, #tpu.memory_space<vmem>>, vector<16xf32>,
        %mul3A_749 = arith.mulf %get3A_748, %gather3A_745 : vector<16xf32>
        %swap3A_750 = arith.index_cast %add3A_743 : i32 to index
        %swap3A_751 = arith.constant 0 : index
        %swap3A_752 = tpu.vector_load %arg20[%swap3A_750, %swap3A_751] {strides = array<i32>} : memref<64x128xf32, #tpu.memory_space<vmem>>, vector<16xf32>,
        tpu.vector_store %arg20[%swap3A_750, %swap3A_751], %mul3A_749 {strides = array<i32>} : memref<64x128xf32, #tpu.memory_space<vmem>>, vector<16xf32>,
        %get3A_753 = arith.index_cast %add3A_743 : i32 to index
        %get3A_754 = arith.constant 16 : index
        %get3A_755 = tpu.vector_load %arg20[%get3A_753, %get3A_754] {strides = array<i32>} : memref<64x128xf32, #tpu.memory_space<vmem>>, vector<16xf32>,
        %mul3A_756 = arith.mulf %get3A_755, %gather3A_745 : vector<16xf32>
        %swap3A_757 = arith.index_cast %add3A_743 : i32 to index
        %swap3A_758 = arith.constant 16 : index
        %swap3A_759 = tpu.vector_load %arg20[%swap3A_757, %swap3A_758] {strides = array<i32>} : memref<64x128xf32, #tpu.memory_space<vmem>>, vector<16xf32>,
        tpu.vector_store %arg20[%swap3A_757, %swap3A_758], %mul3A_756 {strides = array<i32>} : memref<64x128xf32, #tpu.memory_space<vmem>>, vector<16xf32>,
        %get3A_760 = arith.index_cast %add3A_743 : i32 to index
        %get3A_761 = arith.constant 32 : index
        %get3A_762 = tpu.vector_load %arg20[%get3A_760, %get3A_761] {strides = array<i32>} : memref<64x128xf32, #tpu.memory_space<vmem>>, vector<16xf32>,
        %mul3A_763 = arith.mulf %get3A_762, %gather3A_745 : vector<16xf32>
        %swap3A_764 = arith.index_cast %add3A_743 : i32 to index
        %swap3A_765 = arith.constant 32 : index
        %swap3A_766 = tpu.vector_load %arg20[%swap3A_764, %swap3A_765] {strides = array<i32>} : memref<64x128xf32, #tpu.memory_space<vmem>>, vector<16xf32>,
        tpu.vector_store %arg20[%swap3A_764, %swap3A_765], %mul3A_763 {strides = array<i32>} : memref<64x128xf32, #tpu.memory_space<vmem>>, vector<16xf32>,
        %get3A_767 = arith.index_cast %add3A_743 : i32 to index
        %get3A_768 = arith.constant 48 : index
        %get3A_769 = tpu.vector_load %arg20[%get3A_767, %get3A_768] {strides = array<i32>} : memref<64x128xf32, #tpu.memory_space<vmem>>, vector<16xf32>,
        %mul3A_770 = arith.mulf %get3A_769, %gather3A_745 : vector<16xf32>
        %swap3A_771 = arith.index_cast %add3A_743 : i32 to index
        %swap3A_772 = arith.constant 48 : index
        %swap3A_773 = tpu.vector_load %arg20[%swap3A_771, %swap3A_772] {strides = array<i32>} : memref<64x128xf32, #tpu.memory_space<vmem>>, vector<16xf32>,
        tpu.vector_store %arg20[%swap3A_771, %swap3A_772], %mul3A_770 {strides = array<i32>} : memref<64x128xf32, #tpu.memory_space<vmem>>, vector<16xf32>,
        %get3A_774 = arith.index_cast %add3A_743 : i32 to index
        %get3A_775 = arith.constant 64 : index
        %get3A_776 = tpu.vector_load %arg20[%get3A_774, %get3A_775] {strides = array<i32>} : memref<64x128xf32, #tpu.memory_space<vmem>>, vector<16xf32>,
        %mul3A_777 = arith.mulf %get3A_776, %gather3A_745 : vector<16xf32>
        %swap3A_778 = arith.index_cast %add3A_743 : i32 to index
        %swap3A_779 = arith.constant 64 : index
        %swap3A_780 = tpu.vector_load %arg20[%swap3A_778, %swap3A_779] {strides = array<i32>} : memref<64x128xf32, #tpu.memory_space<vmem>>, vector<16xf32>,
        tpu.vector_store %arg20[%swap3A_778, %swap3A_779], %mul3A_777 {strides = array<i32>} : memref<64x128xf32, #tpu.memory_space<vmem>>, vector<16xf32>,
        %get3A_781 = arith.index_cast %add3A_743 : i32 to index
        %get3A_782 = arith.constant 80 : index
        %get3A_783 = tpu.vector_load %arg20[%get3A_781, %get3A_782] {strides = array<i32>} : memref<64x128xf32, #tpu.memory_space<vmem>>, vector<16xf32>,
        %mul3A_784 = arith.mulf %get3A_783, %gather3A_745 : vector<16xf32>
        %swap3A_785 = arith.index_cast %add3A_743 : i32 to index
        %swap3A_786 = arith.constant 80 : index
        %swap3A_787 = tpu.vector_load %arg20[%swap3A_785, %swap3A_786] {strides = array<i32>} : memref<64x128xf32, #tpu.memory_space<vmem>>, vector<16xf32>,
        tpu.vector_store %arg20[%swap3A_785, %swap3A_786], %mul3A_784 {strides = array<i32>} : memref<64x128xf32, #tpu.memory_space<vmem>>, vector<16xf32>,
        %get3A_788 = arith.index_cast %add3A_743 : i32 to index
        %get3A_789 = arith.constant 96 : index
        %get3A_790 = tpu.vector_load %arg20[%get3A_788, %get3A_789] {strides = array<i32>} : memref<64x128xf32, #tpu.memory_space<vmem>>, vector<16xf32>,
        %mul3A_791 = arith.mulf %get3A_790, %gather3A_745 : vector<16xf32>
        %swap3A_792 = arith.index_cast %add3A_743 : i32 to index
        %swap3A_793 = arith.constant 96 : index
        %swap3A_794 = tpu.vector_load %arg20[%swap3A_792, %swap3A_793] {strides = array<i32>} : memref<64x128xf32, #tpu.memory_space<vmem>>, vector<16xf32>,
        tpu.vector_store %arg20[%swap3A_792, %swap3A_793], %mul3A_791 {strides = array<i32>} : memref<64x128xf32, #tpu.memory_space<vmem>>, vector<16xf32>,
        %get3A_795 = arith.index_cast %add3A_743 : i32 to index
        %get3A_796 = arith.constant 112 : index
        %get3A_797 = tpu.vector_load %arg20[%get3A_795, %get3A_796] {strides = array<i32>} : memref<64x128xf32, #tpu.memory_space<vmem>>, vector<16xf32>,
        %mul3A_798 = arith.mulf %get3A_797, %gather3A_745 : vector<16xf32>
        %swap3A_799 = arith.index_cast %add3A_743 : i32 to index
        %swap3A_800 = arith.constant 112 : index
        %swap3A_801 = tpu.vector_load %arg20[%swap3A_799, %swap3A_800] {strides = array<i32>} : memref<64x128xf32, #tpu.memory_space<vmem>>, vector<16xf32>,
        tpu.vector_store %arg20[%swap3A_799, %swap3A_800], %mul3A_798 {strides = array<i32>} : memref<64x128xf32, #tpu.memory_space<vmem>>, vector<16xf32>,
        %mul3A_802 = arith.constant 4 : i32
        %mul3A_803 = arith.muli %scan3A_615, %mul3A_802 : i32
        %add3A_804 = arith.constant 3 : i32
        %add3A_805 = arith.addi %mul3A_803, %add3A_804 : i32
        %broadcast_in_dim3A_806 = vector.broadcast %add3A_805 : i32 to vector<16xi32>
        %gather3A_807 = tpu.vector_load_idx %arg18[%broadcast_in_dim3A_806] : memref<64xf32, #tpu.memory_space<vmem>>[vector<16xi32>], vector<16xf32>,
        %get3A_808 = arith.index_cast %add3A_805 : i32 to index
        %get3A_809 = arith.constant 0 : index
        %get3A_810 = tpu.vector_load %arg20[%get3A_808, %get3A_809] {strides = array<i32>} : memref<64x128xf32, #tpu.memory_space<vmem>>, vector<16xf32>,
        %mul3A_811 = arith.mulf %get3A_810, %gather3A_807 : vector<16xf32>
        %swap3A_812 = arith.index_cast %add3A_805 : i32 to index
        %swap3A_813 = arith.constant 0 : index
        %swap3A_814 = tpu.vector_load %arg20[%swap3A_812, %swap3A_813] {strides = array<i32>} : memref<64x128xf32, #tpu.memory_space<vmem>>, vector<16xf32>,
        tpu.vector_store %arg20[%swap3A_812, %swap3A_813], %mul3A_811 {strides = array<i32>} : memref<64x128xf32, #tpu.memory_space<vmem>>, vector<16xf32>,
        %get3A_815 = arith.index_cast %add3A_805 : i32 to index
        %get3A_816 = arith.constant 16 : index
        %get3A_817 = tpu.vector_load %arg20[%get3A_815, %get3A_816] {strides = array<i32>} : memref<64x128xf32, #tpu.memory_space<vmem>>, vector<16xf32>,
        %mul3A_818 = arith.mulf %get3A_817, %gather3A_807 : vector<16xf32>
        %swap3A_819 = arith.index_cast %add3A_805 : i32 to index
        %swap3A_820 = arith.constant 16 : index
        %swap3A_821 = tpu.vector_load %arg20[%swap3A_819, %swap3A_820] {strides = array<i32>} : memref<64x128xf32, #tpu.memory_space<vmem>>, vector<16xf32>,
        tpu.vector_store %arg20[%swap3A_819, %swap3A_820], %mul3A_818 {strides = array<i32>} : memref<64x128xf32, #tpu.memory_space<vmem>>, vector<16xf32>,
        %get3A_822 = arith.index_cast %add3A_805 : i32 to index
        %get3A_823 = arith.constant 32 : index
        %get3A_824 = tpu.vector_load %arg20[%get3A_822, %get3A_823] {strides = array<i32>} : memref<64x128xf32, #tpu.memory_space<vmem>>, vector<16xf32>,
        %mul3A_825 = arith.mulf %get3A_824, %gather3A_807 : vector<16xf32>
        %swap3A_826 = arith.index_cast %add3A_805 : i32 to index
        %swap3A_827 = arith.constant 32 : index
        %swap3A_828 = tpu.vector_load %arg20[%swap3A_826, %swap3A_827] {strides = array<i32>} : memref<64x128xf32, #tpu.memory_space<vmem>>, vector<16xf32>,
        tpu.vector_store %arg20[%swap3A_826, %swap3A_827], %mul3A_825 {strides = array<i32>} : memref<64x128xf32, #tpu.memory_space<vmem>>, vector<16xf32>,
        %get3A_829 = arith.index_cast %add3A_805 : i32 to index
        %get3A_830 = arith.constant 48 : index
        %get3A_831 = tpu.vector_load %arg20[%get3A_829, %get3A_830] {strides = array<i32>} : memref<64x128xf32, #tpu.memory_space<vmem>>, vector<16xf32>,
        %mul3A_832 = arith.mulf %get3A_831, %gather3A_807 : vector<16xf32>
        %swap3A_833 = arith.index_cast %add3A_805 : i32 to index
        %swap3A_834 = arith.constant 48 : index
        %swap3A_835 = tpu.vector_load %arg20[%swap3A_833, %swap3A_834] {strides = array<i32>} : memref<64x128xf32, #tpu.memory_space<vmem>>, vector<16xf32>,
        tpu.vector_store %arg20[%swap3A_833, %swap3A_834], %mul3A_832 {strides = array<i32>} : memref<64x128xf32, #tpu.memory_space<vmem>>, vector<16xf32>,
        %get3A_836 = arith.index_cast %add3A_805 : i32 to index
        %get3A_837 = arith.constant 64 : index
        %get3A_838 = tpu.vector_load %arg20[%get3A_836, %get3A_837] {strides = array<i32>} : memref<64x128xf32, #tpu.memory_space<vmem>>, vector<16xf32>,
        %mul3A_839 = arith.mulf %get3A_838, %gather3A_807 : vector<16xf32>
        %swap3A_840 = arith.index_cast %add3A_805 : i32 to index
        %swap3A_841 = arith.constant 64 : index
        %swap3A_842 = tpu.vector_load %arg20[%swap3A_840, %swap3A_841] {strides = array<i32>} : memref<64x128xf32, #tpu.memory_space<vmem>>, vector<16xf32>,
        tpu.vector_store %arg20[%swap3A_840, %swap3A_841], %mul3A_839 {strides = array<i32>} : memref<64x128xf32, #tpu.memory_space<vmem>>, vector<16xf32>,
        %get3A_843 = arith.index_cast %add3A_805 : i32 to index
        %get3A_844 = arith.constant 80 : index
        %get3A_845 = tpu.vector_load %arg20[%get3A_843, %get3A_844] {strides = array<i32>} : memref<64x128xf32, #tpu.memory_space<vmem>>, vector<16xf32>,
        %mul3A_846 = arith.mulf %get3A_845, %gather3A_807 : vector<16xf32>
        %swap3A_847 = arith.index_cast %add3A_805 : i32 to index
        %swap3A_848 = arith.constant 80 : index
        %swap3A_849 = tpu.vector_load %arg20[%swap3A_847, %swap3A_848] {strides = array<i32>} : memref<64x128xf32, #tpu.memory_space<vmem>>, vector<16xf32>,
        tpu.vector_store %arg20[%swap3A_847, %swap3A_848], %mul3A_846 {strides = array<i32>} : memref<64x128xf32, #tpu.memory_space<vmem>>, vector<16xf32>,
        %get3A_850 = arith.index_cast %add3A_805 : i32 to index
        %get3A_851 = arith.constant 96 : index
        %get3A_852 = tpu.vector_load %arg20[%get3A_850, %get3A_851] {strides = array<i32>} : memref<64x128xf32, #tpu.memory_space<vmem>>, vector<16xf32>,
        %mul3A_853 = arith.mulf %get3A_852, %gather3A_807 : vector<16xf32>
        %swap3A_854 = arith.index_cast %add3A_805 : i32 to index
        %swap3A_855 = arith.constant 96 : index
        %swap3A_856 = tpu.vector_load %arg20[%swap3A_854, %swap3A_855] {strides = array<i32>} : memref<64x128xf32, #tpu.memory_space<vmem>>, vector<16xf32>,
        tpu.vector_store %arg20[%swap3A_854, %swap3A_855], %mul3A_853 {strides = array<i32>} : memref<64x128xf32, #tpu.memory_space<vmem>>, vector<16xf32>,
        %get3A_857 = arith.index_cast %add3A_805 : i32 to index
        %get3A_858 = arith.constant 112 : index
        %get3A_859 = tpu.vector_load %arg20[%get3A_857, %get3A_858] {strides = array<i32>} : memref<64x128xf32, #tpu.memory_space<vmem>>, vector<16xf32>,
        %mul3A_860 = arith.mulf %get3A_859, %gather3A_807 : vector<16xf32>
        %swap3A_861 = arith.index_cast %add3A_805 : i32 to index
        %swap3A_862 = arith.constant 112 : index
        %swap3A_863 = tpu.vector_load %arg20[%swap3A_861, %swap3A_862] {strides = array<i32>} : memref<64x128xf32, #tpu.memory_space<vmem>>, vector<16xf32>,
        tpu.vector_store %arg20[%swap3A_861, %swap3A_862], %mul3A_860 {strides = array<i32>} : memref<64x128xf32, #tpu.memory_space<vmem>>, vector<16xf32>,
      }
      %scan3A_614 = arith.constant 16 : i32
      "tpu.region"() ({
        %run_scoped3A_615 = tpu.sem_alloc : memref<!tpu.dma_semaphore, #tpu.memory_space<semaphore_mem>>
        %dma_start3A_616 = arith.constant 0 : i32
        %dma_start3A_617 = arith.constant 0 : i32
        %dma_start3A_618 = tpu.memref_slice %arg21[%dma_start3A_616, %dma_start3A_617] : memref<10240x128xf32, #tpu.memory_space<vmem_shared>> -> memref<10240x128xf32, #tpu.memory_space<vmem_shared>>
        tpu.enqueue_indirect_dma source(%arg20 : memref<64x128xf32, #tpu.memory_space<vmem>>) target(%dma_start3A_618 : memref<10240x128xf32, #tpu.memory_space<vmem_shared>>) offsets(%arg16 : memref<64xi32, #tpu.memory_space<vmem>>) semaphore(%run_scoped3A_615 : memref<!tpu.dma_semaphore, #tpu.memory_space<semaphore_mem>>) {add = true}
        %dma_wait3A_619 = arith.constant 0 : i32
        %dma_wait3A_620 = arith.constant 0 : i32
        %dma_wait3A_621 = tpu.memref_slice %arg21[%dma_wait3A_619, %dma_wait3A_620] : memref<10240x128xf32, #tpu.memory_space<vmem_shared>> -> memref<10240x128xf32, #tpu.memory_space<vmem_shared>>
        tpu.wait_indirect_dma semaphore(%run_scoped3A_615 : memref<!tpu.dma_semaphore, #tpu.memory_space<semaphore_mem>>) src(%arg20 : memref<64x128xf32, #tpu.memory_space<vmem>>) dst(%dma_wait3A_621 : memref<10240x128xf32, #tpu.memory_space<vmem_shared>>)
        tpu.yield
      }) : () -> ()
    }
    %barrier3A_77 = arith.constant 0 : index
    tpu.barrier barrier_id(%barrier3A_77)
    %mul3A_78 = arith.constant 640 : i32
    %mul3A_79 = arith.muli %arg1, %mul3A_78 : i32
    %mul3A_80 = arith.constant 640 : i32
    %mul3A_81 = arith.muli %arg1, %mul3A_80 : i32
    "tpu.region"() ({
      %run_scoped3A_82 = tpu.sem_alloc : memref<!tpu.dma_semaphore, #tpu.memory_space<semaphore_mem>>
      %dma_start3A_83 = arith.constant 0 : i32
      %dma_start3A_84 = tpu.memref_slice %arg6[%arg0, %mul3A_81, %dma_start3A_83] : memref<2x10240x128xf32, #tpu.memory_space<hbm>> -> memref<1x640x128xf32, #tpu.memory_space<hbm>>
      %dma_start3A_85 = tpu.memref_squeeze %dma_start3A_84 : memref<1x640x128xf32, #tpu.memory_space<hbm>> -> memref<640x128xf32, #tpu.memory_space<hbm>>
      %dma_start3A_86 = arith.constant 0 : i32
      %dma_start3A_87 = tpu.memref_slice %arg21[%mul3A_79, %dma_start3A_86] : memref<10240x128xf32, #tpu.memory_space<vmem_shared>> -> memref<640x128xf32, #tpu.memory_space<vmem_shared>>
      tpu.enqueue_dma source(%dma_start3A_87 : memref<640x128xf32, #tpu.memory_space<vmem_shared>>) target(%dma_start3A_85 : memref<640x128xf32, #tpu.memory_space<hbm>>) target_semaphore(%run_scoped3A_82 : memref<!tpu.dma_semaphore, #tpu.memory_space<semaphore_mem>>)
      %dma_wait3A = arith.constant 0 : i32
      %dma_wait3A_88 = tpu.memref_slice %arg6[%arg0, %mul3A_81, %dma_wait3A] : memref<2x10240x128xf32, #tpu.memory_space<hbm>> -> memref<1x640x128xf32, #tpu.memory_space<hbm>>
      %dma_wait3A_89 = tpu.memref_squeeze %dma_wait3A_88 : memref<1x640x128xf32, #tpu.memory_space<hbm>> -> memref<640x128xf32, #tpu.memory_space<hbm>>
      %dma_wait3A_90 = arith.constant 0 : i32
      %dma_wait3A_91 = tpu.memref_slice %arg21[%mul3A_79, %dma_wait3A_90] : memref<10240x128xf32, #tpu.memory_space<vmem_shared>> -> memref<640x128xf32, #tpu.memory_space<vmem_shared>>
      tpu.wait_dma2 semaphore(%run_scoped3A_82 : memref<!tpu.dma_semaphore, #tpu.memory_space<semaphore_mem>>) src(%dma_wait3A_91 : memref<640x128xf32, #tpu.memory_space<vmem_shared>>) dst(%dma_wait3A_89 : memref<640x128xf32, #tpu.memory_space<hbm>>)
      tpu.yield
    }) : () -> ()
    "tpu.region"() ({
      %run_scoped3A_82 = tpu.sem_alloc : memref<!tpu.dma_semaphore, #tpu.memory_space<semaphore_mem>>
      %dma_start3A_83 = arith.constant 0 : i32
      %dma_start3A_84 = tpu.memref_slice %arg7[%add3A, %dma_start3A_83] : memref<32x10000xf32, #tpu.memory_space<hbm>> -> memref<1x10000xf32, #tpu.memory_space<hbm>>
      %dma_start3A_85 = tpu.memref_squeeze %dma_start3A_84 : memref<1x10000xf32, #tpu.memory_space<hbm>> -> memref<10000xf32, #tpu.memory_space<hbm>>
      %dma_start3A_86 = arith.constant 0 : i32
      %dma_start3A_87 = tpu.memref_slice %arg7[%add3A, %dma_start3A_86] : memref<32x10000xf32, #tpu.memory_space<hbm>> -> memref<1x10000xf32, #tpu.memory_space<hbm>>
      %dma_start3A_88 = tpu.memref_squeeze %dma_start3A_87 : memref<1x10000xf32, #tpu.memory_space<hbm>> -> memref<10000xf32, #tpu.memory_space<hbm>>
      tpu.enqueue_dma source(%arg10 : memref<10000xf32, #tpu.memory_space<vmem>>) target(%dma_start3A_88 : memref<10000xf32, #tpu.memory_space<hbm>>) target_semaphore(%run_scoped3A_82 : memref<!tpu.dma_semaphore, #tpu.memory_space<semaphore_mem>>)
      %dma_wait3A = arith.constant 0 : i32
      %dma_wait3A_89 = tpu.memref_slice %arg7[%add3A, %dma_wait3A] : memref<32x10000xf32, #tpu.memory_space<hbm>> -> memref<1x10000xf32, #tpu.memory_space<hbm>>
      %dma_wait3A_90 = tpu.memref_squeeze %dma_wait3A_89 : memref<1x10000xf32, #tpu.memory_space<hbm>> -> memref<10000xf32, #tpu.memory_space<hbm>>
      %dma_wait3A_91 = arith.constant 0 : i32
      %dma_wait3A_92 = tpu.memref_slice %arg7[%add3A, %dma_wait3A_91] : memref<32x10000xf32, #tpu.memory_space<hbm>> -> memref<1x10000xf32, #tpu.memory_space<hbm>>
      %dma_wait3A_93 = tpu.memref_squeeze %dma_wait3A_92 : memref<1x10000xf32, #tpu.memory_space<hbm>> -> memref<10000xf32, #tpu.memory_space<hbm>>
      tpu.wait_dma2 semaphore(%run_scoped3A_82 : memref<!tpu.dma_semaphore, #tpu.memory_space<semaphore_mem>>) src(%arg10 : memref<10000xf32, #tpu.memory_space<vmem>>) dst(%dma_wait3A_93 : memref<10000xf32, #tpu.memory_space<hbm>>)
      tpu.yield
    }) : () -> ()
    return
  }
}

module attributes {stable_mosaic.version = 14 : i64} {
  func.func @_pre_body(%arg0: i32, %arg1: memref<512x128xf32, #tpu.memory_space<vmem>>, %arg2: memref<128x128xf32, #tpu.memory_space<vmem>>, %arg3: memref<1x128xf32, #tpu.memory_space<vmem>>, %arg4: memref<1x128xf32, #tpu.memory_space<vmem>>, %arg5: memref<1x128xf32, #tpu.memory_space<vmem>>, %arg6: memref<128x128xf32, #tpu.memory_space<vmem>>, %arg7: memref<1x128xf32, #tpu.memory_space<vmem>>, %arg8: memref<512x128xf32, #tpu.memory_space<vmem>>, %arg9: memref<8x512xf32, #tpu.memory_space<vmem>>) attributes {dimension_semantics = [#tpu.dimension_semantics<arbitrary>], iteration_bounds = array<i64: 20>, scalar_prefetch = 0 : i64, scratch_operands = 0 : i64, tpu.core_type = #tpu.core_type<tc>, window_params = [{transform_indices = @transform_0, window_bounds = array<i64: 512, 128>}, {pipeline_mode = #tpu.pipeline_mode<synchronous>, transform_indices = @transform_1, window_bounds = array<i64: 128, 128>}, {pipeline_mode = #tpu.pipeline_mode<synchronous>, transform_indices = @transform_2, window_bounds = array<i64: 1, 128>}, {pipeline_mode = #tpu.pipeline_mode<synchronous>, transform_indices = @transform_3, window_bounds = array<i64: 1, 128>}, {pipeline_mode = #tpu.pipeline_mode<synchronous>, transform_indices = @transform_4, window_bounds = array<i64: 1, 128>}, {pipeline_mode = #tpu.pipeline_mode<synchronous>, transform_indices = @transform_5, window_bounds = array<i64: 128, 128>}, {pipeline_mode = #tpu.pipeline_mode<synchronous>, transform_indices = @transform_6, window_bounds = array<i64: 1, 128>}, {transform_indices = @transform_7, window_bounds = array<i64: 512, 128>}, {transform_indices = @transform_8, window_bounds = array<i64: 8, 512>}]} {
    %get3A = arith.constant 0 : index
    %get3A_0 = arith.constant 0 : index
    %get3A_1 = vector.load %arg1[%get3A, %get3A_0] : memref<512x128xf32, #tpu.memory_space<vmem>>, vector<512x128xf32>
    %get3A_2 = arith.constant 0 : index
    %get3A_3 = arith.constant 0 : index
    %get3A_4 = vector.load %arg2[%get3A_2, %get3A_3] : memref<128x128xf32, #tpu.memory_space<vmem>>, vector<128x128xf32>
    %dot_general3A = arith.constant dense<0.000000e+00> : vector<512x128xf32>
    %dot_general3A_5 = tpu.matmul %get3A_1, %get3A_4, %dot_general3A {dimension_numbers = #tpu.dot_dimension_numbers<[1], [1], [0], [0], [0, 0, 1, 0], [], []>, transpose_lhs_hint = false} : vector<512x128xf32>, vector<128x128xf32>, vector<512x128xf32> -> vector<512x128xf32>
    %get3A_6 = arith.constant 0 : index
    %get3A_7 = arith.constant 0 : index
    %get3A_8 = vector.load %arg3[%get3A_6, %get3A_7] : memref<1x128xf32, #tpu.memory_space<vmem>>, vector<1x128xf32>
    %add3A = vector.broadcast %get3A_8 : vector<1x128xf32> to vector<512x128xf32>
    %add3A_9 = arith.addf %dot_general3A_5, %add3A : vector<512x128xf32>
    %get3A_10 = arith.constant 0 : index
    %get3A_11 = arith.constant 0 : index
    %get3A_12 = vector.load %arg4[%get3A_10, %get3A_11] : memref<1x128xf32, #tpu.memory_space<vmem>>, vector<1x128xf32>
    %dot_general3A_13 = arith.constant dense<0.000000e+00> : vector<1x512xf32>
    %dot_general3A_14 = tpu.matmul %get3A_12, %add3A_9, %dot_general3A_13 {dimension_numbers = #tpu.dot_dimension_numbers<[1], [1], [0], [0], [0, 0, 1, 0], [], []>, transpose_lhs_hint = false} : vector<1x128xf32>, vector<512x128xf32>, vector<1x512xf32> -> vector<1x512xf32>
    %get3A_15 = arith.constant 0 : index
    %get3A_16 = arith.constant 0 : index
    %get3A_17 = vector.load %arg5[%get3A_15, %get3A_16] : memref<1x128xf32, #tpu.memory_space<vmem>>, vector<1x128xf32>
    %dot_general3A_18 = arith.constant dense<0.000000e+00> : vector<1x512xf32>
    %dot_general3A_19 = tpu.matmul %get3A_17, %add3A_9, %dot_general3A_18 {dimension_numbers = #tpu.dot_dimension_numbers<[1], [1], [0], [0], [0, 0, 1, 0], [], []>, transpose_lhs_hint = false} : vector<1x128xf32>, vector<512x128xf32>, vector<1x512xf32> -> vector<1x512xf32>
    %swap3A = arith.constant 0 : index
    %swap3A_20 = arith.constant 0 : index
    %swap3A_21 = vector.load %arg9[%swap3A, %swap3A_20] : memref<8x512xf32, #tpu.memory_space<vmem>>, vector<1x512xf32>
    tpu.vector_store %arg9[%swap3A, %swap3A_20], %dot_general3A_14 {strides = array<i32>} : memref<8x512xf32, #tpu.memory_space<vmem>>, vector<1x512xf32>,
    %swap3A_22 = arith.constant 1 : index
    %swap3A_23 = arith.constant 0 : index
    %swap3A_24 = vector.load %arg9[%swap3A_22, %swap3A_23] : memref<8x512xf32, #tpu.memory_space<vmem>>, vector<1x512xf32>
    tpu.vector_store %arg9[%swap3A_22, %swap3A_23], %dot_general3A_19 {strides = array<i32>} : memref<8x512xf32, #tpu.memory_space<vmem>>, vector<1x512xf32>,
    %broadcast_in_dim3A = arith.constant 0.000000e+00 : f32
    %broadcast_in_dim3A_25 = vector.broadcast %broadcast_in_dim3A : f32 to vector<6x512xf32>
    %swap3A_26 = arith.constant 2 : index
    %swap3A_27 = arith.constant 0 : index
    %swap3A_28 = vector.load %arg9[%swap3A_26, %swap3A_27] : memref<8x512xf32, #tpu.memory_space<vmem>>, vector<6x512xf32>
    tpu.vector_store %arg9[%swap3A_26, %swap3A_27], %broadcast_in_dim3A_25 {strides = array<i32>} : memref<8x512xf32, #tpu.memory_space<vmem>>, vector<6x512xf32>,
    %get3A_29 = arith.constant 0 : index
    %get3A_30 = arith.constant 0 : index
    %get3A_31 = vector.load %arg6[%get3A_29, %get3A_30] : memref<128x128xf32, #tpu.memory_space<vmem>>, vector<128x128xf32>
    %dot_general3A_32 = arith.constant dense<0.000000e+00> : vector<512x128xf32>
    %dot_general3A_33 = tpu.matmul %get3A_1, %get3A_31, %dot_general3A_32 {dimension_numbers = #tpu.dot_dimension_numbers<[1], [1], [0], [0], [0, 0, 1, 0], [], []>, transpose_lhs_hint = false} : vector<512x128xf32>, vector<128x128xf32>, vector<512x128xf32> -> vector<512x128xf32>
    %get3A_34 = arith.constant 0 : index
    %get3A_35 = arith.constant 0 : index
    %get3A_36 = vector.load %arg7[%get3A_34, %get3A_35] : memref<1x128xf32, #tpu.memory_space<vmem>>, vector<1x128xf32>
    %add3A_37 = vector.broadcast %get3A_36 : vector<1x128xf32> to vector<512x128xf32>
    %add3A_38 = arith.addf %dot_general3A_33, %add3A_37 : vector<512x128xf32>
    %swap3A_39 = arith.constant 0 : index
    %swap3A_40 = arith.constant 0 : index
    %swap3A_41 = vector.load %arg8[%swap3A_39, %swap3A_40] : memref<512x128xf32, #tpu.memory_space<vmem>>, vector<512x128xf32>
    tpu.vector_store %arg8[%swap3A_39, %swap3A_40], %add3A_38 {strides = array<i32>} : memref<512x128xf32, #tpu.memory_space<vmem>>, vector<512x128xf32>,
    return
  }
  func.func @transform_0(%arg0: i32) -> (i32, i32) {
    %c0_i32 = arith.constant 0 : i32
    %c0_i32_0 = arith.constant 0 : i32
    return %arg0, %c0_i32 : i32, i32
  }
  func.func @transform_1(%arg0: i32) -> (i32, i32) {
    %c0_i32 = arith.constant 0 : i32
    %c0_i32_0 = arith.constant 0 : i32
    %c0_i32_1 = arith.constant 0 : i32
    return %c0_i32, %c0_i32_0 : i32, i32
  }
  func.func @transform_2(%arg0: i32) -> (i32, i32) {
    %c0_i32 = arith.constant 0 : i32
    %c0_i32_0 = arith.constant 0 : i32
    %c0_i32_1 = arith.constant 0 : i32
    return %c0_i32, %c0_i32_0 : i32, i32
  }
  func.func @transform_3(%arg0: i32) -> (i32, i32) {
    %c0_i32 = arith.constant 0 : i32
    %c0_i32_0 = arith.constant 0 : i32
    %c0_i32_1 = arith.constant 0 : i32
    return %c0_i32, %c0_i32_0 : i32, i32
  }
  func.func @transform_4(%arg0: i32) -> (i32, i32) {
    %c0_i32 = arith.constant 0 : i32
    %c0_i32_0 = arith.constant 0 : i32
    %c0_i32_1 = arith.constant 0 : i32
    return %c0_i32, %c0_i32_0 : i32, i32
  }
  func.func @transform_5(%arg0: i32) -> (i32, i32) {
    %c0_i32 = arith.constant 0 : i32
    %c0_i32_0 = arith.constant 0 : i32
    %c0_i32_1 = arith.constant 0 : i32
    return %c0_i32, %c0_i32_0 : i32, i32
  }
  func.func @transform_6(%arg0: i32) -> (i32, i32) {
    %c0_i32 = arith.constant 0 : i32
    %c0_i32_0 = arith.constant 0 : i32
    %c0_i32_1 = arith.constant 0 : i32
    return %c0_i32, %c0_i32_0 : i32, i32
  }
  func.func @transform_7(%arg0: i32) -> (i32, i32) {
    %c0_i32 = arith.constant 0 : i32
    %c0_i32_0 = arith.constant 0 : i32
    return %arg0, %c0_i32 : i32, i32
  }
  func.func @transform_8(%arg0: i32) -> (i32, i32) {
    %c0_i32 = arith.constant 0 : i32
    %c0_i32_0 = arith.constant 0 : i32
    return %c0_i32, %arg0 : i32, i32
  }
}

module attributes {stable_mosaic.version = 14 : i64} {
  func.func @_post_body(%arg0: i32, %arg1: memref<2x512x128xf32, #tpu.memory_space<vmem>>, %arg2: memref<32x512xf32, #tpu.memory_space<vmem>>, %arg3: memref<512x128xf32, #tpu.memory_space<vmem>>, %arg4: memref<128x128xf32, #tpu.memory_space<vmem>>, %arg5: memref<1x128xf32, #tpu.memory_space<vmem>>, %arg6: memref<512x128xf32, #tpu.memory_space<vmem>>) attributes {dimension_semantics = [#tpu.dimension_semantics<arbitrary>], iteration_bounds = array<i64: 20>, scalar_prefetch = 0 : i64, scratch_operands = 0 : i64, tpu.core_type = #tpu.core_type<tc>, window_params = [{transform_indices = @transform_0, window_bounds = array<i64: 2, 512, 128>}, {transform_indices = @transform_1, window_bounds = array<i64: 32, 512>}, {transform_indices = @transform_2, window_bounds = array<i64: 512, 128>}, {pipeline_mode = #tpu.pipeline_mode<synchronous>, transform_indices = @transform_3, window_bounds = array<i64: 128, 128>}, {pipeline_mode = #tpu.pipeline_mode<synchronous>, transform_indices = @transform_4, window_bounds = array<i64: 1, 128>}, {transform_indices = @transform_5, window_bounds = array<i64: 512, 128>}]} {
    %get3A = arith.constant 0 : index
    %get3A_0 = arith.constant 0 : index
    %get3A_1 = arith.constant 0 : index
    %get3A_2 = vector.load %arg1[%get3A, %get3A_0, %get3A_1] : memref<2x512x128xf32, #tpu.memory_space<vmem>>, vector<1x512x128xf32>
    %get3A_3 = vector.shape_cast %get3A_2 : vector<1x512x128xf32> to vector<512x128xf32>
    %get3A_4 = arith.constant 1 : index
    %get3A_5 = arith.constant 0 : index
    %get3A_6 = arith.constant 0 : index
    %get3A_7 = vector.load %arg1[%get3A_4, %get3A_5, %get3A_6] : memref<2x512x128xf32, #tpu.memory_space<vmem>>, vector<1x512x128xf32>
    %get3A_8 = vector.shape_cast %get3A_7 : vector<1x512x128xf32> to vector<512x128xf32>
    %add3A = arith.addf %get3A_3, %get3A_8 : vector<512x128xf32>
    %get3A_9 = arith.constant 0 : index
    %get3A_10 = arith.constant 0 : index
    %get3A_11 = vector.load %arg2[%get3A_9, %get3A_10] : memref<32x512xf32, #tpu.memory_space<vmem>>, vector<32x512xf32>
    %reduce_sum3A = arith.constant dense<0.000000e+00> : vector<512xf32>
    %reduce_sum3A_12 = vector.multi_reduction <add>, %get3A_11, %reduce_sum3A [0] : vector<32x512xf32> to vector<512xf32>
    %broadcast_in_dim3A = vector.shape_cast %reduce_sum3A_12 : vector<512xf32> to vector<512x1xf32>
    %add3A_13 = arith.constant 9.99999971E-10 : f32
    %add3A_14 = vector.broadcast %add3A_13 : f32 to vector<512x1xf32>
    %add3A_15 = arith.addf %broadcast_in_dim3A, %add3A_14 : vector<512x1xf32>
    %div3A = vector.broadcast %add3A_15 : vector<512x1xf32> to vector<512x128xf32>
    %div3A_16 = arith.divf %add3A, %div3A : vector<512x128xf32>
    %get3A_17 = arith.constant 0 : index
    %get3A_18 = arith.constant 0 : index
    %get3A_19 = vector.load %arg3[%get3A_17, %get3A_18] : memref<512x128xf32, #tpu.memory_space<vmem>>, vector<512x128xf32>
    %mul3A = arith.mulf %get3A_19, %div3A_16 : vector<512x128xf32>
    %get3A_20 = arith.constant 0 : index
    %get3A_21 = arith.constant 0 : index
    %get3A_22 = vector.load %arg4[%get3A_20, %get3A_21] : memref<128x128xf32, #tpu.memory_space<vmem>>, vector<128x128xf32>
    %dot_general3A = arith.constant dense<0.000000e+00> : vector<512x128xf32>
    %dot_general3A_23 = tpu.matmul %mul3A, %get3A_22, %dot_general3A {dimension_numbers = #tpu.dot_dimension_numbers<[1], [1], [0], [0], [0, 0, 1, 0], [], []>, transpose_lhs_hint = false} : vector<512x128xf32>, vector<128x128xf32>, vector<512x128xf32> -> vector<512x128xf32>
    %get3A_24 = arith.constant 0 : index
    %get3A_25 = arith.constant 0 : index
    %get3A_26 = vector.load %arg5[%get3A_24, %get3A_25] : memref<1x128xf32, #tpu.memory_space<vmem>>, vector<1x128xf32>
    %add3A_27 = vector.broadcast %get3A_26 : vector<1x128xf32> to vector<512x128xf32>
    %add3A_28 = arith.addf %dot_general3A_23, %add3A_27 : vector<512x128xf32>
    %add3A_29 = arith.addf %get3A_19, %div3A_16 : vector<512x128xf32>
    %add3A_30 = arith.addf %add3A_29, %add3A_28 : vector<512x128xf32>
    %ge3A = arith.constant 0.000000e+00 : f32
    %ge3A_31 = vector.broadcast %ge3A : f32 to vector<512x128xf32>
    %ge3A_32 = arith.cmpf oge, %add3A_30, %ge3A_31 : vector<512x128xf32>
    %mul3A_33 = arith.constant 2.000000e-01 : f32
    %mul3A_34 = vector.broadcast %mul3A_33 : f32 to vector<512x128xf32>
    %mul3A_35 = arith.mulf %mul3A_34, %add3A_30 : vector<512x128xf32>
    %select_n3A = arith.select %ge3A_32, %add3A_30, %mul3A_35 : vector<512x128xi1>, vector<512x128xf32>
    %swap3A = arith.constant 0 : index
    %swap3A_36 = arith.constant 0 : index
    %swap3A_37 = vector.load %arg6[%swap3A, %swap3A_36] : memref<512x128xf32, #tpu.memory_space<vmem>>, vector<512x128xf32>
    tpu.vector_store %arg6[%swap3A, %swap3A_36], %select_n3A {strides = array<i32>} : memref<512x128xf32, #tpu.memory_space<vmem>>, vector<512x128xf32>,
    return
  }
  func.func @transform_0(%arg0: i32) -> (i32, i32, i32) {
    %c0_i32 = arith.constant 0 : i32
    %c0_i32_0 = arith.constant 0 : i32
    %c0_i32_1 = arith.constant 0 : i32
    return %c0_i32, %arg0, %c0_i32_0 : i32, i32, i32
  }
  func.func @transform_1(%arg0: i32) -> (i32, i32) {
    %c0_i32 = arith.constant 0 : i32
    %c0_i32_0 = arith.constant 0 : i32
    return %c0_i32, %arg0 : i32, i32
  }
  func.func @transform_2(%arg0: i32) -> (i32, i32) {
    %c0_i32 = arith.constant 0 : i32
    %c0_i32_0 = arith.constant 0 : i32
    return %arg0, %c0_i32 : i32, i32
  }
  func.func @transform_3(%arg0: i32) -> (i32, i32) {
    %c0_i32 = arith.constant 0 : i32
    %c0_i32_0 = arith.constant 0 : i32
    %c0_i32_1 = arith.constant 0 : i32
    return %c0_i32, %c0_i32_0 : i32, i32
  }
  func.func @transform_4(%arg0: i32) -> (i32, i32) {
    %c0_i32 = arith.constant 0 : i32
    %c0_i32_0 = arith.constant 0 : i32
    %c0_i32_1 = arith.constant 0 : i32
    return %c0_i32, %c0_i32_0 : i32, i32
  }
  func.func @transform_5(%arg0: i32) -> (i32, i32) {
    %c0_i32 = arith.constant 0 : i32
    %c0_i32_0 = arith.constant 0 : i32
    return %arg0, %c0_i32 : i32, i32
  }
}

</mosaic_0001>

<sc_bundles>
// kernel: kernel.5.cloned.1.call-start
scs
__scs_entry_jumppad:
0x0: {  	(pc) =	sbr.rel $0x88, $3  }
0x1: {  	(tag) =	ssettag $0x0;
	lr =	simm.s32 $0x1  }
0x2: {  	[smem:$0x3F98] =	sst lr;
	_ =	strace $0xD0000000  }
0x3: {  	_ = 	snop  }
0x4: {  	_ = 	snop  }
0x5: {  	_ = 	snop  }
0x6: {  	_ = 	snop  }
0x7: {  	_ = 	snop  }
__scs_overlays_trampoline_lowered:
0x8: {  	[smem:$0x3FA7] =	sst s0  }
0x9: {  	[smem:$0x3FA8] =	sst s1  }
0xa: {  	[smem:$0x3FA9] =	sst s2  }
0xb: {  	[smem:$0x3FAA] =	sst s3  }
0xc: {  	[smem:$0x3FAB] =	sst s4  }
0xd: {  	[smem:$0x3FAC] =	sst s5  }
0xe: {  	[smem:$0x3FAD] =	sst s6  }
0xf: {  	[smem:$0x3FAE] =	sst s7  }
0x10: {  	[smem:$0x3FAF] =	sst s8  }
0x11: {  	[smem:$0x3FB0] =	sst s9;
	s0 =	simm.s32 @!p0 $0x0  }
0x12: {  	s1 =	sld [smem:$0x3F96];
	s0 =	simm.s32 @p0 $0x1  }
0x13: {  	[smem:$0x3FB1] =	sst s0;
	s0 =	simm.s32 @!p1 $0x0  }
0x14: {  	s2 =	sld [smem:$0x3F95];
	s0 =	simm.s32 @p1 $0x1  }
0x15: {  	[smem:$0x3FB2] =	sst s0;
	s0 =	simm.s32 @!p2 $0x0  }
0x16: {  	s3 =	sld [smem:$0x3FDB];
	s0 =	simm.s32 @p2 $0x1  }
0x17: {  	s4 =	simm.s32 $0x1BF5;
	[smem:$0x3FB4] =	sst s0  }
0x18: {  	s0 =	sld [smem:$0x3F97];
	_ =	swait.ge [sflag:s4], $0x0  }
0x19: {  	s7 =	sld [smem:$0x3F98]  }
0x1a: {  	s8 =	sadd.s32 $0xFFFFE003, lr  }
0x1b: {  	s9 =	sadd.s32 $0xFFFFFEF7, lr;
	s5 =	simm.s32 $0xFFFFFFFF;
	p2 =	slt.u32 s8, $0xFFFFF086  }
0x1c: {  	p1 =	slt.u32 s9, $0xF7A;
	s5 =	simm.s32 @!p2 $0x0  }
0x1d: {  	s5 =	simm.s32 @p1 $0x1;
	p0 =	seq.s32 s7, s2  }
0x1e: {  	s7 =	smul.u32 @!p0 $0xF7A, s2;
	p2 =	seq.s32 @!p0 s5, $0x0  }
0x1f: {  	s9 =	smul.u32 $0xF7A, s1;
	s8 =	simm.s32 @!p0 $0x1BF5;
	p2 =	por !p2, p0  }
0x20: {  	[sflag:s8] =	ssyncset.s32 @!p0 $0xFFFFF086;
	s6 =	sadd.s32 @!p0 s3, s7;
	s7 =	simm.s32 @!p0 $0x108  }
0x21: {  	s3 =	sadd.s32 s3, s9;
	s6 =	sadd.s32 @!p0 $0x88, s6;
	s7 =	simm.s32 @p2 $0x1082  }
0x22: {  	[simem:s7], [sflag:s8] =	dma.local @!p0 [hbm:s6], $0xF7A  }
0x23: {  	s9 =	sor.u32 $0xD0000000, s2;
	s6 =	simm.s32 $0x108;
	_ =	swait.ge @!p0 [sflag:s8], $0x0  }
0x24: {  	s3 =	sadd.s32 $0x88, s3;
	s6 =	simm.s32 @!p1 $0x1082;
	[sflag:s4] =	ssyncset.s32 $0xFFFFF086  }
0x25: {  	[simem:s6], [sflag:s4] =	dma.local [hbm:s3], $0xF7A  }
0x26: {  	[smem:$0x3F98] =	sst s1;
	(tag) =	ssettag s2;
	_ =	strace s9  }
0x27: {  	s1 =	sld [smem:$0x3FA8]  }
0x28: {  	s2 =	sld [smem:$0x3FA9]  }
0x29: {  	s4 =	sld [smem:$0x3FAB]  }
0x2a: {  	p0 =	seq.s32 s5, $0x0;
	s5 =	sld [smem:$0x3FAC]  }
0x2b: {  	s6 =	sld [smem:$0x3FAD]  }
0x2c: {  	s7 =	sld [smem:$0x3FAE]  }
0x2d: {  	s3 =	simm.s32 $0x108;
	s8 =	sld [smem:$0x3FAF]  }
0x2e: {  	s3 =	simm.s32 @!p0 $0x1082;
	s9 =	sld [smem:$0x3FB0]  }
0x2f: {  	lr =	sadd.s32 s0, s3;
	s0 =	sld [smem:$0x3FA7]  }
0x30: {  	s3 =	sld [smem:$0x3FAA]  }
0x31: {  	[smem:$0x3FB3] =	sst s10  }
0x32: {  	s10 =	sld [smem:$0x3FB1];
	_ =	sdelay $0x3  }
0x33: {  	p0 =	seq.s32 s10, $0x1;
	s10 =	sld [smem:$0x3FB3];
	_ =	sdelay $0x3  }
0x34: {  	[smem:$0x3FB3] =	sst s10  }
0x35: {  	s10 =	sld [smem:$0x3FB2];
	_ =	sdelay $0x3  }
0x36: {  	p1 =	seq.s32 s10, $0x1;
	s10 =	sld [smem:$0x3FB3];
	_ =	sdelay $0x3  }
0x37: {  	[smem:$0x3FB3] =	sst s10  }
0x38: {  	s10 =	sld [smem:$0x3FB4]  }
0x39: {  	_ = 	snop;
	(pc) =	sbr.ind lr, $3  }
0x3a: {  	_ = 	snop  }
0x3b: {  	_ = 	snop  }
0x3c: {  	p2 =	seq.s32 s10, $0x1;
	s10 =	sld [smem:$0x3FB3]  }
0x3d: {  	_ =	shalt  }
0x3e: {  	_ =	shalt  }
0x3f: {  	_ =	shalt  }
0x40: {  	_ =	shalt  }
0x41: {  	_ =	shalt  }
0x42: {  	_ =	shalt  }
0x43: {  	_ =	shalt  }
0x44: {  	_ =	shalt  }
0x45: {  	_ =	shalt  }
0x46: {  	_ =	shalt  }
0x47: {  	_ =	shalt  }
0x48: {  	_ =	shalt  }
0x49: {  	_ =	shalt  }
0x4a: {  	_ =	shalt  }
0x4b: {  	_ =	shalt  }
0x4c: {  	_ =	shalt  }
0x4d: {  	_ =	shalt  }
0x4e: {  	_ =	shalt  }
0x4f: {  	_ =	shalt  }
0x50: {  	_ =	shalt  }
0x51: {  	_ =	shalt  }
0x52: {  	_ =	shalt  }
0x53: {  	_ =	shalt  }
0x54: {  	_ =	shalt  }
0x55: {  	_ =	shalt  }
0x56: {  	_ =	shalt  }
0x57: {  	_ =	shalt  }
0x58: {  	_ =	shalt  }
0x59: {  	_ =	shalt  }
0x5a: {  	_ =	shalt  }
0x5b: {  	_ =	shalt  }
0x5c: {  	_ =	shalt  }
0x5d: {  	_ =	shalt  }
0x5e: {  	_ =	shalt  }
0x5f: {  	_ =	shalt  }
0x60: {  	_ =	shalt  }
0x61: {  	_ =	shalt  }
0x62: {  	_ =	shalt  }
0x63: {  	_ =	shalt  }
0x64: {  	_ =	shalt  }
0x65: {  	_ =	shalt  }
0x66: {  	_ =	shalt  }
0x67: {  	_ =	shalt  }
0x68: {  	_ =	shalt  }
0x69: {  	_ =	shalt  }
0x6a: {  	_ =	shalt  }
0x6b: {  	_ =	shalt  }
0x6c: {  	_ =	shalt  }
0x6d: {  	_ =	shalt  }
0x6e: {  	_ =	shalt  }
0x6f: {  	_ =	shalt  }
0x70: {  	_ =	shalt  }
0x71: {  	_ =	shalt  }
0x72: {  	_ =	shalt  }
0x73: {  	_ =	shalt  }
0x74: {  	_ =	shalt  }
0x75: {  	_ =	shalt  }
0x76: {  	_ =	shalt  }
0x77: {  	_ =	shalt  }
0x78: {  	_ =	shalt  }
0x79: {  	_ =	shalt  }
0x7a: {  	_ =	shalt  }
0x7b: {  	_ =	shalt  }
0x7c: {  	_ =	shalt  }
0x7d: {  	_ =	shalt  }
0x7e: {  	_ =	shalt  }
0x7f: {  	_ =	shalt  }
0x80: {  	_ =	shalt  }
0x81: {  	_ =	shalt  }
0x82: {  	_ =	shalt  }
0x83: {  	_ =	shalt  }
0x84: {  	_ =	shalt  }
0x85: {  	_ =	shalt  }
0x86: {  	_ =	shalt  }
0x87: {  	_ =	shalt  }
.Lfunc_end0:
.L_simem_size_0:
called_computation_lowered:
.L_overlay_start_0:
0x88: {  	s2 =	sld [smem:$0x3FD9]  }
0x89: {  	s3 =	sld [smem:$0x3FFE];
	_ =	sdelay $0x1  }
0x8a: {  	s1 =	srdreg.scid  }
0x8b: {  	s0 =	sand.u32 $0x1, s1  }
0x8c: {  	s17 =	sshll.u32 s0, $0xA;
	s2 =	sadd.s32 s3, s2  }
0x8d: {  	s2 =	sadd.s32 s2, s17  }
0x8e: {  	[smem:$0x3FBF] =	sst s2  }
0x8f: {  	_ = 	snop  }
0x90: {  	s2 =	sld [smem:$0x3FD0];
	(tm) =	ssettm $0x1  }
0x91: {  	s18 =	sld [smem:$0x3FFB];
	_ =	sdelay $0x3  }
0x92: {  	_ =	strace s18  }
0x93: {  	s3 =	sld [smem:$0x3FFC];
	_ =	sdelay $0x3  }
0x94: {  	_ =	strace s3  }
0x95: {  	s3 =	sld [smem:$0x3FFD];
	_ =	sdelay $0x3  }
0x96: {  	_ =	strace s3  }
0x97: {  	_ =	strace $0x8FFFFFFF  }
0x98: {  	s19 =	sld [smem:$0x3FDB];
	_ =	sdelay $0x1  }
0x99: {  	s4 =	simm.s32 $_scs_section_size  }
0x9a: {  	s5 =	simm.s32 $_size__tile_overlayer_lowered;
	s6 =	simm.s32 $_tile_overlayer_lowered  }
0x9b: {  	s22 =	simm.s32 $0x1BFF;
	s21 =	sshll.u32 s6, $0x1;
	s3 =	sadd.s32 s4, s19  }
0x9c: {  	s7 =	simm.s32 $0x0;
	s20 =	sshll.u32 s5, $0x1;
	s5 =	sadd.s32 s21, s3  }
0x9d: {  	[timem:s7], [sflag:s22] =	dma.local [hbm:s5], s20  }
0x9e: {  	_ =	swait.ge [sflag:s22], s20  }
0x9f: {  	s4 =	ssub.s32 $0x0, s20;
	[sflag:s22] =	ssyncset.done $0x0  }
0xa0: {  	[sflag:s22] =	ssyncadd.s32 s4;
	_ =	sdelay $0x1  }
0xa1: {  	s23 =	simm.s32 $0x1B8B  }
0xa2: {  	_ =	swait.ge [sflag:s23], $0x1  }
0xa3: {  	[sflag:s23] =	ssyncset.done $0x0  }
0xa4: {  	s25 =	simm.s32 $0x1B8E;
	s24 =	sld [smem:$0x3FFE];
	[sflag:s23] =	ssyncadd.s32 $0xFFFFFFFF  }
0xa5: {  	s26 =	simm.s32 $execute0_lowered;
	[smem:$0x3FD2] =	sst s25  }
0xa6: {  	s5 =	sshll.u32 s26, $0x1;
	_ =	strace $0x80000046;
	[dreg:$0x1] =	wrdreg $0xFFFFFFFF  }
0xa7: {  	s28 =	simm.s32 $_size_execute0_lowered;
	s3 =	sadd.s32 s3, s5;
	[dreg:$0x0] =	wrdreg $0x0  }
0xa8: {  	s5 =	sshll.u32 s28, $0x1;
	[dreg:$0x2] =	wrdreg s3  }
0xa9: {  	[dreg:$0x3] =	wrdreg s5  }
0xaa: {  	[dreg:$0x4] =	wrdreg $0xC0  }
0xab: {  	_ =	task [dreg:s7], $0x5FFFF  }
0xac: {  	[dreg:$0x1] =	wrdreg $0xFFFFFFFF  }
0xad: {  	[dreg:$0x0] =	wrdreg $0x60  }
0xae: {  	[dreg:$0x2] =	wrdreg s24  }
0xaf: {  	[dreg:$0x3] =	wrdreg s2  }
0xb0: {  	[dreg:$0x4] =	wrdreg $0xBB800  }
0xb1: {  	[dreg:$0x5] =	wrdreg $0x9  }
0xb2: {  	_ =	task.clear_ibuf [dreg:s7], $0x6FFFF;
	_ =	strace $0x90000046  }
0xb3: {  	s29 =	simm.s32 $0x9;
	_ =	strace $0x80000048  }
0xb4: {  	_ =	swait.ge [sflag:s29], $0x1  }
0xb5: {  	[sflag:s29] =	ssyncadd.s32 $0xFFFFFFFF  }
0xb6: {  	_ =	strace $0x90000048  }
0xb7: {  	_ =	sfence  }
0xb8: {  	s30 =	sld [smem:$0x0];
	_ =	sdelay $0x2  }
0xb9: {  	s31 =	sshll.u32 s1, $0xD;
	s1 =	sshrl.u32 s1, $0x2  }
0xba: {  	s3 =	sand.u32 $0x4000, s31;
	s1 =	sadd.s32 s1, s30  }
0xbb: {  	s0 =	sor.u32 s3, s0;
	s1 =	sshll.u32 s1, $0x11  }
0xbc: {  	s0 =	sor.u32 s1, s0  }
0xbd: {  	s0 =	sadd.s32 $0x8F2B, s0  }
0xbe: {  	[sflag:s0] =	ssyncadd.remote.s32 $0x1  }
0xbf: {  	_ =	sfence.sel $0xFFFF  }
0xc0: {  	[dreg:$0x0] =	wrdreg $0xFFFFFFFF;
	(pc) =	sbr.abs _section_cstart, $3  }
0xc1: {  	[dreg:$0x1] =	wrdreg $0xFFFFFFFF  }
0xc2: {  	_ =	task.clear_ibuf [dreg:s7], $0x2FFFF;
	_ =	strace $0x9FFFFFFF  }
0xc3: {  	(tm) =	ssettm $0x7FFFFFFF  }
tec
execute0_lowered:
.L_overlay_start_1:
0x0: {  	(tag) =	ssettag $0x1  }
0x1: {  	s0 =	rddreg [dreg:$0x0]  }
0x2: {  	s1 =	rddreg [dreg:$0x1]  }
0x3: {  	s2 =	rddreg [dreg:$0x2];
	s3 =	srdreg.scid  }
0x4: {  	s5 =	simm.s32 $0x0;
	s12 =	stileid.u32;
	s29 =	simm.s32 $0x5  }
0x5: {  	s30 =	simm.s32 $0x2800;
	s31 =	simm.s32 $0x7B80;
	s6 =	smul.u32 $0x14000, s12  }
0x6: {  	s3 =	sand.u32 $0x1, s3;
	[smem:$0x7FF] =	sst s5;
	s28 =	smul.u32 $0x1400, s12  }
0x7: {  	s5 =	sadd.s32 $0x2400, s0;
	s7 =	sadd.s32 $0x34200, s0;
	s11 =	smul.u32 $0x50000, s12  }
0x8: {  	s24 =	sshrl.u32 s12, $0x2;
	s25 =	sshll.u32 s12, $0x8;
	s12 =	smul.u32 $0x3B00, s12  }
0x9: {  	s4 =	smul.u32 $0x140000, s3;
	_ =	strace $0x80000047;
	[dreg:$0x4] =	wrdreg s7  }
0xa: {  	s8 =	sshll.u32 s3, $0x7;
	s9 =	sand.u32 $0x300, s25;
	s7 =	sadd.s32 $0xC200, s0  }
0xb: {  	s26 =	ssub.s32 $0x2, s3;
	p0 =	seq.s32 s3, $0x0;
	s11 =	sshrl.u32 s11, $0x2  }
0xc: {  	s3 =	simm.s32 $0x7880;
	s8 =	sor.u32 s8, s9;
	s21 =	sadd.s32 s11, s2  }
0xd: {  	s10 =	sshrl.u32 s26, $0x1;
	s13 =	sadd.s32 $0x2000, s21;
	[dreg:$0x5] =	wrdreg s21  }
0xe: {  	s9 =	simm.s32 $0x3B;
	s14 =	sadd.s32 $0x4000, s21;
	[dreg:$0x7] =	wrdreg s13  }
0xf: {  	s4 =	sadd.s32 s6, s4;
	s15 =	sadd.s32 $0x6000, s21;
	[dreg:$0x8] =	wrdreg s14  }
0x10: {  	s6 =	smul.u32 $0x13C00, s24;
	s16 =	sadd.s32 $0x8000, s21;
	[dreg:$0x9] =	wrdreg s15  }
0x11: {  	s10 =	ssub.s32 s26, s10;
	s17 =	sadd.s32 $0xA000, s21;
	[dreg:$0xa] =	wrdreg s16  }
0x12: {  	s9 =	simm.s32 @!p0 $0x14;
	s18 =	sadd.s32 $0xC000, s21;
	[dreg:$0xb] =	wrdreg s17  }
0x13: {  	s11 =	simm.s32 $0x9B80;
	s19 =	sadd.s32 $0xE000, s21;
	[dreg:$0xc] =	wrdreg s18  }
0x14: {  	s4 =	sshrl.u32 s4, $0x3;
	s20 =	sadd.s32 $0x10000, s21;
	[dreg:$0xd] =	wrdreg s19  }
0x15: {  	s22 =	sadd.s32 $0x12000, s21;
	s4 =	sadd.s32 s4, s0;
	[dreg:$0xe] =	wrdreg s20  }
0x16: {  	s6 =	sor.u32 s6, s8;
	s8 =	sadd.s32 $0x3B000, s28;
	[dreg:$0xf] =	wrdreg s22  }
0x17: {  	s28 =	smax.u32 s10, $0x1;
	s22 =	simm.s32 $0x80;
	s13 =	simm.s32 $0x1  }
0x18: {  	s14 =	simm.s32 $0x7A80;
	s15 =	simm.s32 $0x7980;
	s16 =	simm.s32 $0x4  }
0x19: {  	s17 =	simm.s32 $0x2;
	s18 =	simm.s32 $0x7B00;
	s19 =	simm.s32 $0x7A00  }
0x1a: {  	s20 =	simm.s32 $0x78C0;
	s6 =	sshrl.u32 s6, $0x3;
	s8 =	smov.u32 @p0 s12  }
0x1b: {  	s25 =	sadd.s32 $0x36A00, s4;
	[dreg:$0x14] =	wrdreg s28;
	s6 =	sadd.s32 s6, s0  }
0x1c: {  	s0 =	sadd.s32 $0x34210, s0;
	s23 =	sshrl.u32 s8, $0x3;
	[dreg:$0x12] =	wrdreg s25  }
0x1d: {  	v0 =	vlaneseq.u32;
	s10 =	simm.s32 $0x0;
	[dreg:$0x6] =	wrdreg s0;
	s24 =	sadd.s32 s5, s23  }
0x1e: {  	v1 =	vmul.u32 $0xFFFFFFFF, v0;
	s4 =	simm.s32 $0x40;
	s0 =	sadd.s32 s1, s23;
	[dreg:$0x10] =	wrdreg s24  }
0x1f: {  	s12 =	simm.s32 $0x5000;
	s26 =	sadd.s32 $0x86A00, s6;
	[dreg:$0x11] =	wrdreg s0  }
0x20: {  	v0 =	vimm.f32 $0.0e+00;
	v1 =	vadd.s32 $0x4E200, v1;
	s23 =	simm.s32 $0x400;
	[dreg:$0x13] =	wrdreg s26;
	s0 =	simm.s32 $0x77C0  }
.LBB2_1:
0x21: {  	[dreg:$0x15] =	wrdreg s10  }
0x22: {  	s6 =	simm.s32 $0x0;
	s26 =	rddreg [dreg:$0x4]  }
0x23: {  	[tilespmem:s6], [sflag:$0x5] =	stream.strided.gather [hbm4b:s26+s22], $0x2800, s23, s22, $0x38;
	[tilespmem:$0x1FB80] =	vst v63  }
0x24: {  	_ =	swait.ge [sflag:s29], $0x2800  }
0x25: {  	[sflag:s29] =	ssyncset.done $0x0  }
0x26: {  	s28 =	rddreg [dreg:$0x6];
	[sflag:s29] =	ssyncadd.s32 $0xFFFFD800  }
0x27: {  	[tilespmem:s30], [sflag:$0x5] =	stream.strided.gather [hbm4b:s28+s22], $0x2800, s23, s22, $0x38;
	[tilespmem:$0x1FB80] =	vst v63  }
0x28: {  	_ =	swait.ge [sflag:s29], $0x2800  }
0x29: {  	[sflag:s29] =	ssyncset.done $0x0  }
0x2a: {  	s10 =	simm.s32 $0x0;
	[sflag:s29] =	ssyncadd.s32 $0xFFFFD800  }
.LBB2_2:
0x2b: {  	p0 =	sne.s32 s10, $0x9C00  }
.Ltmp0:
0x2c: {  	_ = 	snop;
	(pc) =	sbr.rel @p0 .LBB2_2-.Ltmp0, $3  }
0x2d: {  	_ =	sdelay $0x1  }
0x2e: {  	s22 =	sshra.s32 s10, $0x2  }
0x2f: {  	s10 =	sadd.s32 $0x40, s10;
	[tilespmem:s22+$0x5000] =	vst v0  }
0x30: {  	s10 =	simm.s32 $0x0;
	s22 =	simm.s32 $0x200  }
.LBB2_4:
0x31: {  	p0 =	sne.s32 s22, $0x7E00;
	[tilespmem:s10+$0x7BF0] =	vst v0  }
0x32: {  	[tilespmem:s10+$0x7B80] =	vst v0  }
0x33: {  	[tilespmem:s10+$0x7B90] =	vst v0  }
.Ltmp1:
0x34: {  	[tilespmem:s10+$0x7BA0] =	vst v0;
	(pc) =	sbr.rel @p0 .LBB2_4-.Ltmp1, $4  }
0x35: {  	[tilespmem:s10+$0x7BB0] =	vst v0  }
0x36: {  	[tilespmem:s10+$0x7BC0] =	vst v0  }
0x37: {  	[tilespmem:s10+$0x7BD0] =	vst v0  }
0x38: {  	[tilespmem:s10+$0x7BE0] =	vst v0;
	s10 =	sshra.s32 s22, $0x2;
	s22 =	sadd.s32 $0x200, s22  }
0x39: {  	[tilespmem:s10+$0x7BF0] =	vst v0  }
0x3a: {  	[tilespmem:s10+$0x7B80] =	vst v0  }
0x3b: {  	[tilespmem:s10+$0x7B90] =	vst v0  }
0x3c: {  	[tilespmem:s10+$0x7BA0] =	vst v0  }
0x3d: {  	[tilespmem:s10+$0x7BB0] =	vst v0  }
0x3e: {  	[tilespmem:s10+$0x7BC0] =	vst v0  }
0x3f: {  	[tilespmem:s10+$0x7BD0] =	vst v0  }
0x40: {  	[tilespmem:s10+$0x7BE0] =	vst v0  }
0x41: {  	[spmem:s21] =	stream.linear.scatter [tilespmem:s31], [sflag:$0x5], $0x2000, $0x38;
	[tilespmem:$0x1FB80] =	vst v63  }
0x42: {  	_ =	swait.ge [sflag:s29], $0x2000  }
0x43: {  	[sflag:s29] =	ssyncset.done $0x0  }
0x44: {  	s6 =	rddreg [dreg:$0x7];
	[sflag:s29] =	ssyncadd.s32 $0xFFFFE000  }
0x45: {  	[spmem:s6] =	stream.linear.scatter [tilespmem:s31], [sflag:$0x5], $0x2000, $0x38;
	[tilespmem:$0x1FB80] =	vst v63  }
0x46: {  	_ =	swait.ge [sflag:s29], $0x2000  }
0x47: {  	[sflag:s29] =	ssyncset.done $0x0  }
0x48: {  	s24 =	rddreg [dreg:$0x8];
	[sflag:s29] =	ssyncadd.s32 $0xFFFFE000  }
0x49: {  	[spmem:s24] =	stream.linear.scatter [tilespmem:s31], [sflag:$0x5], $0x2000, $0x38;
	[tilespmem:$0x1FB80] =	vst v63  }
0x4a: {  	_ =	swait.ge [sflag:s29], $0x2000  }
0x4b: {  	[sflag:s29] =	ssyncset.done $0x0  }
0x4c: {  	s25 =	rddreg [dreg:$0x9];
	[sflag:s29] =	ssyncadd.s32 $0xFFFFE000  }
0x4d: {  	[spmem:s25] =	stream.linear.scatter [tilespmem:s31], [sflag:$0x5], $0x2000, $0x38;
	[tilespmem:$0x1FB80] =	vst v63  }
0x4e: {  	_ =	swait.ge [sflag:s29], $0x2000  }
0x4f: {  	[sflag:s29] =	ssyncset.done $0x0  }
0x50: {  	s26 =	rddreg [dreg:$0xa];
	[sflag:s29] =	ssyncadd.s32 $0xFFFFE000  }
0x51: {  	[spmem:s26] =	stream.linear.scatter [tilespmem:s31], [sflag:$0x5], $0x2000, $0x38;
	[tilespmem:$0x1FB80] =	vst v63  }
0x52: {  	_ =	swait.ge [sflag:s29], $0x2000  }
0x53: {  	[sflag:s29] =	ssyncset.done $0x0  }
0x54: {  	s28 =	rddreg [dreg:$0xb];
	[sflag:s29] =	ssyncadd.s32 $0xFFFFE000  }
0x55: {  	[spmem:s28] =	stream.linear.scatter [tilespmem:s31], [sflag:$0x5], $0x2000, $0x38;
	[tilespmem:$0x1FB80] =	vst v63  }
0x56: {  	_ =	swait.ge [sflag:s29], $0x2000  }
0x57: {  	[sflag:s29] =	ssyncset.done $0x0  }
0x58: {  	s10 =	rddreg [dreg:$0xc];
	[sflag:s29] =	ssyncadd.s32 $0xFFFFE000  }
0x59: {  	[spmem:s10] =	stream.linear.scatter [tilespmem:s31], [sflag:$0x5], $0x2000, $0x38;
	[tilespmem:$0x1FB80] =	vst v63  }
0x5a: {  	_ =	swait.ge [sflag:s29], $0x2000  }
0x5b: {  	[sflag:s29] =	ssyncset.done $0x0  }
0x5c: {  	s21 =	rddreg [dreg:$0xd];
	[sflag:s29] =	ssyncadd.s32 $0xFFFFE000  }
0x5d: {  	[spmem:s21] =	stream.linear.scatter [tilespmem:s31], [sflag:$0x5], $0x2000, $0x38;
	[tilespmem:$0x1FB80] =	vst v63  }
0x5e: {  	_ =	swait.ge [sflag:s29], $0x2000  }
0x5f: {  	[sflag:s29] =	ssyncset.done $0x0  }
0x60: {  	s22 =	rddreg [dreg:$0xe];
	[sflag:s29] =	ssyncadd.s32 $0xFFFFE000  }
0x61: {  	[spmem:s22] =	stream.linear.scatter [tilespmem:s31], [sflag:$0x5], $0x2000, $0x38;
	[tilespmem:$0x1FB80] =	vst v63  }
0x62: {  	_ =	swait.ge [sflag:s29], $0x2000  }
0x63: {  	[sflag:s29] =	ssyncset.done $0x0  }
0x64: {  	s23 =	rddreg [dreg:$0xf];
	[sflag:s29] =	ssyncadd.s32 $0xFFFFE000  }
0x65: {  	[spmem:s23] =	stream.linear.scatter [tilespmem:s31], [sflag:$0x5], $0x2000, $0x38;
	[tilespmem:$0x1FB80] =	vst v63  }
0x66: {  	_ =	swait.ge [sflag:s29], $0x2000  }
0x67: {  	[sflag:s29] =	ssyncset.done $0x0  }
0x68: {  	[sflag:s29] =	ssyncadd.s32 $0xFFFFE000  }
0x69: {  	[bflag:$0x0] =	sbarrier.arrive $0xFFFF  }
0x6a: {  	s25 =	simm.s32 $0x7780;
	s22 =	simm.s32 $0x0;
	s24 =	rddreg [dreg:$0x10]  }
0x6b: {  	[tilespmem:s25], [sflag:$0x5] =	stream.linear.gather [hbm4b:s24+s22], $0x80, $0x38;
	[tilespmem:$0x1FB80] =	vst v63  }
0x6c: {  	_ =	swait.ge [sflag:s29], $0x80  }
0x6d: {  	[sflag:s29] =	ssyncset.done $0x0  }
0x6e: {  	s28 =	simm.s32 $0x7800;
	s26 =	rddreg [dreg:$0x11];
	[sflag:s29] =	ssyncadd.s32 $0xFFFFFF80  }
0x6f: {  	[tilespmem:s28], [sflag:$0x5] =	stream.linear.gather [hbm4b:s26+s22], $0x80, $0x38;
	[tilespmem:$0x1FB80] =	vst v63  }
0x70: {  	_ =	swait.ge [sflag:s29], $0x80  }
0x71: {  	[sflag:s29] =	ssyncset.done $0x0  }
0x72: {  	s23 =	simm.s32 $0x0;
	[sflag:s29] =	ssyncadd.s32 $0xFFFFFF80  }
0x73: {  	[tilespmem:s31], [sflag:$0x1] =	stream.indirect.gather [hbm4b:s7+s4], $0x80, s25, s4, $0xb8;
	[tilespmem:$0x1FB80] =	vst v63  }
.LBB2_6:
0x74: {  	s10 =	sshll.u32 s23, $0x8  }
0x75: {  	s24 =	sadd.s32 s8, s10  }
0x76: {  	s10 =	sshrl.u32 s24, $0x3  }
0x77: {  	s10 =	sor.u32 $0x10, s10  }
0x78: {  	s25 =	sadd.s32 s5, s10  }
0x79: {  	[tilespmem:s3], [sflag:$0x4] =	stream.linear.gather [hbm4b:s25+s22], $0x80, $0x38;
	[tilespmem:$0x1FB80] =	vst v63  }
0x7a: {  	s6 =	simm.s32 $0x7900;
	s10 =	sadd.s32 s1, s10  }
0x7b: {  	[tilespmem:s6], [sflag:$0x4] =	stream.linear.gather [hbm4b:s10+s22], $0x80, $0x38;
	[tilespmem:$0x1FB80] =	vst v63  }
0x7c: {  	_ = 	snop  }
0x7d: {  	[tilespmem:s11], [sflag:$0x2] =	stream.indirect.gather [hbm4b:s7+s4], $0x80, s0, s4, $0xb8;
	[tilespmem:$0x1FB80] =	vst v63  }
0x7e: {  	v2 =	vld [tilespmem:$0x7780]  }
0x7f: {  	v3 =	vld [tilespmem:$0x7800];
	_ =	sdelay $0x6  }
0x80: {  	v2 =	vld.idx.msk [tilespmem:v2+s22+$0x0], $0xffff  }
0x81: {  	v4 =	vld.idx.msk [tilespmem:v3+s30+$0x0], $0xffff;
	_ =	sdelay $0x4  }
0x82: {  	v2 =	vadd.f32 v4, v2;
	_ =	sdelay $0x1  }
0x83: {  	v4 =	vmul.f32 $2.000000030e-01, v2  }
0x84: {  	vm0 =	vge.f32 v2, $0.0e+00  }
0x85: {  	v2 =	vsel vm0, v2, v4  }
0x86: {  	v2 =	vmul.f32 $1.442695020e+00, v2;
	_ =	sdelay $0x1  }
0x87: {  	(erf) = vpow2.f32 v2;
	_ =	sdelay $0x7  }
0x88: {  	v2 =	vmov s24  }
0x89: {  	vm9 =	vlt.s32 v2, v1;
	v4 =	vpop (erf)  }
0x8a: {  	[tilespmem:$0x7980] =	vst v3;
	v2 =	vnsel vm9, $0x0, v4  }
0x8b: {  	[tilespmem:$0x7A80] =	vst v2  }
0x8c: {  	[tilespmem:v3+s12+$0x0] =	vst.idx.add.f32.msk $0xffff, v2  }
0x8d: {  	v2 =	vld [tilespmem:$0x7790]  }
0x8e: {  	v3 =	vld [tilespmem:$0x7810];
	_ =	sdelay $0x6  }
0x8f: {  	v2 =	vld.idx.msk [tilespmem:v2+s22+$0x0], $0xffff  }
0x90: {  	v4 =	vld.idx.msk [tilespmem:v3+s30+$0x0], $0xffff;
	_ =	sdelay $0x4  }
0x91: {  	v2 =	vadd.f32 v4, v2;
	_ =	sdelay $0x1  }
0x92: {  	v4 =	vmul.f32 $2.000000030e-01, v2  }
0x93: {  	vm10 =	vge.f32 v2, $0.0e+00  }
0x94: {  	v2 =	vsel vm10, v2, v4  }
0x95: {  	v2 =	vmul.f32 $1.442695020e+00, v2;
	_ =	sdelay $0x1  }
0x96: {  	(erf) = vpow2.f32 v2;
	_ =	sdelay $0x6  }
0x97: {  	s25 =	sor.u32 $0x10, s24  }
0x98: {  	v2 =	vmov s25  }
0x99: {  	vm11 =	vlt.s32 v2, v1;
	v4 =	vpop (erf)  }
0x9a: {  	[tilespmem:$0x7990] =	vst v3;
	v2 =	vnsel vm11, $0x0, v4  }
0x9b: {  	[tilespmem:$0x7A90] =	vst v2  }
0x9c: {  	[tilespmem:v3+s12+$0x0] =	vst.idx.add.f32.msk $0xffff, v2  }
0x9d: {  	v2 =	vld [tilespmem:$0x77A0]  }
0x9e: {  	v3 =	vld [tilespmem:$0x7820];
	_ =	sdelay $0x6  }
0x9f: {  	v2 =	vld.idx.msk [tilespmem:v2+s22+$0x0], $0xffff  }
0xa0: {  	v4 =	vld.idx.msk [tilespmem:v3+s30+$0x0], $0xffff;
	_ =	sdelay $0x4  }
0xa1: {  	v2 =	vadd.f32 v4, v2;
	_ =	sdelay $0x1  }
0xa2: {  	v4 =	vmul.f32 $2.000000030e-01, v2  }
0xa3: {  	vm12 =	vge.f32 v2, $0.0e+00  }
0xa4: {  	v2 =	vsel vm12, v2, v4  }
0xa5: {  	v2 =	vmul.f32 $1.442695020e+00, v2;
	_ =	sdelay $0x1  }
0xa6: {  	(erf) = vpow2.f32 v2;
	_ =	sdelay $0x6  }
0xa7: {  	s26 =	sor.u32 $0x20, s24  }
0xa8: {  	v2 =	vmov s26  }
0xa9: {  	vm13 =	vlt.s32 v2, v1;
	v4 =	vpop (erf)  }
0xaa: {  	[tilespmem:$0x79A0] =	vst v3;
	v2 =	vnsel vm13, $0x0, v4  }
0xab: {  	[tilespmem:$0x7AA0] =	vst v2  }
0xac: {  	[tilespmem:v3+s12+$0x0] =	vst.idx.add.f32.msk $0xffff, v2  }
0xad: {  	v2 =	vld [tilespmem:$0x77B0]  }
0xae: {  	v3 =	vld [tilespmem:$0x7830];
	_ =	sdelay $0x6  }
0xaf: {  	v2 =	vld.idx.msk [tilespmem:v2+s22+$0x0], $0xffff  }
0xb0: {  	v4 =	vld.idx.msk [tilespmem:v3+s30+$0x0], $0xffff;
	_ =	sdelay $0x4  }
0xb1: {  	v2 =	vadd.f32 v4, v2;
	_ =	sdelay $0x1  }
0xb2: {  	v4 =	vmul.f32 $2.000000030e-01, v2  }
0xb3: {  	vm14 =	vge.f32 v2, $0.0e+00  }
0xb4: {  	v2 =	vsel vm14, v2, v4  }
0xb5: {  	v2 =	vmul.f32 $1.442695020e+00, v2;
	_ =	sdelay $0x1  }
0xb6: {  	(erf) = vpow2.f32 v2;
	_ =	sdelay $0x6  }
0xb7: {  	s6 =	sor.u32 $0x30, s24  }
0xb8: {  	v2 =	vmov s6  }
0xb9: {  	vm15 =	vlt.s32 v2, v1;
	v4 =	vpop (erf)  }
0xba: {  	v2 =	vnsel vm15, $0x0, v4;
	v4 =	vmov s22  }
0xbb: {  	[tilespmem:$0x79B0] =	vst v3;
	v4 =	vand.u32 $0xFFFFFFFC, v4  }
0xbc: {  	[tilespmem:$0x7AB0] =	vst v2;
	v4 =	vbroadcast v4, $0x0  }
0xbd: {  	[tilespmem:v3+s12+$0x0] =	vst.idx.add.f32.msk $0xffff, v2  }
0xbe: {  	_ =	swait.ge [sflag:s13], $0x2000  }
0xbf: {  	[sflag:s13] =	ssyncset.done $0x0  }
0xc0: {  	s25 =	simm.s32 $0x7C80;
	[sflag:s13] =	ssyncadd.s32 $0xFFFFE000  }
0xc1: {  	v2 =	vld [tilespmem:s25+$0xFFFFFF70]  }
0xc2: {  	v3 =	vld.idx.msk [tilespmem:v4+s14+$0x0], $0xffff  }
0xc3: {  	v4 =	vld [tilespmem:s25+$0xFFFFFF00]  }
0xc4: {  	v5 =	vld [tilespmem:s25+$0xFFFFFF20]  }
0xc5: {  	v6 =	vld [tilespmem:s25+$0xFFFFFF50]  }
0xc6: {  	v7 =	vld [tilespmem:s25+$0xFFFFFF40]  }
0xc7: {  	v8 =	vld [tilespmem:s25+$0xFFFFFF60];
	v2 =	vmul.f32 v2, v3  }
0xc8: {  	s21 =	simm.s32 $0x1;
	v9 =	vld [tilespmem:s25+$0xFFFFFF30];
	v4 =	vmul.f32 v4, v3  }
0xc9: {  	v10 =	vld [tilespmem:s25+$0xFFFFFF10];
	v5 =	vmul.f32 v5, v3;
	[tilespmem:s25+$0xFFFFFF70] =	vst v2;
	v2 =	vmov s21  }
0xca: {  	v6 =	vmul.f32 v6, v3;
	[tilespmem:s25+$0xFFFFFF00] =	vst v4;
	v2 =	vand.u32 $0xFFFFFFFD, v2  }
0xcb: {  	v4 =	vmul.f32 v7, v3;
	[tilespmem:s25+$0xFFFFFF20] =	vst v5;
	v2 =	vbroadcast v2, $0x0  }
0xcc: {  	v5 =	vmul.f32 v8, v3;
	[tilespmem:s25+$0xFFFFFF50] =	vst v6  }
0xcd: {  	v6 =	vmul.f32 v9, v3;
	[tilespmem:s25+$0xFFFFFF40] =	vst v4  }
0xce: {  	v3 =	vmul.f32 v10, v3;
	[tilespmem:s25+$0xFFFFFF60] =	vst v5  }
0xcf: {  	v7 =	vld [tilespmem:s25+$0xFFFFFFC0];
	[tilespmem:s25+$0xFFFFFF30] =	vst v6  }
0xd0: {  	[tilespmem:s25+$0xFFFFFF10] =	vst v3;
	v3 =	vld [tilespmem:s25+$0xFFFFFF90]  }
0xd1: {  	v4 =	vld.idx.msk [tilespmem:v2+s14+$0x0], $0xffff  }
0xd2: {  	v2 =	vld [tilespmem:s25+$0xFFFFFFA0]  }
0xd3: {  	v5 =	vld [tilespmem:s25+$0xFFFFFF80]  }
0xd4: {  	v6 =	vld [tilespmem:s25+$0xFFFFFFB0]  }
0xd5: {  	v8 =	vld [tilespmem:s25+$0xFFFFFFD0]  }
0xd6: {  	v9 =	vld [tilespmem:s25+$0xFFFFFFF0];
	v3 =	vmul.f32 v3, v4  }
0xd7: {  	s26 =	simm.s32 $0x2;
	v2 =	vmul.f32 v2, v4  }
0xd8: {  	v10 =	vld [tilespmem:s25+$0xFFFFFFE0];
	v5 =	vmul.f32 v5, v4;
	[tilespmem:s25+$0xFFFFFF90] =	vst v3;
	v3 =	vmov s26  }
0xd9: {  	v6 =	vmul.f32 v6, v4;
	[tilespmem:s25+$0xFFFFFFA0] =	vst v2;
	v2 =	vand.u32 $0xFFFFFFFE, v3  }
0xda: {  	[tilespmem:s25+$0xFFFFFF80] =	vst v5;
	v5 =	vmul.f32 v8, v4;
	v8 =	vld [tilespmem:s25+$0x0];
	v11 =	vbroadcast v2, $0x0  }
0xdb: {  	[tilespmem:s25+$0xFFFFFFB0] =	vst v6;
	v6 =	vmul.f32 v9, v4;
	v3 =	vmul.f32 v7, v4;
	v7 =	vld [tilespmem:s25+$0x60]  }
0xdc: {  	v2 =	vld [tilespmem:s25+$0x20];
	[tilespmem:s25+$0xFFFFFFD0] =	vst v5  }
0xdd: {  	v4 =	vmul.f32 v10, v4;
	[tilespmem:s25+$0xFFFFFFF0] =	vst v6;
	v5 =	vld [tilespmem:s25+$0x40]  }
0xde: {  	v6 =	vld [tilespmem:s25+$0x10];
	[tilespmem:s25+$0xFFFFFFC0] =	vst v3  }
0xdf: {  	v3 =	vld [tilespmem:s25+$0x30];
	[tilespmem:s25+$0xFFFFFFE0] =	vst v4  }
0xe0: {  	s28 =	simm.s32 $0x4;
	s10 =	simm.s32 $0x7C80;
	s26 =	simm.s32 $0x0;
	v4 =	vld.idx.msk [tilespmem:v11+s14+$0x0], $0xffff  }
.LBB2_7:
0xe1: {  	p0 =	sne.s32 s28, $0x3C  }
0xe2: {  	v9 =	vld [tilespmem:s25+$0x50];
	s10 =	sadd.s32 $0x200, s10;
	s21 =	smov.u32 s28;
	s28 =	sadd.s32 $0x4, s28  }
0xe3: {  	v10 =	vld [tilespmem:s25+$0x70];
	_ =	sdelay $0x1  }
0xe4: {  	v7 =	vmul.f32 v7, v4;
	v8 =	vmul.f32 v8, v4  }
0xe5: {  	v5 =	vmul.f32 v5, v4;
	v6 =	vmul.f32 v6, v4  }
0xe6: {  	v2 =	vmul.f32 v2, v4;
	v3 =	vmul.f32 v3, v4;
	[tilespmem:s25+$0x60] =	vst v7  }
0xe7: {  	[tilespmem:s25+$0x40] =	vst v5;
	v5 =	vmul.f32 v9, v4;
	v4 =	vmul.f32 v10, v4  }
0xe8: {  	s6 =	sadd.s32 $0x3, s26;
	s26 =	smov.u32 s21;
	[tilespmem:s25+$0x20] =	vst v2;
	v7 =	vld [tilespmem:s25+$0x80]  }
0xe9: {  	v2 =	vld [tilespmem:s10+$0x20];
	[tilespmem:s25+$0x0] =	vst v8;
	v8 =	vmov s6  }
0xea: {  	[tilespmem:s25+$0x50] =	vst v5;
	v5 =	vld [tilespmem:s25+$0xE0]  }
0xeb: {  	[tilespmem:s25+$0x30] =	vst v3;
	v9 =	vld [tilespmem:s25+$0xC0]  }
0xec: {  	v3 =	vld [tilespmem:s10+$0x30];
	[tilespmem:s25+$0x10] =	vst v6  }
0xed: {  	[tilespmem:s25+$0x70] =	vst v4;
	v4 =	vld [tilespmem:s25+$0xA0]  }
0xee: {  	v6 =	vld.idx.msk [tilespmem:v8+s14+$0x0], $0xffff  }
0xef: {  	v8 =	vld [tilespmem:s25+$0x90]  }
0xf0: {  	v10 =	vld [tilespmem:s25+$0xB0]  }
0xf1: {  	v11 =	vld [tilespmem:s25+$0xD0]  }
0xf2: {  	v12 =	vld [tilespmem:s25+$0xF0];
	_ =	sdelay $0x1  }
0xf3: {  	v7 =	vmul.f32 v7, v6;
	v8 =	vmul.f32 v8, v6  }
0xf4: {  	v4 =	vmul.f32 v4, v6;
	v10 =	vmul.f32 v10, v6  }
0xf5: {  	v13 =	vmov s26;
	[tilespmem:s25+$0x80] =	vst v7;
	v7 =	vmul.f32 v9, v6;
	v9 =	vmul.f32 v11, v6  }
0xf6: {  	v11 =	vand.u32 $0xFFFFFFFC, v13;
	[tilespmem:s25+$0xA0] =	vst v4;
	v4 =	vmul.f32 v5, v6;
	v5 =	vmul.f32 v12, v6  }
0xf7: {  	v6 =	vbroadcast v11, $0x0;
	[tilespmem:s25+$0xC0] =	vst v7  }
0xf8: {  	[tilespmem:s25+$0xF0] =	vst v5  }
0xf9: {  	v5 =	vld [tilespmem:s10+$0xFFFFFF40];
	[tilespmem:s25+$0xE0] =	vst v4  }
0xfa: {  	v4 =	vld [tilespmem:s10+$0xFFFFFF50];
	[tilespmem:s25+$0x90] =	vst v8  }
0xfb: {  	v7 =	vld [tilespmem:s10+$0xFFFFFF60];
	[tilespmem:s25+$0xB0] =	vst v10  }
0xfc: {  	v8 =	vld [tilespmem:s10+$0xFFFFFF70];
	[tilespmem:s25+$0xD0] =	vst v9;
	s25 =	smov.u32 s10  }
0xfd: {  	v6 =	vld.idx.msk [tilespmem:v6+s14+$0x0], $0xffff  }
0xfe: {  	v9 =	vld [tilespmem:s10+$0xFFFFFF00]  }
0xff: {  	v10 =	vld [tilespmem:s10+$0xFFFFFF20]  }
0x100: {  	v11 =	vld [tilespmem:s10+$0xFFFFFF10]  }
0x101: {  	v12 =	vld [tilespmem:s10+$0xFFFFFF30];
	_ =	sdelay $0x1  }
0x102: {  	v8 =	vmul.f32 v8, v6;
	v9 =	vmul.f32 v9, v6  }
0x103: {  	s6 =	sadd.s32 $0x1, s26;
	v7 =	vmul.f32 v7, v6;
	v10 =	vmul.f32 v10, v6  }
0x104: {  	v4 =	vmul.f32 v4, v6;
	v11 =	vmul.f32 v11, v6;
	[tilespmem:s10+$0xFFFFFF70] =	vst v8;
	v8 =	vmov s6  }
0x105: {  	v5 =	vmul.f32 v5, v6;
	[tilespmem:s10+$0xFFFFFF00] =	vst v9;
	v9 =	vmul.f32 v12, v6;
	v6 =	vand.u32 $0xFFFFFFFD, v8  }
0x106: {  	[tilespmem:s10+$0xFFFFFF20] =	vst v10;
	v6 =	vbroadcast v6, $0x0  }
0x107: {  	[tilespmem:s10+$0xFFFFFF50] =	vst v4  }
0x108: {  	[tilespmem:s10+$0xFFFFFF40] =	vst v5;
	v4 =	vld [tilespmem:s10+$0xFFFFFFF0]  }
0x109: {  	[tilespmem:s10+$0xFFFFFF60] =	vst v7;
	v5 =	vld [tilespmem:s10+$0xFFFFFFC0]  }
0x10a: {  	[tilespmem:s10+$0xFFFFFF30] =	vst v9;
	v7 =	vld [tilespmem:s10+$0xFFFFFFD0]  }
0x10b: {  	[tilespmem:s10+$0xFFFFFF10] =	vst v11;
	v8 =	vld [tilespmem:s10+$0xFFFFFF90]  }
0x10c: {  	v6 =	vld.idx.msk [tilespmem:v6+s14+$0x0], $0xffff  }
0x10d: {  	v9 =	vld [tilespmem:s10+$0xFFFFFF80]  }
0x10e: {  	v10 =	vld [tilespmem:s10+$0xFFFFFFA0]  }
0x10f: {  	v11 =	vld [tilespmem:s10+$0xFFFFFFB0]  }
0x110: {  	v12 =	vld [tilespmem:s10+$0xFFFFFFE0];
	_ =	sdelay $0x1  }
0x111: {  	v8 =	vmul.f32 v8, v6;
	v9 =	vmul.f32 v9, v6  }
0x112: {  	s6 =	sadd.s32 $0x2, s26;
	v7 =	vmul.f32 v7, v6;
	v10 =	vmul.f32 v10, v6  }
0x113: {  	v5 =	vmul.f32 v5, v6;
	[tilespmem:s10+$0xFFFFFF90] =	vst v8;
	v8 =	vmul.f32 v11, v6;
	v11 =	vmov s6  }
0x114: {  	v4 =	vmul.f32 v4, v6;
	[tilespmem:s10+$0xFFFFFFA0] =	vst v10;
	v10 =	vmul.f32 v12, v6;
	v6 =	vand.u32 $0xFFFFFFFE, v11  }
0x115: {  	[tilespmem:s10+$0xFFFFFF80] =	vst v9;
	v6 =	vbroadcast v6, $0x0  }
0x116: {  	[tilespmem:s10+$0xFFFFFFB0] =	vst v8  }
0x117: {  	[tilespmem:s10+$0xFFFFFFC0] =	vst v5  }
0x118: {  	[tilespmem:s10+$0xFFFFFFD0] =	vst v7  }
.Ltmp2:
0x119: {  	[tilespmem:s10+$0xFFFFFFF0] =	vst v4;
	v5 =	vld [tilespmem:s10+$0x40];
	(pc) =	sbr.rel @p0 .LBB2_7-.Ltmp2, $4  }
0x11a: {  	[tilespmem:s10+$0xFFFFFFE0] =	vst v10;
	v7 =	vld [tilespmem:s10+$0x60]  }
0x11b: {  	v4 =	vld.idx.msk [tilespmem:v6+s14+$0x0], $0xffff  }
0x11c: {  	v8 =	vld [tilespmem:s10+$0x0]  }
0x11d: {  	v6 =	vld [tilespmem:s10+$0x10]  }
0x11e: {  	_ =	sdelay $0x1  }
0x11f: {  	v7 =	vmul.f32 v7, v4  }
0x120: {  	v9 =	vld [tilespmem:s25+$0x50];
	v5 =	vmul.f32 v5, v4  }
0x121: {  	v10 =	vld [tilespmem:s25+$0x70];
	v2 =	vmul.f32 v2, v4;
	[tilespmem:s25+$0x60] =	vst v7  }
0x122: {  	v7 =	vmul.f32 v8, v4;
	[tilespmem:s25+$0x40] =	vst v5  }
0x123: {  	s6 =	sadd.s32 $0x3, s26;
	[tilespmem:s25+$0x20] =	vst v2;
	v2 =	vmul.f32 v3, v4  }
0x124: {  	v6 =	vmul.f32 v6, v4;
	[tilespmem:s25+$0x0] =	vst v7;
	v7 =	vmov s6  }
0x125: {  	v5 =	vmul.f32 v9, v4;
	[tilespmem:s25+$0x30] =	vst v2  }
0x126: {  	v4 =	vmul.f32 v10, v4;
	[tilespmem:s25+$0x10] =	vst v6  }
0x127: {  	[tilespmem:s25+$0x50] =	vst v5  }
0x128: {  	v3 =	vld [tilespmem:s25+$0x80];
	[tilespmem:s25+$0x70] =	vst v4  }
0x129: {  	v2 =	vld.idx.msk [tilespmem:v7+s14+$0x0], $0xffff  }
0x12a: {  	v4 =	vld [tilespmem:s25+$0xA0]  }
0x12b: {  	v5 =	vld [tilespmem:s25+$0xC0]  }
0x12c: {  	v6 =	vld [tilespmem:s25+$0xF0]  }
0x12d: {  	v7 =	vld [tilespmem:s25+$0xE0]  }
0x12e: {  	v8 =	vld [tilespmem:s25+$0x90];
	v3 =	vmul.f32 v3, v2  }
0x12f: {  	v9 =	vld [tilespmem:s25+$0xB0];
	v4 =	vmul.f32 v4, v2  }
0x130: {  	v10 =	vld [tilespmem:s25+$0xD0];
	[tilespmem:s25+$0x80] =	vst v3;
	v3 =	vmul.f32 v5, v2  }
0x131: {  	[tilespmem:s25+$0xA0] =	vst v4;
	v4 =	vmul.f32 v6, v2  }
0x132: {  	v5 =	vmul.f32 v7, v2;
	[tilespmem:s25+$0xC0] =	vst v3  }
0x133: {  	v3 =	vmul.f32 v8, v2;
	[tilespmem:s25+$0xF0] =	vst v4  }
0x134: {  	v4 =	vmul.f32 v9, v2;
	[tilespmem:s25+$0xE0] =	vst v5  }
0x135: {  	v2 =	vmul.f32 v10, v2;
	[tilespmem:s25+$0x90] =	vst v3  }
0x136: {  	[tilespmem:s25+$0xB0] =	vst v4  }
0x137: {  	[tilespmem:s25+$0xD0] =	vst v2  }
0x138: {  	[spmem:s2] =	stream.indirect.scatter.add.f32 [tilespmem:s31], [sflag:$0x5], $0x80, s15, s4, $0xb8;
	[tilespmem:$0x1FB80] =	vst v63  }
0x139: {  	_ =	swait.ge [sflag:s29], $0x2000  }
0x13a: {  	[sflag:s29] =	ssyncset.done $0x0  }
0x13b: {  	[sflag:s29] =	ssyncadd.s32 $0xFFFFE000  }
0x13c: {  	_ =	swait.ge [sflag:s16], $0x80  }
0x13d: {  	[sflag:s16] =	ssyncset.done $0x0  }
0x13e: {  	[sflag:s16] =	ssyncadd.s32 $0xFFFFFF80  }
0x13f: {  	_ =	swait.ge [sflag:s16], $0x80  }
0x140: {  	[sflag:s16] =	ssyncset.done $0x0  }
0x141: {  	[sflag:s16] =	ssyncadd.s32 $0xFFFFFF80  }
0x142: {  	[tilespmem:s31], [sflag:$0x1] =	stream.indirect.gather [hbm4b:s7+s4], $0x80, s3, s4, $0xb8;
	[tilespmem:$0x1FB80] =	vst v63  }
0x143: {  	v2 =	vld [tilespmem:$0x77C0]  }
0x144: {  	v3 =	vld [tilespmem:$0x7840];
	_ =	sdelay $0x5  }
0x145: {  	s25 =	simm.s32 $0x0  }
0x146: {  	v2 =	vld.idx.msk [tilespmem:v2+s25+$0x0], $0xffff  }
0x147: {  	v4 =	vld.idx.msk [tilespmem:v3+s30+$0x0], $0xffff;
	_ =	sdelay $0x4  }
0x148: {  	v2 =	vadd.f32 v4, v2;
	_ =	sdelay $0x1  }
0x149: {  	v4 =	vmul.f32 $2.000000030e-01, v2  }
0x14a: {  	vm0 =	vge.f32 v2, $0.0e+00  }
0x14b: {  	v2 =	vsel vm0, v2, v4  }
0x14c: {  	v2 =	vmul.f32 $1.442695020e+00, v2;
	_ =	sdelay $0x1  }
0x14d: {  	(erf) = vpow2.f32 v2;
	_ =	sdelay $0x6  }
0x14e: {  	s26 =	sor.u32 $0x40, s24  }
0x14f: {  	v2 =	vmov s26  }
0x150: {  	vm9 =	vlt.s32 v2, v1;
	v4 =	vpop (erf)  }
0x151: {  	[tilespmem:$0x7A00] =	vst v3;
	v2 =	vnsel vm9, $0x0, v4  }
0x152: {  	[tilespmem:$0x7B00] =	vst v2  }
0x153: {  	[tilespmem:v3+s12+$0x0] =	vst.idx.add.f32.msk $0xffff, v2  }
0x154: {  	v2 =	vld [tilespmem:$0x77D0]  }
0x155: {  	v3 =	vld [tilespmem:$0x7850];
	_ =	sdelay $0x6  }
0x156: {  	v2 =	vld.idx.msk [tilespmem:v2+s25+$0x0], $0xffff  }
0x157: {  	v4 =	vld.idx.msk [tilespmem:v3+s30+$0x0], $0xffff;
	_ =	sdelay $0x4  }
0x158: {  	v2 =	vadd.f32 v4, v2;
	_ =	sdelay $0x1  }
0x159: {  	v4 =	vmul.f32 $2.000000030e-01, v2  }
0x15a: {  	vm10 =	vge.f32 v2, $0.0e+00  }
0x15b: {  	v2 =	vsel vm10, v2, v4  }
0x15c: {  	v2 =	vmul.f32 $1.442695020e+00, v2;
	_ =	sdelay $0x1  }
0x15d: {  	(erf) = vpow2.f32 v2;
	_ =	sdelay $0x6  }
0x15e: {  	s10 =	sor.u32 $0x50, s24  }
0x15f: {  	v2 =	vmov s10  }
0x160: {  	vm11 =	vlt.s32 v2, v1;
	v4 =	vpop (erf)  }
0x161: {  	[tilespmem:$0x7A10] =	vst v3;
	v2 =	vnsel vm11, $0x0, v4  }
0x162: {  	[tilespmem:$0x7B10] =	vst v2  }
0x163: {  	[tilespmem:v3+s12+$0x0] =	vst.idx.add.f32.msk $0xffff, v2  }
0x164: {  	v2 =	vld [tilespmem:$0x77E0]  }
0x165: {  	v3 =	vld [tilespmem:$0x7860];
	_ =	sdelay $0x6  }
0x166: {  	v2 =	vld.idx.msk [tilespmem:v2+s25+$0x0], $0xffff  }
0x167: {  	v4 =	vld.idx.msk [tilespmem:v3+s30+$0x0], $0xffff;
	_ =	sdelay $0x4  }
0x168: {  	v2 =	vadd.f32 v4, v2;
	_ =	sdelay $0x1  }
0x169: {  	v4 =	vmul.f32 $2.000000030e-01, v2  }
0x16a: {  	vm12 =	vge.f32 v2, $0.0e+00  }
0x16b: {  	v2 =	vsel vm12, v2, v4  }
0x16c: {  	v2 =	vmul.f32 $1.442695020e+00, v2;
	_ =	sdelay $0x1  }
0x16d: {  	(erf) = vpow2.f32 v2;
	_ =	sdelay $0x6  }
0x16e: {  	s21 =	sor.u32 $0x60, s24  }
0x16f: {  	v2 =	vmov s21  }
0x170: {  	vm13 =	vlt.s32 v2, v1;
	v4 =	vpop (erf)  }
0x171: {  	[tilespmem:$0x7A20] =	vst v3;
	v2 =	vnsel vm13, $0x0, v4  }
0x172: {  	[tilespmem:$0x7B20] =	vst v2  }
0x173: {  	[tilespmem:v3+s12+$0x0] =	vst.idx.add.f32.msk $0xffff, v2  }
0x174: {  	v2 =	vld [tilespmem:$0x77F0]  }
0x175: {  	v3 =	vld [tilespmem:$0x7870];
	_ =	sdelay $0x6  }
0x176: {  	v2 =	vld.idx.msk [tilespmem:v2+s25+$0x0], $0xffff  }
0x177: {  	v4 =	vld.idx.msk [tilespmem:v3+s30+$0x0], $0xffff;
	_ =	sdelay $0x4  }
0x178: {  	v2 =	vadd.f32 v4, v2;
	_ =	sdelay $0x1  }
0x179: {  	v4 =	vmul.f32 $2.000000030e-01, v2  }
0x17a: {  	vm14 =	vge.f32 v2, $0.0e+00  }
0x17b: {  	v2 =	vsel vm14, v2, v4  }
0x17c: {  	v2 =	vmul.f32 $1.442695020e+00, v2;
	_ =	sdelay $0x1  }
0x17d: {  	(erf) = vpow2.f32 v2;
	_ =	sdelay $0x6  }
0x17e: {  	s26 =	sor.u32 $0x70, s24  }
0x17f: {  	v2 =	vmov s26  }
0x180: {  	vm15 =	vlt.s32 v2, v1;
	v4 =	vpop (erf)  }
0x181: {  	v2 =	vnsel vm15, $0x0, v4;
	v4 =	vmov s25  }
0x182: {  	[tilespmem:$0x7A30] =	vst v3;
	v4 =	vand.u32 $0xFFFFFFFC, v4  }
0x183: {  	[tilespmem:$0x7B30] =	vst v2;
	v4 =	vbroadcast v4, $0x0  }
0x184: {  	[tilespmem:v3+s12+$0x0] =	vst.idx.add.f32.msk $0xffff, v2  }
0x185: {  	_ =	swait.ge [sflag:s17], $0x2000  }
0x186: {  	[sflag:s17] =	ssyncset.done $0x0  }
0x187: {  	s26 =	simm.s32 $0x9C80;
	[sflag:s17] =	ssyncadd.s32 $0xFFFFE000  }
0x188: {  	v2 =	vld [tilespmem:s26+$0xFFFFFF70]  }
0x189: {  	v3 =	vld.idx.msk [tilespmem:v4+s18+$0x0], $0xffff  }
0x18a: {  	v4 =	vld [tilespmem:s26+$0xFFFFFF00]  }
0x18b: {  	v5 =	vld [tilespmem:s26+$0xFFFFFF20]  }
0x18c: {  	v6 =	vld [tilespmem:s26+$0xFFFFFF50]  }
0x18d: {  	v7 =	vld [tilespmem:s26+$0xFFFFFF40]  }
0x18e: {  	v8 =	vld [tilespmem:s26+$0xFFFFFF60];
	v2 =	vmul.f32 v2, v3  }
0x18f: {  	s10 =	simm.s32 $0x1;
	v9 =	vld [tilespmem:s26+$0xFFFFFF30];
	v4 =	vmul.f32 v4, v3  }
0x190: {  	v10 =	vld [tilespmem:s26+$0xFFFFFF10];
	v5 =	vmul.f32 v5, v3;
	[tilespmem:s26+$0xFFFFFF70] =	vst v2;
	v2 =	vmov s10  }
0x191: {  	v6 =	vmul.f32 v6, v3;
	[tilespmem:s26+$0xFFFFFF00] =	vst v4;
	v2 =	vand.u32 $0xFFFFFFFD, v2  }
0x192: {  	v4 =	vmul.f32 v7, v3;
	[tilespmem:s26+$0xFFFFFF20] =	vst v5;
	v2 =	vbroadcast v2, $0x0  }
0x193: {  	v5 =	vmul.f32 v8, v3;
	[tilespmem:s26+$0xFFFFFF50] =	vst v6  }
0x194: {  	v6 =	vmul.f32 v9, v3;
	[tilespmem:s26+$0xFFFFFF40] =	vst v4  }
0x195: {  	v3 =	vmul.f32 v10, v3;
	[tilespmem:s26+$0xFFFFFF60] =	vst v5  }
0x196: {  	v7 =	vld [tilespmem:s26+$0xFFFFFFC0];
	[tilespmem:s26+$0xFFFFFF30] =	vst v6  }
0x197: {  	[tilespmem:s26+$0xFFFFFF10] =	vst v3;
	v3 =	vld [tilespmem:s26+$0xFFFFFF90]  }
0x198: {  	v4 =	vld.idx.msk [tilespmem:v2+s18+$0x0], $0xffff  }
0x199: {  	v2 =	vld [tilespmem:s26+$0xFFFFFFA0]  }
0x19a: {  	v5 =	vld [tilespmem:s26+$0xFFFFFF80]  }
0x19b: {  	v6 =	vld [tilespmem:s26+$0xFFFFFFB0]  }
0x19c: {  	v8 =	vld [tilespmem:s26+$0xFFFFFFD0]  }
0x19d: {  	v9 =	vld [tilespmem:s26+$0xFFFFFFF0];
	v3 =	vmul.f32 v3, v4  }
0x19e: {  	s21 =	simm.s32 $0x2;
	v2 =	vmul.f32 v2, v4  }
0x19f: {  	v10 =	vld [tilespmem:s26+$0xFFFFFFE0];
	v5 =	vmul.f32 v5, v4;
	[tilespmem:s26+$0xFFFFFF90] =	vst v3;
	v3 =	vmov s21  }
0x1a0: {  	v6 =	vmul.f32 v6, v4;
	[tilespmem:s26+$0xFFFFFFA0] =	vst v2;
	v2 =	vand.u32 $0xFFFFFFFE, v3  }
0x1a1: {  	[tilespmem:s26+$0xFFFFFF80] =	vst v5;
	v5 =	vmul.f32 v8, v4;
	v8 =	vld [tilespmem:s26+$0x0];
	v11 =	vbroadcast v2, $0x0  }
0x1a2: {  	[tilespmem:s26+$0xFFFFFFB0] =	vst v6;
	v6 =	vmul.f32 v9, v4;
	v3 =	vmul.f32 v7, v4;
	v7 =	vld [tilespmem:s26+$0x60]  }
0x1a3: {  	v2 =	vld [tilespmem:s26+$0x20];
	[tilespmem:s26+$0xFFFFFFD0] =	vst v5  }
0x1a4: {  	v4 =	vmul.f32 v10, v4;
	[tilespmem:s26+$0xFFFFFFF0] =	vst v6;
	v5 =	vld [tilespmem:s26+$0x40]  }
0x1a5: {  	v6 =	vld [tilespmem:s26+$0x10];
	[tilespmem:s26+$0xFFFFFFC0] =	vst v3  }
0x1a6: {  	v3 =	vld [tilespmem:s26+$0x30];
	[tilespmem:s26+$0xFFFFFFE0] =	vst v4  }
0x1a7: {  	s28 =	simm.s32 $0x4;
	s10 =	simm.s32 $0x9C80;
	v4 =	vld.idx.msk [tilespmem:v11+s18+$0x0], $0xffff  }
.LBB2_9:
0x1a8: {  	p0 =	sne.s32 s28, $0x3C  }
0x1a9: {  	v9 =	vld [tilespmem:s26+$0x50];
	s10 =	sadd.s32 $0x200, s10;
	s6 =	smov.u32 s28;
	s28 =	sadd.s32 $0x4, s28  }
0x1aa: {  	v10 =	vld [tilespmem:s26+$0x70];
	_ =	sdelay $0x1  }
0x1ab: {  	v7 =	vmul.f32 v7, v4;
	v8 =	vmul.f32 v8, v4  }
0x1ac: {  	v5 =	vmul.f32 v5, v4;
	v6 =	vmul.f32 v6, v4  }
0x1ad: {  	v2 =	vmul.f32 v2, v4;
	v3 =	vmul.f32 v3, v4;
	[tilespmem:s26+$0x60] =	vst v7  }
0x1ae: {  	[tilespmem:s26+$0x40] =	vst v5;
	v5 =	vmul.f32 v9, v4;
	v4 =	vmul.f32 v10, v4  }
0x1af: {  	s21 =	sadd.s32 $0x3, s25;
	s25 =	smov.u32 s6;
	[tilespmem:s26+$0x20] =	vst v2;
	v7 =	vld [tilespmem:s26+$0x80]  }
0x1b0: {  	v2 =	vld [tilespmem:s10+$0x20];
	[tilespmem:s26+$0x0] =	vst v8;
	v8 =	vmov s21  }
0x1b1: {  	[tilespmem:s26+$0x50] =	vst v5;
	v5 =	vld [tilespmem:s26+$0xE0]  }
0x1b2: {  	[tilespmem:s26+$0x30] =	vst v3;
	v9 =	vld [tilespmem:s26+$0xC0]  }
0x1b3: {  	v3 =	vld [tilespmem:s10+$0x30];
	[tilespmem:s26+$0x10] =	vst v6  }
0x1b4: {  	[tilespmem:s26+$0x70] =	vst v4;
	v4 =	vld [tilespmem:s26+$0xA0]  }
0x1b5: {  	v6 =	vld.idx.msk [tilespmem:v8+s18+$0x0], $0xffff  }
0x1b6: {  	v8 =	vld [tilespmem:s26+$0x90]  }
0x1b7: {  	v10 =	vld [tilespmem:s26+$0xB0]  }
0x1b8: {  	v11 =	vld [tilespmem:s26+$0xD0]  }
0x1b9: {  	v12 =	vld [tilespmem:s26+$0xF0];
	_ =	sdelay $0x1  }
0x1ba: {  	v7 =	vmul.f32 v7, v6;
	v8 =	vmul.f32 v8, v6  }
0x1bb: {  	v4 =	vmul.f32 v4, v6;
	v10 =	vmul.f32 v10, v6  }
0x1bc: {  	v13 =	vmov s25;
	[tilespmem:s26+$0x80] =	vst v7;
	v7 =	vmul.f32 v9, v6;
	v9 =	vmul.f32 v11, v6  }
0x1bd: {  	v11 =	vand.u32 $0xFFFFFFFC, v13;
	[tilespmem:s26+$0xA0] =	vst v4;
	v4 =	vmul.f32 v5, v6;
	v5 =	vmul.f32 v12, v6  }
0x1be: {  	v6 =	vbroadcast v11, $0x0;
	[tilespmem:s26+$0xC0] =	vst v7  }
0x1bf: {  	[tilespmem:s26+$0xF0] =	vst v5  }
0x1c0: {  	v5 =	vld [tilespmem:s10+$0xFFFFFF40];
	[tilespmem:s26+$0xE0] =	vst v4  }
0x1c1: {  	v4 =	vld [tilespmem:s10+$0xFFFFFF50];
	[tilespmem:s26+$0x90] =	vst v8  }
0x1c2: {  	v7 =	vld [tilespmem:s10+$0xFFFFFF60];
	[tilespmem:s26+$0xB0] =	vst v10  }
0x1c3: {  	v8 =	vld [tilespmem:s10+$0xFFFFFF70];
	[tilespmem:s26+$0xD0] =	vst v9;
	s26 =	smov.u32 s10  }
0x1c4: {  	v6 =	vld.idx.msk [tilespmem:v6+s18+$0x0], $0xffff  }
0x1c5: {  	v9 =	vld [tilespmem:s10+$0xFFFFFF00]  }
0x1c6: {  	v10 =	vld [tilespmem:s10+$0xFFFFFF20]  }
0x1c7: {  	v11 =	vld [tilespmem:s10+$0xFFFFFF10]  }
0x1c8: {  	v12 =	vld [tilespmem:s10+$0xFFFFFF30];
	_ =	sdelay $0x1  }
0x1c9: {  	v8 =	vmul.f32 v8, v6;
	v9 =	vmul.f32 v9, v6  }
0x1ca: {  	s6 =	sadd.s32 $0x1, s25;
	v7 =	vmul.f32 v7, v6;
	v10 =	vmul.f32 v10, v6  }
0x1cb: {  	v4 =	vmul.f32 v4, v6;
	v11 =	vmul.f32 v11, v6;
	[tilespmem:s10+$0xFFFFFF70] =	vst v8;
	v8 =	vmov s6  }
0x1cc: {  	v5 =	vmul.f32 v5, v6;
	[tilespmem:s10+$0xFFFFFF00] =	vst v9;
	v9 =	vmul.f32 v12, v6;
	v6 =	vand.u32 $0xFFFFFFFD, v8  }
0x1cd: {  	[tilespmem:s10+$0xFFFFFF20] =	vst v10;
	v6 =	vbroadcast v6, $0x0  }
0x1ce: {  	[tilespmem:s10+$0xFFFFFF50] =	vst v4  }
0x1cf: {  	[tilespmem:s10+$0xFFFFFF40] =	vst v5;
	v4 =	vld [tilespmem:s10+$0xFFFFFFF0]  }
0x1d0: {  	[tilespmem:s10+$0xFFFFFF60] =	vst v7;
	v5 =	vld [tilespmem:s10+$0xFFFFFFC0]  }
0x1d1: {  	[tilespmem:s10+$0xFFFFFF30] =	vst v9;
	v7 =	vld [tilespmem:s10+$0xFFFFFFD0]  }
0x1d2: {  	[tilespmem:s10+$0xFFFFFF10] =	vst v11;
	v8 =	vld [tilespmem:s10+$0xFFFFFF90]  }
0x1d3: {  	v6 =	vld.idx.msk [tilespmem:v6+s18+$0x0], $0xffff  }
0x1d4: {  	v9 =	vld [tilespmem:s10+$0xFFFFFF80]  }
0x1d5: {  	v10 =	vld [tilespmem:s10+$0xFFFFFFA0]  }
0x1d6: {  	v11 =	vld [tilespmem:s10+$0xFFFFFFB0]  }
0x1d7: {  	v12 =	vld [tilespmem:s10+$0xFFFFFFE0];
	_ =	sdelay $0x1  }
0x1d8: {  	v8 =	vmul.f32 v8, v6;
	v9 =	vmul.f32 v9, v6  }
0x1d9: {  	s6 =	sadd.s32 $0x2, s25;
	v7 =	vmul.f32 v7, v6;
	v10 =	vmul.f32 v10, v6  }
0x1da: {  	v5 =	vmul.f32 v5, v6;
	[tilespmem:s10+$0xFFFFFF90] =	vst v8;
	v8 =	vmul.f32 v11, v6;
	v11 =	vmov s6  }
0x1db: {  	v4 =	vmul.f32 v4, v6;
	[tilespmem:s10+$0xFFFFFFA0] =	vst v10;
	v10 =	vmul.f32 v12, v6;
	v6 =	vand.u32 $0xFFFFFFFE, v11  }
0x1dc: {  	[tilespmem:s10+$0xFFFFFF80] =	vst v9;
	v6 =	vbroadcast v6, $0x0  }
0x1dd: {  	[tilespmem:s10+$0xFFFFFFB0] =	vst v8  }
0x1de: {  	[tilespmem:s10+$0xFFFFFFC0] =	vst v5  }
0x1df: {  	[tilespmem:s10+$0xFFFFFFD0] =	vst v7  }
.Ltmp3:
0x1e0: {  	[tilespmem:s10+$0xFFFFFFF0] =	vst v4;
	v5 =	vld [tilespmem:s10+$0x40];
	(pc) =	sbr.rel @p0 .LBB2_9-.Ltmp3, $4  }
0x1e1: {  	[tilespmem:s10+$0xFFFFFFE0] =	vst v10;
	v7 =	vld [tilespmem:s10+$0x60]  }
0x1e2: {  	v4 =	vld.idx.msk [tilespmem:v6+s18+$0x0], $0xffff  }
0x1e3: {  	v8 =	vld [tilespmem:s10+$0x0]  }
0x1e4: {  	v6 =	vld [tilespmem:s10+$0x10]  }
0x1e5: {  	_ =	sdelay $0x1  }
0x1e6: {  	v7 =	vmul.f32 v7, v4  }
0x1e7: {  	v9 =	vld [tilespmem:s26+$0x50];
	v5 =	vmul.f32 v5, v4  }
0x1e8: {  	v10 =	vld [tilespmem:s26+$0x70];
	v2 =	vmul.f32 v2, v4;
	[tilespmem:s26+$0x60] =	vst v7  }
0x1e9: {  	v7 =	vmul.f32 v8, v4;
	[tilespmem:s26+$0x40] =	vst v5  }
0x1ea: {  	s6 =	sadd.s32 $0x3, s25;
	[tilespmem:s26+$0x20] =	vst v2;
	v2 =	vmul.f32 v3, v4  }
0x1eb: {  	v6 =	vmul.f32 v6, v4;
	[tilespmem:s26+$0x0] =	vst v7;
	v7 =	vmov s6  }
0x1ec: {  	v5 =	vmul.f32 v9, v4;
	[tilespmem:s26+$0x30] =	vst v2  }
0x1ed: {  	v4 =	vmul.f32 v10, v4;
	[tilespmem:s26+$0x10] =	vst v6  }
0x1ee: {  	[tilespmem:s26+$0x50] =	vst v5  }
0x1ef: {  	v3 =	vld [tilespmem:s26+$0x80];
	[tilespmem:s26+$0x70] =	vst v4  }
0x1f0: {  	v2 =	vld.idx.msk [tilespmem:v7+s18+$0x0], $0xffff  }
0x1f1: {  	v4 =	vld [tilespmem:s26+$0xA0]  }
0x1f2: {  	v5 =	vld [tilespmem:s26+$0xC0]  }
0x1f3: {  	v6 =	vld [tilespmem:s26+$0xF0]  }
0x1f4: {  	v7 =	vld [tilespmem:s26+$0xE0]  }
0x1f5: {  	v8 =	vld [tilespmem:s26+$0x90];
	v3 =	vmul.f32 v3, v2  }
0x1f6: {  	v9 =	vld [tilespmem:s26+$0xB0];
	v4 =	vmul.f32 v4, v2  }
0x1f7: {  	v10 =	vld [tilespmem:s26+$0xD0];
	[tilespmem:s26+$0x80] =	vst v3;
	v3 =	vmul.f32 v5, v2  }
0x1f8: {  	[tilespmem:s26+$0xA0] =	vst v4;
	v4 =	vmul.f32 v6, v2  }
0x1f9: {  	v5 =	vmul.f32 v7, v2;
	[tilespmem:s26+$0xC0] =	vst v3  }
0x1fa: {  	v3 =	vmul.f32 v8, v2;
	[tilespmem:s26+$0xF0] =	vst v4  }
0x1fb: {  	v4 =	vmul.f32 v9, v2;
	[tilespmem:s26+$0xE0] =	vst v5  }
0x1fc: {  	v2 =	vmul.f32 v10, v2;
	[tilespmem:s26+$0x90] =	vst v3  }
0x1fd: {  	s23 =	sadd.s32 $0x1, s23;
	[tilespmem:s26+$0xB0] =	vst v4  }
0x1fe: {  	p0 =	sge.u32 s23, s9;
	[tilespmem:s26+$0xD0] =	vst v2  }
0x1ff: {  	[spmem:s2] =	stream.indirect.scatter.add.f32 [tilespmem:s11], [sflag:$0x5], $0x80, s19, s4, $0xb8;
	[tilespmem:$0x1FB80] =	vst v63  }
0x200: {  	s6 =	sshrl.u32 @!p0 s24, $0x3;
	_ =	swait.ge [sflag:s29], $0x2000  }
0x201: {  	s21 =	simm.s32 @!p0 $0x0;
	s6 =	sadd.s32 @!p0 $0x20, s6;
	[sflag:s29] =	ssyncset.done $0x0  }
0x202: {  	s25 =	simm.s32 @!p0 $0x7780;
	s10 =	sadd.s32 @!p0 s5, s6;
	[sflag:s29] =	ssyncadd.s32 $0xFFFFE000  }
0x203: {  	[tilespmem:s25], [sflag:$0x3] =	stream.linear.gather @!p0 [hbm4b:s10+s21], $0x80, $0x38;
	[tilespmem:$0x1FB80] =	vst v63  }
0x204: {  	s6 =	sadd.s32 @!p0 s1, s6;
	s10 =	simm.s32 @!p0 $0x7800  }
0x205: {  	[tilespmem:s10], [sflag:$0x3] =	stream.linear.gather @!p0 [hbm4b:s6+s21], $0x80, $0x38;
	[tilespmem:$0x1FB80] =	vst v63  }
0x206: {  	_ = 	snop  }
0x207: {  	[tilespmem:s11], [sflag:$0x2] =	stream.indirect.gather [hbm4b:s7+s4], $0x80, s20, s4, $0xb8;
	[tilespmem:$0x1FB80] =	vst v63  }
0x208: {  	v2 =	vld [tilespmem:$0x7880]  }
0x209: {  	v3 =	vld [tilespmem:$0x7900];
	_ =	sdelay $0x5  }
0x20a: {  	s25 =	simm.s32 $0x0  }
0x20b: {  	v2 =	vld.idx.msk [tilespmem:v2+s25+$0x0], $0xffff  }
0x20c: {  	v4 =	vld.idx.msk [tilespmem:v3+s30+$0x0], $0xffff;
	_ =	sdelay $0x4  }
0x20d: {  	v2 =	vadd.f32 v4, v2;
	_ =	sdelay $0x1  }
0x20e: {  	v4 =	vmul.f32 $2.000000030e-01, v2  }
0x20f: {  	vm0 =	vge.f32 v2, $0.0e+00  }
0x210: {  	v2 =	vsel vm0, v2, v4  }
0x211: {  	v2 =	vmul.f32 $1.442695020e+00, v2;
	_ =	sdelay $0x1  }
0x212: {  	(erf) = vpow2.f32 v2;
	_ =	sdelay $0x6  }
0x213: {  	s26 =	sor.u32 $0x80, s24  }
0x214: {  	v2 =	vmov s26  }
0x215: {  	vm9 =	vlt.s32 v2, v1;
	v4 =	vpop (erf)  }
0x216: {  	[tilespmem:$0x7980] =	vst v3;
	v2 =	vnsel vm9, $0x0, v4  }
0x217: {  	[tilespmem:$0x7A80] =	vst v2  }
0x218: {  	[tilespmem:v3+s12+$0x0] =	vst.idx.add.f32.msk $0xffff, v2  }
0x219: {  	v2 =	vld [tilespmem:$0x7890]  }
0x21a: {  	v3 =	vld [tilespmem:$0x7910];
	_ =	sdelay $0x6  }
0x21b: {  	v2 =	vld.idx.msk [tilespmem:v2+s25+$0x0], $0xffff  }
0x21c: {  	v4 =	vld.idx.msk [tilespmem:v3+s30+$0x0], $0xffff;
	_ =	sdelay $0x4  }
0x21d: {  	v2 =	vadd.f32 v4, v2;
	_ =	sdelay $0x1  }
0x21e: {  	v4 =	vmul.f32 $2.000000030e-01, v2  }
0x21f: {  	vm10 =	vge.f32 v2, $0.0e+00  }
0x220: {  	v2 =	vsel vm10, v2, v4  }
0x221: {  	v2 =	vmul.f32 $1.442695020e+00, v2;
	_ =	sdelay $0x1  }
0x222: {  	(erf) = vpow2.f32 v2;
	_ =	sdelay $0x6  }
0x223: {  	s10 =	sor.u32 $0x90, s24  }
0x224: {  	v2 =	vmov s10  }
0x225: {  	vm11 =	vlt.s32 v2, v1;
	v4 =	vpop (erf)  }
0x226: {  	[tilespmem:$0x7990] =	vst v3;
	v2 =	vnsel vm11, $0x0, v4  }
0x227: {  	[tilespmem:$0x7A90] =	vst v2  }
0x228: {  	[tilespmem:v3+s12+$0x0] =	vst.idx.add.f32.msk $0xffff, v2  }
0x229: {  	v2 =	vld [tilespmem:$0x78A0]  }
0x22a: {  	v3 =	vld [tilespmem:$0x7920];
	_ =	sdelay $0x6  }
0x22b: {  	v2 =	vld.idx.msk [tilespmem:v2+s25+$0x0], $0xffff  }
0x22c: {  	v4 =	vld.idx.msk [tilespmem:v3+s30+$0x0], $0xffff;
	_ =	sdelay $0x4  }
0x22d: {  	v2 =	vadd.f32 v4, v2;
	_ =	sdelay $0x1  }
0x22e: {  	v4 =	vmul.f32 $2.000000030e-01, v2  }
0x22f: {  	vm12 =	vge.f32 v2, $0.0e+00  }
0x230: {  	v2 =	vsel vm12, v2, v4  }
0x231: {  	v2 =	vmul.f32 $1.442695020e+00, v2;
	_ =	sdelay $0x1  }
0x232: {  	(erf) = vpow2.f32 v2;
	_ =	sdelay $0x6  }
0x233: {  	s21 =	sor.u32 $0xA0, s24  }
0x234: {  	v2 =	vmov s21  }
0x235: {  	vm13 =	vlt.s32 v2, v1;
	v4 =	vpop (erf)  }
0x236: {  	[tilespmem:$0x79A0] =	vst v3;
	v2 =	vnsel vm13, $0x0, v4  }
0x237: {  	[tilespmem:$0x7AA0] =	vst v2  }
0x238: {  	[tilespmem:v3+s12+$0x0] =	vst.idx.add.f32.msk $0xffff, v2  }
0x239: {  	v2 =	vld [tilespmem:$0x78B0]  }
0x23a: {  	v3 =	vld [tilespmem:$0x7930];
	_ =	sdelay $0x6  }
0x23b: {  	v2 =	vld.idx.msk [tilespmem:v2+s25+$0x0], $0xffff  }
0x23c: {  	v4 =	vld.idx.msk [tilespmem:v3+s30+$0x0], $0xffff;
	_ =	sdelay $0x4  }
0x23d: {  	v2 =	vadd.f32 v4, v2;
	_ =	sdelay $0x1  }
0x23e: {  	v4 =	vmul.f32 $2.000000030e-01, v2  }
0x23f: {  	vm14 =	vge.f32 v2, $0.0e+00  }
0x240: {  	v2 =	vsel vm14, v2, v4  }
0x241: {  	v2 =	vmul.f32 $1.442695020e+00, v2;
	_ =	sdelay $0x1  }
0x242: {  	(erf) = vpow2.f32 v2;
	_ =	sdelay $0x6  }
0x243: {  	s26 =	sor.u32 $0xB0, s24  }
0x244: {  	v2 =	vmov s26  }
0x245: {  	vm15 =	vlt.s32 v2, v1;
	v4 =	vpop (erf)  }
0x246: {  	v2 =	vnsel vm15, $0x0, v4;
	v4 =	vmov s25  }
0x247: {  	[tilespmem:$0x79B0] =	vst v3;
	v4 =	vand.u32 $0xFFFFFFFC, v4  }
0x248: {  	[tilespmem:$0x7AB0] =	vst v2;
	v4 =	vbroadcast v4, $0x0  }
0x249: {  	[tilespmem:v3+s12+$0x0] =	vst.idx.add.f32.msk $0xffff, v2  }
0x24a: {  	_ =	swait.ge [sflag:s13], $0x2000  }
0x24b: {  	[sflag:s13] =	ssyncset.done $0x0  }
0x24c: {  	s26 =	simm.s32 $0x7C80;
	[sflag:s13] =	ssyncadd.s32 $0xFFFFE000  }
0x24d: {  	v2 =	vld [tilespmem:s26+$0xFFFFFF70]  }
0x24e: {  	v3 =	vld.idx.msk [tilespmem:v4+s14+$0x0], $0xffff  }
0x24f: {  	v4 =	vld [tilespmem:s26+$0xFFFFFF00]  }
0x250: {  	v5 =	vld [tilespmem:s26+$0xFFFFFF20]  }
0x251: {  	v6 =	vld [tilespmem:s26+$0xFFFFFF50]  }
0x252: {  	v7 =	vld [tilespmem:s26+$0xFFFFFF40]  }
0x253: {  	v8 =	vld [tilespmem:s26+$0xFFFFFF60];
	v2 =	vmul.f32 v2, v3  }
0x254: {  	s10 =	simm.s32 $0x1;
	v9 =	vld [tilespmem:s26+$0xFFFFFF30];
	v4 =	vmul.f32 v4, v3  }
0x255: {  	v10 =	vld [tilespmem:s26+$0xFFFFFF10];
	v5 =	vmul.f32 v5, v3;
	[tilespmem:s26+$0xFFFFFF70] =	vst v2;
	v2 =	vmov s10  }
0x256: {  	v6 =	vmul.f32 v6, v3;
	[tilespmem:s26+$0xFFFFFF00] =	vst v4;
	v2 =	vand.u32 $0xFFFFFFFD, v2  }
0x257: {  	v4 =	vmul.f32 v7, v3;
	[tilespmem:s26+$0xFFFFFF20] =	vst v5;
	v2 =	vbroadcast v2, $0x0  }
0x258: {  	v5 =	vmul.f32 v8, v3;
	[tilespmem:s26+$0xFFFFFF50] =	vst v6  }
0x259: {  	v6 =	vmul.f32 v9, v3;
	[tilespmem:s26+$0xFFFFFF40] =	vst v4  }
0x25a: {  	v3 =	vmul.f32 v10, v3;
	[tilespmem:s26+$0xFFFFFF60] =	vst v5  }
0x25b: {  	v7 =	vld [tilespmem:s26+$0xFFFFFFC0];
	[tilespmem:s26+$0xFFFFFF30] =	vst v6  }
0x25c: {  	[tilespmem:s26+$0xFFFFFF10] =	vst v3;
	v3 =	vld [tilespmem:s26+$0xFFFFFF90]  }
0x25d: {  	v4 =	vld.idx.msk [tilespmem:v2+s14+$0x0], $0xffff  }
0x25e: {  	v2 =	vld [tilespmem:s26+$0xFFFFFFA0]  }
0x25f: {  	v5 =	vld [tilespmem:s26+$0xFFFFFF80]  }
0x260: {  	v6 =	vld [tilespmem:s26+$0xFFFFFFB0]  }
0x261: {  	v8 =	vld [tilespmem:s26+$0xFFFFFFD0]  }
0x262: {  	v9 =	vld [tilespmem:s26+$0xFFFFFFF0];
	v3 =	vmul.f32 v3, v4  }
0x263: {  	s21 =	simm.s32 $0x2;
	v2 =	vmul.f32 v2, v4  }
0x264: {  	v10 =	vld [tilespmem:s26+$0xFFFFFFE0];
	v5 =	vmul.f32 v5, v4;
	[tilespmem:s26+$0xFFFFFF90] =	vst v3;
	v3 =	vmov s21  }
0x265: {  	v6 =	vmul.f32 v6, v4;
	[tilespmem:s26+$0xFFFFFFA0] =	vst v2;
	v2 =	vand.u32 $0xFFFFFFFE, v3  }
0x266: {  	[tilespmem:s26+$0xFFFFFF80] =	vst v5;
	v5 =	vmul.f32 v8, v4;
	v8 =	vld [tilespmem:s26+$0x0];
	v11 =	vbroadcast v2, $0x0  }
0x267: {  	[tilespmem:s26+$0xFFFFFFB0] =	vst v6;
	v6 =	vmul.f32 v9, v4;
	v3 =	vmul.f32 v7, v4;
	v7 =	vld [tilespmem:s26+$0x60]  }
0x268: {  	v2 =	vld [tilespmem:s26+$0x20];
	[tilespmem:s26+$0xFFFFFFD0] =	vst v5  }
0x269: {  	v4 =	vmul.f32 v10, v4;
	[tilespmem:s26+$0xFFFFFFF0] =	vst v6;
	v5 =	vld [tilespmem:s26+$0x40]  }
0x26a: {  	v6 =	vld [tilespmem:s26+$0x10];
	[tilespmem:s26+$0xFFFFFFC0] =	vst v3  }
0x26b: {  	v3 =	vld [tilespmem:s26+$0x30];
	[tilespmem:s26+$0xFFFFFFE0] =	vst v4  }
0x26c: {  	s28 =	simm.s32 $0x4;
	s10 =	simm.s32 $0x7C80;
	v4 =	vld.idx.msk [tilespmem:v11+s14+$0x0], $0xffff  }
.LBB2_11:
0x26d: {  	p1 =	sne.s32 s28, $0x3C  }
0x26e: {  	v9 =	vld [tilespmem:s26+$0x50];
	s10 =	sadd.s32 $0x200, s10;
	s6 =	smov.u32 s28;
	s28 =	sadd.s32 $0x4, s28  }
0x26f: {  	v10 =	vld [tilespmem:s26+$0x70];
	_ =	sdelay $0x1  }
0x270: {  	v7 =	vmul.f32 v7, v4;
	v8 =	vmul.f32 v8, v4  }
0x271: {  	v5 =	vmul.f32 v5, v4;
	v6 =	vmul.f32 v6, v4  }
0x272: {  	v2 =	vmul.f32 v2, v4;
	v3 =	vmul.f32 v3, v4;
	[tilespmem:s26+$0x60] =	vst v7  }
0x273: {  	[tilespmem:s26+$0x40] =	vst v5;
	v5 =	vmul.f32 v9, v4;
	v4 =	vmul.f32 v10, v4  }
0x274: {  	s21 =	sadd.s32 $0x3, s25;
	s25 =	smov.u32 s6;
	[tilespmem:s26+$0x20] =	vst v2;
	v7 =	vld [tilespmem:s26+$0x80]  }
0x275: {  	v2 =	vld [tilespmem:s10+$0x20];
	[tilespmem:s26+$0x0] =	vst v8;
	v8 =	vmov s21  }
0x276: {  	[tilespmem:s26+$0x50] =	vst v5;
	v5 =	vld [tilespmem:s26+$0xE0]  }
0x277: {  	[tilespmem:s26+$0x30] =	vst v3;
	v9 =	vld [tilespmem:s26+$0xC0]  }
0x278: {  	v3 =	vld [tilespmem:s10+$0x30];
	[tilespmem:s26+$0x10] =	vst v6  }
0x279: {  	[tilespmem:s26+$0x70] =	vst v4;
	v4 =	vld [tilespmem:s26+$0xA0]  }
0x27a: {  	v6 =	vld.idx.msk [tilespmem:v8+s14+$0x0], $0xffff  }
0x27b: {  	v8 =	vld [tilespmem:s26+$0x90]  }
0x27c: {  	v10 =	vld [tilespmem:s26+$0xB0]  }
0x27d: {  	v11 =	vld [tilespmem:s26+$0xD0]  }
0x27e: {  	v12 =	vld [tilespmem:s26+$0xF0];
	_ =	sdelay $0x1  }
0x27f: {  	v7 =	vmul.f32 v7, v6;
	v8 =	vmul.f32 v8, v6  }
0x280: {  	v4 =	vmul.f32 v4, v6;
	v10 =	vmul.f32 v10, v6  }
0x281: {  	v13 =	vmov s25;
	[tilespmem:s26+$0x80] =	vst v7;
	v7 =	vmul.f32 v9, v6;
	v9 =	vmul.f32 v11, v6  }
0x282: {  	v11 =	vand.u32 $0xFFFFFFFC, v13;
	[tilespmem:s26+$0xA0] =	vst v4;
	v4 =	vmul.f32 v5, v6;
	v5 =	vmul.f32 v12, v6  }
0x283: {  	v6 =	vbroadcast v11, $0x0;
	[tilespmem:s26+$0xC0] =	vst v7  }
0x284: {  	[tilespmem:s26+$0xF0] =	vst v5  }
0x285: {  	v5 =	vld [tilespmem:s10+$0xFFFFFF40];
	[tilespmem:s26+$0xE0] =	vst v4  }
0x286: {  	v4 =	vld [tilespmem:s10+$0xFFFFFF50];
	[tilespmem:s26+$0x90] =	vst v8  }
0x287: {  	v7 =	vld [tilespmem:s10+$0xFFFFFF60];
	[tilespmem:s26+$0xB0] =	vst v10  }
0x288: {  	v8 =	vld [tilespmem:s10+$0xFFFFFF70];
	[tilespmem:s26+$0xD0] =	vst v9;
	s26 =	smov.u32 s10  }
0x289: {  	v6 =	vld.idx.msk [tilespmem:v6+s14+$0x0], $0xffff  }
0x28a: {  	v9 =	vld [tilespmem:s10+$0xFFFFFF00]  }
0x28b: {  	v10 =	vld [tilespmem:s10+$0xFFFFFF20]  }
0x28c: {  	v11 =	vld [tilespmem:s10+$0xFFFFFF10]  }
0x28d: {  	v12 =	vld [tilespmem:s10+$0xFFFFFF30];
	_ =	sdelay $0x1  }
0x28e: {  	v8 =	vmul.f32 v8, v6;
	v9 =	vmul.f32 v9, v6  }
0x28f: {  	s6 =	sadd.s32 $0x1, s25;
	v7 =	vmul.f32 v7, v6;
	v10 =	vmul.f32 v10, v6  }
0x290: {  	v4 =	vmul.f32 v4, v6;
	v11 =	vmul.f32 v11, v6;
	[tilespmem:s10+$0xFFFFFF70] =	vst v8;
	v8 =	vmov s6  }
0x291: {  	v5 =	vmul.f32 v5, v6;
	[tilespmem:s10+$0xFFFFFF00] =	vst v9;
	v9 =	vmul.f32 v12, v6;
	v6 =	vand.u32 $0xFFFFFFFD, v8  }
0x292: {  	[tilespmem:s10+$0xFFFFFF20] =	vst v10;
	v6 =	vbroadcast v6, $0x0  }
0x293: {  	[tilespmem:s10+$0xFFFFFF50] =	vst v4  }
0x294: {  	[tilespmem:s10+$0xFFFFFF40] =	vst v5;
	v4 =	vld [tilespmem:s10+$0xFFFFFFF0]  }
0x295: {  	[tilespmem:s10+$0xFFFFFF60] =	vst v7;
	v5 =	vld [tilespmem:s10+$0xFFFFFFC0]  }
0x296: {  	[tilespmem:s10+$0xFFFFFF30] =	vst v9;
	v7 =	vld [tilespmem:s10+$0xFFFFFFD0]  }
0x297: {  	[tilespmem:s10+$0xFFFFFF10] =	vst v11;
	v8 =	vld [tilespmem:s10+$0xFFFFFF90]  }
0x298: {  	v6 =	vld.idx.msk [tilespmem:v6+s14+$0x0], $0xffff  }
0x299: {  	v9 =	vld [tilespmem:s10+$0xFFFFFF80]  }
0x29a: {  	v10 =	vld [tilespmem:s10+$0xFFFFFFA0]  }
0x29b: {  	v11 =	vld [tilespmem:s10+$0xFFFFFFB0]  }
0x29c: {  	v12 =	vld [tilespmem:s10+$0xFFFFFFE0];
	_ =	sdelay $0x1  }
0x29d: {  	v8 =	vmul.f32 v8, v6;
	v9 =	vmul.f32 v9, v6  }
0x29e: {  	s6 =	sadd.s32 $0x2, s25;
	v7 =	vmul.f32 v7, v6;
	v10 =	vmul.f32 v10, v6  }
0x29f: {  	v5 =	vmul.f32 v5, v6;
	[tilespmem:s10+$0xFFFFFF90] =	vst v8;
	v8 =	vmul.f32 v11, v6;
	v11 =	vmov s6  }
0x2a0: {  	v4 =	vmul.f32 v4, v6;
	[tilespmem:s10+$0xFFFFFFA0] =	vst v10;
	v10 =	vmul.f32 v12, v6;
	v6 =	vand.u32 $0xFFFFFFFE, v11  }
0x2a1: {  	[tilespmem:s10+$0xFFFFFF80] =	vst v9;
	v6 =	vbroadcast v6, $0x0  }
0x2a2: {  	[tilespmem:s10+$0xFFFFFFB0] =	vst v8  }
0x2a3: {  	[tilespmem:s10+$0xFFFFFFC0] =	vst v5  }
0x2a4: {  	[tilespmem:s10+$0xFFFFFFD0] =	vst v7  }
.Ltmp4:
0x2a5: {  	[tilespmem:s10+$0xFFFFFFF0] =	vst v4;
	v5 =	vld [tilespmem:s10+$0x40];
	(pc) =	sbr.rel @p1 .LBB2_11-.Ltmp4, $4  }
0x2a6: {  	[tilespmem:s10+$0xFFFFFFE0] =	vst v10;
	v7 =	vld [tilespmem:s10+$0x60]  }
0x2a7: {  	v4 =	vld.idx.msk [tilespmem:v6+s14+$0x0], $0xffff  }
0x2a8: {  	v8 =	vld [tilespmem:s10+$0x0]  }
0x2a9: {  	v6 =	vld [tilespmem:s10+$0x10]  }
0x2aa: {  	_ =	sdelay $0x1  }
0x2ab: {  	v7 =	vmul.f32 v7, v4  }
0x2ac: {  	v9 =	vld [tilespmem:s26+$0x50];
	v5 =	vmul.f32 v5, v4  }
0x2ad: {  	v10 =	vld [tilespmem:s26+$0x70];
	v2 =	vmul.f32 v2, v4;
	[tilespmem:s26+$0x60] =	vst v7  }
0x2ae: {  	v7 =	vmul.f32 v8, v4;
	[tilespmem:s26+$0x40] =	vst v5  }
0x2af: {  	s6 =	sadd.s32 $0x3, s25;
	[tilespmem:s26+$0x20] =	vst v2;
	v2 =	vmul.f32 v3, v4  }
0x2b0: {  	v6 =	vmul.f32 v6, v4;
	[tilespmem:s26+$0x0] =	vst v7;
	v7 =	vmov s6  }
0x2b1: {  	v5 =	vmul.f32 v9, v4;
	[tilespmem:s26+$0x30] =	vst v2  }
0x2b2: {  	v4 =	vmul.f32 v10, v4;
	[tilespmem:s26+$0x10] =	vst v6  }
0x2b3: {  	[tilespmem:s26+$0x50] =	vst v5  }
0x2b4: {  	v3 =	vld [tilespmem:s26+$0x80];
	[tilespmem:s26+$0x70] =	vst v4  }
0x2b5: {  	v2 =	vld.idx.msk [tilespmem:v7+s14+$0x0], $0xffff  }
0x2b6: {  	v4 =	vld [tilespmem:s26+$0xA0]  }
0x2b7: {  	v5 =	vld [tilespmem:s26+$0xC0]  }
0x2b8: {  	v6 =	vld [tilespmem:s26+$0xF0]  }
0x2b9: {  	v7 =	vld [tilespmem:s26+$0xE0]  }
0x2ba: {  	v8 =	vld [tilespmem:s26+$0x90];
	v3 =	vmul.f32 v3, v2  }
0x2bb: {  	v9 =	vld [tilespmem:s26+$0xB0];
	v4 =	vmul.f32 v4, v2  }
0x2bc: {  	v10 =	vld [tilespmem:s26+$0xD0];
	[tilespmem:s26+$0x80] =	vst v3;
	v3 =	vmul.f32 v5, v2  }
0x2bd: {  	[tilespmem:s26+$0xA0] =	vst v4;
	v4 =	vmul.f32 v6, v2  }
0x2be: {  	v5 =	vmul.f32 v7, v2;
	[tilespmem:s26+$0xC0] =	vst v3  }
0x2bf: {  	v3 =	vmul.f32 v8, v2;
	[tilespmem:s26+$0xF0] =	vst v4  }
0x2c0: {  	v4 =	vmul.f32 v9, v2;
	[tilespmem:s26+$0xE0] =	vst v5  }
0x2c1: {  	v2 =	vmul.f32 v10, v2;
	[tilespmem:s26+$0x90] =	vst v3  }
0x2c2: {  	[tilespmem:s26+$0xB0] =	vst v4  }
0x2c3: {  	[tilespmem:s26+$0xD0] =	vst v2  }
0x2c4: {  	[spmem:s2] =	stream.indirect.scatter.add.f32 [tilespmem:s31], [sflag:$0x5], $0x80, s15, s4, $0xb8;
	[tilespmem:$0x1FB80] =	vst v63  }
0x2c5: {  	_ =	swait.ge [sflag:s29], $0x2000  }
0x2c6: {  	[sflag:s29] =	ssyncset.done $0x0  }
0x2c7: {  	s6 =	simm.s32 @!p0 $0x3;
	[sflag:s29] =	ssyncadd.s32 $0xFFFFE000  }
0x2c8: {  	_ =	swait.ge @!p0 [sflag:s6], $0x80  }
0x2c9: {  	[sflag:s6] =	ssyncset.done @!p0 $0x0  }
0x2ca: {  	[sflag:s6] =	ssyncadd.s32 @!p0 $0xFFFFFF80  }
0x2cb: {  	_ =	swait.ge @!p0 [sflag:s6], $0x80  }
0x2cc: {  	s10 =	simm.s32 @!p0 $0x7780;
	[sflag:s6] =	ssyncset.done @!p0 $0x0  }
0x2cd: {  	s21 =	simm.s32 @!p0 $0x7B80;
	[sflag:s6] =	ssyncadd.s32 @!p0 $0xFFFFFF80;
	s6 =	simm.s32 @!p0 $0x40  }
0x2ce: {  	[tilespmem:s21], [sflag:$0x1] =	stream.indirect.gather @!p0 [hbm4b:s7+s6], $0x80, s10, s6, $0xb8;
	[tilespmem:$0x1FB80] =	vst v63  }
0x2cf: {  	v2 =	vld [tilespmem:$0x78C0]  }
0x2d0: {  	v3 =	vld [tilespmem:$0x7940];
	_ =	sdelay $0x5  }
0x2d1: {  	s25 =	simm.s32 $0x0  }
0x2d2: {  	v2 =	vld.idx.msk [tilespmem:v2+s25+$0x0], $0xffff  }
0x2d3: {  	v4 =	vld.idx.msk [tilespmem:v3+s30+$0x0], $0xffff;
	_ =	sdelay $0x4  }
0x2d4: {  	v2 =	vadd.f32 v4, v2;
	_ =	sdelay $0x1  }
0x2d5: {  	v4 =	vmul.f32 $2.000000030e-01, v2  }
0x2d6: {  	vm0 =	vge.f32 v2, $0.0e+00  }
0x2d7: {  	v2 =	vsel vm0, v2, v4  }
0x2d8: {  	v2 =	vmul.f32 $1.442695020e+00, v2;
	_ =	sdelay $0x1  }
0x2d9: {  	(erf) = vpow2.f32 v2;
	_ =	sdelay $0x6  }
0x2da: {  	s28 =	sor.u32 $0xC0, s24  }
0x2db: {  	v2 =	vmov s28  }
0x2dc: {  	vm9 =	vlt.s32 v2, v1;
	v4 =	vpop (erf)  }
0x2dd: {  	[tilespmem:$0x7A00] =	vst v3;
	v2 =	vnsel vm9, $0x0, v4  }
0x2de: {  	[tilespmem:$0x7B00] =	vst v2  }
0x2df: {  	[tilespmem:v3+s12+$0x0] =	vst.idx.add.f32.msk $0xffff, v2  }
0x2e0: {  	v2 =	vld [tilespmem:$0x78D0]  }
0x2e1: {  	v3 =	vld [tilespmem:$0x7950];
	_ =	sdelay $0x6  }
0x2e2: {  	v2 =	vld.idx.msk [tilespmem:v2+s25+$0x0], $0xffff  }
0x2e3: {  	v4 =	vld.idx.msk [tilespmem:v3+s30+$0x0], $0xffff;
	_ =	sdelay $0x4  }
0x2e4: {  	v2 =	vadd.f32 v4, v2;
	_ =	sdelay $0x1  }
0x2e5: {  	v4 =	vmul.f32 $2.000000030e-01, v2  }
0x2e6: {  	vm10 =	vge.f32 v2, $0.0e+00  }
0x2e7: {  	v2 =	vsel vm10, v2, v4  }
0x2e8: {  	v2 =	vmul.f32 $1.442695020e+00, v2;
	_ =	sdelay $0x1  }
0x2e9: {  	(erf) = vpow2.f32 v2;
	_ =	sdelay $0x6  }
0x2ea: {  	s10 =	sor.u32 $0xD0, s24  }
0x2eb: {  	v2 =	vmov s10  }
0x2ec: {  	vm11 =	vlt.s32 v2, v1;
	v4 =	vpop (erf)  }
0x2ed: {  	[tilespmem:$0x7A10] =	vst v3;
	v2 =	vnsel vm11, $0x0, v4  }
0x2ee: {  	[tilespmem:$0x7B10] =	vst v2  }
0x2ef: {  	[tilespmem:v3+s12+$0x0] =	vst.idx.add.f32.msk $0xffff, v2  }
0x2f0: {  	v2 =	vld [tilespmem:$0x78E0]  }
0x2f1: {  	v3 =	vld [tilespmem:$0x7960];
	_ =	sdelay $0x6  }
0x2f2: {  	v2 =	vld.idx.msk [tilespmem:v2+s25+$0x0], $0xffff  }
0x2f3: {  	v4 =	vld.idx.msk [tilespmem:v3+s30+$0x0], $0xffff;
	_ =	sdelay $0x4  }
0x2f4: {  	v2 =	vadd.f32 v4, v2;
	_ =	sdelay $0x1  }
0x2f5: {  	v4 =	vmul.f32 $2.000000030e-01, v2  }
0x2f6: {  	vm12 =	vge.f32 v2, $0.0e+00  }
0x2f7: {  	v2 =	vsel vm12, v2, v4  }
0x2f8: {  	v2 =	vmul.f32 $1.442695020e+00, v2;
	_ =	sdelay $0x1  }
0x2f9: {  	(erf) = vpow2.f32 v2;
	_ =	sdelay $0x6  }
0x2fa: {  	s21 =	sor.u32 $0xE0, s24  }
0x2fb: {  	v2 =	vmov s21  }
0x2fc: {  	vm13 =	vlt.s32 v2, v1;
	v4 =	vpop (erf)  }
0x2fd: {  	[tilespmem:$0x7A20] =	vst v3;
	v2 =	vnsel vm13, $0x0, v4  }
0x2fe: {  	[tilespmem:$0x7B20] =	vst v2  }
0x2ff: {  	[tilespmem:v3+s12+$0x0] =	vst.idx.add.f32.msk $0xffff, v2  }
0x300: {  	v2 =	vld [tilespmem:$0x78F0]  }
0x301: {  	v3 =	vld [tilespmem:$0x7970];
	_ =	sdelay $0x6  }
0x302: {  	v2 =	vld.idx.msk [tilespmem:v2+s25+$0x0], $0xffff  }
0x303: {  	v4 =	vld.idx.msk [tilespmem:v3+s30+$0x0], $0xffff;
	_ =	sdelay $0x4  }
0x304: {  	v2 =	vadd.f32 v4, v2;
	_ =	sdelay $0x1  }
0x305: {  	v4 =	vmul.f32 $2.000000030e-01, v2  }
0x306: {  	vm14 =	vge.f32 v2, $0.0e+00  }
0x307: {  	v2 =	vsel vm14, v2, v4  }
0x308: {  	v2 =	vmul.f32 $1.442695020e+00, v2;
	_ =	sdelay $0x1  }
0x309: {  	(erf) = vpow2.f32 v2;
	_ =	sdelay $0x6  }
0x30a: {  	s24 =	sor.u32 $0xF0, s24  }
0x30b: {  	v2 =	vmov s24  }
0x30c: {  	vm15 =	vlt.s32 v2, v1;
	v4 =	vpop (erf)  }
0x30d: {  	v2 =	vnsel vm15, $0x0, v4;
	v4 =	vmov s25  }
0x30e: {  	[tilespmem:$0x7A30] =	vst v3;
	v4 =	vand.u32 $0xFFFFFFFC, v4  }
0x30f: {  	[tilespmem:$0x7B30] =	vst v2;
	v4 =	vbroadcast v4, $0x0  }
0x310: {  	[tilespmem:v3+s12+$0x0] =	vst.idx.add.f32.msk $0xffff, v2  }
0x311: {  	_ =	swait.ge [sflag:s17], $0x2000  }
0x312: {  	[sflag:s17] =	ssyncset.done $0x0  }
0x313: {  	s24 =	simm.s32 $0x9C80;
	[sflag:s17] =	ssyncadd.s32 $0xFFFFE000  }
0x314: {  	v2 =	vld [tilespmem:s24+$0xFFFFFF70]  }
0x315: {  	v3 =	vld.idx.msk [tilespmem:v4+s18+$0x0], $0xffff  }
0x316: {  	v4 =	vld [tilespmem:s24+$0xFFFFFF00]  }
0x317: {  	v5 =	vld [tilespmem:s24+$0xFFFFFF20]  }
0x318: {  	v6 =	vld [tilespmem:s24+$0xFFFFFF50]  }
0x319: {  	v7 =	vld [tilespmem:s24+$0xFFFFFF40]  }
0x31a: {  	v8 =	vld [tilespmem:s24+$0xFFFFFF60];
	v2 =	vmul.f32 v2, v3  }
0x31b: {  	s26 =	simm.s32 $0x1;
	v9 =	vld [tilespmem:s24+$0xFFFFFF30];
	v4 =	vmul.f32 v4, v3  }
0x31c: {  	v10 =	vld [tilespmem:s24+$0xFFFFFF10];
	v5 =	vmul.f32 v5, v3;
	[tilespmem:s24+$0xFFFFFF70] =	vst v2;
	v2 =	vmov s26  }
0x31d: {  	v6 =	vmul.f32 v6, v3;
	[tilespmem:s24+$0xFFFFFF00] =	vst v4;
	v2 =	vand.u32 $0xFFFFFFFD, v2  }
0x31e: {  	v4 =	vmul.f32 v7, v3;
	[tilespmem:s24+$0xFFFFFF20] =	vst v5;
	v2 =	vbroadcast v2, $0x0  }
0x31f: {  	v5 =	vmul.f32 v8, v3;
	[tilespmem:s24+$0xFFFFFF50] =	vst v6  }
0x320: {  	v6 =	vmul.f32 v9, v3;
	[tilespmem:s24+$0xFFFFFF40] =	vst v4  }
0x321: {  	v3 =	vmul.f32 v10, v3;
	[tilespmem:s24+$0xFFFFFF60] =	vst v5  }
0x322: {  	v7 =	vld [tilespmem:s24+$0xFFFFFFC0];
	[tilespmem:s24+$0xFFFFFF30] =	vst v6  }
0x323: {  	[tilespmem:s24+$0xFFFFFF10] =	vst v3;
	v3 =	vld [tilespmem:s24+$0xFFFFFF90]  }
0x324: {  	v4 =	vld.idx.msk [tilespmem:v2+s18+$0x0], $0xffff  }
0x325: {  	v2 =	vld [tilespmem:s24+$0xFFFFFFA0]  }
0x326: {  	v5 =	vld [tilespmem:s24+$0xFFFFFF80]  }
0x327: {  	v6 =	vld [tilespmem:s24+$0xFFFFFFB0]  }
0x328: {  	v8 =	vld [tilespmem:s24+$0xFFFFFFD0]  }
0x329: {  	v9 =	vld [tilespmem:s24+$0xFFFFFFF0];
	v3 =	vmul.f32 v3, v4  }
0x32a: {  	s28 =	simm.s32 $0x2;
	v2 =	vmul.f32 v2, v4  }
0x32b: {  	v10 =	vld [tilespmem:s24+$0xFFFFFFE0];
	v5 =	vmul.f32 v5, v4;
	[tilespmem:s24+$0xFFFFFF90] =	vst v3;
	v3 =	vmov s28  }
0x32c: {  	v6 =	vmul.f32 v6, v4;
	[tilespmem:s24+$0xFFFFFFA0] =	vst v2;
	v2 =	vand.u32 $0xFFFFFFFE, v3  }
0x32d: {  	[tilespmem:s24+$0xFFFFFF80] =	vst v5;
	v5 =	vmul.f32 v8, v4;
	v8 =	vld [tilespmem:s24+$0x0];
	v11 =	vbroadcast v2, $0x0  }
0x32e: {  	[tilespmem:s24+$0xFFFFFFB0] =	vst v6;
	v6 =	vmul.f32 v9, v4;
	v3 =	vmul.f32 v7, v4;
	v7 =	vld [tilespmem:s24+$0x60]  }
0x32f: {  	v2 =	vld [tilespmem:s24+$0x20];
	[tilespmem:s24+$0xFFFFFFD0] =	vst v5  }
0x330: {  	v4 =	vmul.f32 v10, v4;
	[tilespmem:s24+$0xFFFFFFF0] =	vst v6;
	v5 =	vld [tilespmem:s24+$0x40]  }
0x331: {  	v6 =	vld [tilespmem:s24+$0x10];
	[tilespmem:s24+$0xFFFFFFC0] =	vst v3  }
0x332: {  	v3 =	vld [tilespmem:s24+$0x30];
	[tilespmem:s24+$0xFFFFFFE0] =	vst v4  }
0x333: {  	s10 =	simm.s32 $0x9C80;
	s26 =	simm.s32 $0x4;
	v4 =	vld.idx.msk [tilespmem:v11+s18+$0x0], $0xffff  }
.LBB2_13:
0x334: {  	p0 =	sne.s32 s26, $0x3C  }
0x335: {  	v9 =	vld [tilespmem:s24+$0x50];
	s10 =	sadd.s32 $0x200, s10;
	s6 =	smov.u32 s26;
	s26 =	sadd.s32 $0x4, s26  }
0x336: {  	v10 =	vld [tilespmem:s24+$0x70];
	_ =	sdelay $0x1  }
0x337: {  	v7 =	vmul.f32 v7, v4;
	v8 =	vmul.f32 v8, v4  }
0x338: {  	v5 =	vmul.f32 v5, v4;
	v6 =	vmul.f32 v6, v4  }
0x339: {  	v2 =	vmul.f32 v2, v4;
	v3 =	vmul.f32 v3, v4;
	[tilespmem:s24+$0x60] =	vst v7  }
0x33a: {  	[tilespmem:s24+$0x40] =	vst v5;
	v5 =	vmul.f32 v9, v4;
	v4 =	vmul.f32 v10, v4  }
0x33b: {  	s21 =	sadd.s32 $0x3, s25;
	s25 =	smov.u32 s6;
	[tilespmem:s24+$0x20] =	vst v2;
	v7 =	vld [tilespmem:s24+$0x80]  }
0x33c: {  	v2 =	vld [tilespmem:s10+$0x20];
	[tilespmem:s24+$0x0] =	vst v8;
	v8 =	vmov s21  }
0x33d: {  	[tilespmem:s24+$0x50] =	vst v5;
	v5 =	vld [tilespmem:s24+$0xE0]  }
0x33e: {  	[tilespmem:s24+$0x30] =	vst v3;
	v9 =	vld [tilespmem:s24+$0xC0]  }
0x33f: {  	v3 =	vld [tilespmem:s10+$0x30];
	[tilespmem:s24+$0x10] =	vst v6  }
0x340: {  	[tilespmem:s24+$0x70] =	vst v4;
	v4 =	vld [tilespmem:s24+$0xA0]  }
0x341: {  	v6 =	vld.idx.msk [tilespmem:v8+s18+$0x0], $0xffff  }
0x342: {  	v8 =	vld [tilespmem:s24+$0x90]  }
0x343: {  	v10 =	vld [tilespmem:s24+$0xB0]  }
0x344: {  	v11 =	vld [tilespmem:s24+$0xD0]  }
0x345: {  	v12 =	vld [tilespmem:s24+$0xF0];
	_ =	sdelay $0x1  }
0x346: {  	v7 =	vmul.f32 v7, v6;
	v8 =	vmul.f32 v8, v6  }
0x347: {  	v4 =	vmul.f32 v4, v6;
	v10 =	vmul.f32 v10, v6  }
0x348: {  	v13 =	vmov s25;
	[tilespmem:s24+$0x80] =	vst v7;
	v7 =	vmul.f32 v9, v6;
	v9 =	vmul.f32 v11, v6  }
0x349: {  	v11 =	vand.u32 $0xFFFFFFFC, v13;
	[tilespmem:s24+$0xA0] =	vst v4;
	v4 =	vmul.f32 v5, v6;
	v5 =	vmul.f32 v12, v6  }
0x34a: {  	v6 =	vbroadcast v11, $0x0;
	[tilespmem:s24+$0xC0] =	vst v7  }
0x34b: {  	[tilespmem:s24+$0xF0] =	vst v5  }
0x34c: {  	v5 =	vld [tilespmem:s10+$0xFFFFFF40];
	[tilespmem:s24+$0xE0] =	vst v4  }
0x34d: {  	v4 =	vld [tilespmem:s10+$0xFFFFFF50];
	[tilespmem:s24+$0x90] =	vst v8  }
0x34e: {  	v7 =	vld [tilespmem:s10+$0xFFFFFF60];
	[tilespmem:s24+$0xB0] =	vst v10  }
0x34f: {  	v8 =	vld [tilespmem:s10+$0xFFFFFF70];
	[tilespmem:s24+$0xD0] =	vst v9;
	s24 =	smov.u32 s10  }
0x350: {  	v6 =	vld.idx.msk [tilespmem:v6+s18+$0x0], $0xffff  }
0x351: {  	v9 =	vld [tilespmem:s10+$0xFFFFFF00]  }
0x352: {  	v10 =	vld [tilespmem:s10+$0xFFFFFF20]  }
0x353: {  	v11 =	vld [tilespmem:s10+$0xFFFFFF10]  }
0x354: {  	v12 =	vld [tilespmem:s10+$0xFFFFFF30];
	_ =	sdelay $0x1  }
0x355: {  	v8 =	vmul.f32 v8, v6;
	v9 =	vmul.f32 v9, v6  }
0x356: {  	s6 =	sadd.s32 $0x1, s25;
	v7 =	vmul.f32 v7, v6;
	v10 =	vmul.f32 v10, v6  }
0x357: {  	v4 =	vmul.f32 v4, v6;
	v11 =	vmul.f32 v11, v6;
	[tilespmem:s10+$0xFFFFFF70] =	vst v8;
	v8 =	vmov s6  }
0x358: {  	v5 =	vmul.f32 v5, v6;
	[tilespmem:s10+$0xFFFFFF00] =	vst v9;
	v9 =	vmul.f32 v12, v6;
	v6 =	vand.u32 $0xFFFFFFFD, v8  }
0x359: {  	[tilespmem:s10+$0xFFFFFF20] =	vst v10;
	v6 =	vbroadcast v6, $0x0  }
0x35a: {  	[tilespmem:s10+$0xFFFFFF50] =	vst v4  }
0x35b: {  	[tilespmem:s10+$0xFFFFFF40] =	vst v5;
	v4 =	vld [tilespmem:s10+$0xFFFFFFF0]  }
0x35c: {  	[tilespmem:s10+$0xFFFFFF60] =	vst v7;
	v5 =	vld [tilespmem:s10+$0xFFFFFFC0]  }
0x35d: {  	[tilespmem:s10+$0xFFFFFF30] =	vst v9;
	v7 =	vld [tilespmem:s10+$0xFFFFFFD0]  }
0x35e: {  	[tilespmem:s10+$0xFFFFFF10] =	vst v11;
	v8 =	vld [tilespmem:s10+$0xFFFFFF90]  }
0x35f: {  	v6 =	vld.idx.msk [tilespmem:v6+s18+$0x0], $0xffff  }
0x360: {  	v9 =	vld [tilespmem:s10+$0xFFFFFF80]  }
0x361: {  	v10 =	vld [tilespmem:s10+$0xFFFFFFA0]  }
0x362: {  	v11 =	vld [tilespmem:s10+$0xFFFFFFB0]  }
0x363: {  	v12 =	vld [tilespmem:s10+$0xFFFFFFE0];
	_ =	sdelay $0x1  }
0x364: {  	v8 =	vmul.f32 v8, v6;
	v9 =	vmul.f32 v9, v6  }
0x365: {  	s6 =	sadd.s32 $0x2, s25;
	v7 =	vmul.f32 v7, v6;
	v10 =	vmul.f32 v10, v6  }
0x366: {  	v5 =	vmul.f32 v5, v6;
	[tilespmem:s10+$0xFFFFFF90] =	vst v8;
	v8 =	vmul.f32 v11, v6;
	v11 =	vmov s6  }
0x367: {  	v4 =	vmul.f32 v4, v6;
	[tilespmem:s10+$0xFFFFFFA0] =	vst v10;
	v10 =	vmul.f32 v12, v6;
	v6 =	vand.u32 $0xFFFFFFFE, v11  }
0x368: {  	[tilespmem:s10+$0xFFFFFF80] =	vst v9;
	v6 =	vbroadcast v6, $0x0  }
0x369: {  	[tilespmem:s10+$0xFFFFFFB0] =	vst v8  }
0x36a: {  	[tilespmem:s10+$0xFFFFFFC0] =	vst v5  }
0x36b: {  	[tilespmem:s10+$0xFFFFFFD0] =	vst v7  }
.Ltmp5:
0x36c: {  	[tilespmem:s10+$0xFFFFFFF0] =	vst v4;
	v5 =	vld [tilespmem:s10+$0x40];
	(pc) =	sbr.rel @p0 .LBB2_13-.Ltmp5, $4  }
0x36d: {  	[tilespmem:s10+$0xFFFFFFE0] =	vst v10;
	v7 =	vld [tilespmem:s10+$0x60]  }
0x36e: {  	v4 =	vld.idx.msk [tilespmem:v6+s18+$0x0], $0xffff  }
0x36f: {  	v8 =	vld [tilespmem:s10+$0x0]  }
0x370: {  	v6 =	vld [tilespmem:s10+$0x10]  }
0x371: {  	_ =	sdelay $0x1  }
0x372: {  	v7 =	vmul.f32 v7, v4  }
0x373: {  	v9 =	vld [tilespmem:s24+$0x50];
	v5 =	vmul.f32 v5, v4  }
0x374: {  	v10 =	vld [tilespmem:s24+$0x70];
	v2 =	vmul.f32 v2, v4;
	[tilespmem:s24+$0x60] =	vst v7  }
0x375: {  	v50 =	vmul.f32 v8, v4;
	[tilespmem:s24+$0x40] =	vst v5  }
0x376: {  	s6 =	sadd.s32 $0x3, s25;
	[tilespmem:s24+$0x20] =	vst v2;
	v2 =	vmul.f32 v3, v4  }
0x377: {  	v52 =	vmov s6;
	v6 =	vmul.f32 v6, v4;
	[tilespmem:s24+$0x0] =	vst v50  }
0x378: {  	v51 =	vmul.f32 v9, v4;
	[tilespmem:s24+$0x30] =	vst v2  }
0x379: {  	v53 =	vmul.f32 v10, v4;
	[tilespmem:s24+$0x10] =	vst v6  }
0x37a: {  	[tilespmem:s24+$0x50] =	vst v51  }
0x37b: {  	v3 =	vld [tilespmem:s24+$0x80];
	[tilespmem:s24+$0x70] =	vst v53  }
0x37c: {  	v2 =	vld.idx.msk [tilespmem:v52+s18+$0x0], $0xffff  }
0x37d: {  	v54 =	vld [tilespmem:s24+$0xA0]  }
0x37e: {  	v56 =	vld [tilespmem:s24+$0xF0]  }
0x37f: {  	v57 =	vld [tilespmem:s24+$0xE0]  }
0x380: {  	v55 =	vld [tilespmem:s24+$0xC0]  }
0x381: {  	v59 =	vld [tilespmem:s24+$0xB0];
	v3 =	vmul.f32 v3, v2  }
0x382: {  	v58 =	vld [tilespmem:s24+$0x90];
	v4 =	vmul.f32 v54, v2  }
0x383: {  	v60 =	vld [tilespmem:s24+$0xD0];
	v61 =	vmul.f32 v56, v2;
	[tilespmem:s24+$0x80] =	vst v3  }
0x384: {  	v62 =	vmul.f32 v57, v2;
	[tilespmem:s24+$0xA0] =	vst v4  }
0x385: {  	v3 =	vmul.f32 v55, v2;
	[tilespmem:s24+$0xF0] =	vst v61  }
0x386: {  	v63 =	vmul.f32 v59, v2;
	[tilespmem:s24+$0xE0] =	vst v62  }
0x387: {  	[tilespmem:s24+$0xC0] =	vst v3;
	v3 =	vmul.f32 v58, v2  }
0x388: {  	[tilespmem:s24+$0xB0] =	vst v63;
	v2 =	vmul.f32 v60, v2  }
0x389: {  	p0 =	sne.s32 s23, s9;
	[tilespmem:s24+$0x90] =	vst v3  }
.Ltmp6:
0x38a: {  	[tilespmem:s24+$0xD0] =	vst v2;
	(pc) =	sbr.rel @p0 .LBB2_6-.Ltmp6, $4  }
0x38b: {  	[spmem:s2] =	stream.indirect.scatter.add.f32 [tilespmem:s11], [sflag:$0x5], $0x80, s19, s4, $0xb8;
	[tilespmem:$0x1FB80] =	vst v63  }
0x38c: {  	_ =	swait.ge [sflag:s29], $0x2000  }
0x38d: {  	[sflag:s29] =	ssyncset.done $0x0  }
0x38e: {  	[sflag:s29] =	ssyncadd.s32 $0xFFFFE000  }
0x38f: {  	s6 =	stileid.u32;
	[bflag:$0x0] =	sbarrier.arrive $0xFFFF  }
0x390: {  	s6 =	sshll.u32 s6, $0x6;
	s21 =	rddreg [dreg:$0x5]  }
0x391: {  	s22 =	rddreg [dreg:$0x12];
	s6 =	sor.u32 $0x1C05, s6;
	s10 =	sshrl.u32 s21, $0x3  }
0x392: {  	[hbm:s22], [sflag:s6] =	dma.local [spmem:s10], $0x2800  }
0x393: {  	_ =	swait.ge [sflag:s29], $0x2800  }
0x394: {  	s23 =	simm.s32 $0x400;
	[sflag:s29] =	ssyncset.done $0x0  }
0x395: {  	s22 =	simm.s32 $0x80;
	s25 =	rddreg [dreg:$0x13];
	[sflag:s29] =	ssyncadd.s32 $0xFFFFD800  }
0x396: {  	[hbm4b:s25+s22] =	stream.strided.scatter [tilespmem:s12], [sflag:$0x5], $0x2780, s23, s22, $0x38;
	[tilespmem:$0x1FB80] =	vst v63  }
0x397: {  	_ =	swait.ge [sflag:s29], $0x2780  }
0x398: {  	s26 =	rddreg [dreg:$0x15]  }
0x399: {  	s28 =	rddreg [dreg:$0x14];
	s10 =	sadd.s32 $0x1, s26  }
0x39a: {  	p0 =	sne.s32 s10, s28  }
.Ltmp7:
0x39b: {  	_ = 	snop;
	(pc) =	sbr.rel @p0 .LBB2_1-.Ltmp7, $3  }
0x39c: {  	_ =	sdelay $0x1  }
0x39d: {  	[sflag:s29] =	ssyncset.done $0x0  }
0x39e: {  	[sflag:s29] =	ssyncadd.s32 $0xFFFFD880  }
0x39f: {  	_ =	sfence.sel $0x180000  }
0x3a0: {  	[bflag:$0x0] =	sbarrier.arrive $0xFFFF  }
0x3a1: {  	_ =	strace $0x90000047  }
0x3a2: {  	s0 =	stileid.u32;
	[bflag:$0x2] =	sbarrier.arrive $0xFFFF  }
0x3a3: {  	p0 =	sne.s32 s0, $0x0;
	s0 =	rddreg [dreg:$0x3]  }
0x3a4: {  	s0 =	sadd.s32 @!p0 $0x100000, s0  }
0x3a5: {  	[sflag:s0] =	ssyncadd.tile.s32 @!p0 $0x1;
	_ =	shalt  }
.Lfunc_end2:
_tile_overlayer_lowered:
.L_overlay_start_2:
0x3a6: {  	(tag) =	ssettag $0x2  }
0x3a7: {  	s0 =	rddreg [dreg:$0x0];
	s2 =	stileid.u32  }
0x3a8: {  	s1 =	rddreg [dreg:$0x1];
	p0 =	sne.s32 s2, $0x0  }
0x3a9: {  	s3 =	rddreg [dreg:$0x2];
	[bflag:$0x3] =	sbarrier.arrive $0xFFFF;
	s2 =	simm.s32 @!p0 $0x1C05  }
0x3aa: {  	[timem:s3], [sflag:s2] =	dma.local @!p0 [hbm:s0], s1  }
0x3ab: {  	s0 =	simm.s32 @!p0 $0x5  }
0x3ac: {  	_ =	swait.ge @!p0 [sflag:s0], s1  }
0x3ad: {  	s1 =	ssub.s32 @!p0 $0x0, s1;
	[sflag:s0] =	ssyncset.done @!p0 $0x0  }
0x3ae: {  	[sflag:s0] =	ssyncadd.s32 @!p0 s1  }
0x3af: {  	[bflag:$0x3] =	sbarrier.arrive $0xFFFF  }
0x3b0: {  	_ =	shalt  }

</sc_bundles>
